<compile_context>
chip_gen: v7x
topology: tpu7x:2x2x1
jax: 0.10.2.dev20260603
libtpu: 0.0.44.dev20260713+nightly
codegen_flags: <defaults>
</compile_context>

<pallas_src>
import jax
import jax.numpy as jnp
from jax import lax
from jax.experimental import pallas as pl
from jax.experimental.pallas import tpu as pltpu, tpu_sc as plsc

VOCAB = 100000
N_EMBD = 128
B, T = 1024, 200

NC, NS, L = 2, 16, 16
NW = NC * NS
ROWS = B * T
ROWS_W = ROWS // NW
HALF = T // 2
NH = ROWS_W // HALF
NBUF = 4
NV = N_EMBD // L

_EPS = 1e-5
_RSQRT_MAGIC = 0x5F3759DF


def _rsqrt16(x):
    i = plsc.bitcast(x, jnp.int32)
    y = plsc.bitcast(jnp.int32(_RSQRT_MAGIC) - (i >> 1), jnp.float32)
    for _ in range(2):
        y = y * (1.5 - 0.5 * x * y * y)
    return y


def _sc_body(ids_hbm, tt_hbm, tok_hbm, pos_hbm, seg_hbm, gam_hbm, bet_hbm,
             out_hbm, idx_v, ttv_v, bufs, ps_v, seg_v, gb_v, gsems, osems):
    wid = lax.axis_index("s") * NC + lax.axis_index("c")
    obase = wid * NH

    pltpu.sync_copy(ids_hbm.at[pl.ds(wid * NH, NH)], idx_v)
    pltpu.sync_copy(tt_hbm.at[pl.ds(wid * ROWS_W, ROWS_W)],
                    ttv_v.at[pl.ds(0, ROWS_W)])
    pltpu.sync_copy(pos_hbm.at[pl.ds(0, T)], ps_v.at[0])
    pltpu.sync_copy(pos_hbm.at[pl.ds(0, T)], ps_v.at[1])
    pltpu.sync_copy(seg_hbm, seg_v)
    pltpu.sync_copy(gam_hbm, gb_v.at[0])
    pltpu.sync_copy(bet_hbm, gb_v.at[1])

    lanes = lax.iota(jnp.int32, L)
    perms = [lanes ^ m for m in (8, 4, 2, 1)]

    def lane_sum(v):
        for p in perms:
            v = v + v.at[p].get(mode="promise_in_bounds", unique_indices=True)
        return v

    seg0 = [seg_v[0, pl.ds(L * k, L)] for k in range(NV)]
    seg1 = [seg_v[1, pl.ds(L * k, L)] for k in range(NV)]
    gam = [gb_v[0, pl.ds(L * k, L)] for k in range(NV)]
    bet = [gb_v[1, pl.ds(L * k, L)] for k in range(NV)]

    def build_ps(r, _):
        for k in range(NV):
            ps_v[0, r, pl.ds(L * k, L)] = ps_v[0, r, pl.ds(L * k, L)] + seg0[k]
            ps_v[1, r, pl.ds(L * k, L)] = ps_v[1, r, pl.ds(L * k, L)] + seg1[k]
        return 0

    lax.fori_loop(0, T, build_ps, 0, unroll=2)

    def fire_gather(h, b):
        return pltpu.async_copy(tok_hbm.at[idx_v.at[h]], bufs[b], gsems[b])

    def ln_half(buf, pb, tt0):
        def do_pair(p, _):
            j = 2 * p
            ttpair = ttv_v[pl.ds(tt0 + j, L)]

            def ln_row(j, tts):
                acc = [buf[j, pl.ds(L * k, L)]
                       + ps_v[tts, pb + j, pl.ds(L * k, L)]
                       for k in range(NV)]
                s = ((acc[0] + acc[1]) + (acc[2] + acc[3])) + \
                    ((acc[4] + acc[5]) + (acc[6] + acc[7]))
                sq = None
                for k in range(NV):
                    d2 = acc[k] * acc[k]
                    sq = d2 if sq is None else sq + d2
                mean = lane_sum(s) * (1.0 / N_EMBD)
                ex2 = lane_sum(sq) * (1.0 / N_EMBD)
                var = ex2 - mean * mean
                rstd = _rsqrt16(var + _EPS)
                for k in range(NV):
                    a = rstd * gam[k]
                    buf[j, pl.ds(L * k, L)] = acc[k] * a + (bet[k] - mean * a)

            ln_row(j, ttpair[0])
            ln_row(j + 1, ttpair[1])
            return 0

        lax.fori_loop(0, HALF // 2, do_pair, 0)

    fire_gather(0, 0)
    fire_gather(1, 1)

    def super_step(g, _):
        for i in range(NBUF):
            h = NBUF * g + i
            pltpu.make_async_copy(tok_hbm.at[idx_v.at[0]], bufs[i],
                                  gsems[i]).wait()
            ln_half(bufs[i], (i % 2) * HALF, h * HALF)
            b2 = (i + 2) % NBUF

            @pl.when(h >= 2)
            def _():
                pltpu.make_async_copy(bufs[b2], out_hbm.at[0],
                                      osems[b2]).wait()

            @pl.when(h + 2 < NH)
            def _():
                fire_gather(h + 2, b2)

            pltpu.async_copy(bufs[i], out_hbm.at[obase + h], osems[i])
        return 0

    lax.fori_loop(0, NH // NBUF, super_step, 0)

    pltpu.make_async_copy(bufs[2], out_hbm.at[0], osems[2]).wait()
    pltpu.make_async_copy(bufs[3], out_hbm.at[0], osems[3]).wait()


@jax.jit
def _bert_embed_sc(ids2, tt2, tok_table, pos_table, seg_table, gamma, beta):
    kern = pl.kernel(
        _sc_body,
        out_type=jax.ShapeDtypeStruct((ROWS // HALF, HALF, N_EMBD),
                                      jnp.float32),
        mesh=plsc.VectorSubcoreMesh(core_axis_name="c", subcore_axis_name="s"),
        compiler_params=pltpu.CompilerParams(needs_layout_passes=False),
        scratch_types=[
            pltpu.VMEM((NH, HALF), jnp.int32),
            pltpu.VMEM((ROWS_W + L,), jnp.int32),
            [pltpu.VMEM((HALF, N_EMBD), jnp.float32)
             for _ in range(NBUF)],
            pltpu.VMEM((2, T, N_EMBD), jnp.float32),
            pltpu.VMEM((2, N_EMBD), jnp.float32),
            pltpu.VMEM((2, N_EMBD), jnp.float32),
            [pltpu.SemaphoreType.DMA for _ in range(NBUF)],
            [pltpu.SemaphoreType.DMA for _ in range(NBUF)],
        ],
    )
    return kern(ids2, tt2, tok_table, pos_table, seg_table, gamma, beta)


def kernel(input_ids, token_type_ids, tok_table, pos_table, seg_table,
           ln_gamma, ln_beta):
    ids2 = jnp.asarray(input_ids, jnp.int32).reshape(ROWS // HALF, HALF)
    tt2 = jnp.asarray(token_type_ids, jnp.int32).reshape(ROWS)
    out = _bert_embed_sc(ids2, tt2, tok_table, pos_table, seg_table,
                         jnp.asarray(ln_gamma, jnp.float32),
                         jnp.asarray(ln_beta, jnp.float32))
    return out.reshape(B, T, N_EMBD)

# --- scband reference (transcript-rebuilt; emitter-appended) ---
"""Pipeline reference for scband-bert-embeddings-64939905516274 (READ-ONLY COPY).

The authoritative reference and input builder live on the scoring server;
editing this copy changes nothing except your own understanding.
"""

import jax, jax.numpy as jnp
import numpy as np

VOCAB = 100000
N_EMBD = 128
MAX_LEN = 512
B, T = 1024, 200

def setup_inputs(seed: int = 0) -> dict:
    key = jax.random.key(seed)
    k1, k2, k3, k4, k5 = jax.random.split(key, 5)
    input_ids = jax.random.randint(k1, (B, T), 0, VOCAB, dtype=jnp.int64 if jax.config.jax_enable_x64 else jnp.int32)
    token_type_ids = jax.random.randint(k2, (B, T), 0, 2, dtype=jnp.int64 if jax.config.jax_enable_x64 else jnp.int32)
    tok_table = jax.random.normal(k3, (VOCAB, N_EMBD), dtype=jnp.float32) * 0.02
    pos_table = jax.random.normal(k4, (MAX_LEN, N_EMBD), dtype=jnp.float32) * 0.02
    seg_table = jax.random.normal(k5, (2, N_EMBD), dtype=jnp.float32) * 0.02
    ln_gamma = jnp.ones((N_EMBD,), dtype=jnp.float32)
    ln_beta = jnp.zeros((N_EMBD,), dtype=jnp.float32)
    return {"input_ids": input_ids, "token_type_ids": token_type_ids,
            "tok_table": tok_table, "pos_table": pos_table, "seg_table": seg_table,
            "ln_gamma": ln_gamma, "ln_beta": ln_beta}

def _layer_norm(x, gamma, beta, eps=1e-5):
    mean = jnp.mean(x, axis=-1, keepdims=True)
    var = jnp.mean(jnp.square(x - mean), axis=-1, keepdims=True)
    return (x - mean) / jnp.sqrt(var + eps) * gamma + beta

def reference(input_ids, token_type_ids, tok_table, pos_table, seg_table, ln_gamma, ln_beta):
    b, t = input_ids.shape
    token_embeddings = jnp.take(tok_table, input_ids, axis=0)
    position_ids = jnp.broadcast_to(jnp.arange(t)[None, :], (b, t))
    position_embeddings = jnp.take(pos_table, position_ids, axis=0)
    segment_embeddings = jnp.take(seg_table, token_type_ids, axis=0)
    embeddings = token_embeddings + position_embeddings + segment_embeddings
    embeddings = _layer_norm(embeddings, ln_gamma, ln_beta)
    # dropout is identity in eval mode
    return embeddings

if __name__ == "__main__":
    import jax
    _d = setup_inputs()
    print(jax.jit(kernel)(*tuple(_d.values())))

</pallas_src>

<mosaic_0001>
#map = affine_map<(d0, d1) -> (0, 0)>
#map1 = affine_map<(d0, d1) -> (0)>
#map2 = affine_map<(d0, d1) -> (0, 0, 0)>
module attributes {stable_mosaic.version = 14 : i64} {
  func.func @_sc_body(%arg0: i32, %arg1: i32, %arg2: memref<2048x100xi32, #tpu.memory_space<hbm>>, %arg3: memref<204800xi32, #tpu.memory_space<hbm>>, %arg4: memref<100000x128xf32, #tpu.memory_space<hbm>>, %arg5: memref<512x128xf32, #tpu.memory_space<hbm>>, %arg6: memref<2x128xf32, #tpu.memory_space<hbm>>, %arg7: memref<128xf32, #tpu.memory_space<hbm>>, %arg8: memref<128xf32, #tpu.memory_space<hbm>>, %arg9: memref<2048x100x128xf32, #tpu.memory_space<hbm>>, %arg10: memref<64x100xi32, #tpu.memory_space<vmem>>, %arg11: memref<6416xi32, #tpu.memory_space<vmem>>, %arg12: memref<100x128xf32, #tpu.memory_space<vmem>>, %arg13: memref<100x128xf32, #tpu.memory_space<vmem>>, %arg14: memref<100x128xf32, #tpu.memory_space<vmem>>, %arg15: memref<100x128xf32, #tpu.memory_space<vmem>>, %arg16: memref<2x200x128xf32, #tpu.memory_space<vmem>>, %arg17: memref<2x128xf32, #tpu.memory_space<vmem>>, %arg18: memref<2x128xf32, #tpu.memory_space<vmem>>, %arg19: memref<!tpu.dma_semaphore, #tpu.memory_space<semaphore_mem>>, %arg20: memref<!tpu.dma_semaphore, #tpu.memory_space<semaphore_mem>>, %arg21: memref<!tpu.dma_semaphore, #tpu.memory_space<semaphore_mem>>, %arg22: memref<!tpu.dma_semaphore, #tpu.memory_space<semaphore_mem>>, %arg23: memref<!tpu.dma_semaphore, #tpu.memory_space<semaphore_mem>>, %arg24: memref<!tpu.dma_semaphore, #tpu.memory_space<semaphore_mem>>, %arg25: memref<!tpu.dma_semaphore, #tpu.memory_space<semaphore_mem>>, %arg26: memref<!tpu.dma_semaphore, #tpu.memory_space<semaphore_mem>>) attributes {dimension_semantics = [#tpu.dimension_semantics<core_parallel>, #tpu.dimension_semantics<subcore_parallel>], iteration_bounds = array<i64: 2, 16>, scalar_prefetch = 0 : i64, scratch_operands = 17 : i64, tpu.core_type = #tpu.core_type<sc_vector_subcore>, window_params = [{transform_indices = #map}, {transform_indices = #map1}, {transform_indices = #map}, {transform_indices = #map}, {transform_indices = #map}, {transform_indices = #map1}, {transform_indices = #map1}, {transform_indices = #map2}]} {
    %mul3A = arith.constant 2 : i32
    %mul3A_0 = arith.muli %arg1, %mul3A : i32
    %add3A = arith.addi %mul3A_0, %arg0 : i32
    %mul3A_1 = arith.constant 64 : i32
    %mul3A_2 = arith.muli %add3A, %mul3A_1 : i32
    %mul3A_3 = arith.constant 64 : i32
    %mul3A_4 = arith.muli %add3A, %mul3A_3 : i32
    "tpu.region"() ({
      %run_scoped3A_191 = tpu.sem_alloc : memref<!tpu.dma_semaphore, #tpu.memory_space<semaphore_mem>>
      %dma_start3A_192 = arith.constant 0 : i32
      %dma_start3A_193 = tpu.memref_slice %arg2[%mul3A_4, %dma_start3A_192] : memref<2048x100xi32, #tpu.memory_space<hbm>> -> memref<64x100xi32, #tpu.memory_space<hbm>>
      %dma_start3A_194 = arith.constant 0 : i32
      %dma_start3A_195 = tpu.memref_slice %arg2[%mul3A_4, %dma_start3A_194] : memref<2048x100xi32, #tpu.memory_space<hbm>> -> memref<64x100xi32, #tpu.memory_space<hbm>>
      tpu.enqueue_dma source(%dma_start3A_195 : memref<64x100xi32, #tpu.memory_space<hbm>>) target(%arg10 : memref<64x100xi32, #tpu.memory_space<vmem>>) target_semaphore(%run_scoped3A_191 : memref<!tpu.dma_semaphore, #tpu.memory_space<semaphore_mem>>)
      %dma_wait3A_196 = arith.constant 0 : i32
      %dma_wait3A_197 = tpu.memref_slice %arg2[%mul3A_4, %dma_wait3A_196] : memref<2048x100xi32, #tpu.memory_space<hbm>> -> memref<64x100xi32, #tpu.memory_space<hbm>>
      %dma_wait3A_198 = arith.constant 0 : i32
      %dma_wait3A_199 = tpu.memref_slice %arg2[%mul3A_4, %dma_wait3A_198] : memref<2048x100xi32, #tpu.memory_space<hbm>> -> memref<64x100xi32, #tpu.memory_space<hbm>>
      tpu.wait_dma2 semaphore(%run_scoped3A_191 : memref<!tpu.dma_semaphore, #tpu.memory_space<semaphore_mem>>) src(%dma_wait3A_199 : memref<64x100xi32, #tpu.memory_space<hbm>>) dst(%arg10 : memref<64x100xi32, #tpu.memory_space<vmem>>)
      tpu.yield
    }) : () -> ()
    %mul3A_5 = arith.constant 6400 : i32
    %mul3A_6 = arith.muli %add3A, %mul3A_5 : i32
    "tpu.region"() ({
      %run_scoped3A_191 = tpu.sem_alloc : memref<!tpu.dma_semaphore, #tpu.memory_space<semaphore_mem>>
      %dma_start3A_192 = arith.constant 0 : i32
      %dma_start3A_193 = tpu.memref_slice %arg11[%dma_start3A_192] : memref<6416xi32, #tpu.memory_space<vmem>> -> memref<6400xi32, #tpu.memory_space<vmem>>
      %dma_start3A_194 = tpu.memref_slice %arg3[%mul3A_6] : memref<204800xi32, #tpu.memory_space<hbm>> -> memref<6400xi32, #tpu.memory_space<hbm>>
      %dma_start3A_195 = arith.constant 0 : i32
      %dma_start3A_196 = tpu.memref_slice %arg11[%dma_start3A_195] : memref<6416xi32, #tpu.memory_space<vmem>> -> memref<6400xi32, #tpu.memory_space<vmem>>
      %dma_start3A_197 = tpu.memref_slice %arg3[%mul3A_6] : memref<204800xi32, #tpu.memory_space<hbm>> -> memref<6400xi32, #tpu.memory_space<hbm>>
      tpu.enqueue_dma source(%dma_start3A_197 : memref<6400xi32, #tpu.memory_space<hbm>>) target(%dma_start3A_196 : memref<6400xi32, #tpu.memory_space<vmem>>) target_semaphore(%run_scoped3A_191 : memref<!tpu.dma_semaphore, #tpu.memory_space<semaphore_mem>>)
      %dma_wait3A_198 = arith.constant 0 : i32
      %dma_wait3A_199 = tpu.memref_slice %arg11[%dma_wait3A_198] : memref<6416xi32, #tpu.memory_space<vmem>> -> memref<6400xi32, #tpu.memory_space<vmem>>
      %dma_wait3A_200 = tpu.memref_slice %arg3[%mul3A_6] : memref<204800xi32, #tpu.memory_space<hbm>> -> memref<6400xi32, #tpu.memory_space<hbm>>
      %dma_wait3A_201 = arith.constant 0 : i32
      %dma_wait3A_202 = tpu.memref_slice %arg11[%dma_wait3A_201] : memref<6416xi32, #tpu.memory_space<vmem>> -> memref<6400xi32, #tpu.memory_space<vmem>>
      %dma_wait3A_203 = tpu.memref_slice %arg3[%mul3A_6] : memref<204800xi32, #tpu.memory_space<hbm>> -> memref<6400xi32, #tpu.memory_space<hbm>>
      tpu.wait_dma2 semaphore(%run_scoped3A_191 : memref<!tpu.dma_semaphore, #tpu.memory_space<semaphore_mem>>) src(%dma_wait3A_203 : memref<6400xi32, #tpu.memory_space<hbm>>) dst(%dma_wait3A_202 : memref<6400xi32, #tpu.memory_space<vmem>>)
      tpu.yield
    }) : () -> ()
    %run_scoped3A = arith.constant 0 : i32
    "tpu.region"() ({
      %run_scoped3A_191 = tpu.sem_alloc : memref<!tpu.dma_semaphore, #tpu.memory_space<semaphore_mem>>
      %dma_start3A_192 = arith.constant 0 : i32
      %dma_start3A_193 = arith.constant 0 : i32
      %dma_start3A_194 = tpu.memref_slice %arg16[%run_scoped3A, %dma_start3A_192, %dma_start3A_193] : memref<2x200x128xf32, #tpu.memory_space<vmem>> -> memref<1x200x128xf32, #tpu.memory_space<vmem>>
      %dma_start3A_195 = tpu.memref_squeeze %dma_start3A_194 : memref<1x200x128xf32, #tpu.memory_space<vmem>> -> memref<200x128xf32, #tpu.memory_space<vmem>>
      %dma_start3A_196 = arith.constant 0 : i32
      %dma_start3A_197 = arith.constant 0 : i32
      %dma_start3A_198 = tpu.memref_slice %arg5[%dma_start3A_196, %dma_start3A_197] : memref<512x128xf32, #tpu.memory_space<hbm>> -> memref<200x128xf32, #tpu.memory_space<hbm>>
      %dma_start3A_199 = arith.constant 0 : i32
      %dma_start3A_200 = arith.constant 0 : i32
      %dma_start3A_201 = tpu.memref_slice %arg16[%run_scoped3A, %dma_start3A_199, %dma_start3A_200] : memref<2x200x128xf32, #tpu.memory_space<vmem>> -> memref<1x200x128xf32, #tpu.memory_space<vmem>>
      %dma_start3A_202 = tpu.memref_squeeze %dma_start3A_201 : memref<1x200x128xf32, #tpu.memory_space<vmem>> -> memref<200x128xf32, #tpu.memory_space<vmem>>
      %dma_start3A_203 = arith.constant 0 : i32
      %dma_start3A_204 = arith.constant 0 : i32
      %dma_start3A_205 = tpu.memref_slice %arg5[%dma_start3A_203, %dma_start3A_204] : memref<512x128xf32, #tpu.memory_space<hbm>> -> memref<200x128xf32, #tpu.memory_space<hbm>>
      tpu.enqueue_dma source(%dma_start3A_205 : memref<200x128xf32, #tpu.memory_space<hbm>>) target(%dma_start3A_202 : memref<200x128xf32, #tpu.memory_space<vmem>>) target_semaphore(%run_scoped3A_191 : memref<!tpu.dma_semaphore, #tpu.memory_space<semaphore_mem>>)
      %dma_wait3A_206 = arith.constant 0 : i32
      %dma_wait3A_207 = arith.constant 0 : i32
      %dma_wait3A_208 = tpu.memref_slice %arg16[%run_scoped3A, %dma_wait3A_206, %dma_wait3A_207] : memref<2x200x128xf32, #tpu.memory_space<vmem>> -> memref<1x200x128xf32, #tpu.memory_space<vmem>>
      %dma_wait3A_209 = tpu.memref_squeeze %dma_wait3A_208 : memref<1x200x128xf32, #tpu.memory_space<vmem>> -> memref<200x128xf32, #tpu.memory_space<vmem>>
      %dma_wait3A_210 = arith.constant 0 : i32
      %dma_wait3A_211 = arith.constant 0 : i32
      %dma_wait3A_212 = tpu.memref_slice %arg5[%dma_wait3A_210, %dma_wait3A_211] : memref<512x128xf32, #tpu.memory_space<hbm>> -> memref<200x128xf32, #tpu.memory_space<hbm>>
      %dma_wait3A_213 = arith.constant 0 : i32
      %dma_wait3A_214 = arith.constant 0 : i32
      %dma_wait3A_215 = tpu.memref_slice %arg16[%run_scoped3A, %dma_wait3A_213, %dma_wait3A_214] : memref<2x200x128xf32, #tpu.memory_space<vmem>> -> memref<1x200x128xf32, #tpu.memory_space<vmem>>
      %dma_wait3A_216 = tpu.memref_squeeze %dma_wait3A_215 : memref<1x200x128xf32, #tpu.memory_space<vmem>> -> memref<200x128xf32, #tpu.memory_space<vmem>>
      %dma_wait3A_217 = arith.constant 0 : i32
      %dma_wait3A_218 = arith.constant 0 : i32
      %dma_wait3A_219 = tpu.memref_slice %arg5[%dma_wait3A_217, %dma_wait3A_218] : memref<512x128xf32, #tpu.memory_space<hbm>> -> memref<200x128xf32, #tpu.memory_space<hbm>>
      tpu.wait_dma2 semaphore(%run_scoped3A_191 : memref<!tpu.dma_semaphore, #tpu.memory_space<semaphore_mem>>) src(%dma_wait3A_219 : memref<200x128xf32, #tpu.memory_space<hbm>>) dst(%dma_wait3A_216 : memref<200x128xf32, #tpu.memory_space<vmem>>)
      tpu.yield
    }) : () -> ()
    %run_scoped3A_7 = arith.constant 1 : i32
    "tpu.region"() ({
      %run_scoped3A_191 = tpu.sem_alloc : memref<!tpu.dma_semaphore, #tpu.memory_space<semaphore_mem>>
      %dma_start3A_192 = arith.constant 0 : i32
      %dma_start3A_193 = arith.constant 0 : i32
      %dma_start3A_194 = tpu.memref_slice %arg16[%run_scoped3A_7, %dma_start3A_192, %dma_start3A_193] : memref<2x200x128xf32, #tpu.memory_space<vmem>> -> memref<1x200x128xf32, #tpu.memory_space<vmem>>
      %dma_start3A_195 = tpu.memref_squeeze %dma_start3A_194 : memref<1x200x128xf32, #tpu.memory_space<vmem>> -> memref<200x128xf32, #tpu.memory_space<vmem>>
      %dma_start3A_196 = arith.constant 0 : i32
      %dma_start3A_197 = arith.constant 0 : i32
      %dma_start3A_198 = tpu.memref_slice %arg5[%dma_start3A_196, %dma_start3A_197] : memref<512x128xf32, #tpu.memory_space<hbm>> -> memref<200x128xf32, #tpu.memory_space<hbm>>
      %dma_start3A_199 = arith.constant 0 : i32
      %dma_start3A_200 = arith.constant 0 : i32
      %dma_start3A_201 = tpu.memref_slice %arg16[%run_scoped3A_7, %dma_start3A_199, %dma_start3A_200] : memref<2x200x128xf32, #tpu.memory_space<vmem>> -> memref<1x200x128xf32, #tpu.memory_space<vmem>>
      %dma_start3A_202 = tpu.memref_squeeze %dma_start3A_201 : memref<1x200x128xf32, #tpu.memory_space<vmem>> -> memref<200x128xf32, #tpu.memory_space<vmem>>
      %dma_start3A_203 = arith.constant 0 : i32
      %dma_start3A_204 = arith.constant 0 : i32
      %dma_start3A_205 = tpu.memref_slice %arg5[%dma_start3A_203, %dma_start3A_204] : memref<512x128xf32, #tpu.memory_space<hbm>> -> memref<200x128xf32, #tpu.memory_space<hbm>>
      tpu.enqueue_dma source(%dma_start3A_205 : memref<200x128xf32, #tpu.memory_space<hbm>>) target(%dma_start3A_202 : memref<200x128xf32, #tpu.memory_space<vmem>>) target_semaphore(%run_scoped3A_191 : memref<!tpu.dma_semaphore, #tpu.memory_space<semaphore_mem>>)
      %dma_wait3A_206 = arith.constant 0 : i32
      %dma_wait3A_207 = arith.constant 0 : i32
      %dma_wait3A_208 = tpu.memref_slice %arg16[%run_scoped3A_7, %dma_wait3A_206, %dma_wait3A_207] : memref<2x200x128xf32, #tpu.memory_space<vmem>> -> memref<1x200x128xf32, #tpu.memory_space<vmem>>
      %dma_wait3A_209 = tpu.memref_squeeze %dma_wait3A_208 : memref<1x200x128xf32, #tpu.memory_space<vmem>> -> memref<200x128xf32, #tpu.memory_space<vmem>>
      %dma_wait3A_210 = arith.constant 0 : i32
      %dma_wait3A_211 = arith.constant 0 : i32
      %dma_wait3A_212 = tpu.memref_slice %arg5[%dma_wait3A_210, %dma_wait3A_211] : memref<512x128xf32, #tpu.memory_space<hbm>> -> memref<200x128xf32, #tpu.memory_space<hbm>>
      %dma_wait3A_213 = arith.constant 0 : i32
      %dma_wait3A_214 = arith.constant 0 : i32
      %dma_wait3A_215 = tpu.memref_slice %arg16[%run_scoped3A_7, %dma_wait3A_213, %dma_wait3A_214] : memref<2x200x128xf32, #tpu.memory_space<vmem>> -> memref<1x200x128xf32, #tpu.memory_space<vmem>>
      %dma_wait3A_216 = tpu.memref_squeeze %dma_wait3A_215 : memref<1x200x128xf32, #tpu.memory_space<vmem>> -> memref<200x128xf32, #tpu.memory_space<vmem>>
      %dma_wait3A_217 = arith.constant 0 : i32
      %dma_wait3A_218 = arith.constant 0 : i32
      %dma_wait3A_219 = tpu.memref_slice %arg5[%dma_wait3A_217, %dma_wait3A_218] : memref<512x128xf32, #tpu.memory_space<hbm>> -> memref<200x128xf32, #tpu.memory_space<hbm>>
      tpu.wait_dma2 semaphore(%run_scoped3A_191 : memref<!tpu.dma_semaphore, #tpu.memory_space<semaphore_mem>>) src(%dma_wait3A_219 : memref<200x128xf32, #tpu.memory_space<hbm>>) dst(%dma_wait3A_216 : memref<200x128xf32, #tpu.memory_space<vmem>>)
      tpu.yield
    }) : () -> ()
    "tpu.region"() ({
      %run_scoped3A_191 = tpu.sem_alloc : memref<!tpu.dma_semaphore, #tpu.memory_space<semaphore_mem>>
      tpu.enqueue_dma source(%arg6 : memref<2x128xf32, #tpu.memory_space<hbm>>) target(%arg17 : memref<2x128xf32, #tpu.memory_space<vmem>>) target_semaphore(%run_scoped3A_191 : memref<!tpu.dma_semaphore, #tpu.memory_space<semaphore_mem>>)
      tpu.wait_dma2 semaphore(%run_scoped3A_191 : memref<!tpu.dma_semaphore, #tpu.memory_space<semaphore_mem>>) src(%arg6 : memref<2x128xf32, #tpu.memory_space<hbm>>) dst(%arg17 : memref<2x128xf32, #tpu.memory_space<vmem>>)
      tpu.yield
    }) : () -> ()
    %run_scoped3A_8 = arith.constant 0 : i32
    "tpu.region"() ({
      %run_scoped3A_191 = tpu.sem_alloc : memref<!tpu.dma_semaphore, #tpu.memory_space<semaphore_mem>>
      %dma_start3A_192 = arith.constant 0 : i32
      %dma_start3A_193 = tpu.memref_slice %arg18[%run_scoped3A_8, %dma_start3A_192] : memref<2x128xf32, #tpu.memory_space<vmem>> -> memref<1x128xf32, #tpu.memory_space<vmem>>
      %dma_start3A_194 = tpu.memref_squeeze %dma_start3A_193 : memref<1x128xf32, #tpu.memory_space<vmem>> -> memref<128xf32, #tpu.memory_space<vmem>>
      %dma_start3A_195 = arith.constant 0 : i32
      %dma_start3A_196 = tpu.memref_slice %arg18[%run_scoped3A_8, %dma_start3A_195] : memref<2x128xf32, #tpu.memory_space<vmem>> -> memref<1x128xf32, #tpu.memory_space<vmem>>
      %dma_start3A_197 = tpu.memref_squeeze %dma_start3A_196 : memref<1x128xf32, #tpu.memory_space<vmem>> -> memref<128xf32, #tpu.memory_space<vmem>>
      tpu.enqueue_dma source(%arg7 : memref<128xf32, #tpu.memory_space<hbm>>) target(%dma_start3A_197 : memref<128xf32, #tpu.memory_space<vmem>>) target_semaphore(%run_scoped3A_191 : memref<!tpu.dma_semaphore, #tpu.memory_space<semaphore_mem>>)
      %dma_wait3A_198 = arith.constant 0 : i32
      %dma_wait3A_199 = tpu.memref_slice %arg18[%run_scoped3A_8, %dma_wait3A_198] : memref<2x128xf32, #tpu.memory_space<vmem>> -> memref<1x128xf32, #tpu.memory_space<vmem>>
      %dma_wait3A_200 = tpu.memref_squeeze %dma_wait3A_199 : memref<1x128xf32, #tpu.memory_space<vmem>> -> memref<128xf32, #tpu.memory_space<vmem>>
      %dma_wait3A_201 = arith.constant 0 : i32
      %dma_wait3A_202 = tpu.memref_slice %arg18[%run_scoped3A_8, %dma_wait3A_201] : memref<2x128xf32, #tpu.memory_space<vmem>> -> memref<1x128xf32, #tpu.memory_space<vmem>>
      %dma_wait3A_203 = tpu.memref_squeeze %dma_wait3A_202 : memref<1x128xf32, #tpu.memory_space<vmem>> -> memref<128xf32, #tpu.memory_space<vmem>>
      tpu.wait_dma2 semaphore(%run_scoped3A_191 : memref<!tpu.dma_semaphore, #tpu.memory_space<semaphore_mem>>) src(%arg7 : memref<128xf32, #tpu.memory_space<hbm>>) dst(%dma_wait3A_203 : memref<128xf32, #tpu.memory_space<vmem>>)
      tpu.yield
    }) : () -> ()
    %run_scoped3A_9 = arith.constant 1 : i32
    "tpu.region"() ({
      %run_scoped3A_191 = tpu.sem_alloc : memref<!tpu.dma_semaphore, #tpu.memory_space<semaphore_mem>>
      %dma_start3A_192 = arith.constant 0 : i32
      %dma_start3A_193 = tpu.memref_slice %arg18[%run_scoped3A_9, %dma_start3A_192] : memref<2x128xf32, #tpu.memory_space<vmem>> -> memref<1x128xf32, #tpu.memory_space<vmem>>
      %dma_start3A_194 = tpu.memref_squeeze %dma_start3A_193 : memref<1x128xf32, #tpu.memory_space<vmem>> -> memref<128xf32, #tpu.memory_space<vmem>>
      %dma_start3A_195 = arith.constant 0 : i32
      %dma_start3A_196 = tpu.memref_slice %arg18[%run_scoped3A_9, %dma_start3A_195] : memref<2x128xf32, #tpu.memory_space<vmem>> -> memref<1x128xf32, #tpu.memory_space<vmem>>
      %dma_start3A_197 = tpu.memref_squeeze %dma_start3A_196 : memref<1x128xf32, #tpu.memory_space<vmem>> -> memref<128xf32, #tpu.memory_space<vmem>>
      tpu.enqueue_dma source(%arg8 : memref<128xf32, #tpu.memory_space<hbm>>) target(%dma_start3A_197 : memref<128xf32, #tpu.memory_space<vmem>>) target_semaphore(%run_scoped3A_191 : memref<!tpu.dma_semaphore, #tpu.memory_space<semaphore_mem>>)
      %dma_wait3A_198 = arith.constant 0 : i32
      %dma_wait3A_199 = tpu.memref_slice %arg18[%run_scoped3A_9, %dma_wait3A_198] : memref<2x128xf32, #tpu.memory_space<vmem>> -> memref<1x128xf32, #tpu.memory_space<vmem>>
      %dma_wait3A_200 = tpu.memref_squeeze %dma_wait3A_199 : memref<1x128xf32, #tpu.memory_space<vmem>> -> memref<128xf32, #tpu.memory_space<vmem>>
      %dma_wait3A_201 = arith.constant 0 : i32
      %dma_wait3A_202 = tpu.memref_slice %arg18[%run_scoped3A_9, %dma_wait3A_201] : memref<2x128xf32, #tpu.memory_space<vmem>> -> memref<1x128xf32, #tpu.memory_space<vmem>>
      %dma_wait3A_203 = tpu.memref_squeeze %dma_wait3A_202 : memref<1x128xf32, #tpu.memory_space<vmem>> -> memref<128xf32, #tpu.memory_space<vmem>>
      tpu.wait_dma2 semaphore(%run_scoped3A_191 : memref<!tpu.dma_semaphore, #tpu.memory_space<semaphore_mem>>) src(%arg8 : memref<128xf32, #tpu.memory_space<hbm>>) dst(%dma_wait3A_203 : memref<128xf32, #tpu.memory_space<vmem>>)
      tpu.yield
    }) : () -> ()
    %iota3A = tpu.iota {dimensions = array<i32: 0>} : vector<16xi32>
    %xor3A = arith.constant 8 : i32
    %xor3A_10 = vector.broadcast %xor3A : i32 to vector<16xi32>
    %xor3A_11 = arith.xori %iota3A, %xor3A_10 : vector<16xi32>
    %xor3A_12 = arith.constant 4 : i32
    %xor3A_13 = vector.broadcast %xor3A_12 : i32 to vector<16xi32>
    %xor3A_14 = arith.xori %iota3A, %xor3A_13 : vector<16xi32>
    %xor3A_15 = arith.constant 2 : i32
    %xor3A_16 = vector.broadcast %xor3A_15 : i32 to vector<16xi32>
    %xor3A_17 = arith.xori %iota3A, %xor3A_16 : vector<16xi32>
    %xor3A_18 = arith.constant 1 : i32
    %xor3A_19 = vector.broadcast %xor3A_18 : i32 to vector<16xi32>
    %xor3A_20 = arith.xori %iota3A, %xor3A_19 : vector<16xi32>
    %get3A = arith.constant 0 : i32
    %get3A_21 = arith.index_cast %get3A : i32 to index
    %get3A_22 = arith.constant 0 : index
    %get3A_23 = tpu.vector_load %arg17[%get3A_21, %get3A_22] {strides = array<i32>} : memref<2x128xf32, #tpu.memory_space<vmem>>, vector<16xf32>,
    %get3A_24 = arith.constant 0 : i32
    %get3A_25 = arith.index_cast %get3A_24 : i32 to index
    %get3A_26 = arith.constant 16 : index
    %get3A_27 = tpu.vector_load %arg17[%get3A_25, %get3A_26] {strides = array<i32>} : memref<2x128xf32, #tpu.memory_space<vmem>>, vector<16xf32>,
    %get3A_28 = arith.constant 0 : i32
    %get3A_29 = arith.index_cast %get3A_28 : i32 to index
    %get3A_30 = arith.constant 32 : index
    %get3A_31 = tpu.vector_load %arg17[%get3A_29, %get3A_30] {strides = array<i32>} : memref<2x128xf32, #tpu.memory_space<vmem>>, vector<16xf32>,
    %get3A_32 = arith.constant 0 : i32
    %get3A_33 = arith.index_cast %get3A_32 : i32 to index
    %get3A_34 = arith.constant 48 : index
    %get3A_35 = tpu.vector_load %arg17[%get3A_33, %get3A_34] {strides = array<i32>} : memref<2x128xf32, #tpu.memory_space<vmem>>, vector<16xf32>,
    %get3A_36 = arith.constant 0 : i32
    %get3A_37 = arith.index_cast %get3A_36 : i32 to index
    %get3A_38 = arith.constant 64 : index
    %get3A_39 = tpu.vector_load %arg17[%get3A_37, %get3A_38] {strides = array<i32>} : memref<2x128xf32, #tpu.memory_space<vmem>>, vector<16xf32>,
    %get3A_40 = arith.constant 0 : i32
    %get3A_41 = arith.index_cast %get3A_40 : i32 to index
    %get3A_42 = arith.constant 80 : index
    %get3A_43 = tpu.vector_load %arg17[%get3A_41, %get3A_42] {strides = array<i32>} : memref<2x128xf32, #tpu.memory_space<vmem>>, vector<16xf32>,
    %get3A_44 = arith.constant 0 : i32
    %get3A_45 = arith.index_cast %get3A_44 : i32 to index
    %get3A_46 = arith.constant 96 : index
    %get3A_47 = tpu.vector_load %arg17[%get3A_45, %get3A_46] {strides = array<i32>} : memref<2x128xf32, #tpu.memory_space<vmem>>, vector<16xf32>,
    %get3A_48 = arith.constant 0 : i32
    %get3A_49 = arith.index_cast %get3A_48 : i32 to index
    %get3A_50 = arith.constant 112 : index
    %get3A_51 = tpu.vector_load %arg17[%get3A_49, %get3A_50] {strides = array<i32>} : memref<2x128xf32, #tpu.memory_space<vmem>>, vector<16xf32>,
    %get3A_52 = arith.constant 1 : i32
    %get3A_53 = arith.index_cast %get3A_52 : i32 to index
    %get3A_54 = arith.constant 0 : index
    %get3A_55 = tpu.vector_load %arg17[%get3A_53, %get3A_54] {strides = array<i32>} : memref<2x128xf32, #tpu.memory_space<vmem>>, vector<16xf32>,
    %get3A_56 = arith.constant 1 : i32
    %get3A_57 = arith.index_cast %get3A_56 : i32 to index
    %get3A_58 = arith.constant 16 : index
    %get3A_59 = tpu.vector_load %arg17[%get3A_57, %get3A_58] {strides = array<i32>} : memref<2x128xf32, #tpu.memory_space<vmem>>, vector<16xf32>,
    %get3A_60 = arith.constant 1 : i32
    %get3A_61 = arith.index_cast %get3A_60 : i32 to index
    %get3A_62 = arith.constant 32 : index
    %get3A_63 = tpu.vector_load %arg17[%get3A_61, %get3A_62] {strides = array<i32>} : memref<2x128xf32, #tpu.memory_space<vmem>>, vector<16xf32>,
    %get3A_64 = arith.constant 1 : i32
    %get3A_65 = arith.index_cast %get3A_64 : i32 to index
    %get3A_66 = arith.constant 48 : index
    %get3A_67 = tpu.vector_load %arg17[%get3A_65, %get3A_66] {strides = array<i32>} : memref<2x128xf32, #tpu.memory_space<vmem>>, vector<16xf32>,
    %get3A_68 = arith.constant 1 : i32
    %get3A_69 = arith.index_cast %get3A_68 : i32 to index
    %get3A_70 = arith.constant 64 : index
    %get3A_71 = tpu.vector_load %arg17[%get3A_69, %get3A_70] {strides = array<i32>} : memref<2x128xf32, #tpu.memory_space<vmem>>, vector<16xf32>,
    %get3A_72 = arith.constant 1 : i32
    %get3A_73 = arith.index_cast %get3A_72 : i32 to index
    %get3A_74 = arith.constant 80 : index
    %get3A_75 = tpu.vector_load %arg17[%get3A_73, %get3A_74] {strides = array<i32>} : memref<2x128xf32, #tpu.memory_space<vmem>>, vector<16xf32>,
    %get3A_76 = arith.constant 1 : i32
    %get3A_77 = arith.index_cast %get3A_76 : i32 to index
    %get3A_78 = arith.constant 96 : index
    %get3A_79 = tpu.vector_load %arg17[%get3A_77, %get3A_78] {strides = array<i32>} : memref<2x128xf32, #tpu.memory_space<vmem>>, vector<16xf32>,
    %get3A_80 = arith.constant 1 : i32
    %get3A_81 = arith.index_cast %get3A_80 : i32 to index
    %get3A_82 = arith.constant 112 : index
    %get3A_83 = tpu.vector_load %arg17[%get3A_81, %get3A_82] {strides = array<i32>} : memref<2x128xf32, #tpu.memory_space<vmem>>, vector<16xf32>,
    %get3A_84 = arith.constant 0 : i32
    %get3A_85 = arith.index_cast %get3A_84 : i32 to index
    %get3A_86 = arith.constant 0 : index
    %get3A_87 = tpu.vector_load %arg18[%get3A_85, %get3A_86] {strides = array<i32>} : memref<2x128xf32, #tpu.memory_space<vmem>>, vector<16xf32>,
    %get3A_88 = arith.constant 0 : i32
    %get3A_89 = arith.index_cast %get3A_88 : i32 to index
    %get3A_90 = arith.constant 16 : index
    %get3A_91 = tpu.vector_load %arg18[%get3A_89, %get3A_90] {strides = array<i32>} : memref<2x128xf32, #tpu.memory_space<vmem>>, vector<16xf32>,
    %get3A_92 = arith.constant 0 : i32
    %get3A_93 = arith.index_cast %get3A_92 : i32 to index
    %get3A_94 = arith.constant 32 : index
    %get3A_95 = tpu.vector_load %arg18[%get3A_93, %get3A_94] {strides = array<i32>} : memref<2x128xf32, #tpu.memory_space<vmem>>, vector<16xf32>,
    %get3A_96 = arith.constant 0 : i32
    %get3A_97 = arith.index_cast %get3A_96 : i32 to index
    %get3A_98 = arith.constant 48 : index
    %get3A_99 = tpu.vector_load %arg18[%get3A_97, %get3A_98] {strides = array<i32>} : memref<2x128xf32, #tpu.memory_space<vmem>>, vector<16xf32>,
    %get3A_100 = arith.constant 0 : i32
    %get3A_101 = arith.index_cast %get3A_100 : i32 to index
    %get3A_102 = arith.constant 64 : index
    %get3A_103 = tpu.vector_load %arg18[%get3A_101, %get3A_102] {strides = array<i32>} : memref<2x128xf32, #tpu.memory_space<vmem>>, vector<16xf32>,
    %get3A_104 = arith.constant 0 : i32
    %get3A_105 = arith.index_cast %get3A_104 : i32 to index
    %get3A_106 = arith.constant 80 : index
    %get3A_107 = tpu.vector_load %arg18[%get3A_105, %get3A_106] {strides = array<i32>} : memref<2x128xf32, #tpu.memory_space<vmem>>, vector<16xf32>,
    %get3A_108 = arith.constant 0 : i32
    %get3A_109 = arith.index_cast %get3A_108 : i32 to index
    %get3A_110 = arith.constant 96 : index
    %get3A_111 = tpu.vector_load %arg18[%get3A_109, %get3A_110] {strides = array<i32>} : memref<2x128xf32, #tpu.memory_space<vmem>>, vector<16xf32>,
    %get3A_112 = arith.constant 0 : i32
    %get3A_113 = arith.index_cast %get3A_112 : i32 to index
    %get3A_114 = arith.constant 112 : index
    %get3A_115 = tpu.vector_load %arg18[%get3A_113, %get3A_114] {strides = array<i32>} : memref<2x128xf32, #tpu.memory_space<vmem>>, vector<16xf32>,
    %get3A_116 = arith.constant 1 : i32
    %get3A_117 = arith.index_cast %get3A_116 : i32 to index
    %get3A_118 = arith.constant 0 : index
    %get3A_119 = tpu.vector_load %arg18[%get3A_117, %get3A_118] {strides = array<i32>} : memref<2x128xf32, #tpu.memory_space<vmem>>, vector<16xf32>,
    %get3A_120 = arith.constant 1 : i32
    %get3A_121 = arith.index_cast %get3A_120 : i32 to index
    %get3A_122 = arith.constant 16 : index
    %get3A_123 = tpu.vector_load %arg18[%get3A_121, %get3A_122] {strides = array<i32>} : memref<2x128xf32, #tpu.memory_space<vmem>>, vector<16xf32>,
    %get3A_124 = arith.constant 1 : i32
    %get3A_125 = arith.index_cast %get3A_124 : i32 to index
    %get3A_126 = arith.constant 32 : index
    %get3A_127 = tpu.vector_load %arg18[%get3A_125, %get3A_126] {strides = array<i32>} : memref<2x128xf32, #tpu.memory_space<vmem>>, vector<16xf32>,
    %get3A_128 = arith.constant 1 : i32
    %get3A_129 = arith.index_cast %get3A_128 : i32 to index
    %get3A_130 = arith.constant 48 : index
    %get3A_131 = tpu.vector_load %arg18[%get3A_129, %get3A_130] {strides = array<i32>} : memref<2x128xf32, #tpu.memory_space<vmem>>, vector<16xf32>,
    %get3A_132 = arith.constant 1 : i32
    %get3A_133 = arith.index_cast %get3A_132 : i32 to index
    %get3A_134 = arith.constant 64 : index
    %get3A_135 = tpu.vector_load %arg18[%get3A_133, %get3A_134] {strides = array<i32>} : memref<2x128xf32, #tpu.memory_space<vmem>>, vector<16xf32>,
    %get3A_136 = arith.constant 1 : i32
    %get3A_137 = arith.index_cast %get3A_136 : i32 to index
    %get3A_138 = arith.constant 80 : index
    %get3A_139 = tpu.vector_load %arg18[%get3A_137, %get3A_138] {strides = array<i32>} : memref<2x128xf32, #tpu.memory_space<vmem>>, vector<16xf32>,
    %get3A_140 = arith.constant 1 : i32
    %get3A_141 = arith.index_cast %get3A_140 : i32 to index
    %get3A_142 = arith.constant 96 : index
    %get3A_143 = tpu.vector_load %arg18[%get3A_141, %get3A_142] {strides = array<i32>} : memref<2x128xf32, #tpu.memory_space<vmem>>, vector<16xf32>,
    %get3A_144 = arith.constant 1 : i32
    %get3A_145 = arith.index_cast %get3A_144 : i32 to index
    %get3A_146 = arith.constant 112 : index
    %get3A_147 = tpu.vector_load %arg18[%get3A_145, %get3A_146] {strides = array<i32>} : memref<2x128xf32, #tpu.memory_space<vmem>>, vector<16xf32>,
    %scan3A = arith.constant 0 : i32
    %scan3A_148 = arith.constant 0 : i32
    %scan3A_149 = arith.constant 200 : i32
    %scan3A_150 = arith.addi %scan3A_148, %scan3A_149 : i32
    %scan3A_151 = arith.constant 2 : i32
    %scan3A_152 = scf.for %scan3A_191 = %scan3A_148 to %scan3A_150 step %scan3A_151 iter_args(%scan3A_192 = %scan3A) -> (i32)  : i32 {
      %get3A_193 = arith.constant 0 : i32
      %get3A_194 = arith.index_cast %get3A_193 : i32 to index
      %get3A_195 = arith.index_cast %scan3A_191 : i32 to index
      %get3A_196 = arith.constant 0 : index
      %get3A_197 = tpu.vector_load %arg16[%get3A_194, %get3A_195, %get3A_196] {strides = array<i32>} : memref<2x200x128xf32, #tpu.memory_space<vmem>>, vector<16xf32>,
      %add3A_198 = arith.addf %get3A_197, %get3A_23 : vector<16xf32>
      %swap3A = arith.constant 0 : i32
      %swap3A_199 = arith.index_cast %swap3A : i32 to index
      %swap3A_200 = arith.index_cast %scan3A_191 : i32 to index
      %swap3A_201 = arith.constant 0 : index
      %swap3A_202 = tpu.vector_load %arg16[%swap3A_199, %swap3A_200, %swap3A_201] {strides = array<i32>} : memref<2x200x128xf32, #tpu.memory_space<vmem>>, vector<16xf32>,
      tpu.vector_store %arg16[%swap3A_199, %swap3A_200, %swap3A_201], %add3A_198 {strides = array<i32>} : memref<2x200x128xf32, #tpu.memory_space<vmem>>, vector<16xf32>,
      %get3A_203 = arith.constant 1 : i32
      %get3A_204 = arith.index_cast %get3A_203 : i32 to index
      %get3A_205 = arith.index_cast %scan3A_191 : i32 to index
      %get3A_206 = arith.constant 0 : index
      %get3A_207 = tpu.vector_load %arg16[%get3A_204, %get3A_205, %get3A_206] {strides = array<i32>} : memref<2x200x128xf32, #tpu.memory_space<vmem>>, vector<16xf32>,
      %add3A_208 = arith.addf %get3A_207, %get3A_55 : vector<16xf32>
      %swap3A_209 = arith.constant 1 : i32
      %swap3A_210 = arith.index_cast %swap3A_209 : i32 to index
      %swap3A_211 = arith.index_cast %scan3A_191 : i32 to index
      %swap3A_212 = arith.constant 0 : index
      %swap3A_213 = tpu.vector_load %arg16[%swap3A_210, %swap3A_211, %swap3A_212] {strides = array<i32>} : memref<2x200x128xf32, #tpu.memory_space<vmem>>, vector<16xf32>,
      tpu.vector_store %arg16[%swap3A_210, %swap3A_211, %swap3A_212], %add3A_208 {strides = array<i32>} : memref<2x200x128xf32, #tpu.memory_space<vmem>>, vector<16xf32>,
      %get3A_214 = arith.constant 0 : i32
      %get3A_215 = arith.index_cast %get3A_214 : i32 to index
      %get3A_216 = arith.index_cast %scan3A_191 : i32 to index
      %get3A_217 = arith.constant 16 : index
      %get3A_218 = tpu.vector_load %arg16[%get3A_215, %get3A_216, %get3A_217] {strides = array<i32>} : memref<2x200x128xf32, #tpu.memory_space<vmem>>, vector<16xf32>,
      %add3A_219 = arith.addf %get3A_218, %get3A_27 : vector<16xf32>
      %swap3A_220 = arith.constant 0 : i32
      %swap3A_221 = arith.index_cast %swap3A_220 : i32 to index
      %swap3A_222 = arith.index_cast %scan3A_191 : i32 to index
      %swap3A_223 = arith.constant 16 : index
      %swap3A_224 = tpu.vector_load %arg16[%swap3A_221, %swap3A_222, %swap3A_223] {strides = array<i32>} : memref<2x200x128xf32, #tpu.memory_space<vmem>>, vector<16xf32>,
      tpu.vector_store %arg16[%swap3A_221, %swap3A_222, %swap3A_223], %add3A_219 {strides = array<i32>} : memref<2x200x128xf32, #tpu.memory_space<vmem>>, vector<16xf32>,
      %get3A_225 = arith.constant 1 : i32
      %get3A_226 = arith.index_cast %get3A_225 : i32 to index
      %get3A_227 = arith.index_cast %scan3A_191 : i32 to index
      %get3A_228 = arith.constant 16 : index
      %get3A_229 = tpu.vector_load %arg16[%get3A_226, %get3A_227, %get3A_228] {strides = array<i32>} : memref<2x200x128xf32, #tpu.memory_space<vmem>>, vector<16xf32>,
      %add3A_230 = arith.addf %get3A_229, %get3A_59 : vector<16xf32>
      %swap3A_231 = arith.constant 1 : i32
      %swap3A_232 = arith.index_cast %swap3A_231 : i32 to index
      %swap3A_233 = arith.index_cast %scan3A_191 : i32 to index
      %swap3A_234 = arith.constant 16 : index
      %swap3A_235 = tpu.vector_load %arg16[%swap3A_232, %swap3A_233, %swap3A_234] {strides = array<i32>} : memref<2x200x128xf32, #tpu.memory_space<vmem>>, vector<16xf32>,
      tpu.vector_store %arg16[%swap3A_232, %swap3A_233, %swap3A_234], %add3A_230 {strides = array<i32>} : memref<2x200x128xf32, #tpu.memory_space<vmem>>, vector<16xf32>,
      %get3A_236 = arith.constant 0 : i32
      %get3A_237 = arith.index_cast %get3A_236 : i32 to index
      %get3A_238 = arith.index_cast %scan3A_191 : i32 to index
      %get3A_239 = arith.constant 32 : index
      %get3A_240 = tpu.vector_load %arg16[%get3A_237, %get3A_238, %get3A_239] {strides = array<i32>} : memref<2x200x128xf32, #tpu.memory_space<vmem>>, vector<16xf32>,
      %add3A_241 = arith.addf %get3A_240, %get3A_31 : vector<16xf32>
      %swap3A_242 = arith.constant 0 : i32
      %swap3A_243 = arith.index_cast %swap3A_242 : i32 to index
      %swap3A_244 = arith.index_cast %scan3A_191 : i32 to index
      %swap3A_245 = arith.constant 32 : index
      %swap3A_246 = tpu.vector_load %arg16[%swap3A_243, %swap3A_244, %swap3A_245] {strides = array<i32>} : memref<2x200x128xf32, #tpu.memory_space<vmem>>, vector<16xf32>,
      tpu.vector_store %arg16[%swap3A_243, %swap3A_244, %swap3A_245], %add3A_241 {strides = array<i32>} : memref<2x200x128xf32, #tpu.memory_space<vmem>>, vector<16xf32>,
      %get3A_247 = arith.constant 1 : i32
      %get3A_248 = arith.index_cast %get3A_247 : i32 to index
      %get3A_249 = arith.index_cast %scan3A_191 : i32 to index
      %get3A_250 = arith.constant 32 : index
      %get3A_251 = tpu.vector_load %arg16[%get3A_248, %get3A_249, %get3A_250] {strides = array<i32>} : memref<2x200x128xf32, #tpu.memory_space<vmem>>, vector<16xf32>,
      %add3A_252 = arith.addf %get3A_251, %get3A_63 : vector<16xf32>
      %swap3A_253 = arith.constant 1 : i32
      %swap3A_254 = arith.index_cast %swap3A_253 : i32 to index
      %swap3A_255 = arith.index_cast %scan3A_191 : i32 to index
      %swap3A_256 = arith.constant 32 : index
      %swap3A_257 = tpu.vector_load %arg16[%swap3A_254, %swap3A_255, %swap3A_256] {strides = array<i32>} : memref<2x200x128xf32, #tpu.memory_space<vmem>>, vector<16xf32>,
      tpu.vector_store %arg16[%swap3A_254, %swap3A_255, %swap3A_256], %add3A_252 {strides = array<i32>} : memref<2x200x128xf32, #tpu.memory_space<vmem>>, vector<16xf32>,
      %get3A_258 = arith.constant 0 : i32
      %get3A_259 = arith.index_cast %get3A_258 : i32 to index
      %get3A_260 = arith.index_cast %scan3A_191 : i32 to index
      %get3A_261 = arith.constant 48 : index
      %get3A_262 = tpu.vector_load %arg16[%get3A_259, %get3A_260, %get3A_261] {strides = array<i32>} : memref<2x200x128xf32, #tpu.memory_space<vmem>>, vector<16xf32>,
      %add3A_263 = arith.addf %get3A_262, %get3A_35 : vector<16xf32>
      %swap3A_264 = arith.constant 0 : i32
      %swap3A_265 = arith.index_cast %swap3A_264 : i32 to index
      %swap3A_266 = arith.index_cast %scan3A_191 : i32 to index
      %swap3A_267 = arith.constant 48 : index
      %swap3A_268 = tpu.vector_load %arg16[%swap3A_265, %swap3A_266, %swap3A_267] {strides = array<i32>} : memref<2x200x128xf32, #tpu.memory_space<vmem>>, vector<16xf32>,
      tpu.vector_store %arg16[%swap3A_265, %swap3A_266, %swap3A_267], %add3A_263 {strides = array<i32>} : memref<2x200x128xf32, #tpu.memory_space<vmem>>, vector<16xf32>,
      %get3A_269 = arith.constant 1 : i32
      %get3A_270 = arith.index_cast %get3A_269 : i32 to index
      %get3A_271 = arith.index_cast %scan3A_191 : i32 to index
      %get3A_272 = arith.constant 48 : index
      %get3A_273 = tpu.vector_load %arg16[%get3A_270, %get3A_271, %get3A_272] {strides = array<i32>} : memref<2x200x128xf32, #tpu.memory_space<vmem>>, vector<16xf32>,
      %add3A_274 = arith.addf %get3A_273, %get3A_67 : vector<16xf32>
      %swap3A_275 = arith.constant 1 : i32
      %swap3A_276 = arith.index_cast %swap3A_275 : i32 to index
      %swap3A_277 = arith.index_cast %scan3A_191 : i32 to index
      %swap3A_278 = arith.constant 48 : index
      %swap3A_279 = tpu.vector_load %arg16[%swap3A_276, %swap3A_277, %swap3A_278] {strides = array<i32>} : memref<2x200x128xf32, #tpu.memory_space<vmem>>, vector<16xf32>,
      tpu.vector_store %arg16[%swap3A_276, %swap3A_277, %swap3A_278], %add3A_274 {strides = array<i32>} : memref<2x200x128xf32, #tpu.memory_space<vmem>>, vector<16xf32>,
      %get3A_280 = arith.constant 0 : i32
      %get3A_281 = arith.index_cast %get3A_280 : i32 to index
      %get3A_282 = arith.index_cast %scan3A_191 : i32 to index
      %get3A_283 = arith.constant 64 : index
      %get3A_284 = tpu.vector_load %arg16[%get3A_281, %get3A_282, %get3A_283] {strides = array<i32>} : memref<2x200x128xf32, #tpu.memory_space<vmem>>, vector<16xf32>,
      %add3A_285 = arith.addf %get3A_284, %get3A_39 : vector<16xf32>
      %swap3A_286 = arith.constant 0 : i32
      %swap3A_287 = arith.index_cast %swap3A_286 : i32 to index
      %swap3A_288 = arith.index_cast %scan3A_191 : i32 to index
      %swap3A_289 = arith.constant 64 : index
      %swap3A_290 = tpu.vector_load %arg16[%swap3A_287, %swap3A_288, %swap3A_289] {strides = array<i32>} : memref<2x200x128xf32, #tpu.memory_space<vmem>>, vector<16xf32>,
      tpu.vector_store %arg16[%swap3A_287, %swap3A_288, %swap3A_289], %add3A_285 {strides = array<i32>} : memref<2x200x128xf32, #tpu.memory_space<vmem>>, vector<16xf32>,
      %get3A_291 = arith.constant 1 : i32
      %get3A_292 = arith.index_cast %get3A_291 : i32 to index
      %get3A_293 = arith.index_cast %scan3A_191 : i32 to index
      %get3A_294 = arith.constant 64 : index
      %get3A_295 = tpu.vector_load %arg16[%get3A_292, %get3A_293, %get3A_294] {strides = array<i32>} : memref<2x200x128xf32, #tpu.memory_space<vmem>>, vector<16xf32>,
      %add3A_296 = arith.addf %get3A_295, %get3A_71 : vector<16xf32>
      %swap3A_297 = arith.constant 1 : i32
      %swap3A_298 = arith.index_cast %swap3A_297 : i32 to index
      %swap3A_299 = arith.index_cast %scan3A_191 : i32 to index
      %swap3A_300 = arith.constant 64 : index
      %swap3A_301 = tpu.vector_load %arg16[%swap3A_298, %swap3A_299, %swap3A_300] {strides = array<i32>} : memref<2x200x128xf32, #tpu.memory_space<vmem>>, vector<16xf32>,
      tpu.vector_store %arg16[%swap3A_298, %swap3A_299, %swap3A_300], %add3A_296 {strides = array<i32>} : memref<2x200x128xf32, #tpu.memory_space<vmem>>, vector<16xf32>,
      %get3A_302 = arith.constant 0 : i32
      %get3A_303 = arith.index_cast %get3A_302 : i32 to index
      %get3A_304 = arith.index_cast %scan3A_191 : i32 to index
      %get3A_305 = arith.constant 80 : index
      %get3A_306 = tpu.vector_load %arg16[%get3A_303, %get3A_304, %get3A_305] {strides = array<i32>} : memref<2x200x128xf32, #tpu.memory_space<vmem>>, vector<16xf32>,
      %add3A_307 = arith.addf %get3A_306, %get3A_43 : vector<16xf32>
      %swap3A_308 = arith.constant 0 : i32
      %swap3A_309 = arith.index_cast %swap3A_308 : i32 to index
      %swap3A_310 = arith.index_cast %scan3A_191 : i32 to index
      %swap3A_311 = arith.constant 80 : index
      %swap3A_312 = tpu.vector_load %arg16[%swap3A_309, %swap3A_310, %swap3A_311] {strides = array<i32>} : memref<2x200x128xf32, #tpu.memory_space<vmem>>, vector<16xf32>,
      tpu.vector_store %arg16[%swap3A_309, %swap3A_310, %swap3A_311], %add3A_307 {strides = array<i32>} : memref<2x200x128xf32, #tpu.memory_space<vmem>>, vector<16xf32>,
      %get3A_313 = arith.constant 1 : i32
      %get3A_314 = arith.index_cast %get3A_313 : i32 to index
      %get3A_315 = arith.index_cast %scan3A_191 : i32 to index
      %get3A_316 = arith.constant 80 : index
      %get3A_317 = tpu.vector_load %arg16[%get3A_314, %get3A_315, %get3A_316] {strides = array<i32>} : memref<2x200x128xf32, #tpu.memory_space<vmem>>, vector<16xf32>,
      %add3A_318 = arith.addf %get3A_317, %get3A_75 : vector<16xf32>
      %swap3A_319 = arith.constant 1 : i32
      %swap3A_320 = arith.index_cast %swap3A_319 : i32 to index
      %swap3A_321 = arith.index_cast %scan3A_191 : i32 to index
      %swap3A_322 = arith.constant 80 : index
      %swap3A_323 = tpu.vector_load %arg16[%swap3A_320, %swap3A_321, %swap3A_322] {strides = array<i32>} : memref<2x200x128xf32, #tpu.memory_space<vmem>>, vector<16xf32>,
      tpu.vector_store %arg16[%swap3A_320, %swap3A_321, %swap3A_322], %add3A_318 {strides = array<i32>} : memref<2x200x128xf32, #tpu.memory_space<vmem>>, vector<16xf32>,
      %get3A_324 = arith.constant 0 : i32
      %get3A_325 = arith.index_cast %get3A_324 : i32 to index
      %get3A_326 = arith.index_cast %scan3A_191 : i32 to index
      %get3A_327 = arith.constant 96 : index
      %get3A_328 = tpu.vector_load %arg16[%get3A_325, %get3A_326, %get3A_327] {strides = array<i32>} : memref<2x200x128xf32, #tpu.memory_space<vmem>>, vector<16xf32>,
      %add3A_329 = arith.addf %get3A_328, %get3A_47 : vector<16xf32>
      %swap3A_330 = arith.constant 0 : i32
      %swap3A_331 = arith.index_cast %swap3A_330 : i32 to index
      %swap3A_332 = arith.index_cast %scan3A_191 : i32 to index
      %swap3A_333 = arith.constant 96 : index
      %swap3A_334 = tpu.vector_load %arg16[%swap3A_331, %swap3A_332, %swap3A_333] {strides = array<i32>} : memref<2x200x128xf32, #tpu.memory_space<vmem>>, vector<16xf32>,
      tpu.vector_store %arg16[%swap3A_331, %swap3A_332, %swap3A_333], %add3A_329 {strides = array<i32>} : memref<2x200x128xf32, #tpu.memory_space<vmem>>, vector<16xf32>,
      %get3A_335 = arith.constant 1 : i32
      %get3A_336 = arith.index_cast %get3A_335 : i32 to index
      %get3A_337 = arith.index_cast %scan3A_191 : i32 to index
      %get3A_338 = arith.constant 96 : index
      %get3A_339 = tpu.vector_load %arg16[%get3A_336, %get3A_337, %get3A_338] {strides = array<i32>} : memref<2x200x128xf32, #tpu.memory_space<vmem>>, vector<16xf32>,
      %add3A_340 = arith.addf %get3A_339, %get3A_79 : vector<16xf32>
      %swap3A_341 = arith.constant 1 : i32
      %swap3A_342 = arith.index_cast %swap3A_341 : i32 to index
      %swap3A_343 = arith.index_cast %scan3A_191 : i32 to index
      %swap3A_344 = arith.constant 96 : index
      %swap3A_345 = tpu.vector_load %arg16[%swap3A_342, %swap3A_343, %swap3A_344] {strides = array<i32>} : memref<2x200x128xf32, #tpu.memory_space<vmem>>, vector<16xf32>,
      tpu.vector_store %arg16[%swap3A_342, %swap3A_343, %swap3A_344], %add3A_340 {strides = array<i32>} : memref<2x200x128xf32, #tpu.memory_space<vmem>>, vector<16xf32>,
      %get3A_346 = arith.constant 0 : i32
      %get3A_347 = arith.index_cast %get3A_346 : i32 to index
      %get3A_348 = arith.index_cast %scan3A_191 : i32 to index
      %get3A_349 = arith.constant 112 : index
      %get3A_350 = tpu.vector_load %arg16[%get3A_347, %get3A_348, %get3A_349] {strides = array<i32>} : memref<2x200x128xf32, #tpu.memory_space<vmem>>, vector<16xf32>,
      %add3A_351 = arith.addf %get3A_350, %get3A_51 : vector<16xf32>
      %swap3A_352 = arith.constant 0 : i32
      %swap3A_353 = arith.index_cast %swap3A_352 : i32 to index
      %swap3A_354 = arith.index_cast %scan3A_191 : i32 to index
      %swap3A_355 = arith.constant 112 : index
      %swap3A_356 = tpu.vector_load %arg16[%swap3A_353, %swap3A_354, %swap3A_355] {strides = array<i32>} : memref<2x200x128xf32, #tpu.memory_space<vmem>>, vector<16xf32>,
      tpu.vector_store %arg16[%swap3A_353, %swap3A_354, %swap3A_355], %add3A_351 {strides = array<i32>} : memref<2x200x128xf32, #tpu.memory_space<vmem>>, vector<16xf32>,
      %get3A_357 = arith.constant 1 : i32
      %get3A_358 = arith.index_cast %get3A_357 : i32 to index
      %get3A_359 = arith.index_cast %scan3A_191 : i32 to index
      %get3A_360 = arith.constant 112 : index
      %get3A_361 = tpu.vector_load %arg16[%get3A_358, %get3A_359, %get3A_360] {strides = array<i32>} : memref<2x200x128xf32, #tpu.memory_space<vmem>>, vector<16xf32>,
      %add3A_362 = arith.addf %get3A_361, %get3A_83 : vector<16xf32>
      %swap3A_363 = arith.constant 1 : i32
      %swap3A_364 = arith.index_cast %swap3A_363 : i32 to index
      %swap3A_365 = arith.index_cast %scan3A_191 : i32 to index
      %swap3A_366 = arith.constant 112 : index
      %swap3A_367 = tpu.vector_load %arg16[%swap3A_364, %swap3A_365, %swap3A_366] {strides = array<i32>} : memref<2x200x128xf32, #tpu.memory_space<vmem>>, vector<16xf32>,
      tpu.vector_store %arg16[%swap3A_364, %swap3A_365, %swap3A_366], %add3A_362 {strides = array<i32>} : memref<2x200x128xf32, #tpu.memory_space<vmem>>, vector<16xf32>,
      %scan3A_368 = arith.constant 0 : i32
      %scan3A_369 = arith.constant 1 : i32
      %scan3A_370 = arith.addi %scan3A_191, %scan3A_369 : i32
      %get3A_371 = arith.constant 0 : i32
      %get3A_372 = arith.index_cast %get3A_371 : i32 to index
      %get3A_373 = arith.index_cast %scan3A_370 : i32 to index
      %get3A_374 = arith.constant 0 : index
      %get3A_375 = tpu.vector_load %arg16[%get3A_372, %get3A_373, %get3A_374] {strides = array<i32>} : memref<2x200x128xf32, #tpu.memory_space<vmem>>, vector<16xf32>,
      %add3A_376 = arith.addf %get3A_375, %get3A_23 : vector<16xf32>
      %swap3A_377 = arith.constant 0 : i32
      %swap3A_378 = arith.index_cast %swap3A_377 : i32 to index
      %swap3A_379 = arith.index_cast %scan3A_370 : i32 to index
      %swap3A_380 = arith.constant 0 : index
      %swap3A_381 = tpu.vector_load %arg16[%swap3A_378, %swap3A_379, %swap3A_380] {strides = array<i32>} : memref<2x200x128xf32, #tpu.memory_space<vmem>>, vector<16xf32>,
      tpu.vector_store %arg16[%swap3A_378, %swap3A_379, %swap3A_380], %add3A_376 {strides = array<i32>} : memref<2x200x128xf32, #tpu.memory_space<vmem>>, vector<16xf32>,
      %get3A_382 = arith.constant 1 : i32
      %get3A_383 = arith.index_cast %get3A_382 : i32 to index
      %get3A_384 = arith.index_cast %scan3A_370 : i32 to index
      %get3A_385 = arith.constant 0 : index
      %get3A_386 = tpu.vector_load %arg16[%get3A_383, %get3A_384, %get3A_385] {strides = array<i32>} : memref<2x200x128xf32, #tpu.memory_space<vmem>>, vector<16xf32>,
      %add3A_387 = arith.addf %get3A_386, %get3A_55 : vector<16xf32>
      %swap3A_388 = arith.constant 1 : i32
      %swap3A_389 = arith.index_cast %swap3A_388 : i32 to index
      %swap3A_390 = arith.index_cast %scan3A_370 : i32 to index
      %swap3A_391 = arith.constant 0 : index
      %swap3A_392 = tpu.vector_load %arg16[%swap3A_389, %swap3A_390, %swap3A_391] {strides = array<i32>} : memref<2x200x128xf32, #tpu.memory_space<vmem>>, vector<16xf32>,
      tpu.vector_store %arg16[%swap3A_389, %swap3A_390, %swap3A_391], %add3A_387 {strides = array<i32>} : memref<2x200x128xf32, #tpu.memory_space<vmem>>, vector<16xf32>,
      %get3A_393 = arith.constant 0 : i32
      %get3A_394 = arith.index_cast %get3A_393 : i32 to index
      %get3A_395 = arith.index_cast %scan3A_370 : i32 to index
      %get3A_396 = arith.constant 16 : index
      %get3A_397 = tpu.vector_load %arg16[%get3A_394, %get3A_395, %get3A_396] {strides = array<i32>} : memref<2x200x128xf32, #tpu.memory_space<vmem>>, vector<16xf32>,
      %add3A_398 = arith.addf %get3A_397, %get3A_27 : vector<16xf32>
      %swap3A_399 = arith.constant 0 : i32
      %swap3A_400 = arith.index_cast %swap3A_399 : i32 to index
      %swap3A_401 = arith.index_cast %scan3A_370 : i32 to index
      %swap3A_402 = arith.constant 16 : index
      %swap3A_403 = tpu.vector_load %arg16[%swap3A_400, %swap3A_401, %swap3A_402] {strides = array<i32>} : memref<2x200x128xf32, #tpu.memory_space<vmem>>, vector<16xf32>,
      tpu.vector_store %arg16[%swap3A_400, %swap3A_401, %swap3A_402], %add3A_398 {strides = array<i32>} : memref<2x200x128xf32, #tpu.memory_space<vmem>>, vector<16xf32>,
      %get3A_404 = arith.constant 1 : i32
      %get3A_405 = arith.index_cast %get3A_404 : i32 to index
      %get3A_406 = arith.index_cast %scan3A_370 : i32 to index
      %get3A_407 = arith.constant 16 : index
      %get3A_408 = tpu.vector_load %arg16[%get3A_405, %get3A_406, %get3A_407] {strides = array<i32>} : memref<2x200x128xf32, #tpu.memory_space<vmem>>, vector<16xf32>,
      %add3A_409 = arith.addf %get3A_408, %get3A_59 : vector<16xf32>
      %swap3A_410 = arith.constant 1 : i32
      %swap3A_411 = arith.index_cast %swap3A_410 : i32 to index
      %swap3A_412 = arith.index_cast %scan3A_370 : i32 to index
      %swap3A_413 = arith.constant 16 : index
      %swap3A_414 = tpu.vector_load %arg16[%swap3A_411, %swap3A_412, %swap3A_413] {strides = array<i32>} : memref<2x200x128xf32, #tpu.memory_space<vmem>>, vector<16xf32>,
      tpu.vector_store %arg16[%swap3A_411, %swap3A_412, %swap3A_413], %add3A_409 {strides = array<i32>} : memref<2x200x128xf32, #tpu.memory_space<vmem>>, vector<16xf32>,
      %get3A_415 = arith.constant 0 : i32
      %get3A_416 = arith.index_cast %get3A_415 : i32 to index
      %get3A_417 = arith.index_cast %scan3A_370 : i32 to index
      %get3A_418 = arith.constant 32 : index
      %get3A_419 = tpu.vector_load %arg16[%get3A_416, %get3A_417, %get3A_418] {strides = array<i32>} : memref<2x200x128xf32, #tpu.memory_space<vmem>>, vector<16xf32>,
      %add3A_420 = arith.addf %get3A_419, %get3A_31 : vector<16xf32>
      %swap3A_421 = arith.constant 0 : i32
      %swap3A_422 = arith.index_cast %swap3A_421 : i32 to index
      %swap3A_423 = arith.index_cast %scan3A_370 : i32 to index
      %swap3A_424 = arith.constant 32 : index
      %swap3A_425 = tpu.vector_load %arg16[%swap3A_422, %swap3A_423, %swap3A_424] {strides = array<i32>} : memref<2x200x128xf32, #tpu.memory_space<vmem>>, vector<16xf32>,
      tpu.vector_store %arg16[%swap3A_422, %swap3A_423, %swap3A_424], %add3A_420 {strides = array<i32>} : memref<2x200x128xf32, #tpu.memory_space<vmem>>, vector<16xf32>,
      %get3A_426 = arith.constant 1 : i32
      %get3A_427 = arith.index_cast %get3A_426 : i32 to index
      %get3A_428 = arith.index_cast %scan3A_370 : i32 to index
      %get3A_429 = arith.constant 32 : index
      %get3A_430 = tpu.vector_load %arg16[%get3A_427, %get3A_428, %get3A_429] {strides = array<i32>} : memref<2x200x128xf32, #tpu.memory_space<vmem>>, vector<16xf32>,
      %add3A_431 = arith.addf %get3A_430, %get3A_63 : vector<16xf32>
      %swap3A_432 = arith.constant 1 : i32
      %swap3A_433 = arith.index_cast %swap3A_432 : i32 to index
      %swap3A_434 = arith.index_cast %scan3A_370 : i32 to index
      %swap3A_435 = arith.constant 32 : index
      %swap3A_436 = tpu.vector_load %arg16[%swap3A_433, %swap3A_434, %swap3A_435] {strides = array<i32>} : memref<2x200x128xf32, #tpu.memory_space<vmem>>, vector<16xf32>,
      tpu.vector_store %arg16[%swap3A_433, %swap3A_434, %swap3A_435], %add3A_431 {strides = array<i32>} : memref<2x200x128xf32, #tpu.memory_space<vmem>>, vector<16xf32>,
      %get3A_437 = arith.constant 0 : i32
      %get3A_438 = arith.index_cast %get3A_437 : i32 to index
      %get3A_439 = arith.index_cast %scan3A_370 : i32 to index
      %get3A_440 = arith.constant 48 : index
      %get3A_441 = tpu.vector_load %arg16[%get3A_438, %get3A_439, %get3A_440] {strides = array<i32>} : memref<2x200x128xf32, #tpu.memory_space<vmem>>, vector<16xf32>,
      %add3A_442 = arith.addf %get3A_441, %get3A_35 : vector<16xf32>
      %swap3A_443 = arith.constant 0 : i32
      %swap3A_444 = arith.index_cast %swap3A_443 : i32 to index
      %swap3A_445 = arith.index_cast %scan3A_370 : i32 to index
      %swap3A_446 = arith.constant 48 : index
      %swap3A_447 = tpu.vector_load %arg16[%swap3A_444, %swap3A_445, %swap3A_446] {strides = array<i32>} : memref<2x200x128xf32, #tpu.memory_space<vmem>>, vector<16xf32>,
      tpu.vector_store %arg16[%swap3A_444, %swap3A_445, %swap3A_446], %add3A_442 {strides = array<i32>} : memref<2x200x128xf32, #tpu.memory_space<vmem>>, vector<16xf32>,
      %get3A_448 = arith.constant 1 : i32
      %get3A_449 = arith.index_cast %get3A_448 : i32 to index
      %get3A_450 = arith.index_cast %scan3A_370 : i32 to index
      %get3A_451 = arith.constant 48 : index
      %get3A_452 = tpu.vector_load %arg16[%get3A_449, %get3A_450, %get3A_451] {strides = array<i32>} : memref<2x200x128xf32, #tpu.memory_space<vmem>>, vector<16xf32>,
      %add3A_453 = arith.addf %get3A_452, %get3A_67 : vector<16xf32>
      %swap3A_454 = arith.constant 1 : i32
      %swap3A_455 = arith.index_cast %swap3A_454 : i32 to index
      %swap3A_456 = arith.index_cast %scan3A_370 : i32 to index
      %swap3A_457 = arith.constant 48 : index
      %swap3A_458 = tpu.vector_load %arg16[%swap3A_455, %swap3A_456, %swap3A_457] {strides = array<i32>} : memref<2x200x128xf32, #tpu.memory_space<vmem>>, vector<16xf32>,
      tpu.vector_store %arg16[%swap3A_455, %swap3A_456, %swap3A_457], %add3A_453 {strides = array<i32>} : memref<2x200x128xf32, #tpu.memory_space<vmem>>, vector<16xf32>,
      %get3A_459 = arith.constant 0 : i32
      %get3A_460 = arith.index_cast %get3A_459 : i32 to index
      %get3A_461 = arith.index_cast %scan3A_370 : i32 to index
      %get3A_462 = arith.constant 64 : index
      %get3A_463 = tpu.vector_load %arg16[%get3A_460, %get3A_461, %get3A_462] {strides = array<i32>} : memref<2x200x128xf32, #tpu.memory_space<vmem>>, vector<16xf32>,
      %add3A_464 = arith.addf %get3A_463, %get3A_39 : vector<16xf32>
      %swap3A_465 = arith.constant 0 : i32
      %swap3A_466 = arith.index_cast %swap3A_465 : i32 to index
      %swap3A_467 = arith.index_cast %scan3A_370 : i32 to index
      %swap3A_468 = arith.constant 64 : index
      %swap3A_469 = tpu.vector_load %arg16[%swap3A_466, %swap3A_467, %swap3A_468] {strides = array<i32>} : memref<2x200x128xf32, #tpu.memory_space<vmem>>, vector<16xf32>,
      tpu.vector_store %arg16[%swap3A_466, %swap3A_467, %swap3A_468], %add3A_464 {strides = array<i32>} : memref<2x200x128xf32, #tpu.memory_space<vmem>>, vector<16xf32>,
      %get3A_470 = arith.constant 1 : i32
      %get3A_471 = arith.index_cast %get3A_470 : i32 to index
      %get3A_472 = arith.index_cast %scan3A_370 : i32 to index
      %get3A_473 = arith.constant 64 : index
      %get3A_474 = tpu.vector_load %arg16[%get3A_471, %get3A_472, %get3A_473] {strides = array<i32>} : memref<2x200x128xf32, #tpu.memory_space<vmem>>, vector<16xf32>,
      %add3A_475 = arith.addf %get3A_474, %get3A_71 : vector<16xf32>
      %swap3A_476 = arith.constant 1 : i32
      %swap3A_477 = arith.index_cast %swap3A_476 : i32 to index
      %swap3A_478 = arith.index_cast %scan3A_370 : i32 to index
      %swap3A_479 = arith.constant 64 : index
      %swap3A_480 = tpu.vector_load %arg16[%swap3A_477, %swap3A_478, %swap3A_479] {strides = array<i32>} : memref<2x200x128xf32, #tpu.memory_space<vmem>>, vector<16xf32>,
      tpu.vector_store %arg16[%swap3A_477, %swap3A_478, %swap3A_479], %add3A_475 {strides = array<i32>} : memref<2x200x128xf32, #tpu.memory_space<vmem>>, vector<16xf32>,
      %get3A_481 = arith.constant 0 : i32
      %get3A_482 = arith.index_cast %get3A_481 : i32 to index
      %get3A_483 = arith.index_cast %scan3A_370 : i32 to index
      %get3A_484 = arith.constant 80 : index
      %get3A_485 = tpu.vector_load %arg16[%get3A_482, %get3A_483, %get3A_484] {strides = array<i32>} : memref<2x200x128xf32, #tpu.memory_space<vmem>>, vector<16xf32>,
      %add3A_486 = arith.addf %get3A_485, %get3A_43 : vector<16xf32>
      %swap3A_487 = arith.constant 0 : i32
      %swap3A_488 = arith.index_cast %swap3A_487 : i32 to index
      %swap3A_489 = arith.index_cast %scan3A_370 : i32 to index
      %swap3A_490 = arith.constant 80 : index
      %swap3A_491 = tpu.vector_load %arg16[%swap3A_488, %swap3A_489, %swap3A_490] {strides = array<i32>} : memref<2x200x128xf32, #tpu.memory_space<vmem>>, vector<16xf32>,
      tpu.vector_store %arg16[%swap3A_488, %swap3A_489, %swap3A_490], %add3A_486 {strides = array<i32>} : memref<2x200x128xf32, #tpu.memory_space<vmem>>, vector<16xf32>,
      %get3A_492 = arith.constant 1 : i32
      %get3A_493 = arith.index_cast %get3A_492 : i32 to index
      %get3A_494 = arith.index_cast %scan3A_370 : i32 to index
      %get3A_495 = arith.constant 80 : index
      %get3A_496 = tpu.vector_load %arg16[%get3A_493, %get3A_494, %get3A_495] {strides = array<i32>} : memref<2x200x128xf32, #tpu.memory_space<vmem>>, vector<16xf32>,
      %add3A_497 = arith.addf %get3A_496, %get3A_75 : vector<16xf32>
      %swap3A_498 = arith.constant 1 : i32
      %swap3A_499 = arith.index_cast %swap3A_498 : i32 to index
      %swap3A_500 = arith.index_cast %scan3A_370 : i32 to index
      %swap3A_501 = arith.constant 80 : index
      %swap3A_502 = tpu.vector_load %arg16[%swap3A_499, %swap3A_500, %swap3A_501] {strides = array<i32>} : memref<2x200x128xf32, #tpu.memory_space<vmem>>, vector<16xf32>,
      tpu.vector_store %arg16[%swap3A_499, %swap3A_500, %swap3A_501], %add3A_497 {strides = array<i32>} : memref<2x200x128xf32, #tpu.memory_space<vmem>>, vector<16xf32>,
      %get3A_503 = arith.constant 0 : i32
      %get3A_504 = arith.index_cast %get3A_503 : i32 to index
      %get3A_505 = arith.index_cast %scan3A_370 : i32 to index
      %get3A_506 = arith.constant 96 : index
      %get3A_507 = tpu.vector_load %arg16[%get3A_504, %get3A_505, %get3A_506] {strides = array<i32>} : memref<2x200x128xf32, #tpu.memory_space<vmem>>, vector<16xf32>,
      %add3A_508 = arith.addf %get3A_507, %get3A_47 : vector<16xf32>
      %swap3A_509 = arith.constant 0 : i32
      %swap3A_510 = arith.index_cast %swap3A_509 : i32 to index
      %swap3A_511 = arith.index_cast %scan3A_370 : i32 to index
      %swap3A_512 = arith.constant 96 : index
      %swap3A_513 = tpu.vector_load %arg16[%swap3A_510, %swap3A_511, %swap3A_512] {strides = array<i32>} : memref<2x200x128xf32, #tpu.memory_space<vmem>>, vector<16xf32>,
      tpu.vector_store %arg16[%swap3A_510, %swap3A_511, %swap3A_512], %add3A_508 {strides = array<i32>} : memref<2x200x128xf32, #tpu.memory_space<vmem>>, vector<16xf32>,
      %get3A_514 = arith.constant 1 : i32
      %get3A_515 = arith.index_cast %get3A_514 : i32 to index
      %get3A_516 = arith.index_cast %scan3A_370 : i32 to index
      %get3A_517 = arith.constant 96 : index
      %get3A_518 = tpu.vector_load %arg16[%get3A_515, %get3A_516, %get3A_517] {strides = array<i32>} : memref<2x200x128xf32, #tpu.memory_space<vmem>>, vector<16xf32>,
      %add3A_519 = arith.addf %get3A_518, %get3A_79 : vector<16xf32>
      %swap3A_520 = arith.constant 1 : i32
      %swap3A_521 = arith.index_cast %swap3A_520 : i32 to index
      %swap3A_522 = arith.index_cast %scan3A_370 : i32 to index
      %swap3A_523 = arith.constant 96 : index
      %swap3A_524 = tpu.vector_load %arg16[%swap3A_521, %swap3A_522, %swap3A_523] {strides = array<i32>} : memref<2x200x128xf32, #tpu.memory_space<vmem>>, vector<16xf32>,
      tpu.vector_store %arg16[%swap3A_521, %swap3A_522, %swap3A_523], %add3A_519 {strides = array<i32>} : memref<2x200x128xf32, #tpu.memory_space<vmem>>, vector<16xf32>,
      %get3A_525 = arith.constant 0 : i32
      %get3A_526 = arith.index_cast %get3A_525 : i32 to index
      %get3A_527 = arith.index_cast %scan3A_370 : i32 to index
      %get3A_528 = arith.constant 112 : index
      %get3A_529 = tpu.vector_load %arg16[%get3A_526, %get3A_527, %get3A_528] {strides = array<i32>} : memref<2x200x128xf32, #tpu.memory_space<vmem>>, vector<16xf32>,
      %add3A_530 = arith.addf %get3A_529, %get3A_51 : vector<16xf32>
      %swap3A_531 = arith.constant 0 : i32
      %swap3A_532 = arith.index_cast %swap3A_531 : i32 to index
      %swap3A_533 = arith.index_cast %scan3A_370 : i32 to index
      %swap3A_534 = arith.constant 112 : index
      %swap3A_535 = tpu.vector_load %arg16[%swap3A_532, %swap3A_533, %swap3A_534] {strides = array<i32>} : memref<2x200x128xf32, #tpu.memory_space<vmem>>, vector<16xf32>,
      tpu.vector_store %arg16[%swap3A_532, %swap3A_533, %swap3A_534], %add3A_530 {strides = array<i32>} : memref<2x200x128xf32, #tpu.memory_space<vmem>>, vector<16xf32>,
      %get3A_536 = arith.constant 1 : i32
      %get3A_537 = arith.index_cast %get3A_536 : i32 to index
      %get3A_538 = arith.index_cast %scan3A_370 : i32 to index
      %get3A_539 = arith.constant 112 : index
      %get3A_540 = tpu.vector_load %arg16[%get3A_537, %get3A_538, %get3A_539] {strides = array<i32>} : memref<2x200x128xf32, #tpu.memory_space<vmem>>, vector<16xf32>,
      %add3A_541 = arith.addf %get3A_540, %get3A_83 : vector<16xf32>
      %swap3A_542 = arith.constant 1 : i32
      %swap3A_543 = arith.index_cast %swap3A_542 : i32 to index
      %swap3A_544 = arith.index_cast %scan3A_370 : i32 to index
      %swap3A_545 = arith.constant 112 : index
      %swap3A_546 = tpu.vector_load %arg16[%swap3A_543, %swap3A_544, %swap3A_545] {strides = array<i32>} : memref<2x200x128xf32, #tpu.memory_space<vmem>>, vector<16xf32>,
      tpu.vector_store %arg16[%swap3A_543, %swap3A_544, %swap3A_545], %add3A_541 {strides = array<i32>} : memref<2x200x128xf32, #tpu.memory_space<vmem>>, vector<16xf32>,
      %scan3A_547 = arith.constant 0 : i32
      scf.yield %scan3A_547 : i32
    }
    %scan3A_153 = arith.constant 200 : i32
    %dma_start3A = arith.constant 0 : i32
    %dma_start3A_154 = arith.constant 0 : i32
    %dma_start3A_155 = tpu.memref_slice %arg10[%dma_start3A, %dma_start3A_154] : memref<64x100xi32, #tpu.memory_space<vmem>> -> memref<1x100xi32, #tpu.memory_space<vmem>>
    %dma_start3A_156 = tpu.memref_squeeze %dma_start3A_155 : memref<1x100xi32, #tpu.memory_space<vmem>> -> memref<100xi32, #tpu.memory_space<vmem>>
    %dma_start3A_157 = arith.constant 0 : i32
    %dma_start3A_158 = arith.constant 0 : i32
    %dma_start3A_159 = tpu.memref_slice %arg4[%dma_start3A_157, %dma_start3A_158] : memref<100000x128xf32, #tpu.memory_space<hbm>> -> memref<100000x128xf32, #tpu.memory_space<hbm>>
    tpu.enqueue_indirect_dma source(%dma_start3A_159 : memref<100000x128xf32, #tpu.memory_space<hbm>>) target(%arg12 : memref<100x128xf32, #tpu.memory_space<vmem>>) offsets(%dma_start3A_156 : memref<100xi32, #tpu.memory_space<vmem>>) semaphore(%arg19 : memref<!tpu.dma_semaphore, #tpu.memory_space<semaphore_mem>>)
    %dma_start3A_160 = arith.constant 1 : i32
    %dma_start3A_161 = arith.constant 0 : i32
    %dma_start3A_162 = tpu.memref_slice %arg10[%dma_start3A_160, %dma_start3A_161] : memref<64x100xi32, #tpu.memory_space<vmem>> -> memref<1x100xi32, #tpu.memory_space<vmem>>
    %dma_start3A_163 = tpu.memref_squeeze %dma_start3A_162 : memref<1x100xi32, #tpu.memory_space<vmem>> -> memref<100xi32, #tpu.memory_space<vmem>>
    %dma_start3A_164 = arith.constant 0 : i32
    %dma_start3A_165 = arith.constant 0 : i32
    %dma_start3A_166 = tpu.memref_slice %arg4[%dma_start3A_164, %dma_start3A_165] : memref<100000x128xf32, #tpu.memory_space<hbm>> -> memref<100000x128xf32, #tpu.memory_space<hbm>>
    tpu.enqueue_indirect_dma source(%dma_start3A_166 : memref<100000x128xf32, #tpu.memory_space<hbm>>) target(%arg13 : memref<100x128xf32, #tpu.memory_space<vmem>>) offsets(%dma_start3A_163 : memref<100xi32, #tpu.memory_space<vmem>>) semaphore(%arg20 : memref<!tpu.dma_semaphore, #tpu.memory_space<semaphore_mem>>)
    %scan3A_167 = arith.constant 0 : i32
    %scan3A_168 = arith.constant 0 : i32
    %scan3A_169 = arith.constant 16 : i32
    %scan3A_170 = arith.addi %scan3A_168, %scan3A_169 : i32
    %scan3A_171 = arith.constant 1 : i32
    %scan3A_172 = scf.for %scan3A_191 = %scan3A_168 to %scan3A_170 step %scan3A_171 iter_args(%scan3A_192 = %scan3A_167) -> (i32)  : i32 {
      %mul3A_193 = arith.constant 4 : i32
      %mul3A_194 = arith.muli %mul3A_193, %scan3A_191 : i32
      %add3A_195 = arith.constant 0 : i32
      %add3A_196 = arith.addi %mul3A_194, %add3A_195 : i32
      %dma_wait3A_197 = arith.constant 0 : i32
      %dma_wait3A_198 = arith.constant 0 : i32
      %dma_wait3A_199 = tpu.memref_slice %arg10[%dma_wait3A_197, %dma_wait3A_198] : memref<64x100xi32, #tpu.memory_space<vmem>> -> memref<1x100xi32, #tpu.memory_space<vmem>>
      %dma_wait3A_200 = tpu.memref_squeeze %dma_wait3A_199 : memref<1x100xi32, #tpu.memory_space<vmem>> -> memref<100xi32, #tpu.memory_space<vmem>>
      %dma_wait3A_201 = arith.constant 0 : i32
      %dma_wait3A_202 = arith.constant 0 : i32
      %dma_wait3A_203 = tpu.memref_slice %arg4[%dma_wait3A_201, %dma_wait3A_202] : memref<100000x128xf32, #tpu.memory_space<hbm>> -> memref<100000x128xf32, #tpu.memory_space<hbm>>
      tpu.wait_indirect_dma semaphore(%arg19 : memref<!tpu.dma_semaphore, #tpu.memory_space<semaphore_mem>>) src(%dma_wait3A_203 : memref<100000x128xf32, #tpu.memory_space<hbm>>) dst(%arg12 : memref<100x128xf32, #tpu.memory_space<vmem>>)
      %mul3A_204 = arith.constant 100 : i32
      %mul3A_205 = arith.muli %add3A_196, %mul3A_204 : i32
      %scan3A_206 = arith.constant 0 : i32
      %scan3A_207 = arith.constant 0 : i32
      %scan3A_208 = arith.constant 50 : i32
      %scan3A_209 = arith.addi %scan3A_207, %scan3A_208 : i32
      %scan3A_210 = arith.constant 1 : i32
      %scan3A_211 = scf.for %scan3A_354 = %scan3A_207 to %scan3A_209 step %scan3A_210 iter_args(%scan3A_355 = %scan3A_206) -> (i32)  : i32 {
        %mul3A_356 = arith.constant 2 : i32
        %mul3A_357 = arith.muli %mul3A_356, %scan3A_354 : i32
        %add3A_358 = arith.addi %mul3A_205, %mul3A_357 : i32
        %get3A_359 = arith.index_cast %add3A_358 : i32 to index
        %get3A_360 = tpu.vector_load %arg11[%get3A_359] {strides = array<i32>} : memref<6416xi32, #tpu.memory_space<vmem>>, vector<16xi32>,
        %slice3A = vector.extract_strided_slice %get3A_360 {offsets = [0], sizes = [1], strides = [1]} : vector<16xi32> to vector<1xi32>
        %squeeze3A = vector.extract %slice3A[0] : i32 from vector<1xi32>
        %get3A_361 = arith.index_cast %mul3A_357 : i32 to index
        %get3A_362 = arith.constant 0 : index
        %get3A_363 = tpu.vector_load %arg12[%get3A_361, %get3A_362] {strides = array<i32>} : memref<100x128xf32, #tpu.memory_space<vmem>>, vector<16xf32>,
        %add3A_364 = arith.constant 0 : i32
        %add3A_365 = arith.addi %add3A_364, %mul3A_357 : i32
        %get3A_366 = arith.index_cast %squeeze3A : i32 to index
        %get3A_367 = arith.index_cast %add3A_365 : i32 to index
        %get3A_368 = arith.constant 0 : index
        %get3A_369 = tpu.vector_load %arg16[%get3A_366, %get3A_367, %get3A_368] {strides = array<i32>} : memref<2x200x128xf32, #tpu.memory_space<vmem>>, vector<16xf32>,
        %add3A_370 = arith.addf %get3A_363, %get3A_369 : vector<16xf32>
        %get3A_371 = arith.index_cast %mul3A_357 : i32 to index
        %get3A_372 = arith.constant 16 : index
        %get3A_373 = tpu.vector_load %arg12[%get3A_371, %get3A_372] {strides = array<i32>} : memref<100x128xf32, #tpu.memory_space<vmem>>, vector<16xf32>,
        %add3A_374 = arith.constant 0 : i32
        %add3A_375 = arith.addi %add3A_374, %mul3A_357 : i32
        %get3A_376 = arith.index_cast %squeeze3A : i32 to index
        %get3A_377 = arith.index_cast %add3A_375 : i32 to index
        %get3A_378 = arith.constant 16 : index
        %get3A_379 = tpu.vector_load %arg16[%get3A_376, %get3A_377, %get3A_378] {strides = array<i32>} : memref<2x200x128xf32, #tpu.memory_space<vmem>>, vector<16xf32>,
        %add3A_380 = arith.addf %get3A_373, %get3A_379 : vector<16xf32>
        %get3A_381 = arith.index_cast %mul3A_357 : i32 to index
        %get3A_382 = arith.constant 32 : index
        %get3A_383 = tpu.vector_load %arg12[%get3A_381, %get3A_382] {strides = array<i32>} : memref<100x128xf32, #tpu.memory_space<vmem>>, vector<16xf32>,
        %add3A_384 = arith.constant 0 : i32
        %add3A_385 = arith.addi %add3A_384, %mul3A_357 : i32
        %get3A_386 = arith.index_cast %squeeze3A : i32 to index
        %get3A_387 = arith.index_cast %add3A_385 : i32 to index
        %get3A_388 = arith.constant 32 : index
        %get3A_389 = tpu.vector_load %arg16[%get3A_386, %get3A_387, %get3A_388] {strides = array<i32>} : memref<2x200x128xf32, #tpu.memory_space<vmem>>, vector<16xf32>,
        %add3A_390 = arith.addf %get3A_383, %get3A_389 : vector<16xf32>
        %get3A_391 = arith.index_cast %mul3A_357 : i32 to index
        %get3A_392 = arith.constant 48 : index
        %get3A_393 = tpu.vector_load %arg12[%get3A_391, %get3A_392] {strides = array<i32>} : memref<100x128xf32, #tpu.memory_space<vmem>>, vector<16xf32>,
        %add3A_394 = arith.constant 0 : i32
        %add3A_395 = arith.addi %add3A_394, %mul3A_357 : i32
        %get3A_396 = arith.index_cast %squeeze3A : i32 to index
        %get3A_397 = arith.index_cast %add3A_395 : i32 to index
        %get3A_398 = arith.constant 48 : index
        %get3A_399 = tpu.vector_load %arg16[%get3A_396, %get3A_397, %get3A_398] {strides = array<i32>} : memref<2x200x128xf32, #tpu.memory_space<vmem>>, vector<16xf32>,
        %add3A_400 = arith.addf %get3A_393, %get3A_399 : vector<16xf32>
        %get3A_401 = arith.index_cast %mul3A_357 : i32 to index
        %get3A_402 = arith.constant 64 : index
        %get3A_403 = tpu.vector_load %arg12[%get3A_401, %get3A_402] {strides = array<i32>} : memref<100x128xf32, #tpu.memory_space<vmem>>, vector<16xf32>,
        %add3A_404 = arith.constant 0 : i32
        %add3A_405 = arith.addi %add3A_404, %mul3A_357 : i32
        %get3A_406 = arith.index_cast %squeeze3A : i32 to index
        %get3A_407 = arith.index_cast %add3A_405 : i32 to index
        %get3A_408 = arith.constant 64 : index
        %get3A_409 = tpu.vector_load %arg16[%get3A_406, %get3A_407, %get3A_408] {strides = array<i32>} : memref<2x200x128xf32, #tpu.memory_space<vmem>>, vector<16xf32>,
        %add3A_410 = arith.addf %get3A_403, %get3A_409 : vector<16xf32>
        %get3A_411 = arith.index_cast %mul3A_357 : i32 to index
        %get3A_412 = arith.constant 80 : index
        %get3A_413 = tpu.vector_load %arg12[%get3A_411, %get3A_412] {strides = array<i32>} : memref<100x128xf32, #tpu.memory_space<vmem>>, vector<16xf32>,
        %add3A_414 = arith.constant 0 : i32
        %add3A_415 = arith.addi %add3A_414, %mul3A_357 : i32
        %get3A_416 = arith.index_cast %squeeze3A : i32 to index
        %get3A_417 = arith.index_cast %add3A_415 : i32 to index
        %get3A_418 = arith.constant 80 : index
        %get3A_419 = tpu.vector_load %arg16[%get3A_416, %get3A_417, %get3A_418] {strides = array<i32>} : memref<2x200x128xf32, #tpu.memory_space<vmem>>, vector<16xf32>,
        %add3A_420 = arith.addf %get3A_413, %get3A_419 : vector<16xf32>
        %get3A_421 = arith.index_cast %mul3A_357 : i32 to index
        %get3A_422 = arith.constant 96 : index
        %get3A_423 = tpu.vector_load %arg12[%get3A_421, %get3A_422] {strides = array<i32>} : memref<100x128xf32, #tpu.memory_space<vmem>>, vector<16xf32>,
        %add3A_424 = arith.constant 0 : i32
        %add3A_425 = arith.addi %add3A_424, %mul3A_357 : i32
        %get3A_426 = arith.index_cast %squeeze3A : i32 to index
        %get3A_427 = arith.index_cast %add3A_425 : i32 to index
        %get3A_428 = arith.constant 96 : index
        %get3A_429 = tpu.vector_load %arg16[%get3A_426, %get3A_427, %get3A_428] {strides = array<i32>} : memref<2x200x128xf32, #tpu.memory_space<vmem>>, vector<16xf32>,
        %add3A_430 = arith.addf %get3A_423, %get3A_429 : vector<16xf32>
        %get3A_431 = arith.index_cast %mul3A_357 : i32 to index
        %get3A_432 = arith.constant 112 : index
        %get3A_433 = tpu.vector_load %arg12[%get3A_431, %get3A_432] {strides = array<i32>} : memref<100x128xf32, #tpu.memory_space<vmem>>, vector<16xf32>,
        %add3A_434 = arith.constant 0 : i32
        %add3A_435 = arith.addi %add3A_434, %mul3A_357 : i32
        %get3A_436 = arith.index_cast %squeeze3A : i32 to index
        %get3A_437 = arith.index_cast %add3A_435 : i32 to index
        %get3A_438 = arith.constant 112 : index
        %get3A_439 = tpu.vector_load %arg16[%get3A_436, %get3A_437, %get3A_438] {strides = array<i32>} : memref<2x200x128xf32, #tpu.memory_space<vmem>>, vector<16xf32>,
        %add3A_440 = arith.addf %get3A_433, %get3A_439 : vector<16xf32>
        %add3A_441 = arith.addf %add3A_370, %add3A_380 : vector<16xf32>
        %add3A_442 = arith.addf %add3A_390, %add3A_400 : vector<16xf32>
        %add3A_443 = arith.addf %add3A_441, %add3A_442 : vector<16xf32>
        %add3A_444 = arith.addf %add3A_410, %add3A_420 : vector<16xf32>
        %add3A_445 = arith.addf %add3A_430, %add3A_440 : vector<16xf32>
        %add3A_446 = arith.addf %add3A_444, %add3A_445 : vector<16xf32>
        %add3A_447 = arith.addf %add3A_443, %add3A_446 : vector<16xf32>
        %mul3A_448 = arith.mulf %add3A_370, %add3A_370 : vector<16xf32>
        %mul3A_449 = arith.mulf %add3A_380, %add3A_380 : vector<16xf32>
        %add3A_450 = arith.addf %mul3A_448, %mul3A_449 : vector<16xf32>
        %mul3A_451 = arith.mulf %add3A_390, %add3A_390 : vector<16xf32>
        %add3A_452 = arith.addf %add3A_450, %mul3A_451 : vector<16xf32>
        %mul3A_453 = arith.mulf %add3A_400, %add3A_400 : vector<16xf32>
        %add3A_454 = arith.addf %add3A_452, %mul3A_453 : vector<16xf32>
        %mul3A_455 = arith.mulf %add3A_410, %add3A_410 : vector<16xf32>
        %add3A_456 = arith.addf %add3A_454, %mul3A_455 : vector<16xf32>
        %mul3A_457 = arith.mulf %add3A_420, %add3A_420 : vector<16xf32>
        %add3A_458 = arith.addf %add3A_456, %mul3A_457 : vector<16xf32>
        %mul3A_459 = arith.mulf %add3A_430, %add3A_430 : vector<16xf32>
        %add3A_460 = arith.addf %add3A_458, %mul3A_459 : vector<16xf32>
        %mul3A_461 = arith.mulf %add3A_440, %add3A_440 : vector<16xf32>
        %add3A_462 = arith.addf %add3A_460, %mul3A_461 : vector<16xf32>
        %lt3A_463 = arith.constant 0 : i32
        %lt3A_464 = vector.broadcast %lt3A_463 : i32 to vector<16xi32>
        %lt3A_465 = arith.cmpi slt, %xor3A_11, %lt3A_464 : vector<16xi32>
        %add3A_466 = arith.constant 16 : i32
        %add3A_467 = vector.broadcast %add3A_466 : i32 to vector<16xi32>
        %add3A_468 = arith.addi %xor3A_11, %add3A_467 : vector<16xi32>
        %select_n3A = arith.select %lt3A_465, %add3A_468, %xor3A_11 : vector<16xi1>, vector<16xi32>
        %broadcast_in_dim3A = vector.shape_cast %select_n3A : vector<16xi32> to vector<16x1xi32>
        %gather3A = vector.shape_cast %broadcast_in_dim3A : vector<16x1xi32> to vector<16xi32>
        %gather3A_469 = tpu.dynamic_gather %add3A_447[%gather3A] in [0] : vector<16xf32>, vector<16xi32> -> vector<16xf32>
        %add3A_470 = arith.addf %add3A_447, %gather3A_469 : vector<16xf32>
        %lt3A_471 = arith.constant 0 : i32
        %lt3A_472 = vector.broadcast %lt3A_471 : i32 to vector<16xi32>
        %lt3A_473 = arith.cmpi slt, %xor3A_14, %lt3A_472 : vector<16xi32>
        %add3A_474 = arith.constant 16 : i32
        %add3A_475 = vector.broadcast %add3A_474 : i32 to vector<16xi32>
        %add3A_476 = arith.addi %xor3A_14, %add3A_475 : vector<16xi32>
        %select_n3A_477 = arith.select %lt3A_473, %add3A_476, %xor3A_14 : vector<16xi1>, vector<16xi32>
        %broadcast_in_dim3A_478 = vector.shape_cast %select_n3A_477 : vector<16xi32> to vector<16x1xi32>
        %gather3A_479 = vector.shape_cast %broadcast_in_dim3A_478 : vector<16x1xi32> to vector<16xi32>
        %gather3A_480 = tpu.dynamic_gather %add3A_470[%gather3A_479] in [0] : vector<16xf32>, vector<16xi32> -> vector<16xf32>
        %add3A_481 = arith.addf %add3A_470, %gather3A_480 : vector<16xf32>
        %lt3A_482 = arith.constant 0 : i32
        %lt3A_483 = vector.broadcast %lt3A_482 : i32 to vector<16xi32>
        %lt3A_484 = arith.cmpi slt, %xor3A_17, %lt3A_483 : vector<16xi32>
        %add3A_485 = arith.constant 16 : i32
        %add3A_486 = vector.broadcast %add3A_485 : i32 to vector<16xi32>
        %add3A_487 = arith.addi %xor3A_17, %add3A_486 : vector<16xi32>
        %select_n3A_488 = arith.select %lt3A_484, %add3A_487, %xor3A_17 : vector<16xi1>, vector<16xi32>
        %broadcast_in_dim3A_489 = vector.shape_cast %select_n3A_488 : vector<16xi32> to vector<16x1xi32>
        %gather3A_490 = vector.shape_cast %broadcast_in_dim3A_489 : vector<16x1xi32> to vector<16xi32>
        %gather3A_491 = tpu.dynamic_gather %add3A_481[%gather3A_490] in [0] : vector<16xf32>, vector<16xi32> -> vector<16xf32>
        %add3A_492 = arith.addf %add3A_481, %gather3A_491 : vector<16xf32>
        %lt3A_493 = arith.constant 0 : i32
        %lt3A_494 = vector.broadcast %lt3A_493 : i32 to vector<16xi32>
        %lt3A_495 = arith.cmpi slt, %xor3A_20, %lt3A_494 : vector<16xi32>
        %add3A_496 = arith.constant 16 : i32
        %add3A_497 = vector.broadcast %add3A_496 : i32 to vector<16xi32>
        %add3A_498 = arith.addi %xor3A_20, %add3A_497 : vector<16xi32>
        %select_n3A_499 = arith.select %lt3A_495, %add3A_498, %xor3A_20 : vector<16xi1>, vector<16xi32>
        %broadcast_in_dim3A_500 = vector.shape_cast %select_n3A_499 : vector<16xi32> to vector<16x1xi32>
        %gather3A_501 = vector.shape_cast %broadcast_in_dim3A_500 : vector<16x1xi32> to vector<16xi32>
        %gather3A_502 = tpu.dynamic_gather %add3A_492[%gather3A_501] in [0] : vector<16xf32>, vector<16xi32> -> vector<16xf32>
        %add3A_503 = arith.addf %add3A_492, %gather3A_502 : vector<16xf32>
        %mul3A_504 = arith.constant 7.812500e-03 : f32
        %mul3A_505 = vector.broadcast %mul3A_504 : f32 to vector<16xf32>
        %mul3A_506 = arith.mulf %add3A_503, %mul3A_505 : vector<16xf32>
        %lt3A_507 = arith.constant 0 : i32
        %lt3A_508 = vector.broadcast %lt3A_507 : i32 to vector<16xi32>
        %lt3A_509 = arith.cmpi slt, %xor3A_11, %lt3A_508 : vector<16xi32>
        %add3A_510 = arith.constant 16 : i32
        %add3A_511 = vector.broadcast %add3A_510 : i32 to vector<16xi32>
        %add3A_512 = arith.addi %xor3A_11, %add3A_511 : vector<16xi32>
        %select_n3A_513 = arith.select %lt3A_509, %add3A_512, %xor3A_11 : vector<16xi1>, vector<16xi32>
        %broadcast_in_dim3A_514 = vector.shape_cast %select_n3A_513 : vector<16xi32> to vector<16x1xi32>
        %gather3A_515 = vector.shape_cast %broadcast_in_dim3A_514 : vector<16x1xi32> to vector<16xi32>
        %gather3A_516 = tpu.dynamic_gather %add3A_462[%gather3A_515] in [0] : vector<16xf32>, vector<16xi32> -> vector<16xf32>
        %add3A_517 = arith.addf %add3A_462, %gather3A_516 : vector<16xf32>
        %lt3A_518 = arith.constant 0 : i32
        %lt3A_519 = vector.broadcast %lt3A_518 : i32 to vector<16xi32>
        %lt3A_520 = arith.cmpi slt, %xor3A_14, %lt3A_519 : vector<16xi32>
        %add3A_521 = arith.constant 16 : i32
        %add3A_522 = vector.broadcast %add3A_521 : i32 to vector<16xi32>
        %add3A_523 = arith.addi %xor3A_14, %add3A_522 : vector<16xi32>
        %select_n3A_524 = arith.select %lt3A_520, %add3A_523, %xor3A_14 : vector<16xi1>, vector<16xi32>
        %broadcast_in_dim3A_525 = vector.shape_cast %select_n3A_524 : vector<16xi32> to vector<16x1xi32>
        %gather3A_526 = vector.shape_cast %broadcast_in_dim3A_525 : vector<16x1xi32> to vector<16xi32>
        %gather3A_527 = tpu.dynamic_gather %add3A_517[%gather3A_526] in [0] : vector<16xf32>, vector<16xi32> -> vector<16xf32>
        %add3A_528 = arith.addf %add3A_517, %gather3A_527 : vector<16xf32>
        %lt3A_529 = arith.constant 0 : i32
        %lt3A_530 = vector.broadcast %lt3A_529 : i32 to vector<16xi32>
        %lt3A_531 = arith.cmpi slt, %xor3A_17, %lt3A_530 : vector<16xi32>
        %add3A_532 = arith.constant 16 : i32
        %add3A_533 = vector.broadcast %add3A_532 : i32 to vector<16xi32>
        %add3A_534 = arith.addi %xor3A_17, %add3A_533 : vector<16xi32>
        %select_n3A_535 = arith.select %lt3A_531, %add3A_534, %xor3A_17 : vector<16xi1>, vector<16xi32>
        %broadcast_in_dim3A_536 = vector.shape_cast %select_n3A_535 : vector<16xi32> to vector<16x1xi32>
        %gather3A_537 = vector.shape_cast %broadcast_in_dim3A_536 : vector<16x1xi32> to vector<16xi32>
        %gather3A_538 = tpu.dynamic_gather %add3A_528[%gather3A_537] in [0] : vector<16xf32>, vector<16xi32> -> vector<16xf32>
        %add3A_539 = arith.addf %add3A_528, %gather3A_538 : vector<16xf32>
        %lt3A_540 = arith.constant 0 : i32
        %lt3A_541 = vector.broadcast %lt3A_540 : i32 to vector<16xi32>
        %lt3A_542 = arith.cmpi slt, %xor3A_20, %lt3A_541 : vector<16xi32>
        %add3A_543 = arith.constant 16 : i32
        %add3A_544 = vector.broadcast %add3A_543 : i32 to vector<16xi32>
        %add3A_545 = arith.addi %xor3A_20, %add3A_544 : vector<16xi32>
        %select_n3A_546 = arith.select %lt3A_542, %add3A_545, %xor3A_20 : vector<16xi1>, vector<16xi32>
        %broadcast_in_dim3A_547 = vector.shape_cast %select_n3A_546 : vector<16xi32> to vector<16x1xi32>
        %gather3A_548 = vector.shape_cast %broadcast_in_dim3A_547 : vector<16x1xi32> to vector<16xi32>
        %gather3A_549 = tpu.dynamic_gather %add3A_539[%gather3A_548] in [0] : vector<16xf32>, vector<16xi32> -> vector<16xf32>
        %add3A_550 = arith.addf %add3A_539, %gather3A_549 : vector<16xf32>
        %mul3A_551 = arith.constant 7.812500e-03 : f32
        %mul3A_552 = vector.broadcast %mul3A_551 : f32 to vector<16xf32>
        %mul3A_553 = arith.mulf %add3A_550, %mul3A_552 : vector<16xf32>
        %mul3A_554 = arith.mulf %mul3A_506, %mul3A_506 : vector<16xf32>
        %sub3A = arith.subf %mul3A_553, %mul3A_554 : vector<16xf32>
        %add3A_555 = arith.constant 9.99999974E-6 : f32
        %add3A_556 = vector.broadcast %add3A_555 : f32 to vector<16xf32>
        %add3A_557 = arith.addf %sub3A, %add3A_556 : vector<16xf32>
        %bitcast3A = vector.bitcast %add3A_557 : vector<16xf32> to vector<16xi32>
        %shift_right_arithmetic3A = arith.constant 1 : i32
        %shift_right_arithmetic3A_558 = vector.broadcast %shift_right_arithmetic3A : i32 to vector<16xi32>
        %shift_right_arithmetic3A_559 = arith.shrsi %bitcast3A, %shift_right_arithmetic3A_558 : vector<16xi32>
        %sub3A_560 = arith.constant 1597463007 : i32
        %sub3A_561 = vector.broadcast %sub3A_560 : i32 to vector<16xi32>
        %sub3A_562 = arith.subi %sub3A_561, %shift_right_arithmetic3A_559 : vector<16xi32>
        %bitcast3A_563 = vector.bitcast %sub3A_562 : vector<16xi32> to vector<16xf32>
        %mul3A_564 = arith.constant 5.000000e-01 : f32
        %mul3A_565 = vector.broadcast %mul3A_564 : f32 to vector<16xf32>
        %mul3A_566 = arith.mulf %mul3A_565, %add3A_557 : vector<16xf32>
        %mul3A_567 = arith.mulf %mul3A_566, %bitcast3A_563 : vector<16xf32>
        %mul3A_568 = arith.mulf %mul3A_567, %bitcast3A_563 : vector<16xf32>
        %sub3A_569 = arith.constant 1.500000e+00 : f32
        %sub3A_570 = vector.broadcast %sub3A_569 : f32 to vector<16xf32>
        %sub3A_571 = arith.subf %sub3A_570, %mul3A_568 : vector<16xf32>
        %mul3A_572 = arith.mulf %bitcast3A_563, %sub3A_571 : vector<16xf32>
        %mul3A_573 = arith.constant 5.000000e-01 : f32
        %mul3A_574 = vector.broadcast %mul3A_573 : f32 to vector<16xf32>
        %mul3A_575 = arith.mulf %mul3A_574, %add3A_557 : vector<16xf32>
        %mul3A_576 = arith.mulf %mul3A_575, %mul3A_572 : vector<16xf32>
        %mul3A_577 = arith.mulf %mul3A_576, %mul3A_572 : vector<16xf32>
        %sub3A_578 = arith.constant 1.500000e+00 : f32
        %sub3A_579 = vector.broadcast %sub3A_578 : f32 to vector<16xf32>
        %sub3A_580 = arith.subf %sub3A_579, %mul3A_577 : vector<16xf32>
        %mul3A_581 = arith.mulf %mul3A_572, %sub3A_580 : vector<16xf32>
        %mul3A_582 = arith.mulf %mul3A_581, %get3A_87 : vector<16xf32>
        %mul3A_583 = arith.mulf %add3A_370, %mul3A_582 : vector<16xf32>
        %mul3A_584 = arith.mulf %mul3A_506, %mul3A_582 : vector<16xf32>
        %sub3A_585 = arith.subf %get3A_119, %mul3A_584 : vector<16xf32>
        %add3A_586 = arith.addf %mul3A_583, %sub3A_585 : vector<16xf32>
        %swap3A = arith.index_cast %mul3A_357 : i32 to index
        %swap3A_587 = arith.constant 0 : index
        %swap3A_588 = tpu.vector_load %arg12[%swap3A, %swap3A_587] {strides = array<i32>} : memref<100x128xf32, #tpu.memory_space<vmem>>, vector<16xf32>,
        tpu.vector_store %arg12[%swap3A, %swap3A_587], %add3A_586 {strides = array<i32>} : memref<100x128xf32, #tpu.memory_space<vmem>>, vector<16xf32>,
        %mul3A_589 = arith.mulf %mul3A_581, %get3A_91 : vector<16xf32>
        %mul3A_590 = arith.mulf %add3A_380, %mul3A_589 : vector<16xf32>
        %mul3A_591 = arith.mulf %mul3A_506, %mul3A_589 : vector<16xf32>
        %sub3A_592 = arith.subf %get3A_123, %mul3A_591 : vector<16xf32>
        %add3A_593 = arith.addf %mul3A_590, %sub3A_592 : vector<16xf32>
        %swap3A_594 = arith.index_cast %mul3A_357 : i32 to index
        %swap3A_595 = arith.constant 16 : index
        %swap3A_596 = tpu.vector_load %arg12[%swap3A_594, %swap3A_595] {strides = array<i32>} : memref<100x128xf32, #tpu.memory_space<vmem>>, vector<16xf32>,
        tpu.vector_store %arg12[%swap3A_594, %swap3A_595], %add3A_593 {strides = array<i32>} : memref<100x128xf32, #tpu.memory_space<vmem>>, vector<16xf32>,
        %mul3A_597 = arith.mulf %mul3A_581, %get3A_95 : vector<16xf32>
        %mul3A_598 = arith.mulf %add3A_390, %mul3A_597 : vector<16xf32>
        %mul3A_599 = arith.mulf %mul3A_506, %mul3A_597 : vector<16xf32>
        %sub3A_600 = arith.subf %get3A_127, %mul3A_599 : vector<16xf32>
        %add3A_601 = arith.addf %mul3A_598, %sub3A_600 : vector<16xf32>
        %swap3A_602 = arith.index_cast %mul3A_357 : i32 to index
        %swap3A_603 = arith.constant 32 : index
        %swap3A_604 = tpu.vector_load %arg12[%swap3A_602, %swap3A_603] {strides = array<i32>} : memref<100x128xf32, #tpu.memory_space<vmem>>, vector<16xf32>,
        tpu.vector_store %arg12[%swap3A_602, %swap3A_603], %add3A_601 {strides = array<i32>} : memref<100x128xf32, #tpu.memory_space<vmem>>, vector<16xf32>,
        %mul3A_605 = arith.mulf %mul3A_581, %get3A_99 : vector<16xf32>
        %mul3A_606 = arith.mulf %add3A_400, %mul3A_605 : vector<16xf32>
        %mul3A_607 = arith.mulf %mul3A_506, %mul3A_605 : vector<16xf32>
        %sub3A_608 = arith.subf %get3A_131, %mul3A_607 : vector<16xf32>
        %add3A_609 = arith.addf %mul3A_606, %sub3A_608 : vector<16xf32>
        %swap3A_610 = arith.index_cast %mul3A_357 : i32 to index
        %swap3A_611 = arith.constant 48 : index
        %swap3A_612 = tpu.vector_load %arg12[%swap3A_610, %swap3A_611] {strides = array<i32>} : memref<100x128xf32, #tpu.memory_space<vmem>>, vector<16xf32>,
        tpu.vector_store %arg12[%swap3A_610, %swap3A_611], %add3A_609 {strides = array<i32>} : memref<100x128xf32, #tpu.memory_space<vmem>>, vector<16xf32>,
        %mul3A_613 = arith.mulf %mul3A_581, %get3A_103 : vector<16xf32>
        %mul3A_614 = arith.mulf %add3A_410, %mul3A_613 : vector<16xf32>
        %mul3A_615 = arith.mulf %mul3A_506, %mul3A_613 : vector<16xf32>
        %sub3A_616 = arith.subf %get3A_135, %mul3A_615 : vector<16xf32>
        %add3A_617 = arith.addf %mul3A_614, %sub3A_616 : vector<16xf32>
        %swap3A_618 = arith.index_cast %mul3A_357 : i32 to index
        %swap3A_619 = arith.constant 64 : index
        %swap3A_620 = tpu.vector_load %arg12[%swap3A_618, %swap3A_619] {strides = array<i32>} : memref<100x128xf32, #tpu.memory_space<vmem>>, vector<16xf32>,
        tpu.vector_store %arg12[%swap3A_618, %swap3A_619], %add3A_617 {strides = array<i32>} : memref<100x128xf32, #tpu.memory_space<vmem>>, vector<16xf32>,
        %mul3A_621 = arith.mulf %mul3A_581, %get3A_107 : vector<16xf32>
        %mul3A_622 = arith.mulf %add3A_420, %mul3A_621 : vector<16xf32>
        %mul3A_623 = arith.mulf %mul3A_506, %mul3A_621 : vector<16xf32>
        %sub3A_624 = arith.subf %get3A_139, %mul3A_623 : vector<16xf32>
        %add3A_625 = arith.addf %mul3A_622, %sub3A_624 : vector<16xf32>
        %swap3A_626 = arith.index_cast %mul3A_357 : i32 to index
        %swap3A_627 = arith.constant 80 : index
        %swap3A_628 = tpu.vector_load %arg12[%swap3A_626, %swap3A_627] {strides = array<i32>} : memref<100x128xf32, #tpu.memory_space<vmem>>, vector<16xf32>,
        tpu.vector_store %arg12[%swap3A_626, %swap3A_627], %add3A_625 {strides = array<i32>} : memref<100x128xf32, #tpu.memory_space<vmem>>, vector<16xf32>,
        %mul3A_629 = arith.mulf %mul3A_581, %get3A_111 : vector<16xf32>
        %mul3A_630 = arith.mulf %add3A_430, %mul3A_629 : vector<16xf32>
        %mul3A_631 = arith.mulf %mul3A_506, %mul3A_629 : vector<16xf32>
        %sub3A_632 = arith.subf %get3A_143, %mul3A_631 : vector<16xf32>
        %add3A_633 = arith.addf %mul3A_630, %sub3A_632 : vector<16xf32>
        %swap3A_634 = arith.index_cast %mul3A_357 : i32 to index
        %swap3A_635 = arith.constant 96 : index
        %swap3A_636 = tpu.vector_load %arg12[%swap3A_634, %swap3A_635] {strides = array<i32>} : memref<100x128xf32, #tpu.memory_space<vmem>>, vector<16xf32>,
        tpu.vector_store %arg12[%swap3A_634, %swap3A_635], %add3A_633 {strides = array<i32>} : memref<100x128xf32, #tpu.memory_space<vmem>>, vector<16xf32>,
        %mul3A_637 = arith.mulf %mul3A_581, %get3A_115 : vector<16xf32>
        %mul3A_638 = arith.mulf %add3A_440, %mul3A_637 : vector<16xf32>
        %mul3A_639 = arith.mulf %mul3A_506, %mul3A_637 : vector<16xf32>
        %sub3A_640 = arith.subf %get3A_147, %mul3A_639 : vector<16xf32>
        %add3A_641 = arith.addf %mul3A_638, %sub3A_640 : vector<16xf32>
        %swap3A_642 = arith.index_cast %mul3A_357 : i32 to index
        %swap3A_643 = arith.constant 112 : index
        %swap3A_644 = tpu.vector_load %arg12[%swap3A_642, %swap3A_643] {strides = array<i32>} : memref<100x128xf32, #tpu.memory_space<vmem>>, vector<16xf32>,
        tpu.vector_store %arg12[%swap3A_642, %swap3A_643], %add3A_641 {strides = array<i32>} : memref<100x128xf32, #tpu.memory_space<vmem>>, vector<16xf32>,
        %add3A_645 = arith.constant 1 : i32
        %add3A_646 = arith.addi %mul3A_357, %add3A_645 : i32
        %slice3A_647 = vector.extract_strided_slice %get3A_360 {offsets = [1], sizes = [1], strides = [1]} : vector<16xi32> to vector<1xi32>
        %squeeze3A_648 = vector.extract %slice3A_647[0] : i32 from vector<1xi32>
        %get3A_649 = arith.index_cast %add3A_646 : i32 to index
        %get3A_650 = arith.constant 0 : index
        %get3A_651 = tpu.vector_load %arg12[%get3A_649, %get3A_650] {strides = array<i32>} : memref<100x128xf32, #tpu.memory_space<vmem>>, vector<16xf32>,
        %add3A_652 = arith.constant 0 : i32
        %add3A_653 = arith.addi %add3A_652, %add3A_646 : i32
        %get3A_654 = arith.index_cast %squeeze3A_648 : i32 to index
        %get3A_655 = arith.index_cast %add3A_653 : i32 to index
        %get3A_656 = arith.constant 0 : index
        %get3A_657 = tpu.vector_load %arg16[%get3A_654, %get3A_655, %get3A_656] {strides = array<i32>} : memref<2x200x128xf32, #tpu.memory_space<vmem>>, vector<16xf32>,
        %add3A_658 = arith.addf %get3A_651, %get3A_657 : vector<16xf32>
        %get3A_659 = arith.index_cast %add3A_646 : i32 to index
        %get3A_660 = arith.constant 16 : index
        %get3A_661 = tpu.vector_load %arg12[%get3A_659, %get3A_660] {strides = array<i32>} : memref<100x128xf32, #tpu.memory_space<vmem>>, vector<16xf32>,
        %add3A_662 = arith.constant 0 : i32
        %add3A_663 = arith.addi %add3A_662, %add3A_646 : i32
        %get3A_664 = arith.index_cast %squeeze3A_648 : i32 to index
        %get3A_665 = arith.index_cast %add3A_663 : i32 to index
        %get3A_666 = arith.constant 16 : index
        %get3A_667 = tpu.vector_load %arg16[%get3A_664, %get3A_665, %get3A_666] {strides = array<i32>} : memref<2x200x128xf32, #tpu.memory_space<vmem>>, vector<16xf32>,
        %add3A_668 = arith.addf %get3A_661, %get3A_667 : vector<16xf32>
        %get3A_669 = arith.index_cast %add3A_646 : i32 to index
        %get3A_670 = arith.constant 32 : index
        %get3A_671 = tpu.vector_load %arg12[%get3A_669, %get3A_670] {strides = array<i32>} : memref<100x128xf32, #tpu.memory_space<vmem>>, vector<16xf32>,
        %add3A_672 = arith.constant 0 : i32
        %add3A_673 = arith.addi %add3A_672, %add3A_646 : i32
        %get3A_674 = arith.index_cast %squeeze3A_648 : i32 to index
        %get3A_675 = arith.index_cast %add3A_673 : i32 to index
        %get3A_676 = arith.constant 32 : index
        %get3A_677 = tpu.vector_load %arg16[%get3A_674, %get3A_675, %get3A_676] {strides = array<i32>} : memref<2x200x128xf32, #tpu.memory_space<vmem>>, vector<16xf32>,
        %add3A_678 = arith.addf %get3A_671, %get3A_677 : vector<16xf32>
        %get3A_679 = arith.index_cast %add3A_646 : i32 to index
        %get3A_680 = arith.constant 48 : index
        %get3A_681 = tpu.vector_load %arg12[%get3A_679, %get3A_680] {strides = array<i32>} : memref<100x128xf32, #tpu.memory_space<vmem>>, vector<16xf32>,
        %add3A_682 = arith.constant 0 : i32
        %add3A_683 = arith.addi %add3A_682, %add3A_646 : i32
        %get3A_684 = arith.index_cast %squeeze3A_648 : i32 to index
        %get3A_685 = arith.index_cast %add3A_683 : i32 to index
        %get3A_686 = arith.constant 48 : index
        %get3A_687 = tpu.vector_load %arg16[%get3A_684, %get3A_685, %get3A_686] {strides = array<i32>} : memref<2x200x128xf32, #tpu.memory_space<vmem>>, vector<16xf32>,
        %add3A_688 = arith.addf %get3A_681, %get3A_687 : vector<16xf32>
        %get3A_689 = arith.index_cast %add3A_646 : i32 to index
        %get3A_690 = arith.constant 64 : index
        %get3A_691 = tpu.vector_load %arg12[%get3A_689, %get3A_690] {strides = array<i32>} : memref<100x128xf32, #tpu.memory_space<vmem>>, vector<16xf32>,
        %add3A_692 = arith.constant 0 : i32
        %add3A_693 = arith.addi %add3A_692, %add3A_646 : i32
        %get3A_694 = arith.index_cast %squeeze3A_648 : i32 to index
        %get3A_695 = arith.index_cast %add3A_693 : i32 to index
        %get3A_696 = arith.constant 64 : index
        %get3A_697 = tpu.vector_load %arg16[%get3A_694, %get3A_695, %get3A_696] {strides = array<i32>} : memref<2x200x128xf32, #tpu.memory_space<vmem>>, vector<16xf32>,
        %add3A_698 = arith.addf %get3A_691, %get3A_697 : vector<16xf32>
        %get3A_699 = arith.index_cast %add3A_646 : i32 to index
        %get3A_700 = arith.constant 80 : index
        %get3A_701 = tpu.vector_load %arg12[%get3A_699, %get3A_700] {strides = array<i32>} : memref<100x128xf32, #tpu.memory_space<vmem>>, vector<16xf32>,
        %add3A_702 = arith.constant 0 : i32
        %add3A_703 = arith.addi %add3A_702, %add3A_646 : i32
        %get3A_704 = arith.index_cast %squeeze3A_648 : i32 to index
        %get3A_705 = arith.index_cast %add3A_703 : i32 to index
        %get3A_706 = arith.constant 80 : index
        %get3A_707 = tpu.vector_load %arg16[%get3A_704, %get3A_705, %get3A_706] {strides = array<i32>} : memref<2x200x128xf32, #tpu.memory_space<vmem>>, vector<16xf32>,
        %add3A_708 = arith.addf %get3A_701, %get3A_707 : vector<16xf32>
        %get3A_709 = arith.index_cast %add3A_646 : i32 to index
        %get3A_710 = arith.constant 96 : index
        %get3A_711 = tpu.vector_load %arg12[%get3A_709, %get3A_710] {strides = array<i32>} : memref<100x128xf32, #tpu.memory_space<vmem>>, vector<16xf32>,
        %add3A_712 = arith.constant 0 : i32
        %add3A_713 = arith.addi %add3A_712, %add3A_646 : i32
        %get3A_714 = arith.index_cast %squeeze3A_648 : i32 to index
        %get3A_715 = arith.index_cast %add3A_713 : i32 to index
        %get3A_716 = arith.constant 96 : index
        %get3A_717 = tpu.vector_load %arg16[%get3A_714, %get3A_715, %get3A_716] {strides = array<i32>} : memref<2x200x128xf32, #tpu.memory_space<vmem>>, vector<16xf32>,
        %add3A_718 = arith.addf %get3A_711, %get3A_717 : vector<16xf32>
        %get3A_719 = arith.index_cast %add3A_646 : i32 to index
        %get3A_720 = arith.constant 112 : index
        %get3A_721 = tpu.vector_load %arg12[%get3A_719, %get3A_720] {strides = array<i32>} : memref<100x128xf32, #tpu.memory_space<vmem>>, vector<16xf32>,
        %add3A_722 = arith.constant 0 : i32
        %add3A_723 = arith.addi %add3A_722, %add3A_646 : i32
        %get3A_724 = arith.index_cast %squeeze3A_648 : i32 to index
        %get3A_725 = arith.index_cast %add3A_723 : i32 to index
        %get3A_726 = arith.constant 112 : index
        %get3A_727 = tpu.vector_load %arg16[%get3A_724, %get3A_725, %get3A_726] {strides = array<i32>} : memref<2x200x128xf32, #tpu.memory_space<vmem>>, vector<16xf32>,
        %add3A_728 = arith.addf %get3A_721, %get3A_727 : vector<16xf32>
        %add3A_729 = arith.addf %add3A_658, %add3A_668 : vector<16xf32>
        %add3A_730 = arith.addf %add3A_678, %add3A_688 : vector<16xf32>
        %add3A_731 = arith.addf %add3A_729, %add3A_730 : vector<16xf32>
        %add3A_732 = arith.addf %add3A_698, %add3A_708 : vector<16xf32>
        %add3A_733 = arith.addf %add3A_718, %add3A_728 : vector<16xf32>
        %add3A_734 = arith.addf %add3A_732, %add3A_733 : vector<16xf32>
        %add3A_735 = arith.addf %add3A_731, %add3A_734 : vector<16xf32>
        %mul3A_736 = arith.mulf %add3A_658, %add3A_658 : vector<16xf32>
        %mul3A_737 = arith.mulf %add3A_668, %add3A_668 : vector<16xf32>
        %add3A_738 = arith.addf %mul3A_736, %mul3A_737 : vector<16xf32>
        %mul3A_739 = arith.mulf %add3A_678, %add3A_678 : vector<16xf32>
        %add3A_740 = arith.addf %add3A_738, %mul3A_739 : vector<16xf32>
        %mul3A_741 = arith.mulf %add3A_688, %add3A_688 : vector<16xf32>
        %add3A_742 = arith.addf %add3A_740, %mul3A_741 : vector<16xf32>
        %mul3A_743 = arith.mulf %add3A_698, %add3A_698 : vector<16xf32>
        %add3A_744 = arith.addf %add3A_742, %mul3A_743 : vector<16xf32>
        %mul3A_745 = arith.mulf %add3A_708, %add3A_708 : vector<16xf32>
        %add3A_746 = arith.addf %add3A_744, %mul3A_745 : vector<16xf32>
        %mul3A_747 = arith.mulf %add3A_718, %add3A_718 : vector<16xf32>
        %add3A_748 = arith.addf %add3A_746, %mul3A_747 : vector<16xf32>
        %mul3A_749 = arith.mulf %add3A_728, %add3A_728 : vector<16xf32>
        %add3A_750 = arith.addf %add3A_748, %mul3A_749 : vector<16xf32>
        %lt3A_751 = arith.constant 0 : i32
        %lt3A_752 = vector.broadcast %lt3A_751 : i32 to vector<16xi32>
        %lt3A_753 = arith.cmpi slt, %xor3A_11, %lt3A_752 : vector<16xi32>
        %add3A_754 = arith.constant 16 : i32
        %add3A_755 = vector.broadcast %add3A_754 : i32 to vector<16xi32>
        %add3A_756 = arith.addi %xor3A_11, %add3A_755 : vector<16xi32>
        %select_n3A_757 = arith.select %lt3A_753, %add3A_756, %xor3A_11 : vector<16xi1>, vector<16xi32>
        %broadcast_in_dim3A_758 = vector.shape_cast %select_n3A_757 : vector<16xi32> to vector<16x1xi32>
        %gather3A_759 = vector.shape_cast %broadcast_in_dim3A_758 : vector<16x1xi32> to vector<16xi32>
        %gather3A_760 = tpu.dynamic_gather %add3A_735[%gather3A_759] in [0] : vector<16xf32>, vector<16xi32> -> vector<16xf32>
        %add3A_761 = arith.addf %add3A_735, %gather3A_760 : vector<16xf32>
        %lt3A_762 = arith.constant 0 : i32
        %lt3A_763 = vector.broadcast %lt3A_762 : i32 to vector<16xi32>
        %lt3A_764 = arith.cmpi slt, %xor3A_14, %lt3A_763 : vector<16xi32>
        %add3A_765 = arith.constant 16 : i32
        %add3A_766 = vector.broadcast %add3A_765 : i32 to vector<16xi32>
        %add3A_767 = arith.addi %xor3A_14, %add3A_766 : vector<16xi32>
        %select_n3A_768 = arith.select %lt3A_764, %add3A_767, %xor3A_14 : vector<16xi1>, vector<16xi32>
        %broadcast_in_dim3A_769 = vector.shape_cast %select_n3A_768 : vector<16xi32> to vector<16x1xi32>
        %gather3A_770 = vector.shape_cast %broadcast_in_dim3A_769 : vector<16x1xi32> to vector<16xi32>
        %gather3A_771 = tpu.dynamic_gather %add3A_761[%gather3A_770] in [0] : vector<16xf32>, vector<16xi32> -> vector<16xf32>
        %add3A_772 = arith.addf %add3A_761, %gather3A_771 : vector<16xf32>
        %lt3A_773 = arith.constant 0 : i32
        %lt3A_774 = vector.broadcast %lt3A_773 : i32 to vector<16xi32>
        %lt3A_775 = arith.cmpi slt, %xor3A_17, %lt3A_774 : vector<16xi32>
        %add3A_776 = arith.constant 16 : i32
        %add3A_777 = vector.broadcast %add3A_776 : i32 to vector<16xi32>
        %add3A_778 = arith.addi %xor3A_17, %add3A_777 : vector<16xi32>
        %select_n3A_779 = arith.select %lt3A_775, %add3A_778, %xor3A_17 : vector<16xi1>, vector<16xi32>
        %broadcast_in_dim3A_780 = vector.shape_cast %select_n3A_779 : vector<16xi32> to vector<16x1xi32>
        %gather3A_781 = vector.shape_cast %broadcast_in_dim3A_780 : vector<16x1xi32> to vector<16xi32>
        %gather3A_782 = tpu.dynamic_gather %add3A_772[%gather3A_781] in [0] : vector<16xf32>, vector<16xi32> -> vector<16xf32>
        %add3A_783 = arith.addf %add3A_772, %gather3A_782 : vector<16xf32>
        %lt3A_784 = arith.constant 0 : i32
        %lt3A_785 = vector.broadcast %lt3A_784 : i32 to vector<16xi32>
        %lt3A_786 = arith.cmpi slt, %xor3A_20, %lt3A_785 : vector<16xi32>
        %add3A_787 = arith.constant 16 : i32
        %add3A_788 = vector.broadcast %add3A_787 : i32 to vector<16xi32>
        %add3A_789 = arith.addi %xor3A_20, %add3A_788 : vector<16xi32>
        %select_n3A_790 = arith.select %lt3A_786, %add3A_789, %xor3A_20 : vector<16xi1>, vector<16xi32>
        %broadcast_in_dim3A_791 = vector.shape_cast %select_n3A_790 : vector<16xi32> to vector<16x1xi32>
        %gather3A_792 = vector.shape_cast %broadcast_in_dim3A_791 : vector<16x1xi32> to vector<16xi32>
        %gather3A_793 = tpu.dynamic_gather %add3A_783[%gather3A_792] in [0] : vector<16xf32>, vector<16xi32> -> vector<16xf32>
        %add3A_794 = arith.addf %add3A_783, %gather3A_793 : vector<16xf32>
        %mul3A_795 = arith.constant 7.812500e-03 : f32
        %mul3A_796 = vector.broadcast %mul3A_795 : f32 to vector<16xf32>
        %mul3A_797 = arith.mulf %add3A_794, %mul3A_796 : vector<16xf32>
        %lt3A_798 = arith.constant 0 : i32
        %lt3A_799 = vector.broadcast %lt3A_798 : i32 to vector<16xi32>
        %lt3A_800 = arith.cmpi slt, %xor3A_11, %lt3A_799 : vector<16xi32>
        %add3A_801 = arith.constant 16 : i32
        %add3A_802 = vector.broadcast %add3A_801 : i32 to vector<16xi32>
        %add3A_803 = arith.addi %xor3A_11, %add3A_802 : vector<16xi32>
        %select_n3A_804 = arith.select %lt3A_800, %add3A_803, %xor3A_11 : vector<16xi1>, vector<16xi32>
        %broadcast_in_dim3A_805 = vector.shape_cast %select_n3A_804 : vector<16xi32> to vector<16x1xi32>
        %gather3A_806 = vector.shape_cast %broadcast_in_dim3A_805 : vector<16x1xi32> to vector<16xi32>
        %gather3A_807 = tpu.dynamic_gather %add3A_750[%gather3A_806] in [0] : vector<16xf32>, vector<16xi32> -> vector<16xf32>
        %add3A_808 = arith.addf %add3A_750, %gather3A_807 : vector<16xf32>
        %lt3A_809 = arith.constant 0 : i32
        %lt3A_810 = vector.broadcast %lt3A_809 : i32 to vector<16xi32>
        %lt3A_811 = arith.cmpi slt, %xor3A_14, %lt3A_810 : vector<16xi32>
        %add3A_812 = arith.constant 16 : i32
        %add3A_813 = vector.broadcast %add3A_812 : i32 to vector<16xi32>
        %add3A_814 = arith.addi %xor3A_14, %add3A_813 : vector<16xi32>
        %select_n3A_815 = arith.select %lt3A_811, %add3A_814, %xor3A_14 : vector<16xi1>, vector<16xi32>
        %broadcast_in_dim3A_816 = vector.shape_cast %select_n3A_815 : vector<16xi32> to vector<16x1xi32>
        %gather3A_817 = vector.shape_cast %broadcast_in_dim3A_816 : vector<16x1xi32> to vector<16xi32>
        %gather3A_818 = tpu.dynamic_gather %add3A_808[%gather3A_817] in [0] : vector<16xf32>, vector<16xi32> -> vector<16xf32>
        %add3A_819 = arith.addf %add3A_808, %gather3A_818 : vector<16xf32>
        %lt3A_820 = arith.constant 0 : i32
        %lt3A_821 = vector.broadcast %lt3A_820 : i32 to vector<16xi32>
        %lt3A_822 = arith.cmpi slt, %xor3A_17, %lt3A_821 : vector<16xi32>
        %add3A_823 = arith.constant 16 : i32
        %add3A_824 = vector.broadcast %add3A_823 : i32 to vector<16xi32>
        %add3A_825 = arith.addi %xor3A_17, %add3A_824 : vector<16xi32>
        %select_n3A_826 = arith.select %lt3A_822, %add3A_825, %xor3A_17 : vector<16xi1>, vector<16xi32>
        %broadcast_in_dim3A_827 = vector.shape_cast %select_n3A_826 : vector<16xi32> to vector<16x1xi32>
        %gather3A_828 = vector.shape_cast %broadcast_in_dim3A_827 : vector<16x1xi32> to vector<16xi32>
        %gather3A_829 = tpu.dynamic_gather %add3A_819[%gather3A_828] in [0] : vector<16xf32>, vector<16xi32> -> vector<16xf32>
        %add3A_830 = arith.addf %add3A_819, %gather3A_829 : vector<16xf32>
        %lt3A_831 = arith.constant 0 : i32
        %lt3A_832 = vector.broadcast %lt3A_831 : i32 to vector<16xi32>
        %lt3A_833 = arith.cmpi slt, %xor3A_20, %lt3A_832 : vector<16xi32>
        %add3A_834 = arith.constant 16 : i32
        %add3A_835 = vector.broadcast %add3A_834 : i32 to vector<16xi32>
        %add3A_836 = arith.addi %xor3A_20, %add3A_835 : vector<16xi32>
        %select_n3A_837 = arith.select %lt3A_833, %add3A_836, %xor3A_20 : vector<16xi1>, vector<16xi32>
        %broadcast_in_dim3A_838 = vector.shape_cast %select_n3A_837 : vector<16xi32> to vector<16x1xi32>
        %gather3A_839 = vector.shape_cast %broadcast_in_dim3A_838 : vector<16x1xi32> to vector<16xi32>
        %gather3A_840 = tpu.dynamic_gather %add3A_830[%gather3A_839] in [0] : vector<16xf32>, vector<16xi32> -> vector<16xf32>
        %add3A_841 = arith.addf %add3A_830, %gather3A_840 : vector<16xf32>
        %mul3A_842 = arith.constant 7.812500e-03 : f32
        %mul3A_843 = vector.broadcast %mul3A_842 : f32 to vector<16xf32>
        %mul3A_844 = arith.mulf %add3A_841, %mul3A_843 : vector<16xf32>
        %mul3A_845 = arith.mulf %mul3A_797, %mul3A_797 : vector<16xf32>
        %sub3A_846 = arith.subf %mul3A_844, %mul3A_845 : vector<16xf32>
        %add3A_847 = arith.constant 9.99999974E-6 : f32
        %add3A_848 = vector.broadcast %add3A_847 : f32 to vector<16xf32>
        %add3A_849 = arith.addf %sub3A_846, %add3A_848 : vector<16xf32>
        %bitcast3A_850 = vector.bitcast %add3A_849 : vector<16xf32> to vector<16xi32>
        %shift_right_arithmetic3A_851 = arith.constant 1 : i32
        %shift_right_arithmetic3A_852 = vector.broadcast %shift_right_arithmetic3A_851 : i32 to vector<16xi32>
        %shift_right_arithmetic3A_853 = arith.shrsi %bitcast3A_850, %shift_right_arithmetic3A_852 : vector<16xi32>
        %sub3A_854 = arith.constant 1597463007 : i32
        %sub3A_855 = vector.broadcast %sub3A_854 : i32 to vector<16xi32>
        %sub3A_856 = arith.subi %sub3A_855, %shift_right_arithmetic3A_853 : vector<16xi32>
        %bitcast3A_857 = vector.bitcast %sub3A_856 : vector<16xi32> to vector<16xf32>
        %mul3A_858 = arith.constant 5.000000e-01 : f32
        %mul3A_859 = vector.broadcast %mul3A_858 : f32 to vector<16xf32>
        %mul3A_860 = arith.mulf %mul3A_859, %add3A_849 : vector<16xf32>
        %mul3A_861 = arith.mulf %mul3A_860, %bitcast3A_857 : vector<16xf32>
        %mul3A_862 = arith.mulf %mul3A_861, %bitcast3A_857 : vector<16xf32>
        %sub3A_863 = arith.constant 1.500000e+00 : f32
        %sub3A_864 = vector.broadcast %sub3A_863 : f32 to vector<16xf32>
        %sub3A_865 = arith.subf %sub3A_864, %mul3A_862 : vector<16xf32>
        %mul3A_866 = arith.mulf %bitcast3A_857, %sub3A_865 : vector<16xf32>
        %mul3A_867 = arith.constant 5.000000e-01 : f32
        %mul3A_868 = vector.broadcast %mul3A_867 : f32 to vector<16xf32>
        %mul3A_869 = arith.mulf %mul3A_868, %add3A_849 : vector<16xf32>
        %mul3A_870 = arith.mulf %mul3A_869, %mul3A_866 : vector<16xf32>
        %mul3A_871 = arith.mulf %mul3A_870, %mul3A_866 : vector<16xf32>
        %sub3A_872 = arith.constant 1.500000e+00 : f32
        %sub3A_873 = vector.broadcast %sub3A_872 : f32 to vector<16xf32>
        %sub3A_874 = arith.subf %sub3A_873, %mul3A_871 : vector<16xf32>
        %mul3A_875 = arith.mulf %mul3A_866, %sub3A_874 : vector<16xf32>
        %mul3A_876 = arith.mulf %mul3A_875, %get3A_87 : vector<16xf32>
        %mul3A_877 = arith.mulf %add3A_658, %mul3A_876 : vector<16xf32>
        %mul3A_878 = arith.mulf %mul3A_797, %mul3A_876 : vector<16xf32>
        %sub3A_879 = arith.subf %get3A_119, %mul3A_878 : vector<16xf32>
        %add3A_880 = arith.addf %mul3A_877, %sub3A_879 : vector<16xf32>
        %swap3A_881 = arith.index_cast %add3A_646 : i32 to index
        %swap3A_882 = arith.constant 0 : index
        %swap3A_883 = tpu.vector_load %arg12[%swap3A_881, %swap3A_882] {strides = array<i32>} : memref<100x128xf32, #tpu.memory_space<vmem>>, vector<16xf32>,
        tpu.vector_store %arg12[%swap3A_881, %swap3A_882], %add3A_880 {strides = array<i32>} : memref<100x128xf32, #tpu.memory_space<vmem>>, vector<16xf32>,
        %mul3A_884 = arith.mulf %mul3A_875, %get3A_91 : vector<16xf32>
        %mul3A_885 = arith.mulf %add3A_668, %mul3A_884 : vector<16xf32>
        %mul3A_886 = arith.mulf %mul3A_797, %mul3A_884 : vector<16xf32>
        %sub3A_887 = arith.subf %get3A_123, %mul3A_886 : vector<16xf32>
        %add3A_888 = arith.addf %mul3A_885, %sub3A_887 : vector<16xf32>
        %swap3A_889 = arith.index_cast %add3A_646 : i32 to index
        %swap3A_890 = arith.constant 16 : index
        %swap3A_891 = tpu.vector_load %arg12[%swap3A_889, %swap3A_890] {strides = array<i32>} : memref<100x128xf32, #tpu.memory_space<vmem>>, vector<16xf32>,
        tpu.vector_store %arg12[%swap3A_889, %swap3A_890], %add3A_888 {strides = array<i32>} : memref<100x128xf32, #tpu.memory_space<vmem>>, vector<16xf32>,
        %mul3A_892 = arith.mulf %mul3A_875, %get3A_95 : vector<16xf32>
        %mul3A_893 = arith.mulf %add3A_678, %mul3A_892 : vector<16xf32>
        %mul3A_894 = arith.mulf %mul3A_797, %mul3A_892 : vector<16xf32>
        %sub3A_895 = arith.subf %get3A_127, %mul3A_894 : vector<16xf32>
        %add3A_896 = arith.addf %mul3A_893, %sub3A_895 : vector<16xf32>
        %swap3A_897 = arith.index_cast %add3A_646 : i32 to index
        %swap3A_898 = arith.constant 32 : index
        %swap3A_899 = tpu.vector_load %arg12[%swap3A_897, %swap3A_898] {strides = array<i32>} : memref<100x128xf32, #tpu.memory_space<vmem>>, vector<16xf32>,
        tpu.vector_store %arg12[%swap3A_897, %swap3A_898], %add3A_896 {strides = array<i32>} : memref<100x128xf32, #tpu.memory_space<vmem>>, vector<16xf32>,
        %mul3A_900 = arith.mulf %mul3A_875, %get3A_99 : vector<16xf32>
        %mul3A_901 = arith.mulf %add3A_688, %mul3A_900 : vector<16xf32>
        %mul3A_902 = arith.mulf %mul3A_797, %mul3A_900 : vector<16xf32>
        %sub3A_903 = arith.subf %get3A_131, %mul3A_902 : vector<16xf32>
        %add3A_904 = arith.addf %mul3A_901, %sub3A_903 : vector<16xf32>
        %swap3A_905 = arith.index_cast %add3A_646 : i32 to index
        %swap3A_906 = arith.constant 48 : index
        %swap3A_907 = tpu.vector_load %arg12[%swap3A_905, %swap3A_906] {strides = array<i32>} : memref<100x128xf32, #tpu.memory_space<vmem>>, vector<16xf32>,
        tpu.vector_store %arg12[%swap3A_905, %swap3A_906], %add3A_904 {strides = array<i32>} : memref<100x128xf32, #tpu.memory_space<vmem>>, vector<16xf32>,
        %mul3A_908 = arith.mulf %mul3A_875, %get3A_103 : vector<16xf32>
        %mul3A_909 = arith.mulf %add3A_698, %mul3A_908 : vector<16xf32>
        %mul3A_910 = arith.mulf %mul3A_797, %mul3A_908 : vector<16xf32>
        %sub3A_911 = arith.subf %get3A_135, %mul3A_910 : vector<16xf32>
        %add3A_912 = arith.addf %mul3A_909, %sub3A_911 : vector<16xf32>
        %swap3A_913 = arith.index_cast %add3A_646 : i32 to index
        %swap3A_914 = arith.constant 64 : index
        %swap3A_915 = tpu.vector_load %arg12[%swap3A_913, %swap3A_914] {strides = array<i32>} : memref<100x128xf32, #tpu.memory_space<vmem>>, vector<16xf32>,
        tpu.vector_store %arg12[%swap3A_913, %swap3A_914], %add3A_912 {strides = array<i32>} : memref<100x128xf32, #tpu.memory_space<vmem>>, vector<16xf32>,
        %mul3A_916 = arith.mulf %mul3A_875, %get3A_107 : vector<16xf32>
        %mul3A_917 = arith.mulf %add3A_708, %mul3A_916 : vector<16xf32>
        %mul3A_918 = arith.mulf %mul3A_797, %mul3A_916 : vector<16xf32>
        %sub3A_919 = arith.subf %get3A_139, %mul3A_918 : vector<16xf32>
        %add3A_920 = arith.addf %mul3A_917, %sub3A_919 : vector<16xf32>
        %swap3A_921 = arith.index_cast %add3A_646 : i32 to index
        %swap3A_922 = arith.constant 80 : index
        %swap3A_923 = tpu.vector_load %arg12[%swap3A_921, %swap3A_922] {strides = array<i32>} : memref<100x128xf32, #tpu.memory_space<vmem>>, vector<16xf32>,
        tpu.vector_store %arg12[%swap3A_921, %swap3A_922], %add3A_920 {strides = array<i32>} : memref<100x128xf32, #tpu.memory_space<vmem>>, vector<16xf32>,
        %mul3A_924 = arith.mulf %mul3A_875, %get3A_111 : vector<16xf32>
        %mul3A_925 = arith.mulf %add3A_718, %mul3A_924 : vector<16xf32>
        %mul3A_926 = arith.mulf %mul3A_797, %mul3A_924 : vector<16xf32>
        %sub3A_927 = arith.subf %get3A_143, %mul3A_926 : vector<16xf32>
        %add3A_928 = arith.addf %mul3A_925, %sub3A_927 : vector<16xf32>
        %swap3A_929 = arith.index_cast %add3A_646 : i32 to index
        %swap3A_930 = arith.constant 96 : index
        %swap3A_931 = tpu.vector_load %arg12[%swap3A_929, %swap3A_930] {strides = array<i32>} : memref<100x128xf32, #tpu.memory_space<vmem>>, vector<16xf32>,
        tpu.vector_store %arg12[%swap3A_929, %swap3A_930], %add3A_928 {strides = array<i32>} : memref<100x128xf32, #tpu.memory_space<vmem>>, vector<16xf32>,
        %mul3A_932 = arith.mulf %mul3A_875, %get3A_115 : vector<16xf32>
        %mul3A_933 = arith.mulf %add3A_728, %mul3A_932 : vector<16xf32>
        %mul3A_934 = arith.mulf %mul3A_797, %mul3A_932 : vector<16xf32>
        %sub3A_935 = arith.subf %get3A_147, %mul3A_934 : vector<16xf32>
        %add3A_936 = arith.addf %mul3A_933, %sub3A_935 : vector<16xf32>
        %swap3A_937 = arith.index_cast %add3A_646 : i32 to index
        %swap3A_938 = arith.constant 112 : index
        %swap3A_939 = tpu.vector_load %arg12[%swap3A_937, %swap3A_938] {strides = array<i32>} : memref<100x128xf32, #tpu.memory_space<vmem>>, vector<16xf32>,
        tpu.vector_store %arg12[%swap3A_937, %swap3A_938], %add3A_936 {strides = array<i32>} : memref<100x128xf32, #tpu.memory_space<vmem>>, vector<16xf32>,
        %scan3A_940 = arith.constant 0 : i32
        scf.yield %scan3A_940 : i32
      }
      %scan3A_212 = arith.constant 50 : i32
      %ge3A = arith.constant 2 : i32
      %ge3A_213 = arith.cmpi sge, %add3A_196, %ge3A : i32
      %convert_element_type3A = arith.extui %ge3A_213 : i1 to i32
      %cond3A = arith.constant 0 : i32
      %cond3A_214 = arith.cmpi ne, %convert_element_type3A, %cond3A : i32
      scf.if %cond3A_214 {
        %dma_wait3A_354 = arith.constant 0 : i32
        %dma_wait3A_355 = arith.constant 0 : i32
        %dma_wait3A_356 = arith.constant 0 : i32
        %dma_wait3A_357 = tpu.memref_slice %arg9[%dma_wait3A_354, %dma_wait3A_355, %dma_wait3A_356] : memref<2048x100x128xf32, #tpu.memory_space<hbm>> -> memref<1x100x128xf32, #tpu.memory_space<hbm>>
        %dma_wait3A_358 = tpu.memref_squeeze %dma_wait3A_357 : memref<1x100x128xf32, #tpu.memory_space<hbm>> -> memref<100x128xf32, #tpu.memory_space<hbm>>
        %dma_wait3A_359 = arith.constant 0 : i32
        %dma_wait3A_360 = arith.constant 0 : i32
        %dma_wait3A_361 = tpu.memref_slice %arg9[%dma_wait3A_354, %dma_wait3A_359, %dma_wait3A_360] : memref<2048x100x128xf32, #tpu.memory_space<hbm>> -> memref<1x100x128xf32, #tpu.memory_space<hbm>>
        %dma_wait3A_362 = tpu.memref_squeeze %dma_wait3A_361 : memref<1x100x128xf32, #tpu.memory_space<hbm>> -> memref<100x128xf32, #tpu.memory_space<hbm>>
        tpu.wait_dma2 semaphore(%arg25 : memref<!tpu.dma_semaphore, #tpu.memory_space<semaphore_mem>>) src(%arg14 : memref<100x128xf32, #tpu.memory_space<vmem>>) dst(%dma_wait3A_362 : memref<100x128xf32, #tpu.memory_space<hbm>>)
      } else {
      }
      %add3A_215 = arith.constant 2 : i32
      %add3A_216 = arith.addi %add3A_196, %add3A_215 : i32
      %lt3A = arith.constant 64 : i32
      %lt3A_217 = arith.cmpi slt, %add3A_216, %lt3A : i32
      %convert_element_type3A_218 = arith.extui %lt3A_217 : i1 to i32
      %cond3A_219 = arith.constant 0 : i32
      %cond3A_220 = arith.cmpi ne, %convert_element_type3A_218, %cond3A_219 : i32
      scf.if %cond3A_220 {
        %add3A_354 = arith.constant 2 : i32
        %add3A_355 = arith.addi %add3A_196, %add3A_354 : i32
        %dma_start3A_356 = arith.constant 0 : i32
        %dma_start3A_357 = tpu.memref_slice %arg10[%add3A_355, %dma_start3A_356] : memref<64x100xi32, #tpu.memory_space<vmem>> -> memref<1x100xi32, #tpu.memory_space<vmem>>
        %dma_start3A_358 = tpu.memref_squeeze %dma_start3A_357 : memref<1x100xi32, #tpu.memory_space<vmem>> -> memref<100xi32, #tpu.memory_space<vmem>>
        %dma_start3A_359 = arith.constant 0 : i32
        %dma_start3A_360 = arith.constant 0 : i32
        %dma_start3A_361 = tpu.memref_slice %arg4[%dma_start3A_359, %dma_start3A_360] : memref<100000x128xf32, #tpu.memory_space<hbm>> -> memref<100000x128xf32, #tpu.memory_space<hbm>>
        tpu.enqueue_indirect_dma source(%dma_start3A_361 : memref<100000x128xf32, #tpu.memory_space<hbm>>) target(%arg14 : memref<100x128xf32, #tpu.memory_space<vmem>>) offsets(%dma_start3A_358 : memref<100xi32, #tpu.memory_space<vmem>>) semaphore(%arg21 : memref<!tpu.dma_semaphore, #tpu.memory_space<semaphore_mem>>)
      } else {
      }
      %add3A_221 = arith.addi %mul3A_2, %add3A_196 : i32
      %dma_start3A_222 = arith.constant 0 : i32
      %dma_start3A_223 = arith.constant 0 : i32
      %dma_start3A_224 = tpu.memref_slice %arg9[%add3A_221, %dma_start3A_222, %dma_start3A_223] : memref<2048x100x128xf32, #tpu.memory_space<hbm>> -> memref<1x100x128xf32, #tpu.memory_space<hbm>>
      %dma_start3A_225 = tpu.memref_squeeze %dma_start3A_224 : memref<1x100x128xf32, #tpu.memory_space<hbm>> -> memref<100x128xf32, #tpu.memory_space<hbm>>
      %dma_start3A_226 = arith.constant 0 : i32
      %dma_start3A_227 = arith.constant 0 : i32
      %dma_start3A_228 = tpu.memref_slice %arg9[%add3A_221, %dma_start3A_226, %dma_start3A_227] : memref<2048x100x128xf32, #tpu.memory_space<hbm>> -> memref<1x100x128xf32, #tpu.memory_space<hbm>>
      %dma_start3A_229 = tpu.memref_squeeze %dma_start3A_228 : memref<1x100x128xf32, #tpu.memory_space<hbm>> -> memref<100x128xf32, #tpu.memory_space<hbm>>
      tpu.enqueue_dma source(%arg12 : memref<100x128xf32, #tpu.memory_space<vmem>>) target(%dma_start3A_229 : memref<100x128xf32, #tpu.memory_space<hbm>>) target_semaphore(%arg23 : memref<!tpu.dma_semaphore, #tpu.memory_space<semaphore_mem>>)
      %mul3A_230 = arith.constant 4 : i32
      %mul3A_231 = arith.muli %mul3A_230, %scan3A_191 : i32
      %add3A_232 = arith.constant 1 : i32
      %add3A_233 = arith.addi %mul3A_231, %add3A_232 : i32
      %dma_wait3A_234 = arith.constant 0 : i32
      %dma_wait3A_235 = arith.constant 0 : i32
      %dma_wait3A_236 = tpu.memref_slice %arg10[%dma_wait3A_234, %dma_wait3A_235] : memref<64x100xi32, #tpu.memory_space<vmem>> -> memref<1x100xi32, #tpu.memory_space<vmem>>
      %dma_wait3A_237 = tpu.memref_squeeze %dma_wait3A_236 : memref<1x100xi32, #tpu.memory_space<vmem>> -> memref<100xi32, #tpu.memory_space<vmem>>
      %dma_wait3A_238 = arith.constant 0 : i32
      %dma_wait3A_239 = arith.constant 0 : i32
      %dma_wait3A_240 = tpu.memref_slice %arg4[%dma_wait3A_238, %dma_wait3A_239] : memref<100000x128xf32, #tpu.memory_space<hbm>> -> memref<100000x128xf32, #tpu.memory_space<hbm>>
      tpu.wait_indirect_dma semaphore(%arg20 : memref<!tpu.dma_semaphore, #tpu.memory_space<semaphore_mem>>) src(%dma_wait3A_240 : memref<100000x128xf32, #tpu.memory_space<hbm>>) dst(%arg13 : memref<100x128xf32, #tpu.memory_space<vmem>>)
      %mul3A_241 = arith.constant 100 : i32
      %mul3A_242 = arith.muli %add3A_233, %mul3A_241 : i32
      %scan3A_243 = arith.constant 0 : i32
      %scan3A_244 = arith.constant 0 : i32
      %scan3A_245 = arith.constant 50 : i32
      %scan3A_246 = arith.addi %scan3A_244, %scan3A_245 : i32
      %scan3A_247 = arith.constant 1 : i32
      %scan3A_248 = scf.for %scan3A_354 = %scan3A_244 to %scan3A_246 step %scan3A_247 iter_args(%scan3A_355 = %scan3A_243) -> (i32)  : i32 {
        %mul3A_356 = arith.constant 2 : i32
        %mul3A_357 = arith.muli %mul3A_356, %scan3A_354 : i32
        %add3A_358 = arith.addi %mul3A_242, %mul3A_357 : i32
        %get3A_359 = arith.index_cast %add3A_358 : i32 to index
        %get3A_360 = tpu.vector_load %arg11[%get3A_359] {strides = array<i32>} : memref<6416xi32, #tpu.memory_space<vmem>>, vector<16xi32>,
        %slice3A = vector.extract_strided_slice %get3A_360 {offsets = [0], sizes = [1], strides = [1]} : vector<16xi32> to vector<1xi32>
        %squeeze3A = vector.extract %slice3A[0] : i32 from vector<1xi32>
        %get3A_361 = arith.index_cast %mul3A_357 : i32 to index
        %get3A_362 = arith.constant 0 : index
        %get3A_363 = tpu.vector_load %arg13[%get3A_361, %get3A_362] {strides = array<i32>} : memref<100x128xf32, #tpu.memory_space<vmem>>, vector<16xf32>,
        %add3A_364 = arith.constant 100 : i32
        %add3A_365 = arith.addi %add3A_364, %mul3A_357 : i32
        %get3A_366 = arith.index_cast %squeeze3A : i32 to index
        %get3A_367 = arith.index_cast %add3A_365 : i32 to index
        %get3A_368 = arith.constant 0 : index
        %get3A_369 = tpu.vector_load %arg16[%get3A_366, %get3A_367, %get3A_368] {strides = array<i32>} : memref<2x200x128xf32, #tpu.memory_space<vmem>>, vector<16xf32>,
        %add3A_370 = arith.addf %get3A_363, %get3A_369 : vector<16xf32>
        %get3A_371 = arith.index_cast %mul3A_357 : i32 to index
        %get3A_372 = arith.constant 16 : index
        %get3A_373 = tpu.vector_load %arg13[%get3A_371, %get3A_372] {strides = array<i32>} : memref<100x128xf32, #tpu.memory_space<vmem>>, vector<16xf32>,
        %add3A_374 = arith.constant 100 : i32
        %add3A_375 = arith.addi %add3A_374, %mul3A_357 : i32
        %get3A_376 = arith.index_cast %squeeze3A : i32 to index
        %get3A_377 = arith.index_cast %add3A_375 : i32 to index
        %get3A_378 = arith.constant 16 : index
        %get3A_379 = tpu.vector_load %arg16[%get3A_376, %get3A_377, %get3A_378] {strides = array<i32>} : memref<2x200x128xf32, #tpu.memory_space<vmem>>, vector<16xf32>,
        %add3A_380 = arith.addf %get3A_373, %get3A_379 : vector<16xf32>
        %get3A_381 = arith.index_cast %mul3A_357 : i32 to index
        %get3A_382 = arith.constant 32 : index
        %get3A_383 = tpu.vector_load %arg13[%get3A_381, %get3A_382] {strides = array<i32>} : memref<100x128xf32, #tpu.memory_space<vmem>>, vector<16xf32>,
        %add3A_384 = arith.constant 100 : i32
        %add3A_385 = arith.addi %add3A_384, %mul3A_357 : i32
        %get3A_386 = arith.index_cast %squeeze3A : i32 to index
        %get3A_387 = arith.index_cast %add3A_385 : i32 to index
        %get3A_388 = arith.constant 32 : index
        %get3A_389 = tpu.vector_load %arg16[%get3A_386, %get3A_387, %get3A_388] {strides = array<i32>} : memref<2x200x128xf32, #tpu.memory_space<vmem>>, vector<16xf32>,
        %add3A_390 = arith.addf %get3A_383, %get3A_389 : vector<16xf32>
        %get3A_391 = arith.index_cast %mul3A_357 : i32 to index
        %get3A_392 = arith.constant 48 : index
        %get3A_393 = tpu.vector_load %arg13[%get3A_391, %get3A_392] {strides = array<i32>} : memref<100x128xf32, #tpu.memory_space<vmem>>, vector<16xf32>,
        %add3A_394 = arith.constant 100 : i32
        %add3A_395 = arith.addi %add3A_394, %mul3A_357 : i32
        %get3A_396 = arith.index_cast %squeeze3A : i32 to index
        %get3A_397 = arith.index_cast %add3A_395 : i32 to index
        %get3A_398 = arith.constant 48 : index
        %get3A_399 = tpu.vector_load %arg16[%get3A_396, %get3A_397, %get3A_398] {strides = array<i32>} : memref<2x200x128xf32, #tpu.memory_space<vmem>>, vector<16xf32>,
        %add3A_400 = arith.addf %get3A_393, %get3A_399 : vector<16xf32>
        %get3A_401 = arith.index_cast %mul3A_357 : i32 to index
        %get3A_402 = arith.constant 64 : index
        %get3A_403 = tpu.vector_load %arg13[%get3A_401, %get3A_402] {strides = array<i32>} : memref<100x128xf32, #tpu.memory_space<vmem>>, vector<16xf32>,
        %add3A_404 = arith.constant 100 : i32
        %add3A_405 = arith.addi %add3A_404, %mul3A_357 : i32
        %get3A_406 = arith.index_cast %squeeze3A : i32 to index
        %get3A_407 = arith.index_cast %add3A_405 : i32 to index
        %get3A_408 = arith.constant 64 : index
        %get3A_409 = tpu.vector_load %arg16[%get3A_406, %get3A_407, %get3A_408] {strides = array<i32>} : memref<2x200x128xf32, #tpu.memory_space<vmem>>, vector<16xf32>,
        %add3A_410 = arith.addf %get3A_403, %get3A_409 : vector<16xf32>
        %get3A_411 = arith.index_cast %mul3A_357 : i32 to index
        %get3A_412 = arith.constant 80 : index
        %get3A_413 = tpu.vector_load %arg13[%get3A_411, %get3A_412] {strides = array<i32>} : memref<100x128xf32, #tpu.memory_space<vmem>>, vector<16xf32>,
        %add3A_414 = arith.constant 100 : i32
        %add3A_415 = arith.addi %add3A_414, %mul3A_357 : i32
        %get3A_416 = arith.index_cast %squeeze3A : i32 to index
        %get3A_417 = arith.index_cast %add3A_415 : i32 to index
        %get3A_418 = arith.constant 80 : index
        %get3A_419 = tpu.vector_load %arg16[%get3A_416, %get3A_417, %get3A_418] {strides = array<i32>} : memref<2x200x128xf32, #tpu.memory_space<vmem>>, vector<16xf32>,
        %add3A_420 = arith.addf %get3A_413, %get3A_419 : vector<16xf32>
        %get3A_421 = arith.index_cast %mul3A_357 : i32 to index
        %get3A_422 = arith.constant 96 : index
        %get3A_423 = tpu.vector_load %arg13[%get3A_421, %get3A_422] {strides = array<i32>} : memref<100x128xf32, #tpu.memory_space<vmem>>, vector<16xf32>,
        %add3A_424 = arith.constant 100 : i32
        %add3A_425 = arith.addi %add3A_424, %mul3A_357 : i32
        %get3A_426 = arith.index_cast %squeeze3A : i32 to index
        %get3A_427 = arith.index_cast %add3A_425 : i32 to index
        %get3A_428 = arith.constant 96 : index
        %get3A_429 = tpu.vector_load %arg16[%get3A_426, %get3A_427, %get3A_428] {strides = array<i32>} : memref<2x200x128xf32, #tpu.memory_space<vmem>>, vector<16xf32>,
        %add3A_430 = arith.addf %get3A_423, %get3A_429 : vector<16xf32>
        %get3A_431 = arith.index_cast %mul3A_357 : i32 to index
        %get3A_432 = arith.constant 112 : index
        %get3A_433 = tpu.vector_load %arg13[%get3A_431, %get3A_432] {strides = array<i32>} : memref<100x128xf32, #tpu.memory_space<vmem>>, vector<16xf32>,
        %add3A_434 = arith.constant 100 : i32
        %add3A_435 = arith.addi %add3A_434, %mul3A_357 : i32
        %get3A_436 = arith.index_cast %squeeze3A : i32 to index
        %get3A_437 = arith.index_cast %add3A_435 : i32 to index
        %get3A_438 = arith.constant 112 : index
        %get3A_439 = tpu.vector_load %arg16[%get3A_436, %get3A_437, %get3A_438] {strides = array<i32>} : memref<2x200x128xf32, #tpu.memory_space<vmem>>, vector<16xf32>,
        %add3A_440 = arith.addf %get3A_433, %get3A_439 : vector<16xf32>
        %add3A_441 = arith.addf %add3A_370, %add3A_380 : vector<16xf32>
        %add3A_442 = arith.addf %add3A_390, %add3A_400 : vector<16xf32>
        %add3A_443 = arith.addf %add3A_441, %add3A_442 : vector<16xf32>
        %add3A_444 = arith.addf %add3A_410, %add3A_420 : vector<16xf32>
        %add3A_445 = arith.addf %add3A_430, %add3A_440 : vector<16xf32>
        %add3A_446 = arith.addf %add3A_444, %add3A_445 : vector<16xf32>
        %add3A_447 = arith.addf %add3A_443, %add3A_446 : vector<16xf32>
        %mul3A_448 = arith.mulf %add3A_370, %add3A_370 : vector<16xf32>
        %mul3A_449 = arith.mulf %add3A_380, %add3A_380 : vector<16xf32>
        %add3A_450 = arith.addf %mul3A_448, %mul3A_449 : vector<16xf32>
        %mul3A_451 = arith.mulf %add3A_390, %add3A_390 : vector<16xf32>
        %add3A_452 = arith.addf %add3A_450, %mul3A_451 : vector<16xf32>
        %mul3A_453 = arith.mulf %add3A_400, %add3A_400 : vector<16xf32>
        %add3A_454 = arith.addf %add3A_452, %mul3A_453 : vector<16xf32>
        %mul3A_455 = arith.mulf %add3A_410, %add3A_410 : vector<16xf32>
        %add3A_456 = arith.addf %add3A_454, %mul3A_455 : vector<16xf32>
        %mul3A_457 = arith.mulf %add3A_420, %add3A_420 : vector<16xf32>
        %add3A_458 = arith.addf %add3A_456, %mul3A_457 : vector<16xf32>
        %mul3A_459 = arith.mulf %add3A_430, %add3A_430 : vector<16xf32>
        %add3A_460 = arith.addf %add3A_458, %mul3A_459 : vector<16xf32>
        %mul3A_461 = arith.mulf %add3A_440, %add3A_440 : vector<16xf32>
        %add3A_462 = arith.addf %add3A_460, %mul3A_461 : vector<16xf32>
        %lt3A_463 = arith.constant 0 : i32
        %lt3A_464 = vector.broadcast %lt3A_463 : i32 to vector<16xi32>
        %lt3A_465 = arith.cmpi slt, %xor3A_11, %lt3A_464 : vector<16xi32>
        %add3A_466 = arith.constant 16 : i32
        %add3A_467 = vector.broadcast %add3A_466 : i32 to vector<16xi32>
        %add3A_468 = arith.addi %xor3A_11, %add3A_467 : vector<16xi32>
        %select_n3A = arith.select %lt3A_465, %add3A_468, %xor3A_11 : vector<16xi1>, vector<16xi32>
        %broadcast_in_dim3A = vector.shape_cast %select_n3A : vector<16xi32> to vector<16x1xi32>
        %gather3A = vector.shape_cast %broadcast_in_dim3A : vector<16x1xi32> to vector<16xi32>
        %gather3A_469 = tpu.dynamic_gather %add3A_447[%gather3A] in [0] : vector<16xf32>, vector<16xi32> -> vector<16xf32>
        %add3A_470 = arith.addf %add3A_447, %gather3A_469 : vector<16xf32>
        %lt3A_471 = arith.constant 0 : i32
        %lt3A_472 = vector.broadcast %lt3A_471 : i32 to vector<16xi32>
        %lt3A_473 = arith.cmpi slt, %xor3A_14, %lt3A_472 : vector<16xi32>
        %add3A_474 = arith.constant 16 : i32
        %add3A_475 = vector.broadcast %add3A_474 : i32 to vector<16xi32>
        %add3A_476 = arith.addi %xor3A_14, %add3A_475 : vector<16xi32>
        %select_n3A_477 = arith.select %lt3A_473, %add3A_476, %xor3A_14 : vector<16xi1>, vector<16xi32>
        %broadcast_in_dim3A_478 = vector.shape_cast %select_n3A_477 : vector<16xi32> to vector<16x1xi32>
        %gather3A_479 = vector.shape_cast %broadcast_in_dim3A_478 : vector<16x1xi32> to vector<16xi32>
        %gather3A_480 = tpu.dynamic_gather %add3A_470[%gather3A_479] in [0] : vector<16xf32>, vector<16xi32> -> vector<16xf32>
        %add3A_481 = arith.addf %add3A_470, %gather3A_480 : vector<16xf32>
        %lt3A_482 = arith.constant 0 : i32
        %lt3A_483 = vector.broadcast %lt3A_482 : i32 to vector<16xi32>
        %lt3A_484 = arith.cmpi slt, %xor3A_17, %lt3A_483 : vector<16xi32>
        %add3A_485 = arith.constant 16 : i32
        %add3A_486 = vector.broadcast %add3A_485 : i32 to vector<16xi32>
        %add3A_487 = arith.addi %xor3A_17, %add3A_486 : vector<16xi32>
        %select_n3A_488 = arith.select %lt3A_484, %add3A_487, %xor3A_17 : vector<16xi1>, vector<16xi32>
        %broadcast_in_dim3A_489 = vector.shape_cast %select_n3A_488 : vector<16xi32> to vector<16x1xi32>
        %gather3A_490 = vector.shape_cast %broadcast_in_dim3A_489 : vector<16x1xi32> to vector<16xi32>
        %gather3A_491 = tpu.dynamic_gather %add3A_481[%gather3A_490] in [0] : vector<16xf32>, vector<16xi32> -> vector<16xf32>
        %add3A_492 = arith.addf %add3A_481, %gather3A_491 : vector<16xf32>
        %lt3A_493 = arith.constant 0 : i32
        %lt3A_494 = vector.broadcast %lt3A_493 : i32 to vector<16xi32>
        %lt3A_495 = arith.cmpi slt, %xor3A_20, %lt3A_494 : vector<16xi32>
        %add3A_496 = arith.constant 16 : i32
        %add3A_497 = vector.broadcast %add3A_496 : i32 to vector<16xi32>
        %add3A_498 = arith.addi %xor3A_20, %add3A_497 : vector<16xi32>
        %select_n3A_499 = arith.select %lt3A_495, %add3A_498, %xor3A_20 : vector<16xi1>, vector<16xi32>
        %broadcast_in_dim3A_500 = vector.shape_cast %select_n3A_499 : vector<16xi32> to vector<16x1xi32>
        %gather3A_501 = vector.shape_cast %broadcast_in_dim3A_500 : vector<16x1xi32> to vector<16xi32>
        %gather3A_502 = tpu.dynamic_gather %add3A_492[%gather3A_501] in [0] : vector<16xf32>, vector<16xi32> -> vector<16xf32>
        %add3A_503 = arith.addf %add3A_492, %gather3A_502 : vector<16xf32>
        %mul3A_504 = arith.constant 7.812500e-03 : f32
        %mul3A_505 = vector.broadcast %mul3A_504 : f32 to vector<16xf32>
        %mul3A_506 = arith.mulf %add3A_503, %mul3A_505 : vector<16xf32>
        %lt3A_507 = arith.constant 0 : i32
        %lt3A_508 = vector.broadcast %lt3A_507 : i32 to vector<16xi32>
        %lt3A_509 = arith.cmpi slt, %xor3A_11, %lt3A_508 : vector<16xi32>
        %add3A_510 = arith.constant 16 : i32
        %add3A_511 = vector.broadcast %add3A_510 : i32 to vector<16xi32>
        %add3A_512 = arith.addi %xor3A_11, %add3A_511 : vector<16xi32>
        %select_n3A_513 = arith.select %lt3A_509, %add3A_512, %xor3A_11 : vector<16xi1>, vector<16xi32>
        %broadcast_in_dim3A_514 = vector.shape_cast %select_n3A_513 : vector<16xi32> to vector<16x1xi32>
        %gather3A_515 = vector.shape_cast %broadcast_in_dim3A_514 : vector<16x1xi32> to vector<16xi32>
        %gather3A_516 = tpu.dynamic_gather %add3A_462[%gather3A_515] in [0] : vector<16xf32>, vector<16xi32> -> vector<16xf32>
        %add3A_517 = arith.addf %add3A_462, %gather3A_516 : vector<16xf32>
        %lt3A_518 = arith.constant 0 : i32
        %lt3A_519 = vector.broadcast %lt3A_518 : i32 to vector<16xi32>
        %lt3A_520 = arith.cmpi slt, %xor3A_14, %lt3A_519 : vector<16xi32>
        %add3A_521 = arith.constant 16 : i32
        %add3A_522 = vector.broadcast %add3A_521 : i32 to vector<16xi32>
        %add3A_523 = arith.addi %xor3A_14, %add3A_522 : vector<16xi32>
        %select_n3A_524 = arith.select %lt3A_520, %add3A_523, %xor3A_14 : vector<16xi1>, vector<16xi32>
        %broadcast_in_dim3A_525 = vector.shape_cast %select_n3A_524 : vector<16xi32> to vector<16x1xi32>
        %gather3A_526 = vector.shape_cast %broadcast_in_dim3A_525 : vector<16x1xi32> to vector<16xi32>
        %gather3A_527 = tpu.dynamic_gather %add3A_517[%gather3A_526] in [0] : vector<16xf32>, vector<16xi32> -> vector<16xf32>
        %add3A_528 = arith.addf %add3A_517, %gather3A_527 : vector<16xf32>
        %lt3A_529 = arith.constant 0 : i32
        %lt3A_530 = vector.broadcast %lt3A_529 : i32 to vector<16xi32>
        %lt3A_531 = arith.cmpi slt, %xor3A_17, %lt3A_530 : vector<16xi32>
        %add3A_532 = arith.constant 16 : i32
        %add3A_533 = vector.broadcast %add3A_532 : i32 to vector<16xi32>
        %add3A_534 = arith.addi %xor3A_17, %add3A_533 : vector<16xi32>
        %select_n3A_535 = arith.select %lt3A_531, %add3A_534, %xor3A_17 : vector<16xi1>, vector<16xi32>
        %broadcast_in_dim3A_536 = vector.shape_cast %select_n3A_535 : vector<16xi32> to vector<16x1xi32>
        %gather3A_537 = vector.shape_cast %broadcast_in_dim3A_536 : vector<16x1xi32> to vector<16xi32>
        %gather3A_538 = tpu.dynamic_gather %add3A_528[%gather3A_537] in [0] : vector<16xf32>, vector<16xi32> -> vector<16xf32>
        %add3A_539 = arith.addf %add3A_528, %gather3A_538 : vector<16xf32>
        %lt3A_540 = arith.constant 0 : i32
        %lt3A_541 = vector.broadcast %lt3A_540 : i32 to vector<16xi32>
        %lt3A_542 = arith.cmpi slt, %xor3A_20, %lt3A_541 : vector<16xi32>
        %add3A_543 = arith.constant 16 : i32
        %add3A_544 = vector.broadcast %add3A_543 : i32 to vector<16xi32>
        %add3A_545 = arith.addi %xor3A_20, %add3A_544 : vector<16xi32>
        %select_n3A_546 = arith.select %lt3A_542, %add3A_545, %xor3A_20 : vector<16xi1>, vector<16xi32>
        %broadcast_in_dim3A_547 = vector.shape_cast %select_n3A_546 : vector<16xi32> to vector<16x1xi32>
        %gather3A_548 = vector.shape_cast %broadcast_in_dim3A_547 : vector<16x1xi32> to vector<16xi32>
        %gather3A_549 = tpu.dynamic_gather %add3A_539[%gather3A_548] in [0] : vector<16xf32>, vector<16xi32> -> vector<16xf32>
        %add3A_550 = arith.addf %add3A_539, %gather3A_549 : vector<16xf32>
        %mul3A_551 = arith.constant 7.812500e-03 : f32
        %mul3A_552 = vector.broadcast %mul3A_551 : f32 to vector<16xf32>
        %mul3A_553 = arith.mulf %add3A_550, %mul3A_552 : vector<16xf32>
        %mul3A_554 = arith.mulf %mul3A_506, %mul3A_506 : vector<16xf32>
        %sub3A = arith.subf %mul3A_553, %mul3A_554 : vector<16xf32>
        %add3A_555 = arith.constant 9.99999974E-6 : f32
        %add3A_556 = vector.broadcast %add3A_555 : f32 to vector<16xf32>
        %add3A_557 = arith.addf %sub3A, %add3A_556 : vector<16xf32>
        %bitcast3A = vector.bitcast %add3A_557 : vector<16xf32> to vector<16xi32>
        %shift_right_arithmetic3A = arith.constant 1 : i32
        %shift_right_arithmetic3A_558 = vector.broadcast %shift_right_arithmetic3A : i32 to vector<16xi32>
        %shift_right_arithmetic3A_559 = arith.shrsi %bitcast3A, %shift_right_arithmetic3A_558 : vector<16xi32>
        %sub3A_560 = arith.constant 1597463007 : i32
        %sub3A_561 = vector.broadcast %sub3A_560 : i32 to vector<16xi32>
        %sub3A_562 = arith.subi %sub3A_561, %shift_right_arithmetic3A_559 : vector<16xi32>
        %bitcast3A_563 = vector.bitcast %sub3A_562 : vector<16xi32> to vector<16xf32>
        %mul3A_564 = arith.constant 5.000000e-01 : f32
        %mul3A_565 = vector.broadcast %mul3A_564 : f32 to vector<16xf32>
        %mul3A_566 = arith.mulf %mul3A_565, %add3A_557 : vector<16xf32>
        %mul3A_567 = arith.mulf %mul3A_566, %bitcast3A_563 : vector<16xf32>
        %mul3A_568 = arith.mulf %mul3A_567, %bitcast3A_563 : vector<16xf32>
        %sub3A_569 = arith.constant 1.500000e+00 : f32
        %sub3A_570 = vector.broadcast %sub3A_569 : f32 to vector<16xf32>
        %sub3A_571 = arith.subf %sub3A_570, %mul3A_568 : vector<16xf32>
        %mul3A_572 = arith.mulf %bitcast3A_563, %sub3A_571 : vector<16xf32>
        %mul3A_573 = arith.constant 5.000000e-01 : f32
        %mul3A_574 = vector.broadcast %mul3A_573 : f32 to vector<16xf32>
        %mul3A_575 = arith.mulf %mul3A_574, %add3A_557 : vector<16xf32>
        %mul3A_576 = arith.mulf %mul3A_575, %mul3A_572 : vector<16xf32>
        %mul3A_577 = arith.mulf %mul3A_576, %mul3A_572 : vector<16xf32>
        %sub3A_578 = arith.constant 1.500000e+00 : f32
        %sub3A_579 = vector.broadcast %sub3A_578 : f32 to vector<16xf32>
        %sub3A_580 = arith.subf %sub3A_579, %mul3A_577 : vector<16xf32>
        %mul3A_581 = arith.mulf %mul3A_572, %sub3A_580 : vector<16xf32>
        %mul3A_582 = arith.mulf %mul3A_581, %get3A_87 : vector<16xf32>
        %mul3A_583 = arith.mulf %add3A_370, %mul3A_582 : vector<16xf32>
        %mul3A_584 = arith.mulf %mul3A_506, %mul3A_582 : vector<16xf32>
        %sub3A_585 = arith.subf %get3A_119, %mul3A_584 : vector<16xf32>
        %add3A_586 = arith.addf %mul3A_583, %sub3A_585 : vector<16xf32>
        %swap3A = arith.index_cast %mul3A_357 : i32 to index
        %swap3A_587 = arith.constant 0 : index
        %swap3A_588 = tpu.vector_load %arg13[%swap3A, %swap3A_587] {strides = array<i32>} : memref<100x128xf32, #tpu.memory_space<vmem>>, vector<16xf32>,
        tpu.vector_store %arg13[%swap3A, %swap3A_587], %add3A_586 {strides = array<i32>} : memref<100x128xf32, #tpu.memory_space<vmem>>, vector<16xf32>,
        %mul3A_589 = arith.mulf %mul3A_581, %get3A_91 : vector<16xf32>
        %mul3A_590 = arith.mulf %add3A_380, %mul3A_589 : vector<16xf32>
        %mul3A_591 = arith.mulf %mul3A_506, %mul3A_589 : vector<16xf32>
        %sub3A_592 = arith.subf %get3A_123, %mul3A_591 : vector<16xf32>
        %add3A_593 = arith.addf %mul3A_590, %sub3A_592 : vector<16xf32>
        %swap3A_594 = arith.index_cast %mul3A_357 : i32 to index
        %swap3A_595 = arith.constant 16 : index
        %swap3A_596 = tpu.vector_load %arg13[%swap3A_594, %swap3A_595] {strides = array<i32>} : memref<100x128xf32, #tpu.memory_space<vmem>>, vector<16xf32>,
        tpu.vector_store %arg13[%swap3A_594, %swap3A_595], %add3A_593 {strides = array<i32>} : memref<100x128xf32, #tpu.memory_space<vmem>>, vector<16xf32>,
        %mul3A_597 = arith.mulf %mul3A_581, %get3A_95 : vector<16xf32>
        %mul3A_598 = arith.mulf %add3A_390, %mul3A_597 : vector<16xf32>
        %mul3A_599 = arith.mulf %mul3A_506, %mul3A_597 : vector<16xf32>
        %sub3A_600 = arith.subf %get3A_127, %mul3A_599 : vector<16xf32>
        %add3A_601 = arith.addf %mul3A_598, %sub3A_600 : vector<16xf32>
        %swap3A_602 = arith.index_cast %mul3A_357 : i32 to index
        %swap3A_603 = arith.constant 32 : index
        %swap3A_604 = tpu.vector_load %arg13[%swap3A_602, %swap3A_603] {strides = array<i32>} : memref<100x128xf32, #tpu.memory_space<vmem>>, vector<16xf32>,
        tpu.vector_store %arg13[%swap3A_602, %swap3A_603], %add3A_601 {strides = array<i32>} : memref<100x128xf32, #tpu.memory_space<vmem>>, vector<16xf32>,
        %mul3A_605 = arith.mulf %mul3A_581, %get3A_99 : vector<16xf32>
        %mul3A_606 = arith.mulf %add3A_400, %mul3A_605 : vector<16xf32>
        %mul3A_607 = arith.mulf %mul3A_506, %mul3A_605 : vector<16xf32>
        %sub3A_608 = arith.subf %get3A_131, %mul3A_607 : vector<16xf32>
        %add3A_609 = arith.addf %mul3A_606, %sub3A_608 : vector<16xf32>
        %swap3A_610 = arith.index_cast %mul3A_357 : i32 to index
        %swap3A_611 = arith.constant 48 : index
        %swap3A_612 = tpu.vector_load %arg13[%swap3A_610, %swap3A_611] {strides = array<i32>} : memref<100x128xf32, #tpu.memory_space<vmem>>, vector<16xf32>,
        tpu.vector_store %arg13[%swap3A_610, %swap3A_611], %add3A_609 {strides = array<i32>} : memref<100x128xf32, #tpu.memory_space<vmem>>, vector<16xf32>,
        %mul3A_613 = arith.mulf %mul3A_581, %get3A_103 : vector<16xf32>
        %mul3A_614 = arith.mulf %add3A_410, %mul3A_613 : vector<16xf32>
        %mul3A_615 = arith.mulf %mul3A_506, %mul3A_613 : vector<16xf32>
        %sub3A_616 = arith.subf %get3A_135, %mul3A_615 : vector<16xf32>
        %add3A_617 = arith.addf %mul3A_614, %sub3A_616 : vector<16xf32>
        %swap3A_618 = arith.index_cast %mul3A_357 : i32 to index
        %swap3A_619 = arith.constant 64 : index
        %swap3A_620 = tpu.vector_load %arg13[%swap3A_618, %swap3A_619] {strides = array<i32>} : memref<100x128xf32, #tpu.memory_space<vmem>>, vector<16xf32>,
        tpu.vector_store %arg13[%swap3A_618, %swap3A_619], %add3A_617 {strides = array<i32>} : memref<100x128xf32, #tpu.memory_space<vmem>>, vector<16xf32>,
        %mul3A_621 = arith.mulf %mul3A_581, %get3A_107 : vector<16xf32>
        %mul3A_622 = arith.mulf %add3A_420, %mul3A_621 : vector<16xf32>
        %mul3A_623 = arith.mulf %mul3A_506, %mul3A_621 : vector<16xf32>
        %sub3A_624 = arith.subf %get3A_139, %mul3A_623 : vector<16xf32>
        %add3A_625 = arith.addf %mul3A_622, %sub3A_624 : vector<16xf32>
        %swap3A_626 = arith.index_cast %mul3A_357 : i32 to index
        %swap3A_627 = arith.constant 80 : index
        %swap3A_628 = tpu.vector_load %arg13[%swap3A_626, %swap3A_627] {strides = array<i32>} : memref<100x128xf32, #tpu.memory_space<vmem>>, vector<16xf32>,
        tpu.vector_store %arg13[%swap3A_626, %swap3A_627], %add3A_625 {strides = array<i32>} : memref<100x128xf32, #tpu.memory_space<vmem>>, vector<16xf32>,
        %mul3A_629 = arith.mulf %mul3A_581, %get3A_111 : vector<16xf32>
        %mul3A_630 = arith.mulf %add3A_430, %mul3A_629 : vector<16xf32>
        %mul3A_631 = arith.mulf %mul3A_506, %mul3A_629 : vector<16xf32>
        %sub3A_632 = arith.subf %get3A_143, %mul3A_631 : vector<16xf32>
        %add3A_633 = arith.addf %mul3A_630, %sub3A_632 : vector<16xf32>
        %swap3A_634 = arith.index_cast %mul3A_357 : i32 to index
        %swap3A_635 = arith.constant 96 : index
        %swap3A_636 = tpu.vector_load %arg13[%swap3A_634, %swap3A_635] {strides = array<i32>} : memref<100x128xf32, #tpu.memory_space<vmem>>, vector<16xf32>,
        tpu.vector_store %arg13[%swap3A_634, %swap3A_635], %add3A_633 {strides = array<i32>} : memref<100x128xf32, #tpu.memory_space<vmem>>, vector<16xf32>,
        %mul3A_637 = arith.mulf %mul3A_581, %get3A_115 : vector<16xf32>
        %mul3A_638 = arith.mulf %add3A_440, %mul3A_637 : vector<16xf32>
        %mul3A_639 = arith.mulf %mul3A_506, %mul3A_637 : vector<16xf32>
        %sub3A_640 = arith.subf %get3A_147, %mul3A_639 : vector<16xf32>
        %add3A_641 = arith.addf %mul3A_638, %sub3A_640 : vector<16xf32>
        %swap3A_642 = arith.index_cast %mul3A_357 : i32 to index
        %swap3A_643 = arith.constant 112 : index
        %swap3A_644 = tpu.vector_load %arg13[%swap3A_642, %swap3A_643] {strides = array<i32>} : memref<100x128xf32, #tpu.memory_space<vmem>>, vector<16xf32>,
        tpu.vector_store %arg13[%swap3A_642, %swap3A_643], %add3A_641 {strides = array<i32>} : memref<100x128xf32, #tpu.memory_space<vmem>>, vector<16xf32>,
        %add3A_645 = arith.constant 1 : i32
        %add3A_646 = arith.addi %mul3A_357, %add3A_645 : i32
        %slice3A_647 = vector.extract_strided_slice %get3A_360 {offsets = [1], sizes = [1], strides = [1]} : vector<16xi32> to vector<1xi32>
        %squeeze3A_648 = vector.extract %slice3A_647[0] : i32 from vector<1xi32>
        %get3A_649 = arith.index_cast %add3A_646 : i32 to index
        %get3A_650 = arith.constant 0 : index
        %get3A_651 = tpu.vector_load %arg13[%get3A_649, %get3A_650] {strides = array<i32>} : memref<100x128xf32, #tpu.memory_space<vmem>>, vector<16xf32>,
        %add3A_652 = arith.constant 100 : i32
        %add3A_653 = arith.addi %add3A_652, %add3A_646 : i32
        %get3A_654 = arith.index_cast %squeeze3A_648 : i32 to index
        %get3A_655 = arith.index_cast %add3A_653 : i32 to index
        %get3A_656 = arith.constant 0 : index
        %get3A_657 = tpu.vector_load %arg16[%get3A_654, %get3A_655, %get3A_656] {strides = array<i32>} : memref<2x200x128xf32, #tpu.memory_space<vmem>>, vector<16xf32>,
        %add3A_658 = arith.addf %get3A_651, %get3A_657 : vector<16xf32>
        %get3A_659 = arith.index_cast %add3A_646 : i32 to index
        %get3A_660 = arith.constant 16 : index
        %get3A_661 = tpu.vector_load %arg13[%get3A_659, %get3A_660] {strides = array<i32>} : memref<100x128xf32, #tpu.memory_space<vmem>>, vector<16xf32>,
        %add3A_662 = arith.constant 100 : i32
        %add3A_663 = arith.addi %add3A_662, %add3A_646 : i32
        %get3A_664 = arith.index_cast %squeeze3A_648 : i32 to index
        %get3A_665 = arith.index_cast %add3A_663 : i32 to index
        %get3A_666 = arith.constant 16 : index
        %get3A_667 = tpu.vector_load %arg16[%get3A_664, %get3A_665, %get3A_666] {strides = array<i32>} : memref<2x200x128xf32, #tpu.memory_space<vmem>>, vector<16xf32>,
        %add3A_668 = arith.addf %get3A_661, %get3A_667 : vector<16xf32>
        %get3A_669 = arith.index_cast %add3A_646 : i32 to index
        %get3A_670 = arith.constant 32 : index
        %get3A_671 = tpu.vector_load %arg13[%get3A_669, %get3A_670] {strides = array<i32>} : memref<100x128xf32, #tpu.memory_space<vmem>>, vector<16xf32>,
        %add3A_672 = arith.constant 100 : i32
        %add3A_673 = arith.addi %add3A_672, %add3A_646 : i32
        %get3A_674 = arith.index_cast %squeeze3A_648 : i32 to index
        %get3A_675 = arith.index_cast %add3A_673 : i32 to index
        %get3A_676 = arith.constant 32 : index
        %get3A_677 = tpu.vector_load %arg16[%get3A_674, %get3A_675, %get3A_676] {strides = array<i32>} : memref<2x200x128xf32, #tpu.memory_space<vmem>>, vector<16xf32>,
        %add3A_678 = arith.addf %get3A_671, %get3A_677 : vector<16xf32>
        %get3A_679 = arith.index_cast %add3A_646 : i32 to index
        %get3A_680 = arith.constant 48 : index
        %get3A_681 = tpu.vector_load %arg13[%get3A_679, %get3A_680] {strides = array<i32>} : memref<100x128xf32, #tpu.memory_space<vmem>>, vector<16xf32>,
        %add3A_682 = arith.constant 100 : i32
        %add3A_683 = arith.addi %add3A_682, %add3A_646 : i32
        %get3A_684 = arith.index_cast %squeeze3A_648 : i32 to index
        %get3A_685 = arith.index_cast %add3A_683 : i32 to index
        %get3A_686 = arith.constant 48 : index
        %get3A_687 = tpu.vector_load %arg16[%get3A_684, %get3A_685, %get3A_686] {strides = array<i32>} : memref<2x200x128xf32, #tpu.memory_space<vmem>>, vector<16xf32>,
        %add3A_688 = arith.addf %get3A_681, %get3A_687 : vector<16xf32>
        %get3A_689 = arith.index_cast %add3A_646 : i32 to index
        %get3A_690 = arith.constant 64 : index
        %get3A_691 = tpu.vector_load %arg13[%get3A_689, %get3A_690] {strides = array<i32>} : memref<100x128xf32, #tpu.memory_space<vmem>>, vector<16xf32>,
        %add3A_692 = arith.constant 100 : i32
        %add3A_693 = arith.addi %add3A_692, %add3A_646 : i32
        %get3A_694 = arith.index_cast %squeeze3A_648 : i32 to index
        %get3A_695 = arith.index_cast %add3A_693 : i32 to index
        %get3A_696 = arith.constant 64 : index
        %get3A_697 = tpu.vector_load %arg16[%get3A_694, %get3A_695, %get3A_696] {strides = array<i32>} : memref<2x200x128xf32, #tpu.memory_space<vmem>>, vector<16xf32>,
        %add3A_698 = arith.addf %get3A_691, %get3A_697 : vector<16xf32>
        %get3A_699 = arith.index_cast %add3A_646 : i32 to index
        %get3A_700 = arith.constant 80 : index
        %get3A_701 = tpu.vector_load %arg13[%get3A_699, %get3A_700] {strides = array<i32>} : memref<100x128xf32, #tpu.memory_space<vmem>>, vector<16xf32>,
        %add3A_702 = arith.constant 100 : i32
        %add3A_703 = arith.addi %add3A_702, %add3A_646 : i32
        %get3A_704 = arith.index_cast %squeeze3A_648 : i32 to index
        %get3A_705 = arith.index_cast %add3A_703 : i32 to index
        %get3A_706 = arith.constant 80 : index
        %get3A_707 = tpu.vector_load %arg16[%get3A_704, %get3A_705, %get3A_706] {strides = array<i32>} : memref<2x200x128xf32, #tpu.memory_space<vmem>>, vector<16xf32>,
        %add3A_708 = arith.addf %get3A_701, %get3A_707 : vector<16xf32>
        %get3A_709 = arith.index_cast %add3A_646 : i32 to index
        %get3A_710 = arith.constant 96 : index
        %get3A_711 = tpu.vector_load %arg13[%get3A_709, %get3A_710] {strides = array<i32>} : memref<100x128xf32, #tpu.memory_space<vmem>>, vector<16xf32>,
        %add3A_712 = arith.constant 100 : i32
        %add3A_713 = arith.addi %add3A_712, %add3A_646 : i32
        %get3A_714 = arith.index_cast %squeeze3A_648 : i32 to index
        %get3A_715 = arith.index_cast %add3A_713 : i32 to index
        %get3A_716 = arith.constant 96 : index
        %get3A_717 = tpu.vector_load %arg16[%get3A_714, %get3A_715, %get3A_716] {strides = array<i32>} : memref<2x200x128xf32, #tpu.memory_space<vmem>>, vector<16xf32>,
        %add3A_718 = arith.addf %get3A_711, %get3A_717 : vector<16xf32>
        %get3A_719 = arith.index_cast %add3A_646 : i32 to index
        %get3A_720 = arith.constant 112 : index
        %get3A_721 = tpu.vector_load %arg13[%get3A_719, %get3A_720] {strides = array<i32>} : memref<100x128xf32, #tpu.memory_space<vmem>>, vector<16xf32>,
        %add3A_722 = arith.constant 100 : i32
        %add3A_723 = arith.addi %add3A_722, %add3A_646 : i32
        %get3A_724 = arith.index_cast %squeeze3A_648 : i32 to index
        %get3A_725 = arith.index_cast %add3A_723 : i32 to index
        %get3A_726 = arith.constant 112 : index
        %get3A_727 = tpu.vector_load %arg16[%get3A_724, %get3A_725, %get3A_726] {strides = array<i32>} : memref<2x200x128xf32, #tpu.memory_space<vmem>>, vector<16xf32>,
        %add3A_728 = arith.addf %get3A_721, %get3A_727 : vector<16xf32>
        %add3A_729 = arith.addf %add3A_658, %add3A_668 : vector<16xf32>
        %add3A_730 = arith.addf %add3A_678, %add3A_688 : vector<16xf32>
        %add3A_731 = arith.addf %add3A_729, %add3A_730 : vector<16xf32>
        %add3A_732 = arith.addf %add3A_698, %add3A_708 : vector<16xf32>
        %add3A_733 = arith.addf %add3A_718, %add3A_728 : vector<16xf32>
        %add3A_734 = arith.addf %add3A_732, %add3A_733 : vector<16xf32>
        %add3A_735 = arith.addf %add3A_731, %add3A_734 : vector<16xf32>
        %mul3A_736 = arith.mulf %add3A_658, %add3A_658 : vector<16xf32>
        %mul3A_737 = arith.mulf %add3A_668, %add3A_668 : vector<16xf32>
        %add3A_738 = arith.addf %mul3A_736, %mul3A_737 : vector<16xf32>
        %mul3A_739 = arith.mulf %add3A_678, %add3A_678 : vector<16xf32>
        %add3A_740 = arith.addf %add3A_738, %mul3A_739 : vector<16xf32>
        %mul3A_741 = arith.mulf %add3A_688, %add3A_688 : vector<16xf32>
        %add3A_742 = arith.addf %add3A_740, %mul3A_741 : vector<16xf32>
        %mul3A_743 = arith.mulf %add3A_698, %add3A_698 : vector<16xf32>
        %add3A_744 = arith.addf %add3A_742, %mul3A_743 : vector<16xf32>
        %mul3A_745 = arith.mulf %add3A_708, %add3A_708 : vector<16xf32>
        %add3A_746 = arith.addf %add3A_744, %mul3A_745 : vector<16xf32>
        %mul3A_747 = arith.mulf %add3A_718, %add3A_718 : vector<16xf32>
        %add3A_748 = arith.addf %add3A_746, %mul3A_747 : vector<16xf32>
        %mul3A_749 = arith.mulf %add3A_728, %add3A_728 : vector<16xf32>
        %add3A_750 = arith.addf %add3A_748, %mul3A_749 : vector<16xf32>
        %lt3A_751 = arith.constant 0 : i32
        %lt3A_752 = vector.broadcast %lt3A_751 : i32 to vector<16xi32>
        %lt3A_753 = arith.cmpi slt, %xor3A_11, %lt3A_752 : vector<16xi32>
        %add3A_754 = arith.constant 16 : i32
        %add3A_755 = vector.broadcast %add3A_754 : i32 to vector<16xi32>
        %add3A_756 = arith.addi %xor3A_11, %add3A_755 : vector<16xi32>
        %select_n3A_757 = arith.select %lt3A_753, %add3A_756, %xor3A_11 : vector<16xi1>, vector<16xi32>
        %broadcast_in_dim3A_758 = vector.shape_cast %select_n3A_757 : vector<16xi32> to vector<16x1xi32>
        %gather3A_759 = vector.shape_cast %broadcast_in_dim3A_758 : vector<16x1xi32> to vector<16xi32>
        %gather3A_760 = tpu.dynamic_gather %add3A_735[%gather3A_759] in [0] : vector<16xf32>, vector<16xi32> -> vector<16xf32>
        %add3A_761 = arith.addf %add3A_735, %gather3A_760 : vector<16xf32>
        %lt3A_762 = arith.constant 0 : i32
        %lt3A_763 = vector.broadcast %lt3A_762 : i32 to vector<16xi32>
        %lt3A_764 = arith.cmpi slt, %xor3A_14, %lt3A_763 : vector<16xi32>
        %add3A_765 = arith.constant 16 : i32
        %add3A_766 = vector.broadcast %add3A_765 : i32 to vector<16xi32>
        %add3A_767 = arith.addi %xor3A_14, %add3A_766 : vector<16xi32>
        %select_n3A_768 = arith.select %lt3A_764, %add3A_767, %xor3A_14 : vector<16xi1>, vector<16xi32>
        %broadcast_in_dim3A_769 = vector.shape_cast %select_n3A_768 : vector<16xi32> to vector<16x1xi32>
        %gather3A_770 = vector.shape_cast %broadcast_in_dim3A_769 : vector<16x1xi32> to vector<16xi32>
        %gather3A_771 = tpu.dynamic_gather %add3A_761[%gather3A_770] in [0] : vector<16xf32>, vector<16xi32> -> vector<16xf32>
        %add3A_772 = arith.addf %add3A_761, %gather3A_771 : vector<16xf32>
        %lt3A_773 = arith.constant 0 : i32
        %lt3A_774 = vector.broadcast %lt3A_773 : i32 to vector<16xi32>
        %lt3A_775 = arith.cmpi slt, %xor3A_17, %lt3A_774 : vector<16xi32>
        %add3A_776 = arith.constant 16 : i32
        %add3A_777 = vector.broadcast %add3A_776 : i32 to vector<16xi32>
        %add3A_778 = arith.addi %xor3A_17, %add3A_777 : vector<16xi32>
        %select_n3A_779 = arith.select %lt3A_775, %add3A_778, %xor3A_17 : vector<16xi1>, vector<16xi32>
        %broadcast_in_dim3A_780 = vector.shape_cast %select_n3A_779 : vector<16xi32> to vector<16x1xi32>
        %gather3A_781 = vector.shape_cast %broadcast_in_dim3A_780 : vector<16x1xi32> to vector<16xi32>
        %gather3A_782 = tpu.dynamic_gather %add3A_772[%gather3A_781] in [0] : vector<16xf32>, vector<16xi32> -> vector<16xf32>
        %add3A_783 = arith.addf %add3A_772, %gather3A_782 : vector<16xf32>
        %lt3A_784 = arith.constant 0 : i32
        %lt3A_785 = vector.broadcast %lt3A_784 : i32 to vector<16xi32>
        %lt3A_786 = arith.cmpi slt, %xor3A_20, %lt3A_785 : vector<16xi32>
        %add3A_787 = arith.constant 16 : i32
        %add3A_788 = vector.broadcast %add3A_787 : i32 to vector<16xi32>
        %add3A_789 = arith.addi %xor3A_20, %add3A_788 : vector<16xi32>
        %select_n3A_790 = arith.select %lt3A_786, %add3A_789, %xor3A_20 : vector<16xi1>, vector<16xi32>
        %broadcast_in_dim3A_791 = vector.shape_cast %select_n3A_790 : vector<16xi32> to vector<16x1xi32>
        %gather3A_792 = vector.shape_cast %broadcast_in_dim3A_791 : vector<16x1xi32> to vector<16xi32>
        %gather3A_793 = tpu.dynamic_gather %add3A_783[%gather3A_792] in [0] : vector<16xf32>, vector<16xi32> -> vector<16xf32>
        %add3A_794 = arith.addf %add3A_783, %gather3A_793 : vector<16xf32>
        %mul3A_795 = arith.constant 7.812500e-03 : f32
        %mul3A_796 = vector.broadcast %mul3A_795 : f32 to vector<16xf32>
        %mul3A_797 = arith.mulf %add3A_794, %mul3A_796 : vector<16xf32>
        %lt3A_798 = arith.constant 0 : i32
        %lt3A_799 = vector.broadcast %lt3A_798 : i32 to vector<16xi32>
        %lt3A_800 = arith.cmpi slt, %xor3A_11, %lt3A_799 : vector<16xi32>
        %add3A_801 = arith.constant 16 : i32
        %add3A_802 = vector.broadcast %add3A_801 : i32 to vector<16xi32>
        %add3A_803 = arith.addi %xor3A_11, %add3A_802 : vector<16xi32>
        %select_n3A_804 = arith.select %lt3A_800, %add3A_803, %xor3A_11 : vector<16xi1>, vector<16xi32>
        %broadcast_in_dim3A_805 = vector.shape_cast %select_n3A_804 : vector<16xi32> to vector<16x1xi32>
        %gather3A_806 = vector.shape_cast %broadcast_in_dim3A_805 : vector<16x1xi32> to vector<16xi32>
        %gather3A_807 = tpu.dynamic_gather %add3A_750[%gather3A_806] in [0] : vector<16xf32>, vector<16xi32> -> vector<16xf32>
        %add3A_808 = arith.addf %add3A_750, %gather3A_807 : vector<16xf32>
        %lt3A_809 = arith.constant 0 : i32
        %lt3A_810 = vector.broadcast %lt3A_809 : i32 to vector<16xi32>
        %lt3A_811 = arith.cmpi slt, %xor3A_14, %lt3A_810 : vector<16xi32>
        %add3A_812 = arith.constant 16 : i32
        %add3A_813 = vector.broadcast %add3A_812 : i32 to vector<16xi32>
        %add3A_814 = arith.addi %xor3A_14, %add3A_813 : vector<16xi32>
        %select_n3A_815 = arith.select %lt3A_811, %add3A_814, %xor3A_14 : vector<16xi1>, vector<16xi32>
        %broadcast_in_dim3A_816 = vector.shape_cast %select_n3A_815 : vector<16xi32> to vector<16x1xi32>
        %gather3A_817 = vector.shape_cast %broadcast_in_dim3A_816 : vector<16x1xi32> to vector<16xi32>
        %gather3A_818 = tpu.dynamic_gather %add3A_808[%gather3A_817] in [0] : vector<16xf32>, vector<16xi32> -> vector<16xf32>
        %add3A_819 = arith.addf %add3A_808, %gather3A_818 : vector<16xf32>
        %lt3A_820 = arith.constant 0 : i32
        %lt3A_821 = vector.broadcast %lt3A_820 : i32 to vector<16xi32>
        %lt3A_822 = arith.cmpi slt, %xor3A_17, %lt3A_821 : vector<16xi32>
        %add3A_823 = arith.constant 16 : i32
        %add3A_824 = vector.broadcast %add3A_823 : i32 to vector<16xi32>
        %add3A_825 = arith.addi %xor3A_17, %add3A_824 : vector<16xi32>
        %select_n3A_826 = arith.select %lt3A_822, %add3A_825, %xor3A_17 : vector<16xi1>, vector<16xi32>
        %broadcast_in_dim3A_827 = vector.shape_cast %select_n3A_826 : vector<16xi32> to vector<16x1xi32>
        %gather3A_828 = vector.shape_cast %broadcast_in_dim3A_827 : vector<16x1xi32> to vector<16xi32>
        %gather3A_829 = tpu.dynamic_gather %add3A_819[%gather3A_828] in [0] : vector<16xf32>, vector<16xi32> -> vector<16xf32>
        %add3A_830 = arith.addf %add3A_819, %gather3A_829 : vector<16xf32>
        %lt3A_831 = arith.constant 0 : i32
        %lt3A_832 = vector.broadcast %lt3A_831 : i32 to vector<16xi32>
        %lt3A_833 = arith.cmpi slt, %xor3A_20, %lt3A_832 : vector<16xi32>
        %add3A_834 = arith.constant 16 : i32
        %add3A_835 = vector.broadcast %add3A_834 : i32 to vector<16xi32>
        %add3A_836 = arith.addi %xor3A_20, %add3A_835 : vector<16xi32>
        %select_n3A_837 = arith.select %lt3A_833, %add3A_836, %xor3A_20 : vector<16xi1>, vector<16xi32>
        %broadcast_in_dim3A_838 = vector.shape_cast %select_n3A_837 : vector<16xi32> to vector<16x1xi32>
        %gather3A_839 = vector.shape_cast %broadcast_in_dim3A_838 : vector<16x1xi32> to vector<16xi32>
        %gather3A_840 = tpu.dynamic_gather %add3A_830[%gather3A_839] in [0] : vector<16xf32>, vector<16xi32> -> vector<16xf32>
        %add3A_841 = arith.addf %add3A_830, %gather3A_840 : vector<16xf32>
        %mul3A_842 = arith.constant 7.812500e-03 : f32
        %mul3A_843 = vector.broadcast %mul3A_842 : f32 to vector<16xf32>
        %mul3A_844 = arith.mulf %add3A_841, %mul3A_843 : vector<16xf32>
        %mul3A_845 = arith.mulf %mul3A_797, %mul3A_797 : vector<16xf32>
        %sub3A_846 = arith.subf %mul3A_844, %mul3A_845 : vector<16xf32>
        %add3A_847 = arith.constant 9.99999974E-6 : f32
        %add3A_848 = vector.broadcast %add3A_847 : f32 to vector<16xf32>
        %add3A_849 = arith.addf %sub3A_846, %add3A_848 : vector<16xf32>
        %bitcast3A_850 = vector.bitcast %add3A_849 : vector<16xf32> to vector<16xi32>
        %shift_right_arithmetic3A_851 = arith.constant 1 : i32
        %shift_right_arithmetic3A_852 = vector.broadcast %shift_right_arithmetic3A_851 : i32 to vector<16xi32>
        %shift_right_arithmetic3A_853 = arith.shrsi %bitcast3A_850, %shift_right_arithmetic3A_852 : vector<16xi32>
        %sub3A_854 = arith.constant 1597463007 : i32
        %sub3A_855 = vector.broadcast %sub3A_854 : i32 to vector<16xi32>
        %sub3A_856 = arith.subi %sub3A_855, %shift_right_arithmetic3A_853 : vector<16xi32>
        %bitcast3A_857 = vector.bitcast %sub3A_856 : vector<16xi32> to vector<16xf32>
        %mul3A_858 = arith.constant 5.000000e-01 : f32
        %mul3A_859 = vector.broadcast %mul3A_858 : f32 to vector<16xf32>
        %mul3A_860 = arith.mulf %mul3A_859, %add3A_849 : vector<16xf32>
        %mul3A_861 = arith.mulf %mul3A_860, %bitcast3A_857 : vector<16xf32>
        %mul3A_862 = arith.mulf %mul3A_861, %bitcast3A_857 : vector<16xf32>
        %sub3A_863 = arith.constant 1.500000e+00 : f32
        %sub3A_864 = vector.broadcast %sub3A_863 : f32 to vector<16xf32>
        %sub3A_865 = arith.subf %sub3A_864, %mul3A_862 : vector<16xf32>
        %mul3A_866 = arith.mulf %bitcast3A_857, %sub3A_865 : vector<16xf32>
        %mul3A_867 = arith.constant 5.000000e-01 : f32
        %mul3A_868 = vector.broadcast %mul3A_867 : f32 to vector<16xf32>
        %mul3A_869 = arith.mulf %mul3A_868, %add3A_849 : vector<16xf32>
        %mul3A_870 = arith.mulf %mul3A_869, %mul3A_866 : vector<16xf32>
        %mul3A_871 = arith.mulf %mul3A_870, %mul3A_866 : vector<16xf32>
        %sub3A_872 = arith.constant 1.500000e+00 : f32
        %sub3A_873 = vector.broadcast %sub3A_872 : f32 to vector<16xf32>
        %sub3A_874 = arith.subf %sub3A_873, %mul3A_871 : vector<16xf32>
        %mul3A_875 = arith.mulf %mul3A_866, %sub3A_874 : vector<16xf32>
        %mul3A_876 = arith.mulf %mul3A_875, %get3A_87 : vector<16xf32>
        %mul3A_877 = arith.mulf %add3A_658, %mul3A_876 : vector<16xf32>
        %mul3A_878 = arith.mulf %mul3A_797, %mul3A_876 : vector<16xf32>
        %sub3A_879 = arith.subf %get3A_119, %mul3A_878 : vector<16xf32>
        %add3A_880 = arith.addf %mul3A_877, %sub3A_879 : vector<16xf32>
        %swap3A_881 = arith.index_cast %add3A_646 : i32 to index
        %swap3A_882 = arith.constant 0 : index
        %swap3A_883 = tpu.vector_load %arg13[%swap3A_881, %swap3A_882] {strides = array<i32>} : memref<100x128xf32, #tpu.memory_space<vmem>>, vector<16xf32>,
        tpu.vector_store %arg13[%swap3A_881, %swap3A_882], %add3A_880 {strides = array<i32>} : memref<100x128xf32, #tpu.memory_space<vmem>>, vector<16xf32>,
        %mul3A_884 = arith.mulf %mul3A_875, %get3A_91 : vector<16xf32>
        %mul3A_885 = arith.mulf %add3A_668, %mul3A_884 : vector<16xf32>
        %mul3A_886 = arith.mulf %mul3A_797, %mul3A_884 : vector<16xf32>
        %sub3A_887 = arith.subf %get3A_123, %mul3A_886 : vector<16xf32>
        %add3A_888 = arith.addf %mul3A_885, %sub3A_887 : vector<16xf32>
        %swap3A_889 = arith.index_cast %add3A_646 : i32 to index
        %swap3A_890 = arith.constant 16 : index
        %swap3A_891 = tpu.vector_load %arg13[%swap3A_889, %swap3A_890] {strides = array<i32>} : memref<100x128xf32, #tpu.memory_space<vmem>>, vector<16xf32>,
        tpu.vector_store %arg13[%swap3A_889, %swap3A_890], %add3A_888 {strides = array<i32>} : memref<100x128xf32, #tpu.memory_space<vmem>>, vector<16xf32>,
        %mul3A_892 = arith.mulf %mul3A_875, %get3A_95 : vector<16xf32>
        %mul3A_893 = arith.mulf %add3A_678, %mul3A_892 : vector<16xf32>
        %mul3A_894 = arith.mulf %mul3A_797, %mul3A_892 : vector<16xf32>
        %sub3A_895 = arith.subf %get3A_127, %mul3A_894 : vector<16xf32>
        %add3A_896 = arith.addf %mul3A_893, %sub3A_895 : vector<16xf32>
        %swap3A_897 = arith.index_cast %add3A_646 : i32 to index
        %swap3A_898 = arith.constant 32 : index
        %swap3A_899 = tpu.vector_load %arg13[%swap3A_897, %swap3A_898] {strides = array<i32>} : memref<100x128xf32, #tpu.memory_space<vmem>>, vector<16xf32>,
        tpu.vector_store %arg13[%swap3A_897, %swap3A_898], %add3A_896 {strides = array<i32>} : memref<100x128xf32, #tpu.memory_space<vmem>>, vector<16xf32>,
        %mul3A_900 = arith.mulf %mul3A_875, %get3A_99 : vector<16xf32>
        %mul3A_901 = arith.mulf %add3A_688, %mul3A_900 : vector<16xf32>
        %mul3A_902 = arith.mulf %mul3A_797, %mul3A_900 : vector<16xf32>
        %sub3A_903 = arith.subf %get3A_131, %mul3A_902 : vector<16xf32>
        %add3A_904 = arith.addf %mul3A_901, %sub3A_903 : vector<16xf32>
        %swap3A_905 = arith.index_cast %add3A_646 : i32 to index
        %swap3A_906 = arith.constant 48 : index
        %swap3A_907 = tpu.vector_load %arg13[%swap3A_905, %swap3A_906] {strides = array<i32>} : memref<100x128xf32, #tpu.memory_space<vmem>>, vector<16xf32>,
        tpu.vector_store %arg13[%swap3A_905, %swap3A_906], %add3A_904 {strides = array<i32>} : memref<100x128xf32, #tpu.memory_space<vmem>>, vector<16xf32>,
        %mul3A_908 = arith.mulf %mul3A_875, %get3A_103 : vector<16xf32>
        %mul3A_909 = arith.mulf %add3A_698, %mul3A_908 : vector<16xf32>
        %mul3A_910 = arith.mulf %mul3A_797, %mul3A_908 : vector<16xf32>
        %sub3A_911 = arith.subf %get3A_135, %mul3A_910 : vector<16xf32>
        %add3A_912 = arith.addf %mul3A_909, %sub3A_911 : vector<16xf32>
        %swap3A_913 = arith.index_cast %add3A_646 : i32 to index
        %swap3A_914 = arith.constant 64 : index
        %swap3A_915 = tpu.vector_load %arg13[%swap3A_913, %swap3A_914] {strides = array<i32>} : memref<100x128xf32, #tpu.memory_space<vmem>>, vector<16xf32>,
        tpu.vector_store %arg13[%swap3A_913, %swap3A_914], %add3A_912 {strides = array<i32>} : memref<100x128xf32, #tpu.memory_space<vmem>>, vector<16xf32>,
        %mul3A_916 = arith.mulf %mul3A_875, %get3A_107 : vector<16xf32>
        %mul3A_917 = arith.mulf %add3A_708, %mul3A_916 : vector<16xf32>
        %mul3A_918 = arith.mulf %mul3A_797, %mul3A_916 : vector<16xf32>
        %sub3A_919 = arith.subf %get3A_139, %mul3A_918 : vector<16xf32>
        %add3A_920 = arith.addf %mul3A_917, %sub3A_919 : vector<16xf32>
        %swap3A_921 = arith.index_cast %add3A_646 : i32 to index
        %swap3A_922 = arith.constant 80 : index
        %swap3A_923 = tpu.vector_load %arg13[%swap3A_921, %swap3A_922] {strides = array<i32>} : memref<100x128xf32, #tpu.memory_space<vmem>>, vector<16xf32>,
        tpu.vector_store %arg13[%swap3A_921, %swap3A_922], %add3A_920 {strides = array<i32>} : memref<100x128xf32, #tpu.memory_space<vmem>>, vector<16xf32>,
        %mul3A_924 = arith.mulf %mul3A_875, %get3A_111 : vector<16xf32>
        %mul3A_925 = arith.mulf %add3A_718, %mul3A_924 : vector<16xf32>
        %mul3A_926 = arith.mulf %mul3A_797, %mul3A_924 : vector<16xf32>
        %sub3A_927 = arith.subf %get3A_143, %mul3A_926 : vector<16xf32>
        %add3A_928 = arith.addf %mul3A_925, %sub3A_927 : vector<16xf32>
        %swap3A_929 = arith.index_cast %add3A_646 : i32 to index
        %swap3A_930 = arith.constant 96 : index
        %swap3A_931 = tpu.vector_load %arg13[%swap3A_929, %swap3A_930] {strides = array<i32>} : memref<100x128xf32, #tpu.memory_space<vmem>>, vector<16xf32>,
        tpu.vector_store %arg13[%swap3A_929, %swap3A_930], %add3A_928 {strides = array<i32>} : memref<100x128xf32, #tpu.memory_space<vmem>>, vector<16xf32>,
        %mul3A_932 = arith.mulf %mul3A_875, %get3A_115 : vector<16xf32>
        %mul3A_933 = arith.mulf %add3A_728, %mul3A_932 : vector<16xf32>
        %mul3A_934 = arith.mulf %mul3A_797, %mul3A_932 : vector<16xf32>
        %sub3A_935 = arith.subf %get3A_147, %mul3A_934 : vector<16xf32>
        %add3A_936 = arith.addf %mul3A_933, %sub3A_935 : vector<16xf32>
        %swap3A_937 = arith.index_cast %add3A_646 : i32 to index
        %swap3A_938 = arith.constant 112 : index
        %swap3A_939 = tpu.vector_load %arg13[%swap3A_937, %swap3A_938] {strides = array<i32>} : memref<100x128xf32, #tpu.memory_space<vmem>>, vector<16xf32>,
        tpu.vector_store %arg13[%swap3A_937, %swap3A_938], %add3A_936 {strides = array<i32>} : memref<100x128xf32, #tpu.memory_space<vmem>>, vector<16xf32>,
        %scan3A_940 = arith.constant 0 : i32
        scf.yield %scan3A_940 : i32
      }
      %scan3A_249 = arith.constant 50 : i32
      %ge3A_250 = arith.constant 2 : i32
      %ge3A_251 = arith.cmpi sge, %add3A_233, %ge3A_250 : i32
      %convert_element_type3A_252 = arith.extui %ge3A_251 : i1 to i32
      %cond3A_253 = arith.constant 0 : i32
      %cond3A_254 = arith.cmpi ne, %convert_element_type3A_252, %cond3A_253 : i32
      scf.if %cond3A_254 {
        %dma_wait3A_354 = arith.constant 0 : i32
        %dma_wait3A_355 = arith.constant 0 : i32
        %dma_wait3A_356 = arith.constant 0 : i32
        %dma_wait3A_357 = tpu.memref_slice %arg9[%dma_wait3A_354, %dma_wait3A_355, %dma_wait3A_356] : memref<2048x100x128xf32, #tpu.memory_space<hbm>> -> memref<1x100x128xf32, #tpu.memory_space<hbm>>
        %dma_wait3A_358 = tpu.memref_squeeze %dma_wait3A_357 : memref<1x100x128xf32, #tpu.memory_space<hbm>> -> memref<100x128xf32, #tpu.memory_space<hbm>>
        %dma_wait3A_359 = arith.constant 0 : i32
        %dma_wait3A_360 = arith.constant 0 : i32
        %dma_wait3A_361 = tpu.memref_slice %arg9[%dma_wait3A_354, %dma_wait3A_359, %dma_wait3A_360] : memref<2048x100x128xf32, #tpu.memory_space<hbm>> -> memref<1x100x128xf32, #tpu.memory_space<hbm>>
        %dma_wait3A_362 = tpu.memref_squeeze %dma_wait3A_361 : memref<1x100x128xf32, #tpu.memory_space<hbm>> -> memref<100x128xf32, #tpu.memory_space<hbm>>
        tpu.wait_dma2 semaphore(%arg26 : memref<!tpu.dma_semaphore, #tpu.memory_space<semaphore_mem>>) src(%arg15 : memref<100x128xf32, #tpu.memory_space<vmem>>) dst(%dma_wait3A_362 : memref<100x128xf32, #tpu.memory_space<hbm>>)
      } else {
      }
      %add3A_255 = arith.constant 2 : i32
      %add3A_256 = arith.addi %add3A_233, %add3A_255 : i32
      %lt3A_257 = arith.constant 64 : i32
      %lt3A_258 = arith.cmpi slt, %add3A_256, %lt3A_257 : i32
      %convert_element_type3A_259 = arith.extui %lt3A_258 : i1 to i32
      %cond3A_260 = arith.constant 0 : i32
      %cond3A_261 = arith.cmpi ne, %convert_element_type3A_259, %cond3A_260 : i32
      scf.if %cond3A_261 {
        %add3A_354 = arith.constant 2 : i32
        %add3A_355 = arith.addi %add3A_233, %add3A_354 : i32
        %dma_start3A_356 = arith.constant 0 : i32
        %dma_start3A_357 = tpu.memref_slice %arg10[%add3A_355, %dma_start3A_356] : memref<64x100xi32, #tpu.memory_space<vmem>> -> memref<1x100xi32, #tpu.memory_space<vmem>>
        %dma_start3A_358 = tpu.memref_squeeze %dma_start3A_357 : memref<1x100xi32, #tpu.memory_space<vmem>> -> memref<100xi32, #tpu.memory_space<vmem>>
        %dma_start3A_359 = arith.constant 0 : i32
        %dma_start3A_360 = arith.constant 0 : i32
        %dma_start3A_361 = tpu.memref_slice %arg4[%dma_start3A_359, %dma_start3A_360] : memref<100000x128xf32, #tpu.memory_space<hbm>> -> memref<100000x128xf32, #tpu.memory_space<hbm>>
        tpu.enqueue_indirect_dma source(%dma_start3A_361 : memref<100000x128xf32, #tpu.memory_space<hbm>>) target(%arg15 : memref<100x128xf32, #tpu.memory_space<vmem>>) offsets(%dma_start3A_358 : memref<100xi32, #tpu.memory_space<vmem>>) semaphore(%arg22 : memref<!tpu.dma_semaphore, #tpu.memory_space<semaphore_mem>>)
      } else {
      }
      %add3A_262 = arith.addi %mul3A_2, %add3A_233 : i32
      %dma_start3A_263 = arith.constant 0 : i32
      %dma_start3A_264 = arith.constant 0 : i32
      %dma_start3A_265 = tpu.memref_slice %arg9[%add3A_262, %dma_start3A_263, %dma_start3A_264] : memref<2048x100x128xf32, #tpu.memory_space<hbm>> -> memref<1x100x128xf32, #tpu.memory_space<hbm>>
      %dma_start3A_266 = tpu.memref_squeeze %dma_start3A_265 : memref<1x100x128xf32, #tpu.memory_space<hbm>> -> memref<100x128xf32, #tpu.memory_space<hbm>>
      %dma_start3A_267 = arith.constant 0 : i32
      %dma_start3A_268 = arith.constant 0 : i32
      %dma_start3A_269 = tpu.memref_slice %arg9[%add3A_262, %dma_start3A_267, %dma_start3A_268] : memref<2048x100x128xf32, #tpu.memory_space<hbm>> -> memref<1x100x128xf32, #tpu.memory_space<hbm>>
      %dma_start3A_270 = tpu.memref_squeeze %dma_start3A_269 : memref<1x100x128xf32, #tpu.memory_space<hbm>> -> memref<100x128xf32, #tpu.memory_space<hbm>>
      tpu.enqueue_dma source(%arg13 : memref<100x128xf32, #tpu.memory_space<vmem>>) target(%dma_start3A_270 : memref<100x128xf32, #tpu.memory_space<hbm>>) target_semaphore(%arg24 : memref<!tpu.dma_semaphore, #tpu.memory_space<semaphore_mem>>)
      %mul3A_271 = arith.constant 4 : i32
      %mul3A_272 = arith.muli %mul3A_271, %scan3A_191 : i32
      %add3A_273 = arith.constant 2 : i32
      %add3A_274 = arith.addi %mul3A_272, %add3A_273 : i32
      %dma_wait3A_275 = arith.constant 0 : i32
      %dma_wait3A_276 = arith.constant 0 : i32
      %dma_wait3A_277 = tpu.memref_slice %arg10[%dma_wait3A_275, %dma_wait3A_276] : memref<64x100xi32, #tpu.memory_space<vmem>> -> memref<1x100xi32, #tpu.memory_space<vmem>>
      %dma_wait3A_278 = tpu.memref_squeeze %dma_wait3A_277 : memref<1x100xi32, #tpu.memory_space<vmem>> -> memref<100xi32, #tpu.memory_space<vmem>>
      %dma_wait3A_279 = arith.constant 0 : i32
      %dma_wait3A_280 = arith.constant 0 : i32
      %dma_wait3A_281 = tpu.memref_slice %arg4[%dma_wait3A_279, %dma_wait3A_280] : memref<100000x128xf32, #tpu.memory_space<hbm>> -> memref<100000x128xf32, #tpu.memory_space<hbm>>
      tpu.wait_indirect_dma semaphore(%arg21 : memref<!tpu.dma_semaphore, #tpu.memory_space<semaphore_mem>>) src(%dma_wait3A_281 : memref<100000x128xf32, #tpu.memory_space<hbm>>) dst(%arg14 : memref<100x128xf32, #tpu.memory_space<vmem>>)
      %mul3A_282 = arith.constant 100 : i32
      %mul3A_283 = arith.muli %add3A_274, %mul3A_282 : i32
      %scan3A_284 = arith.constant 0 : i32
      %scan3A_285 = arith.constant 0 : i32
      %scan3A_286 = arith.constant 50 : i32
      %scan3A_287 = arith.addi %scan3A_285, %scan3A_286 : i32
      %scan3A_288 = arith.constant 1 : i32
      %scan3A_289 = scf.for %scan3A_354 = %scan3A_285 to %scan3A_287 step %scan3A_288 iter_args(%scan3A_355 = %scan3A_284) -> (i32)  : i32 {
        %mul3A_356 = arith.constant 2 : i32
        %mul3A_357 = arith.muli %mul3A_356, %scan3A_354 : i32
        %add3A_358 = arith.addi %mul3A_283, %mul3A_357 : i32
        %get3A_359 = arith.index_cast %add3A_358 : i32 to index
        %get3A_360 = tpu.vector_load %arg11[%get3A_359] {strides = array<i32>} : memref<6416xi32, #tpu.memory_space<vmem>>, vector<16xi32>,
        %slice3A = vector.extract_strided_slice %get3A_360 {offsets = [0], sizes = [1], strides = [1]} : vector<16xi32> to vector<1xi32>
        %squeeze3A = vector.extract %slice3A[0] : i32 from vector<1xi32>
        %get3A_361 = arith.index_cast %mul3A_357 : i32 to index
        %get3A_362 = arith.constant 0 : index
        %get3A_363 = tpu.vector_load %arg14[%get3A_361, %get3A_362] {strides = array<i32>} : memref<100x128xf32, #tpu.memory_space<vmem>>, vector<16xf32>,
        %add3A_364 = arith.constant 0 : i32
        %add3A_365 = arith.addi %add3A_364, %mul3A_357 : i32
        %get3A_366 = arith.index_cast %squeeze3A : i32 to index
        %get3A_367 = arith.index_cast %add3A_365 : i32 to index
        %get3A_368 = arith.constant 0 : index
        %get3A_369 = tpu.vector_load %arg16[%get3A_366, %get3A_367, %get3A_368] {strides = array<i32>} : memref<2x200x128xf32, #tpu.memory_space<vmem>>, vector<16xf32>,
        %add3A_370 = arith.addf %get3A_363, %get3A_369 : vector<16xf32>
        %get3A_371 = arith.index_cast %mul3A_357 : i32 to index
        %get3A_372 = arith.constant 16 : index
        %get3A_373 = tpu.vector_load %arg14[%get3A_371, %get3A_372] {strides = array<i32>} : memref<100x128xf32, #tpu.memory_space<vmem>>, vector<16xf32>,
        %add3A_374 = arith.constant 0 : i32
        %add3A_375 = arith.addi %add3A_374, %mul3A_357 : i32
        %get3A_376 = arith.index_cast %squeeze3A : i32 to index
        %get3A_377 = arith.index_cast %add3A_375 : i32 to index
        %get3A_378 = arith.constant 16 : index
        %get3A_379 = tpu.vector_load %arg16[%get3A_376, %get3A_377, %get3A_378] {strides = array<i32>} : memref<2x200x128xf32, #tpu.memory_space<vmem>>, vector<16xf32>,
        %add3A_380 = arith.addf %get3A_373, %get3A_379 : vector<16xf32>
        %get3A_381 = arith.index_cast %mul3A_357 : i32 to index
        %get3A_382 = arith.constant 32 : index
        %get3A_383 = tpu.vector_load %arg14[%get3A_381, %get3A_382] {strides = array<i32>} : memref<100x128xf32, #tpu.memory_space<vmem>>, vector<16xf32>,
        %add3A_384 = arith.constant 0 : i32
        %add3A_385 = arith.addi %add3A_384, %mul3A_357 : i32
        %get3A_386 = arith.index_cast %squeeze3A : i32 to index
        %get3A_387 = arith.index_cast %add3A_385 : i32 to index
        %get3A_388 = arith.constant 32 : index
        %get3A_389 = tpu.vector_load %arg16[%get3A_386, %get3A_387, %get3A_388] {strides = array<i32>} : memref<2x200x128xf32, #tpu.memory_space<vmem>>, vector<16xf32>,
        %add3A_390 = arith.addf %get3A_383, %get3A_389 : vector<16xf32>
        %get3A_391 = arith.index_cast %mul3A_357 : i32 to index
        %get3A_392 = arith.constant 48 : index
        %get3A_393 = tpu.vector_load %arg14[%get3A_391, %get3A_392] {strides = array<i32>} : memref<100x128xf32, #tpu.memory_space<vmem>>, vector<16xf32>,
        %add3A_394 = arith.constant 0 : i32
        %add3A_395 = arith.addi %add3A_394, %mul3A_357 : i32
        %get3A_396 = arith.index_cast %squeeze3A : i32 to index
        %get3A_397 = arith.index_cast %add3A_395 : i32 to index
        %get3A_398 = arith.constant 48 : index
        %get3A_399 = tpu.vector_load %arg16[%get3A_396, %get3A_397, %get3A_398] {strides = array<i32>} : memref<2x200x128xf32, #tpu.memory_space<vmem>>, vector<16xf32>,
        %add3A_400 = arith.addf %get3A_393, %get3A_399 : vector<16xf32>
        %get3A_401 = arith.index_cast %mul3A_357 : i32 to index
        %get3A_402 = arith.constant 64 : index
        %get3A_403 = tpu.vector_load %arg14[%get3A_401, %get3A_402] {strides = array<i32>} : memref<100x128xf32, #tpu.memory_space<vmem>>, vector<16xf32>,
        %add3A_404 = arith.constant 0 : i32
        %add3A_405 = arith.addi %add3A_404, %mul3A_357 : i32
        %get3A_406 = arith.index_cast %squeeze3A : i32 to index
        %get3A_407 = arith.index_cast %add3A_405 : i32 to index
        %get3A_408 = arith.constant 64 : index
        %get3A_409 = tpu.vector_load %arg16[%get3A_406, %get3A_407, %get3A_408] {strides = array<i32>} : memref<2x200x128xf32, #tpu.memory_space<vmem>>, vector<16xf32>,
        %add3A_410 = arith.addf %get3A_403, %get3A_409 : vector<16xf32>
        %get3A_411 = arith.index_cast %mul3A_357 : i32 to index
        %get3A_412 = arith.constant 80 : index
        %get3A_413 = tpu.vector_load %arg14[%get3A_411, %get3A_412] {strides = array<i32>} : memref<100x128xf32, #tpu.memory_space<vmem>>, vector<16xf32>,
        %add3A_414 = arith.constant 0 : i32
        %add3A_415 = arith.addi %add3A_414, %mul3A_357 : i32
        %get3A_416 = arith.index_cast %squeeze3A : i32 to index
        %get3A_417 = arith.index_cast %add3A_415 : i32 to index
        %get3A_418 = arith.constant 80 : index
        %get3A_419 = tpu.vector_load %arg16[%get3A_416, %get3A_417, %get3A_418] {strides = array<i32>} : memref<2x200x128xf32, #tpu.memory_space<vmem>>, vector<16xf32>,
        %add3A_420 = arith.addf %get3A_413, %get3A_419 : vector<16xf32>
        %get3A_421 = arith.index_cast %mul3A_357 : i32 to index
        %get3A_422 = arith.constant 96 : index
        %get3A_423 = tpu.vector_load %arg14[%get3A_421, %get3A_422] {strides = array<i32>} : memref<100x128xf32, #tpu.memory_space<vmem>>, vector<16xf32>,
        %add3A_424 = arith.constant 0 : i32
        %add3A_425 = arith.addi %add3A_424, %mul3A_357 : i32
        %get3A_426 = arith.index_cast %squeeze3A : i32 to index
        %get3A_427 = arith.index_cast %add3A_425 : i32 to index
        %get3A_428 = arith.constant 96 : index
        %get3A_429 = tpu.vector_load %arg16[%get3A_426, %get3A_427, %get3A_428] {strides = array<i32>} : memref<2x200x128xf32, #tpu.memory_space<vmem>>, vector<16xf32>,
        %add3A_430 = arith.addf %get3A_423, %get3A_429 : vector<16xf32>
        %get3A_431 = arith.index_cast %mul3A_357 : i32 to index
        %get3A_432 = arith.constant 112 : index
        %get3A_433 = tpu.vector_load %arg14[%get3A_431, %get3A_432] {strides = array<i32>} : memref<100x128xf32, #tpu.memory_space<vmem>>, vector<16xf32>,
        %add3A_434 = arith.constant 0 : i32
        %add3A_435 = arith.addi %add3A_434, %mul3A_357 : i32
        %get3A_436 = arith.index_cast %squeeze3A : i32 to index
        %get3A_437 = arith.index_cast %add3A_435 : i32 to index
        %get3A_438 = arith.constant 112 : index
        %get3A_439 = tpu.vector_load %arg16[%get3A_436, %get3A_437, %get3A_438] {strides = array<i32>} : memref<2x200x128xf32, #tpu.memory_space<vmem>>, vector<16xf32>,
        %add3A_440 = arith.addf %get3A_433, %get3A_439 : vector<16xf32>
        %add3A_441 = arith.addf %add3A_370, %add3A_380 : vector<16xf32>
        %add3A_442 = arith.addf %add3A_390, %add3A_400 : vector<16xf32>
        %add3A_443 = arith.addf %add3A_441, %add3A_442 : vector<16xf32>
        %add3A_444 = arith.addf %add3A_410, %add3A_420 : vector<16xf32>
        %add3A_445 = arith.addf %add3A_430, %add3A_440 : vector<16xf32>
        %add3A_446 = arith.addf %add3A_444, %add3A_445 : vector<16xf32>
        %add3A_447 = arith.addf %add3A_443, %add3A_446 : vector<16xf32>
        %mul3A_448 = arith.mulf %add3A_370, %add3A_370 : vector<16xf32>
        %mul3A_449 = arith.mulf %add3A_380, %add3A_380 : vector<16xf32>
        %add3A_450 = arith.addf %mul3A_448, %mul3A_449 : vector<16xf32>
        %mul3A_451 = arith.mulf %add3A_390, %add3A_390 : vector<16xf32>
        %add3A_452 = arith.addf %add3A_450, %mul3A_451 : vector<16xf32>
        %mul3A_453 = arith.mulf %add3A_400, %add3A_400 : vector<16xf32>
        %add3A_454 = arith.addf %add3A_452, %mul3A_453 : vector<16xf32>
        %mul3A_455 = arith.mulf %add3A_410, %add3A_410 : vector<16xf32>
        %add3A_456 = arith.addf %add3A_454, %mul3A_455 : vector<16xf32>
        %mul3A_457 = arith.mulf %add3A_420, %add3A_420 : vector<16xf32>
        %add3A_458 = arith.addf %add3A_456, %mul3A_457 : vector<16xf32>
        %mul3A_459 = arith.mulf %add3A_430, %add3A_430 : vector<16xf32>
        %add3A_460 = arith.addf %add3A_458, %mul3A_459 : vector<16xf32>
        %mul3A_461 = arith.mulf %add3A_440, %add3A_440 : vector<16xf32>
        %add3A_462 = arith.addf %add3A_460, %mul3A_461 : vector<16xf32>
        %lt3A_463 = arith.constant 0 : i32
        %lt3A_464 = vector.broadcast %lt3A_463 : i32 to vector<16xi32>
        %lt3A_465 = arith.cmpi slt, %xor3A_11, %lt3A_464 : vector<16xi32>
        %add3A_466 = arith.constant 16 : i32
        %add3A_467 = vector.broadcast %add3A_466 : i32 to vector<16xi32>
        %add3A_468 = arith.addi %xor3A_11, %add3A_467 : vector<16xi32>
        %select_n3A = arith.select %lt3A_465, %add3A_468, %xor3A_11 : vector<16xi1>, vector<16xi32>
        %broadcast_in_dim3A = vector.shape_cast %select_n3A : vector<16xi32> to vector<16x1xi32>
        %gather3A = vector.shape_cast %broadcast_in_dim3A : vector<16x1xi32> to vector<16xi32>
        %gather3A_469 = tpu.dynamic_gather %add3A_447[%gather3A] in [0] : vector<16xf32>, vector<16xi32> -> vector<16xf32>
        %add3A_470 = arith.addf %add3A_447, %gather3A_469 : vector<16xf32>
        %lt3A_471 = arith.constant 0 : i32
        %lt3A_472 = vector.broadcast %lt3A_471 : i32 to vector<16xi32>
        %lt3A_473 = arith.cmpi slt, %xor3A_14, %lt3A_472 : vector<16xi32>
        %add3A_474 = arith.constant 16 : i32
        %add3A_475 = vector.broadcast %add3A_474 : i32 to vector<16xi32>
        %add3A_476 = arith.addi %xor3A_14, %add3A_475 : vector<16xi32>
        %select_n3A_477 = arith.select %lt3A_473, %add3A_476, %xor3A_14 : vector<16xi1>, vector<16xi32>
        %broadcast_in_dim3A_478 = vector.shape_cast %select_n3A_477 : vector<16xi32> to vector<16x1xi32>
        %gather3A_479 = vector.shape_cast %broadcast_in_dim3A_478 : vector<16x1xi32> to vector<16xi32>
        %gather3A_480 = tpu.dynamic_gather %add3A_470[%gather3A_479] in [0] : vector<16xf32>, vector<16xi32> -> vector<16xf32>
        %add3A_481 = arith.addf %add3A_470, %gather3A_480 : vector<16xf32>
        %lt3A_482 = arith.constant 0 : i32
        %lt3A_483 = vector.broadcast %lt3A_482 : i32 to vector<16xi32>
        %lt3A_484 = arith.cmpi slt, %xor3A_17, %lt3A_483 : vector<16xi32>
        %add3A_485 = arith.constant 16 : i32
        %add3A_486 = vector.broadcast %add3A_485 : i32 to vector<16xi32>
        %add3A_487 = arith.addi %xor3A_17, %add3A_486 : vector<16xi32>
        %select_n3A_488 = arith.select %lt3A_484, %add3A_487, %xor3A_17 : vector<16xi1>, vector<16xi32>
        %broadcast_in_dim3A_489 = vector.shape_cast %select_n3A_488 : vector<16xi32> to vector<16x1xi32>
        %gather3A_490 = vector.shape_cast %broadcast_in_dim3A_489 : vector<16x1xi32> to vector<16xi32>
        %gather3A_491 = tpu.dynamic_gather %add3A_481[%gather3A_490] in [0] : vector<16xf32>, vector<16xi32> -> vector<16xf32>
        %add3A_492 = arith.addf %add3A_481, %gather3A_491 : vector<16xf32>
        %lt3A_493 = arith.constant 0 : i32
        %lt3A_494 = vector.broadcast %lt3A_493 : i32 to vector<16xi32>
        %lt3A_495 = arith.cmpi slt, %xor3A_20, %lt3A_494 : vector<16xi32>
        %add3A_496 = arith.constant 16 : i32
        %add3A_497 = vector.broadcast %add3A_496 : i32 to vector<16xi32>
        %add3A_498 = arith.addi %xor3A_20, %add3A_497 : vector<16xi32>
        %select_n3A_499 = arith.select %lt3A_495, %add3A_498, %xor3A_20 : vector<16xi1>, vector<16xi32>
        %broadcast_in_dim3A_500 = vector.shape_cast %select_n3A_499 : vector<16xi32> to vector<16x1xi32>
        %gather3A_501 = vector.shape_cast %broadcast_in_dim3A_500 : vector<16x1xi32> to vector<16xi32>
        %gather3A_502 = tpu.dynamic_gather %add3A_492[%gather3A_501] in [0] : vector<16xf32>, vector<16xi32> -> vector<16xf32>
        %add3A_503 = arith.addf %add3A_492, %gather3A_502 : vector<16xf32>
        %mul3A_504 = arith.constant 7.812500e-03 : f32
        %mul3A_505 = vector.broadcast %mul3A_504 : f32 to vector<16xf32>
        %mul3A_506 = arith.mulf %add3A_503, %mul3A_505 : vector<16xf32>
        %lt3A_507 = arith.constant 0 : i32
        %lt3A_508 = vector.broadcast %lt3A_507 : i32 to vector<16xi32>
        %lt3A_509 = arith.cmpi slt, %xor3A_11, %lt3A_508 : vector<16xi32>
        %add3A_510 = arith.constant 16 : i32
        %add3A_511 = vector.broadcast %add3A_510 : i32 to vector<16xi32>
        %add3A_512 = arith.addi %xor3A_11, %add3A_511 : vector<16xi32>
        %select_n3A_513 = arith.select %lt3A_509, %add3A_512, %xor3A_11 : vector<16xi1>, vector<16xi32>
        %broadcast_in_dim3A_514 = vector.shape_cast %select_n3A_513 : vector<16xi32> to vector<16x1xi32>
        %gather3A_515 = vector.shape_cast %broadcast_in_dim3A_514 : vector<16x1xi32> to vector<16xi32>
        %gather3A_516 = tpu.dynamic_gather %add3A_462[%gather3A_515] in [0] : vector<16xf32>, vector<16xi32> -> vector<16xf32>
        %add3A_517 = arith.addf %add3A_462, %gather3A_516 : vector<16xf32>
        %lt3A_518 = arith.constant 0 : i32
        %lt3A_519 = vector.broadcast %lt3A_518 : i32 to vector<16xi32>
        %lt3A_520 = arith.cmpi slt, %xor3A_14, %lt3A_519 : vector<16xi32>
        %add3A_521 = arith.constant 16 : i32
        %add3A_522 = vector.broadcast %add3A_521 : i32 to vector<16xi32>
        %add3A_523 = arith.addi %xor3A_14, %add3A_522 : vector<16xi32>
        %select_n3A_524 = arith.select %lt3A_520, %add3A_523, %xor3A_14 : vector<16xi1>, vector<16xi32>
        %broadcast_in_dim3A_525 = vector.shape_cast %select_n3A_524 : vector<16xi32> to vector<16x1xi32>
        %gather3A_526 = vector.shape_cast %broadcast_in_dim3A_525 : vector<16x1xi32> to vector<16xi32>
        %gather3A_527 = tpu.dynamic_gather %add3A_517[%gather3A_526] in [0] : vector<16xf32>, vector<16xi32> -> vector<16xf32>
        %add3A_528 = arith.addf %add3A_517, %gather3A_527 : vector<16xf32>
        %lt3A_529 = arith.constant 0 : i32
        %lt3A_530 = vector.broadcast %lt3A_529 : i32 to vector<16xi32>
        %lt3A_531 = arith.cmpi slt, %xor3A_17, %lt3A_530 : vector<16xi32>
        %add3A_532 = arith.constant 16 : i32
        %add3A_533 = vector.broadcast %add3A_532 : i32 to vector<16xi32>
        %add3A_534 = arith.addi %xor3A_17, %add3A_533 : vector<16xi32>
        %select_n3A_535 = arith.select %lt3A_531, %add3A_534, %xor3A_17 : vector<16xi1>, vector<16xi32>
        %broadcast_in_dim3A_536 = vector.shape_cast %select_n3A_535 : vector<16xi32> to vector<16x1xi32>
        %gather3A_537 = vector.shape_cast %broadcast_in_dim3A_536 : vector<16x1xi32> to vector<16xi32>
        %gather3A_538 = tpu.dynamic_gather %add3A_528[%gather3A_537] in [0] : vector<16xf32>, vector<16xi32> -> vector<16xf32>
        %add3A_539 = arith.addf %add3A_528, %gather3A_538 : vector<16xf32>
        %lt3A_540 = arith.constant 0 : i32
        %lt3A_541 = vector.broadcast %lt3A_540 : i32 to vector<16xi32>
        %lt3A_542 = arith.cmpi slt, %xor3A_20, %lt3A_541 : vector<16xi32>
        %add3A_543 = arith.constant 16 : i32
        %add3A_544 = vector.broadcast %add3A_543 : i32 to vector<16xi32>
        %add3A_545 = arith.addi %xor3A_20, %add3A_544 : vector<16xi32>
        %select_n3A_546 = arith.select %lt3A_542, %add3A_545, %xor3A_20 : vector<16xi1>, vector<16xi32>
        %broadcast_in_dim3A_547 = vector.shape_cast %select_n3A_546 : vector<16xi32> to vector<16x1xi32>
        %gather3A_548 = vector.shape_cast %broadcast_in_dim3A_547 : vector<16x1xi32> to vector<16xi32>
        %gather3A_549 = tpu.dynamic_gather %add3A_539[%gather3A_548] in [0] : vector<16xf32>, vector<16xi32> -> vector<16xf32>
        %add3A_550 = arith.addf %add3A_539, %gather3A_549 : vector<16xf32>
        %mul3A_551 = arith.constant 7.812500e-03 : f32
        %mul3A_552 = vector.broadcast %mul3A_551 : f32 to vector<16xf32>
        %mul3A_553 = arith.mulf %add3A_550, %mul3A_552 : vector<16xf32>
        %mul3A_554 = arith.mulf %mul3A_506, %mul3A_506 : vector<16xf32>
        %sub3A = arith.subf %mul3A_553, %mul3A_554 : vector<16xf32>
        %add3A_555 = arith.constant 9.99999974E-6 : f32
        %add3A_556 = vector.broadcast %add3A_555 : f32 to vector<16xf32>
        %add3A_557 = arith.addf %sub3A, %add3A_556 : vector<16xf32>
        %bitcast3A = vector.bitcast %add3A_557 : vector<16xf32> to vector<16xi32>
        %shift_right_arithmetic3A = arith.constant 1 : i32
        %shift_right_arithmetic3A_558 = vector.broadcast %shift_right_arithmetic3A : i32 to vector<16xi32>
        %shift_right_arithmetic3A_559 = arith.shrsi %bitcast3A, %shift_right_arithmetic3A_558 : vector<16xi32>
        %sub3A_560 = arith.constant 1597463007 : i32
        %sub3A_561 = vector.broadcast %sub3A_560 : i32 to vector<16xi32>
        %sub3A_562 = arith.subi %sub3A_561, %shift_right_arithmetic3A_559 : vector<16xi32>
        %bitcast3A_563 = vector.bitcast %sub3A_562 : vector<16xi32> to vector<16xf32>
        %mul3A_564 = arith.constant 5.000000e-01 : f32
        %mul3A_565 = vector.broadcast %mul3A_564 : f32 to vector<16xf32>
        %mul3A_566 = arith.mulf %mul3A_565, %add3A_557 : vector<16xf32>
        %mul3A_567 = arith.mulf %mul3A_566, %bitcast3A_563 : vector<16xf32>
        %mul3A_568 = arith.mulf %mul3A_567, %bitcast3A_563 : vector<16xf32>
        %sub3A_569 = arith.constant 1.500000e+00 : f32
        %sub3A_570 = vector.broadcast %sub3A_569 : f32 to vector<16xf32>
        %sub3A_571 = arith.subf %sub3A_570, %mul3A_568 : vector<16xf32>
        %mul3A_572 = arith.mulf %bitcast3A_563, %sub3A_571 : vector<16xf32>
        %mul3A_573 = arith.constant 5.000000e-01 : f32
        %mul3A_574 = vector.broadcast %mul3A_573 : f32 to vector<16xf32>
        %mul3A_575 = arith.mulf %mul3A_574, %add3A_557 : vector<16xf32>
        %mul3A_576 = arith.mulf %mul3A_575, %mul3A_572 : vector<16xf32>
        %mul3A_577 = arith.mulf %mul3A_576, %mul3A_572 : vector<16xf32>
        %sub3A_578 = arith.constant 1.500000e+00 : f32
        %sub3A_579 = vector.broadcast %sub3A_578 : f32 to vector<16xf32>
        %sub3A_580 = arith.subf %sub3A_579, %mul3A_577 : vector<16xf32>
        %mul3A_581 = arith.mulf %mul3A_572, %sub3A_580 : vector<16xf32>
        %mul3A_582 = arith.mulf %mul3A_581, %get3A_87 : vector<16xf32>
        %mul3A_583 = arith.mulf %add3A_370, %mul3A_582 : vector<16xf32>
        %mul3A_584 = arith.mulf %mul3A_506, %mul3A_582 : vector<16xf32>
        %sub3A_585 = arith.subf %get3A_119, %mul3A_584 : vector<16xf32>
        %add3A_586 = arith.addf %mul3A_583, %sub3A_585 : vector<16xf32>
        %swap3A = arith.index_cast %mul3A_357 : i32 to index
        %swap3A_587 = arith.constant 0 : index
        %swap3A_588 = tpu.vector_load %arg14[%swap3A, %swap3A_587] {strides = array<i32>} : memref<100x128xf32, #tpu.memory_space<vmem>>, vector<16xf32>,
        tpu.vector_store %arg14[%swap3A, %swap3A_587], %add3A_586 {strides = array<i32>} : memref<100x128xf32, #tpu.memory_space<vmem>>, vector<16xf32>,
        %mul3A_589 = arith.mulf %mul3A_581, %get3A_91 : vector<16xf32>
        %mul3A_590 = arith.mulf %add3A_380, %mul3A_589 : vector<16xf32>
        %mul3A_591 = arith.mulf %mul3A_506, %mul3A_589 : vector<16xf32>
        %sub3A_592 = arith.subf %get3A_123, %mul3A_591 : vector<16xf32>
        %add3A_593 = arith.addf %mul3A_590, %sub3A_592 : vector<16xf32>
        %swap3A_594 = arith.index_cast %mul3A_357 : i32 to index
        %swap3A_595 = arith.constant 16 : index
        %swap3A_596 = tpu.vector_load %arg14[%swap3A_594, %swap3A_595] {strides = array<i32>} : memref<100x128xf32, #tpu.memory_space<vmem>>, vector<16xf32>,
        tpu.vector_store %arg14[%swap3A_594, %swap3A_595], %add3A_593 {strides = array<i32>} : memref<100x128xf32, #tpu.memory_space<vmem>>, vector<16xf32>,
        %mul3A_597 = arith.mulf %mul3A_581, %get3A_95 : vector<16xf32>
        %mul3A_598 = arith.mulf %add3A_390, %mul3A_597 : vector<16xf32>
        %mul3A_599 = arith.mulf %mul3A_506, %mul3A_597 : vector<16xf32>
        %sub3A_600 = arith.subf %get3A_127, %mul3A_599 : vector<16xf32>
        %add3A_601 = arith.addf %mul3A_598, %sub3A_600 : vector<16xf32>
        %swap3A_602 = arith.index_cast %mul3A_357 : i32 to index
        %swap3A_603 = arith.constant 32 : index
        %swap3A_604 = tpu.vector_load %arg14[%swap3A_602, %swap3A_603] {strides = array<i32>} : memref<100x128xf32, #tpu.memory_space<vmem>>, vector<16xf32>,
        tpu.vector_store %arg14[%swap3A_602, %swap3A_603], %add3A_601 {strides = array<i32>} : memref<100x128xf32, #tpu.memory_space<vmem>>, vector<16xf32>,
        %mul3A_605 = arith.mulf %mul3A_581, %get3A_99 : vector<16xf32>
        %mul3A_606 = arith.mulf %add3A_400, %mul3A_605 : vector<16xf32>
        %mul3A_607 = arith.mulf %mul3A_506, %mul3A_605 : vector<16xf32>
        %sub3A_608 = arith.subf %get3A_131, %mul3A_607 : vector<16xf32>
        %add3A_609 = arith.addf %mul3A_606, %sub3A_608 : vector<16xf32>
        %swap3A_610 = arith.index_cast %mul3A_357 : i32 to index
        %swap3A_611 = arith.constant 48 : index
        %swap3A_612 = tpu.vector_load %arg14[%swap3A_610, %swap3A_611] {strides = array<i32>} : memref<100x128xf32, #tpu.memory_space<vmem>>, vector<16xf32>,
        tpu.vector_store %arg14[%swap3A_610, %swap3A_611], %add3A_609 {strides = array<i32>} : memref<100x128xf32, #tpu.memory_space<vmem>>, vector<16xf32>,
        %mul3A_613 = arith.mulf %mul3A_581, %get3A_103 : vector<16xf32>
        %mul3A_614 = arith.mulf %add3A_410, %mul3A_613 : vector<16xf32>
        %mul3A_615 = arith.mulf %mul3A_506, %mul3A_613 : vector<16xf32>
        %sub3A_616 = arith.subf %get3A_135, %mul3A_615 : vector<16xf32>
        %add3A_617 = arith.addf %mul3A_614, %sub3A_616 : vector<16xf32>
        %swap3A_618 = arith.index_cast %mul3A_357 : i32 to index
        %swap3A_619 = arith.constant 64 : index
        %swap3A_620 = tpu.vector_load %arg14[%swap3A_618, %swap3A_619] {strides = array<i32>} : memref<100x128xf32, #tpu.memory_space<vmem>>, vector<16xf32>,
        tpu.vector_store %arg14[%swap3A_618, %swap3A_619], %add3A_617 {strides = array<i32>} : memref<100x128xf32, #tpu.memory_space<vmem>>, vector<16xf32>,
        %mul3A_621 = arith.mulf %mul3A_581, %get3A_107 : vector<16xf32>
        %mul3A_622 = arith.mulf %add3A_420, %mul3A_621 : vector<16xf32>
        %mul3A_623 = arith.mulf %mul3A_506, %mul3A_621 : vector<16xf32>
        %sub3A_624 = arith.subf %get3A_139, %mul3A_623 : vector<16xf32>
        %add3A_625 = arith.addf %mul3A_622, %sub3A_624 : vector<16xf32>
        %swap3A_626 = arith.index_cast %mul3A_357 : i32 to index
        %swap3A_627 = arith.constant 80 : index
        %swap3A_628 = tpu.vector_load %arg14[%swap3A_626, %swap3A_627] {strides = array<i32>} : memref<100x128xf32, #tpu.memory_space<vmem>>, vector<16xf32>,
        tpu.vector_store %arg14[%swap3A_626, %swap3A_627], %add3A_625 {strides = array<i32>} : memref<100x128xf32, #tpu.memory_space<vmem>>, vector<16xf32>,
        %mul3A_629 = arith.mulf %mul3A_581, %get3A_111 : vector<16xf32>
        %mul3A_630 = arith.mulf %add3A_430, %mul3A_629 : vector<16xf32>
        %mul3A_631 = arith.mulf %mul3A_506, %mul3A_629 : vector<16xf32>
        %sub3A_632 = arith.subf %get3A_143, %mul3A_631 : vector<16xf32>
        %add3A_633 = arith.addf %mul3A_630, %sub3A_632 : vector<16xf32>
        %swap3A_634 = arith.index_cast %mul3A_357 : i32 to index
        %swap3A_635 = arith.constant 96 : index
        %swap3A_636 = tpu.vector_load %arg14[%swap3A_634, %swap3A_635] {strides = array<i32>} : memref<100x128xf32, #tpu.memory_space<vmem>>, vector<16xf32>,
        tpu.vector_store %arg14[%swap3A_634, %swap3A_635], %add3A_633 {strides = array<i32>} : memref<100x128xf32, #tpu.memory_space<vmem>>, vector<16xf32>,
        %mul3A_637 = arith.mulf %mul3A_581, %get3A_115 : vector<16xf32>
        %mul3A_638 = arith.mulf %add3A_440, %mul3A_637 : vector<16xf32>
        %mul3A_639 = arith.mulf %mul3A_506, %mul3A_637 : vector<16xf32>
        %sub3A_640 = arith.subf %get3A_147, %mul3A_639 : vector<16xf32>
        %add3A_641 = arith.addf %mul3A_638, %sub3A_640 : vector<16xf32>
        %swap3A_642 = arith.index_cast %mul3A_357 : i32 to index
        %swap3A_643 = arith.constant 112 : index
        %swap3A_644 = tpu.vector_load %arg14[%swap3A_642, %swap3A_643] {strides = array<i32>} : memref<100x128xf32, #tpu.memory_space<vmem>>, vector<16xf32>,
        tpu.vector_store %arg14[%swap3A_642, %swap3A_643], %add3A_641 {strides = array<i32>} : memref<100x128xf32, #tpu.memory_space<vmem>>, vector<16xf32>,
        %add3A_645 = arith.constant 1 : i32
        %add3A_646 = arith.addi %mul3A_357, %add3A_645 : i32
        %slice3A_647 = vector.extract_strided_slice %get3A_360 {offsets = [1], sizes = [1], strides = [1]} : vector<16xi32> to vector<1xi32>
        %squeeze3A_648 = vector.extract %slice3A_647[0] : i32 from vector<1xi32>
        %get3A_649 = arith.index_cast %add3A_646 : i32 to index
        %get3A_650 = arith.constant 0 : index
        %get3A_651 = tpu.vector_load %arg14[%get3A_649, %get3A_650] {strides = array<i32>} : memref<100x128xf32, #tpu.memory_space<vmem>>, vector<16xf32>,
        %add3A_652 = arith.constant 0 : i32
        %add3A_653 = arith.addi %add3A_652, %add3A_646 : i32
        %get3A_654 = arith.index_cast %squeeze3A_648 : i32 to index
        %get3A_655 = arith.index_cast %add3A_653 : i32 to index
        %get3A_656 = arith.constant 0 : index
        %get3A_657 = tpu.vector_load %arg16[%get3A_654, %get3A_655, %get3A_656] {strides = array<i32>} : memref<2x200x128xf32, #tpu.memory_space<vmem>>, vector<16xf32>,
        %add3A_658 = arith.addf %get3A_651, %get3A_657 : vector<16xf32>
        %get3A_659 = arith.index_cast %add3A_646 : i32 to index
        %get3A_660 = arith.constant 16 : index
        %get3A_661 = tpu.vector_load %arg14[%get3A_659, %get3A_660] {strides = array<i32>} : memref<100x128xf32, #tpu.memory_space<vmem>>, vector<16xf32>,
        %add3A_662 = arith.constant 0 : i32
        %add3A_663 = arith.addi %add3A_662, %add3A_646 : i32
        %get3A_664 = arith.index_cast %squeeze3A_648 : i32 to index
        %get3A_665 = arith.index_cast %add3A_663 : i32 to index
        %get3A_666 = arith.constant 16 : index
        %get3A_667 = tpu.vector_load %arg16[%get3A_664, %get3A_665, %get3A_666] {strides = array<i32>} : memref<2x200x128xf32, #tpu.memory_space<vmem>>, vector<16xf32>,
        %add3A_668 = arith.addf %get3A_661, %get3A_667 : vector<16xf32>
        %get3A_669 = arith.index_cast %add3A_646 : i32 to index
        %get3A_670 = arith.constant 32 : index
        %get3A_671 = tpu.vector_load %arg14[%get3A_669, %get3A_670] {strides = array<i32>} : memref<100x128xf32, #tpu.memory_space<vmem>>, vector<16xf32>,
        %add3A_672 = arith.constant 0 : i32
        %add3A_673 = arith.addi %add3A_672, %add3A_646 : i32
        %get3A_674 = arith.index_cast %squeeze3A_648 : i32 to index
        %get3A_675 = arith.index_cast %add3A_673 : i32 to index
        %get3A_676 = arith.constant 32 : index
        %get3A_677 = tpu.vector_load %arg16[%get3A_674, %get3A_675, %get3A_676] {strides = array<i32>} : memref<2x200x128xf32, #tpu.memory_space<vmem>>, vector<16xf32>,
        %add3A_678 = arith.addf %get3A_671, %get3A_677 : vector<16xf32>
        %get3A_679 = arith.index_cast %add3A_646 : i32 to index
        %get3A_680 = arith.constant 48 : index
        %get3A_681 = tpu.vector_load %arg14[%get3A_679, %get3A_680] {strides = array<i32>} : memref<100x128xf32, #tpu.memory_space<vmem>>, vector<16xf32>,
        %add3A_682 = arith.constant 0 : i32
        %add3A_683 = arith.addi %add3A_682, %add3A_646 : i32
        %get3A_684 = arith.index_cast %squeeze3A_648 : i32 to index
        %get3A_685 = arith.index_cast %add3A_683 : i32 to index
        %get3A_686 = arith.constant 48 : index
        %get3A_687 = tpu.vector_load %arg16[%get3A_684, %get3A_685, %get3A_686] {strides = array<i32>} : memref<2x200x128xf32, #tpu.memory_space<vmem>>, vector<16xf32>,
        %add3A_688 = arith.addf %get3A_681, %get3A_687 : vector<16xf32>
        %get3A_689 = arith.index_cast %add3A_646 : i32 to index
        %get3A_690 = arith.constant 64 : index
        %get3A_691 = tpu.vector_load %arg14[%get3A_689, %get3A_690] {strides = array<i32>} : memref<100x128xf32, #tpu.memory_space<vmem>>, vector<16xf32>,
        %add3A_692 = arith.constant 0 : i32
        %add3A_693 = arith.addi %add3A_692, %add3A_646 : i32
        %get3A_694 = arith.index_cast %squeeze3A_648 : i32 to index
        %get3A_695 = arith.index_cast %add3A_693 : i32 to index
        %get3A_696 = arith.constant 64 : index
        %get3A_697 = tpu.vector_load %arg16[%get3A_694, %get3A_695, %get3A_696] {strides = array<i32>} : memref<2x200x128xf32, #tpu.memory_space<vmem>>, vector<16xf32>,
        %add3A_698 = arith.addf %get3A_691, %get3A_697 : vector<16xf32>
        %get3A_699 = arith.index_cast %add3A_646 : i32 to index
        %get3A_700 = arith.constant 80 : index
        %get3A_701 = tpu.vector_load %arg14[%get3A_699, %get3A_700] {strides = array<i32>} : memref<100x128xf32, #tpu.memory_space<vmem>>, vector<16xf32>,
        %add3A_702 = arith.constant 0 : i32
        %add3A_703 = arith.addi %add3A_702, %add3A_646 : i32
        %get3A_704 = arith.index_cast %squeeze3A_648 : i32 to index
        %get3A_705 = arith.index_cast %add3A_703 : i32 to index
        %get3A_706 = arith.constant 80 : index
        %get3A_707 = tpu.vector_load %arg16[%get3A_704, %get3A_705, %get3A_706] {strides = array<i32>} : memref<2x200x128xf32, #tpu.memory_space<vmem>>, vector<16xf32>,
        %add3A_708 = arith.addf %get3A_701, %get3A_707 : vector<16xf32>
        %get3A_709 = arith.index_cast %add3A_646 : i32 to index
        %get3A_710 = arith.constant 96 : index
        %get3A_711 = tpu.vector_load %arg14[%get3A_709, %get3A_710] {strides = array<i32>} : memref<100x128xf32, #tpu.memory_space<vmem>>, vector<16xf32>,
        %add3A_712 = arith.constant 0 : i32
        %add3A_713 = arith.addi %add3A_712, %add3A_646 : i32
        %get3A_714 = arith.index_cast %squeeze3A_648 : i32 to index
        %get3A_715 = arith.index_cast %add3A_713 : i32 to index
        %get3A_716 = arith.constant 96 : index
        %get3A_717 = tpu.vector_load %arg16[%get3A_714, %get3A_715, %get3A_716] {strides = array<i32>} : memref<2x200x128xf32, #tpu.memory_space<vmem>>, vector<16xf32>,
        %add3A_718 = arith.addf %get3A_711, %get3A_717 : vector<16xf32>
        %get3A_719 = arith.index_cast %add3A_646 : i32 to index
        %get3A_720 = arith.constant 112 : index
        %get3A_721 = tpu.vector_load %arg14[%get3A_719, %get3A_720] {strides = array<i32>} : memref<100x128xf32, #tpu.memory_space<vmem>>, vector<16xf32>,
        %add3A_722 = arith.constant 0 : i32
        %add3A_723 = arith.addi %add3A_722, %add3A_646 : i32
        %get3A_724 = arith.index_cast %squeeze3A_648 : i32 to index
        %get3A_725 = arith.index_cast %add3A_723 : i32 to index
        %get3A_726 = arith.constant 112 : index
        %get3A_727 = tpu.vector_load %arg16[%get3A_724, %get3A_725, %get3A_726] {strides = array<i32>} : memref<2x200x128xf32, #tpu.memory_space<vmem>>, vector<16xf32>,
        %add3A_728 = arith.addf %get3A_721, %get3A_727 : vector<16xf32>
        %add3A_729 = arith.addf %add3A_658, %add3A_668 : vector<16xf32>
        %add3A_730 = arith.addf %add3A_678, %add3A_688 : vector<16xf32>
        %add3A_731 = arith.addf %add3A_729, %add3A_730 : vector<16xf32>
        %add3A_732 = arith.addf %add3A_698, %add3A_708 : vector<16xf32>
        %add3A_733 = arith.addf %add3A_718, %add3A_728 : vector<16xf32>
        %add3A_734 = arith.addf %add3A_732, %add3A_733 : vector<16xf32>
        %add3A_735 = arith.addf %add3A_731, %add3A_734 : vector<16xf32>
        %mul3A_736 = arith.mulf %add3A_658, %add3A_658 : vector<16xf32>
        %mul3A_737 = arith.mulf %add3A_668, %add3A_668 : vector<16xf32>
        %add3A_738 = arith.addf %mul3A_736, %mul3A_737 : vector<16xf32>
        %mul3A_739 = arith.mulf %add3A_678, %add3A_678 : vector<16xf32>
        %add3A_740 = arith.addf %add3A_738, %mul3A_739 : vector<16xf32>
        %mul3A_741 = arith.mulf %add3A_688, %add3A_688 : vector<16xf32>
        %add3A_742 = arith.addf %add3A_740, %mul3A_741 : vector<16xf32>
        %mul3A_743 = arith.mulf %add3A_698, %add3A_698 : vector<16xf32>
        %add3A_744 = arith.addf %add3A_742, %mul3A_743 : vector<16xf32>
        %mul3A_745 = arith.mulf %add3A_708, %add3A_708 : vector<16xf32>
        %add3A_746 = arith.addf %add3A_744, %mul3A_745 : vector<16xf32>
        %mul3A_747 = arith.mulf %add3A_718, %add3A_718 : vector<16xf32>
        %add3A_748 = arith.addf %add3A_746, %mul3A_747 : vector<16xf32>
        %mul3A_749 = arith.mulf %add3A_728, %add3A_728 : vector<16xf32>
        %add3A_750 = arith.addf %add3A_748, %mul3A_749 : vector<16xf32>
        %lt3A_751 = arith.constant 0 : i32
        %lt3A_752 = vector.broadcast %lt3A_751 : i32 to vector<16xi32>
        %lt3A_753 = arith.cmpi slt, %xor3A_11, %lt3A_752 : vector<16xi32>
        %add3A_754 = arith.constant 16 : i32
        %add3A_755 = vector.broadcast %add3A_754 : i32 to vector<16xi32>
        %add3A_756 = arith.addi %xor3A_11, %add3A_755 : vector<16xi32>
        %select_n3A_757 = arith.select %lt3A_753, %add3A_756, %xor3A_11 : vector<16xi1>, vector<16xi32>
        %broadcast_in_dim3A_758 = vector.shape_cast %select_n3A_757 : vector<16xi32> to vector<16x1xi32>
        %gather3A_759 = vector.shape_cast %broadcast_in_dim3A_758 : vector<16x1xi32> to vector<16xi32>
        %gather3A_760 = tpu.dynamic_gather %add3A_735[%gather3A_759] in [0] : vector<16xf32>, vector<16xi32> -> vector<16xf32>
        %add3A_761 = arith.addf %add3A_735, %gather3A_760 : vector<16xf32>
        %lt3A_762 = arith.constant 0 : i32
        %lt3A_763 = vector.broadcast %lt3A_762 : i32 to vector<16xi32>
        %lt3A_764 = arith.cmpi slt, %xor3A_14, %lt3A_763 : vector<16xi32>
        %add3A_765 = arith.constant 16 : i32
        %add3A_766 = vector.broadcast %add3A_765 : i32 to vector<16xi32>
        %add3A_767 = arith.addi %xor3A_14, %add3A_766 : vector<16xi32>
        %select_n3A_768 = arith.select %lt3A_764, %add3A_767, %xor3A_14 : vector<16xi1>, vector<16xi32>
        %broadcast_in_dim3A_769 = vector.shape_cast %select_n3A_768 : vector<16xi32> to vector<16x1xi32>
        %gather3A_770 = vector.shape_cast %broadcast_in_dim3A_769 : vector<16x1xi32> to vector<16xi32>
        %gather3A_771 = tpu.dynamic_gather %add3A_761[%gather3A_770] in [0] : vector<16xf32>, vector<16xi32> -> vector<16xf32>
        %add3A_772 = arith.addf %add3A_761, %gather3A_771 : vector<16xf32>
        %lt3A_773 = arith.constant 0 : i32
        %lt3A_774 = vector.broadcast %lt3A_773 : i32 to vector<16xi32>
        %lt3A_775 = arith.cmpi slt, %xor3A_17, %lt3A_774 : vector<16xi32>
        %add3A_776 = arith.constant 16 : i32
        %add3A_777 = vector.broadcast %add3A_776 : i32 to vector<16xi32>
        %add3A_778 = arith.addi %xor3A_17, %add3A_777 : vector<16xi32>
        %select_n3A_779 = arith.select %lt3A_775, %add3A_778, %xor3A_17 : vector<16xi1>, vector<16xi32>
        %broadcast_in_dim3A_780 = vector.shape_cast %select_n3A_779 : vector<16xi32> to vector<16x1xi32>
        %gather3A_781 = vector.shape_cast %broadcast_in_dim3A_780 : vector<16x1xi32> to vector<16xi32>
        %gather3A_782 = tpu.dynamic_gather %add3A_772[%gather3A_781] in [0] : vector<16xf32>, vector<16xi32> -> vector<16xf32>
        %add3A_783 = arith.addf %add3A_772, %gather3A_782 : vector<16xf32>
        %lt3A_784 = arith.constant 0 : i32
        %lt3A_785 = vector.broadcast %lt3A_784 : i32 to vector<16xi32>
        %lt3A_786 = arith.cmpi slt, %xor3A_20, %lt3A_785 : vector<16xi32>
        %add3A_787 = arith.constant 16 : i32
        %add3A_788 = vector.broadcast %add3A_787 : i32 to vector<16xi32>
        %add3A_789 = arith.addi %xor3A_20, %add3A_788 : vector<16xi32>
        %select_n3A_790 = arith.select %lt3A_786, %add3A_789, %xor3A_20 : vector<16xi1>, vector<16xi32>
        %broadcast_in_dim3A_791 = vector.shape_cast %select_n3A_790 : vector<16xi32> to vector<16x1xi32>
        %gather3A_792 = vector.shape_cast %broadcast_in_dim3A_791 : vector<16x1xi32> to vector<16xi32>
        %gather3A_793 = tpu.dynamic_gather %add3A_783[%gather3A_792] in [0] : vector<16xf32>, vector<16xi32> -> vector<16xf32>
        %add3A_794 = arith.addf %add3A_783, %gather3A_793 : vector<16xf32>
        %mul3A_795 = arith.constant 7.812500e-03 : f32
        %mul3A_796 = vector.broadcast %mul3A_795 : f32 to vector<16xf32>
        %mul3A_797 = arith.mulf %add3A_794, %mul3A_796 : vector<16xf32>
        %lt3A_798 = arith.constant 0 : i32
        %lt3A_799 = vector.broadcast %lt3A_798 : i32 to vector<16xi32>
        %lt3A_800 = arith.cmpi slt, %xor3A_11, %lt3A_799 : vector<16xi32>
        %add3A_801 = arith.constant 16 : i32
        %add3A_802 = vector.broadcast %add3A_801 : i32 to vector<16xi32>
        %add3A_803 = arith.addi %xor3A_11, %add3A_802 : vector<16xi32>
        %select_n3A_804 = arith.select %lt3A_800, %add3A_803, %xor3A_11 : vector<16xi1>, vector<16xi32>
        %broadcast_in_dim3A_805 = vector.shape_cast %select_n3A_804 : vector<16xi32> to vector<16x1xi32>
        %gather3A_806 = vector.shape_cast %broadcast_in_dim3A_805 : vector<16x1xi32> to vector<16xi32>
        %gather3A_807 = tpu.dynamic_gather %add3A_750[%gather3A_806] in [0] : vector<16xf32>, vector<16xi32> -> vector<16xf32>
        %add3A_808 = arith.addf %add3A_750, %gather3A_807 : vector<16xf32>
        %lt3A_809 = arith.constant 0 : i32
        %lt3A_810 = vector.broadcast %lt3A_809 : i32 to vector<16xi32>
        %lt3A_811 = arith.cmpi slt, %xor3A_14, %lt3A_810 : vector<16xi32>
        %add3A_812 = arith.constant 16 : i32
        %add3A_813 = vector.broadcast %add3A_812 : i32 to vector<16xi32>
        %add3A_814 = arith.addi %xor3A_14, %add3A_813 : vector<16xi32>
        %select_n3A_815 = arith.select %lt3A_811, %add3A_814, %xor3A_14 : vector<16xi1>, vector<16xi32>
        %broadcast_in_dim3A_816 = vector.shape_cast %select_n3A_815 : vector<16xi32> to vector<16x1xi32>
        %gather3A_817 = vector.shape_cast %broadcast_in_dim3A_816 : vector<16x1xi32> to vector<16xi32>
        %gather3A_818 = tpu.dynamic_gather %add3A_808[%gather3A_817] in [0] : vector<16xf32>, vector<16xi32> -> vector<16xf32>
        %add3A_819 = arith.addf %add3A_808, %gather3A_818 : vector<16xf32>
        %lt3A_820 = arith.constant 0 : i32
        %lt3A_821 = vector.broadcast %lt3A_820 : i32 to vector<16xi32>
        %lt3A_822 = arith.cmpi slt, %xor3A_17, %lt3A_821 : vector<16xi32>
        %add3A_823 = arith.constant 16 : i32
        %add3A_824 = vector.broadcast %add3A_823 : i32 to vector<16xi32>
        %add3A_825 = arith.addi %xor3A_17, %add3A_824 : vector<16xi32>
        %select_n3A_826 = arith.select %lt3A_822, %add3A_825, %xor3A_17 : vector<16xi1>, vector<16xi32>
        %broadcast_in_dim3A_827 = vector.shape_cast %select_n3A_826 : vector<16xi32> to vector<16x1xi32>
        %gather3A_828 = vector.shape_cast %broadcast_in_dim3A_827 : vector<16x1xi32> to vector<16xi32>
        %gather3A_829 = tpu.dynamic_gather %add3A_819[%gather3A_828] in [0] : vector<16xf32>, vector<16xi32> -> vector<16xf32>
        %add3A_830 = arith.addf %add3A_819, %gather3A_829 : vector<16xf32>
        %lt3A_831 = arith.constant 0 : i32
        %lt3A_832 = vector.broadcast %lt3A_831 : i32 to vector<16xi32>
        %lt3A_833 = arith.cmpi slt, %xor3A_20, %lt3A_832 : vector<16xi32>
        %add3A_834 = arith.constant 16 : i32
        %add3A_835 = vector.broadcast %add3A_834 : i32 to vector<16xi32>
        %add3A_836 = arith.addi %xor3A_20, %add3A_835 : vector<16xi32>
        %select_n3A_837 = arith.select %lt3A_833, %add3A_836, %xor3A_20 : vector<16xi1>, vector<16xi32>
        %broadcast_in_dim3A_838 = vector.shape_cast %select_n3A_837 : vector<16xi32> to vector<16x1xi32>
        %gather3A_839 = vector.shape_cast %broadcast_in_dim3A_838 : vector<16x1xi32> to vector<16xi32>
        %gather3A_840 = tpu.dynamic_gather %add3A_830[%gather3A_839] in [0] : vector<16xf32>, vector<16xi32> -> vector<16xf32>
        %add3A_841 = arith.addf %add3A_830, %gather3A_840 : vector<16xf32>
        %mul3A_842 = arith.constant 7.812500e-03 : f32
        %mul3A_843 = vector.broadcast %mul3A_842 : f32 to vector<16xf32>
        %mul3A_844 = arith.mulf %add3A_841, %mul3A_843 : vector<16xf32>
        %mul3A_845 = arith.mulf %mul3A_797, %mul3A_797 : vector<16xf32>
        %sub3A_846 = arith.subf %mul3A_844, %mul3A_845 : vector<16xf32>
        %add3A_847 = arith.constant 9.99999974E-6 : f32
        %add3A_848 = vector.broadcast %add3A_847 : f32 to vector<16xf32>
        %add3A_849 = arith.addf %sub3A_846, %add3A_848 : vector<16xf32>
        %bitcast3A_850 = vector.bitcast %add3A_849 : vector<16xf32> to vector<16xi32>
        %shift_right_arithmetic3A_851 = arith.constant 1 : i32
        %shift_right_arithmetic3A_852 = vector.broadcast %shift_right_arithmetic3A_851 : i32 to vector<16xi32>
        %shift_right_arithmetic3A_853 = arith.shrsi %bitcast3A_850, %shift_right_arithmetic3A_852 : vector<16xi32>
        %sub3A_854 = arith.constant 1597463007 : i32
        %sub3A_855 = vector.broadcast %sub3A_854 : i32 to vector<16xi32>
        %sub3A_856 = arith.subi %sub3A_855, %shift_right_arithmetic3A_853 : vector<16xi32>
        %bitcast3A_857 = vector.bitcast %sub3A_856 : vector<16xi32> to vector<16xf32>
        %mul3A_858 = arith.constant 5.000000e-01 : f32
        %mul3A_859 = vector.broadcast %mul3A_858 : f32 to vector<16xf32>
        %mul3A_860 = arith.mulf %mul3A_859, %add3A_849 : vector<16xf32>
        %mul3A_861 = arith.mulf %mul3A_860, %bitcast3A_857 : vector<16xf32>
        %mul3A_862 = arith.mulf %mul3A_861, %bitcast3A_857 : vector<16xf32>
        %sub3A_863 = arith.constant 1.500000e+00 : f32
        %sub3A_864 = vector.broadcast %sub3A_863 : f32 to vector<16xf32>
        %sub3A_865 = arith.subf %sub3A_864, %mul3A_862 : vector<16xf32>
        %mul3A_866 = arith.mulf %bitcast3A_857, %sub3A_865 : vector<16xf32>
        %mul3A_867 = arith.constant 5.000000e-01 : f32
        %mul3A_868 = vector.broadcast %mul3A_867 : f32 to vector<16xf32>
        %mul3A_869 = arith.mulf %mul3A_868, %add3A_849 : vector<16xf32>
        %mul3A_870 = arith.mulf %mul3A_869, %mul3A_866 : vector<16xf32>
        %mul3A_871 = arith.mulf %mul3A_870, %mul3A_866 : vector<16xf32>
        %sub3A_872 = arith.constant 1.500000e+00 : f32
        %sub3A_873 = vector.broadcast %sub3A_872 : f32 to vector<16xf32>
        %sub3A_874 = arith.subf %sub3A_873, %mul3A_871 : vector<16xf32>
        %mul3A_875 = arith.mulf %mul3A_866, %sub3A_874 : vector<16xf32>
        %mul3A_876 = arith.mulf %mul3A_875, %get3A_87 : vector<16xf32>
        %mul3A_877 = arith.mulf %add3A_658, %mul3A_876 : vector<16xf32>
        %mul3A_878 = arith.mulf %mul3A_797, %mul3A_876 : vector<16xf32>
        %sub3A_879 = arith.subf %get3A_119, %mul3A_878 : vector<16xf32>
        %add3A_880 = arith.addf %mul3A_877, %sub3A_879 : vector<16xf32>
        %swap3A_881 = arith.index_cast %add3A_646 : i32 to index
        %swap3A_882 = arith.constant 0 : index
        %swap3A_883 = tpu.vector_load %arg14[%swap3A_881, %swap3A_882] {strides = array<i32>} : memref<100x128xf32, #tpu.memory_space<vmem>>, vector<16xf32>,
        tpu.vector_store %arg14[%swap3A_881, %swap3A_882], %add3A_880 {strides = array<i32>} : memref<100x128xf32, #tpu.memory_space<vmem>>, vector<16xf32>,
        %mul3A_884 = arith.mulf %mul3A_875, %get3A_91 : vector<16xf32>
        %mul3A_885 = arith.mulf %add3A_668, %mul3A_884 : vector<16xf32>
        %mul3A_886 = arith.mulf %mul3A_797, %mul3A_884 : vector<16xf32>
        %sub3A_887 = arith.subf %get3A_123, %mul3A_886 : vector<16xf32>
        %add3A_888 = arith.addf %mul3A_885, %sub3A_887 : vector<16xf32>
        %swap3A_889 = arith.index_cast %add3A_646 : i32 to index
        %swap3A_890 = arith.constant 16 : index
        %swap3A_891 = tpu.vector_load %arg14[%swap3A_889, %swap3A_890] {strides = array<i32>} : memref<100x128xf32, #tpu.memory_space<vmem>>, vector<16xf32>,
        tpu.vector_store %arg14[%swap3A_889, %swap3A_890], %add3A_888 {strides = array<i32>} : memref<100x128xf32, #tpu.memory_space<vmem>>, vector<16xf32>,
        %mul3A_892 = arith.mulf %mul3A_875, %get3A_95 : vector<16xf32>
        %mul3A_893 = arith.mulf %add3A_678, %mul3A_892 : vector<16xf32>
        %mul3A_894 = arith.mulf %mul3A_797, %mul3A_892 : vector<16xf32>
        %sub3A_895 = arith.subf %get3A_127, %mul3A_894 : vector<16xf32>
        %add3A_896 = arith.addf %mul3A_893, %sub3A_895 : vector<16xf32>
        %swap3A_897 = arith.index_cast %add3A_646 : i32 to index
        %swap3A_898 = arith.constant 32 : index
        %swap3A_899 = tpu.vector_load %arg14[%swap3A_897, %swap3A_898] {strides = array<i32>} : memref<100x128xf32, #tpu.memory_space<vmem>>, vector<16xf32>,
        tpu.vector_store %arg14[%swap3A_897, %swap3A_898], %add3A_896 {strides = array<i32>} : memref<100x128xf32, #tpu.memory_space<vmem>>, vector<16xf32>,
        %mul3A_900 = arith.mulf %mul3A_875, %get3A_99 : vector<16xf32>
        %mul3A_901 = arith.mulf %add3A_688, %mul3A_900 : vector<16xf32>
        %mul3A_902 = arith.mulf %mul3A_797, %mul3A_900 : vector<16xf32>
        %sub3A_903 = arith.subf %get3A_131, %mul3A_902 : vector<16xf32>
        %add3A_904 = arith.addf %mul3A_901, %sub3A_903 : vector<16xf32>
        %swap3A_905 = arith.index_cast %add3A_646 : i32 to index
        %swap3A_906 = arith.constant 48 : index
        %swap3A_907 = tpu.vector_load %arg14[%swap3A_905, %swap3A_906] {strides = array<i32>} : memref<100x128xf32, #tpu.memory_space<vmem>>, vector<16xf32>,
        tpu.vector_store %arg14[%swap3A_905, %swap3A_906], %add3A_904 {strides = array<i32>} : memref<100x128xf32, #tpu.memory_space<vmem>>, vector<16xf32>,
        %mul3A_908 = arith.mulf %mul3A_875, %get3A_103 : vector<16xf32>
        %mul3A_909 = arith.mulf %add3A_698, %mul3A_908 : vector<16xf32>
        %mul3A_910 = arith.mulf %mul3A_797, %mul3A_908 : vector<16xf32>
        %sub3A_911 = arith.subf %get3A_135, %mul3A_910 : vector<16xf32>
        %add3A_912 = arith.addf %mul3A_909, %sub3A_911 : vector<16xf32>
        %swap3A_913 = arith.index_cast %add3A_646 : i32 to index
        %swap3A_914 = arith.constant 64 : index
        %swap3A_915 = tpu.vector_load %arg14[%swap3A_913, %swap3A_914] {strides = array<i32>} : memref<100x128xf32, #tpu.memory_space<vmem>>, vector<16xf32>,
        tpu.vector_store %arg14[%swap3A_913, %swap3A_914], %add3A_912 {strides = array<i32>} : memref<100x128xf32, #tpu.memory_space<vmem>>, vector<16xf32>,
        %mul3A_916 = arith.mulf %mul3A_875, %get3A_107 : vector<16xf32>
        %mul3A_917 = arith.mulf %add3A_708, %mul3A_916 : vector<16xf32>
        %mul3A_918 = arith.mulf %mul3A_797, %mul3A_916 : vector<16xf32>
        %sub3A_919 = arith.subf %get3A_139, %mul3A_918 : vector<16xf32>
        %add3A_920 = arith.addf %mul3A_917, %sub3A_919 : vector<16xf32>
        %swap3A_921 = arith.index_cast %add3A_646 : i32 to index
        %swap3A_922 = arith.constant 80 : index
        %swap3A_923 = tpu.vector_load %arg14[%swap3A_921, %swap3A_922] {strides = array<i32>} : memref<100x128xf32, #tpu.memory_space<vmem>>, vector<16xf32>,
        tpu.vector_store %arg14[%swap3A_921, %swap3A_922], %add3A_920 {strides = array<i32>} : memref<100x128xf32, #tpu.memory_space<vmem>>, vector<16xf32>,
        %mul3A_924 = arith.mulf %mul3A_875, %get3A_111 : vector<16xf32>
        %mul3A_925 = arith.mulf %add3A_718, %mul3A_924 : vector<16xf32>
        %mul3A_926 = arith.mulf %mul3A_797, %mul3A_924 : vector<16xf32>
        %sub3A_927 = arith.subf %get3A_143, %mul3A_926 : vector<16xf32>
        %add3A_928 = arith.addf %mul3A_925, %sub3A_927 : vector<16xf32>
        %swap3A_929 = arith.index_cast %add3A_646 : i32 to index
        %swap3A_930 = arith.constant 96 : index
        %swap3A_931 = tpu.vector_load %arg14[%swap3A_929, %swap3A_930] {strides = array<i32>} : memref<100x128xf32, #tpu.memory_space<vmem>>, vector<16xf32>,
        tpu.vector_store %arg14[%swap3A_929, %swap3A_930], %add3A_928 {strides = array<i32>} : memref<100x128xf32, #tpu.memory_space<vmem>>, vector<16xf32>,
        %mul3A_932 = arith.mulf %mul3A_875, %get3A_115 : vector<16xf32>
        %mul3A_933 = arith.mulf %add3A_728, %mul3A_932 : vector<16xf32>
        %mul3A_934 = arith.mulf %mul3A_797, %mul3A_932 : vector<16xf32>
        %sub3A_935 = arith.subf %get3A_147, %mul3A_934 : vector<16xf32>
        %add3A_936 = arith.addf %mul3A_933, %sub3A_935 : vector<16xf32>
        %swap3A_937 = arith.index_cast %add3A_646 : i32 to index
        %swap3A_938 = arith.constant 112 : index
        %swap3A_939 = tpu.vector_load %arg14[%swap3A_937, %swap3A_938] {strides = array<i32>} : memref<100x128xf32, #tpu.memory_space<vmem>>, vector<16xf32>,
        tpu.vector_store %arg14[%swap3A_937, %swap3A_938], %add3A_936 {strides = array<i32>} : memref<100x128xf32, #tpu.memory_space<vmem>>, vector<16xf32>,
        %scan3A_940 = arith.constant 0 : i32
        scf.yield %scan3A_940 : i32
      }
      %scan3A_290 = arith.constant 50 : i32
      %ge3A_291 = arith.constant 2 : i32
      %ge3A_292 = arith.cmpi sge, %add3A_274, %ge3A_291 : i32
      %convert_element_type3A_293 = arith.extui %ge3A_292 : i1 to i32
      %cond3A_294 = arith.constant 0 : i32
      %cond3A_295 = arith.cmpi ne, %convert_element_type3A_293, %cond3A_294 : i32
      scf.if %cond3A_295 {
        %dma_wait3A_354 = arith.constant 0 : i32
        %dma_wait3A_355 = arith.constant 0 : i32
        %dma_wait3A_356 = arith.constant 0 : i32
        %dma_wait3A_357 = tpu.memref_slice %arg9[%dma_wait3A_354, %dma_wait3A_355, %dma_wait3A_356] : memref<2048x100x128xf32, #tpu.memory_space<hbm>> -> memref<1x100x128xf32, #tpu.memory_space<hbm>>
        %dma_wait3A_358 = tpu.memref_squeeze %dma_wait3A_357 : memref<1x100x128xf32, #tpu.memory_space<hbm>> -> memref<100x128xf32, #tpu.memory_space<hbm>>
        %dma_wait3A_359 = arith.constant 0 : i32
        %dma_wait3A_360 = arith.constant 0 : i32
        %dma_wait3A_361 = tpu.memref_slice %arg9[%dma_wait3A_354, %dma_wait3A_359, %dma_wait3A_360] : memref<2048x100x128xf32, #tpu.memory_space<hbm>> -> memref<1x100x128xf32, #tpu.memory_space<hbm>>
        %dma_wait3A_362 = tpu.memref_squeeze %dma_wait3A_361 : memref<1x100x128xf32, #tpu.memory_space<hbm>> -> memref<100x128xf32, #tpu.memory_space<hbm>>
        tpu.wait_dma2 semaphore(%arg23 : memref<!tpu.dma_semaphore, #tpu.memory_space<semaphore_mem>>) src(%arg12 : memref<100x128xf32, #tpu.memory_space<vmem>>) dst(%dma_wait3A_362 : memref<100x128xf32, #tpu.memory_space<hbm>>)
      } else {
      }
      %add3A_296 = arith.constant 2 : i32
      %add3A_297 = arith.addi %add3A_274, %add3A_296 : i32
      %lt3A_298 = arith.constant 64 : i32
      %lt3A_299 = arith.cmpi slt, %add3A_297, %lt3A_298 : i32
      %convert_element_type3A_300 = arith.extui %lt3A_299 : i1 to i32
      %cond3A_301 = arith.constant 0 : i32
      %cond3A_302 = arith.cmpi ne, %convert_element_type3A_300, %cond3A_301 : i32
      scf.if %cond3A_302 {
        %add3A_354 = arith.constant 2 : i32
        %add3A_355 = arith.addi %add3A_274, %add3A_354 : i32
        %dma_start3A_356 = arith.constant 0 : i32
        %dma_start3A_357 = tpu.memref_slice %arg10[%add3A_355, %dma_start3A_356] : memref<64x100xi32, #tpu.memory_space<vmem>> -> memref<1x100xi32, #tpu.memory_space<vmem>>
        %dma_start3A_358 = tpu.memref_squeeze %dma_start3A_357 : memref<1x100xi32, #tpu.memory_space<vmem>> -> memref<100xi32, #tpu.memory_space<vmem>>
        %dma_start3A_359 = arith.constant 0 : i32
        %dma_start3A_360 = arith.constant 0 : i32
        %dma_start3A_361 = tpu.memref_slice %arg4[%dma_start3A_359, %dma_start3A_360] : memref<100000x128xf32, #tpu.memory_space<hbm>> -> memref<100000x128xf32, #tpu.memory_space<hbm>>
        tpu.enqueue_indirect_dma source(%dma_start3A_361 : memref<100000x128xf32, #tpu.memory_space<hbm>>) target(%arg12 : memref<100x128xf32, #tpu.memory_space<vmem>>) offsets(%dma_start3A_358 : memref<100xi32, #tpu.memory_space<vmem>>) semaphore(%arg19 : memref<!tpu.dma_semaphore, #tpu.memory_space<semaphore_mem>>)
      } else {
      }
      %add3A_303 = arith.addi %mul3A_2, %add3A_274 : i32
      %dma_start3A_304 = arith.constant 0 : i32
      %dma_start3A_305 = arith.constant 0 : i32
      %dma_start3A_306 = tpu.memref_slice %arg9[%add3A_303, %dma_start3A_304, %dma_start3A_305] : memref<2048x100x128xf32, #tpu.memory_space<hbm>> -> memref<1x100x128xf32, #tpu.memory_space<hbm>>
      %dma_start3A_307 = tpu.memref_squeeze %dma_start3A_306 : memref<1x100x128xf32, #tpu.memory_space<hbm>> -> memref<100x128xf32, #tpu.memory_space<hbm>>
      %dma_start3A_308 = arith.constant 0 : i32
      %dma_start3A_309 = arith.constant 0 : i32
      %dma_start3A_310 = tpu.memref_slice %arg9[%add3A_303, %dma_start3A_308, %dma_start3A_309] : memref<2048x100x128xf32, #tpu.memory_space<hbm>> -> memref<1x100x128xf32, #tpu.memory_space<hbm>>
      %dma_start3A_311 = tpu.memref_squeeze %dma_start3A_310 : memref<1x100x128xf32, #tpu.memory_space<hbm>> -> memref<100x128xf32, #tpu.memory_space<hbm>>
      tpu.enqueue_dma source(%arg14 : memref<100x128xf32, #tpu.memory_space<vmem>>) target(%dma_start3A_311 : memref<100x128xf32, #tpu.memory_space<hbm>>) target_semaphore(%arg25 : memref<!tpu.dma_semaphore, #tpu.memory_space<semaphore_mem>>)
      %mul3A_312 = arith.constant 4 : i32
      %mul3A_313 = arith.muli %mul3A_312, %scan3A_191 : i32
      %add3A_314 = arith.constant 3 : i32
      %add3A_315 = arith.addi %mul3A_313, %add3A_314 : i32
      %dma_wait3A_316 = arith.constant 0 : i32
      %dma_wait3A_317 = arith.constant 0 : i32
      %dma_wait3A_318 = tpu.memref_slice %arg10[%dma_wait3A_316, %dma_wait3A_317] : memref<64x100xi32, #tpu.memory_space<vmem>> -> memref<1x100xi32, #tpu.memory_space<vmem>>
      %dma_wait3A_319 = tpu.memref_squeeze %dma_wait3A_318 : memref<1x100xi32, #tpu.memory_space<vmem>> -> memref<100xi32, #tpu.memory_space<vmem>>
      %dma_wait3A_320 = arith.constant 0 : i32
      %dma_wait3A_321 = arith.constant 0 : i32
      %dma_wait3A_322 = tpu.memref_slice %arg4[%dma_wait3A_320, %dma_wait3A_321] : memref<100000x128xf32, #tpu.memory_space<hbm>> -> memref<100000x128xf32, #tpu.memory_space<hbm>>
      tpu.wait_indirect_dma semaphore(%arg22 : memref<!tpu.dma_semaphore, #tpu.memory_space<semaphore_mem>>) src(%dma_wait3A_322 : memref<100000x128xf32, #tpu.memory_space<hbm>>) dst(%arg15 : memref<100x128xf32, #tpu.memory_space<vmem>>)
      %mul3A_323 = arith.constant 100 : i32
      %mul3A_324 = arith.muli %add3A_315, %mul3A_323 : i32
      %scan3A_325 = arith.constant 0 : i32
      %scan3A_326 = arith.constant 0 : i32
      %scan3A_327 = arith.constant 50 : i32
      %scan3A_328 = arith.addi %scan3A_326, %scan3A_327 : i32
      %scan3A_329 = arith.constant 1 : i32
      %scan3A_330 = scf.for %scan3A_354 = %scan3A_326 to %scan3A_328 step %scan3A_329 iter_args(%scan3A_355 = %scan3A_325) -> (i32)  : i32 {
        %mul3A_356 = arith.constant 2 : i32
        %mul3A_357 = arith.muli %mul3A_356, %scan3A_354 : i32
        %add3A_358 = arith.addi %mul3A_324, %mul3A_357 : i32
        %get3A_359 = arith.index_cast %add3A_358 : i32 to index
        %get3A_360 = tpu.vector_load %arg11[%get3A_359] {strides = array<i32>} : memref<6416xi32, #tpu.memory_space<vmem>>, vector<16xi32>,
        %slice3A = vector.extract_strided_slice %get3A_360 {offsets = [0], sizes = [1], strides = [1]} : vector<16xi32> to vector<1xi32>
        %squeeze3A = vector.extract %slice3A[0] : i32 from vector<1xi32>
        %get3A_361 = arith.index_cast %mul3A_357 : i32 to index
        %get3A_362 = arith.constant 0 : index
        %get3A_363 = tpu.vector_load %arg15[%get3A_361, %get3A_362] {strides = array<i32>} : memref<100x128xf32, #tpu.memory_space<vmem>>, vector<16xf32>,
        %add3A_364 = arith.constant 100 : i32
        %add3A_365 = arith.addi %add3A_364, %mul3A_357 : i32
        %get3A_366 = arith.index_cast %squeeze3A : i32 to index
        %get3A_367 = arith.index_cast %add3A_365 : i32 to index
        %get3A_368 = arith.constant 0 : index
        %get3A_369 = tpu.vector_load %arg16[%get3A_366, %get3A_367, %get3A_368] {strides = array<i32>} : memref<2x200x128xf32, #tpu.memory_space<vmem>>, vector<16xf32>,
        %add3A_370 = arith.addf %get3A_363, %get3A_369 : vector<16xf32>
        %get3A_371 = arith.index_cast %mul3A_357 : i32 to index
        %get3A_372 = arith.constant 16 : index
        %get3A_373 = tpu.vector_load %arg15[%get3A_371, %get3A_372] {strides = array<i32>} : memref<100x128xf32, #tpu.memory_space<vmem>>, vector<16xf32>,
        %add3A_374 = arith.constant 100 : i32
        %add3A_375 = arith.addi %add3A_374, %mul3A_357 : i32
        %get3A_376 = arith.index_cast %squeeze3A : i32 to index
        %get3A_377 = arith.index_cast %add3A_375 : i32 to index
        %get3A_378 = arith.constant 16 : index
        %get3A_379 = tpu.vector_load %arg16[%get3A_376, %get3A_377, %get3A_378] {strides = array<i32>} : memref<2x200x128xf32, #tpu.memory_space<vmem>>, vector<16xf32>,
        %add3A_380 = arith.addf %get3A_373, %get3A_379 : vector<16xf32>
        %get3A_381 = arith.index_cast %mul3A_357 : i32 to index
        %get3A_382 = arith.constant 32 : index
        %get3A_383 = tpu.vector_load %arg15[%get3A_381, %get3A_382] {strides = array<i32>} : memref<100x128xf32, #tpu.memory_space<vmem>>, vector<16xf32>,
        %add3A_384 = arith.constant 100 : i32
        %add3A_385 = arith.addi %add3A_384, %mul3A_357 : i32
        %get3A_386 = arith.index_cast %squeeze3A : i32 to index
        %get3A_387 = arith.index_cast %add3A_385 : i32 to index
        %get3A_388 = arith.constant 32 : index
        %get3A_389 = tpu.vector_load %arg16[%get3A_386, %get3A_387, %get3A_388] {strides = array<i32>} : memref<2x200x128xf32, #tpu.memory_space<vmem>>, vector<16xf32>,
        %add3A_390 = arith.addf %get3A_383, %get3A_389 : vector<16xf32>
        %get3A_391 = arith.index_cast %mul3A_357 : i32 to index
        %get3A_392 = arith.constant 48 : index
        %get3A_393 = tpu.vector_load %arg15[%get3A_391, %get3A_392] {strides = array<i32>} : memref<100x128xf32, #tpu.memory_space<vmem>>, vector<16xf32>,
        %add3A_394 = arith.constant 100 : i32
        %add3A_395 = arith.addi %add3A_394, %mul3A_357 : i32
        %get3A_396 = arith.index_cast %squeeze3A : i32 to index
        %get3A_397 = arith.index_cast %add3A_395 : i32 to index
        %get3A_398 = arith.constant 48 : index
        %get3A_399 = tpu.vector_load %arg16[%get3A_396, %get3A_397, %get3A_398] {strides = array<i32>} : memref<2x200x128xf32, #tpu.memory_space<vmem>>, vector<16xf32>,
        %add3A_400 = arith.addf %get3A_393, %get3A_399 : vector<16xf32>
        %get3A_401 = arith.index_cast %mul3A_357 : i32 to index
        %get3A_402 = arith.constant 64 : index
        %get3A_403 = tpu.vector_load %arg15[%get3A_401, %get3A_402] {strides = array<i32>} : memref<100x128xf32, #tpu.memory_space<vmem>>, vector<16xf32>,
        %add3A_404 = arith.constant 100 : i32
        %add3A_405 = arith.addi %add3A_404, %mul3A_357 : i32
        %get3A_406 = arith.index_cast %squeeze3A : i32 to index
        %get3A_407 = arith.index_cast %add3A_405 : i32 to index
        %get3A_408 = arith.constant 64 : index
        %get3A_409 = tpu.vector_load %arg16[%get3A_406, %get3A_407, %get3A_408] {strides = array<i32>} : memref<2x200x128xf32, #tpu.memory_space<vmem>>, vector<16xf32>,
        %add3A_410 = arith.addf %get3A_403, %get3A_409 : vector<16xf32>
        %get3A_411 = arith.index_cast %mul3A_357 : i32 to index
        %get3A_412 = arith.constant 80 : index
        %get3A_413 = tpu.vector_load %arg15[%get3A_411, %get3A_412] {strides = array<i32>} : memref<100x128xf32, #tpu.memory_space<vmem>>, vector<16xf32>,
        %add3A_414 = arith.constant 100 : i32
        %add3A_415 = arith.addi %add3A_414, %mul3A_357 : i32
        %get3A_416 = arith.index_cast %squeeze3A : i32 to index
        %get3A_417 = arith.index_cast %add3A_415 : i32 to index
        %get3A_418 = arith.constant 80 : index
        %get3A_419 = tpu.vector_load %arg16[%get3A_416, %get3A_417, %get3A_418] {strides = array<i32>} : memref<2x200x128xf32, #tpu.memory_space<vmem>>, vector<16xf32>,
        %add3A_420 = arith.addf %get3A_413, %get3A_419 : vector<16xf32>
        %get3A_421 = arith.index_cast %mul3A_357 : i32 to index
        %get3A_422 = arith.constant 96 : index
        %get3A_423 = tpu.vector_load %arg15[%get3A_421, %get3A_422] {strides = array<i32>} : memref<100x128xf32, #tpu.memory_space<vmem>>, vector<16xf32>,
        %add3A_424 = arith.constant 100 : i32
        %add3A_425 = arith.addi %add3A_424, %mul3A_357 : i32
        %get3A_426 = arith.index_cast %squeeze3A : i32 to index
        %get3A_427 = arith.index_cast %add3A_425 : i32 to index
        %get3A_428 = arith.constant 96 : index
        %get3A_429 = tpu.vector_load %arg16[%get3A_426, %get3A_427, %get3A_428] {strides = array<i32>} : memref<2x200x128xf32, #tpu.memory_space<vmem>>, vector<16xf32>,
        %add3A_430 = arith.addf %get3A_423, %get3A_429 : vector<16xf32>
        %get3A_431 = arith.index_cast %mul3A_357 : i32 to index
        %get3A_432 = arith.constant 112 : index
        %get3A_433 = tpu.vector_load %arg15[%get3A_431, %get3A_432] {strides = array<i32>} : memref<100x128xf32, #tpu.memory_space<vmem>>, vector<16xf32>,
        %add3A_434 = arith.constant 100 : i32
        %add3A_435 = arith.addi %add3A_434, %mul3A_357 : i32
        %get3A_436 = arith.index_cast %squeeze3A : i32 to index
        %get3A_437 = arith.index_cast %add3A_435 : i32 to index
        %get3A_438 = arith.constant 112 : index
        %get3A_439 = tpu.vector_load %arg16[%get3A_436, %get3A_437, %get3A_438] {strides = array<i32>} : memref<2x200x128xf32, #tpu.memory_space<vmem>>, vector<16xf32>,
        %add3A_440 = arith.addf %get3A_433, %get3A_439 : vector<16xf32>
        %add3A_441 = arith.addf %add3A_370, %add3A_380 : vector<16xf32>
        %add3A_442 = arith.addf %add3A_390, %add3A_400 : vector<16xf32>
        %add3A_443 = arith.addf %add3A_441, %add3A_442 : vector<16xf32>
        %add3A_444 = arith.addf %add3A_410, %add3A_420 : vector<16xf32>
        %add3A_445 = arith.addf %add3A_430, %add3A_440 : vector<16xf32>
        %add3A_446 = arith.addf %add3A_444, %add3A_445 : vector<16xf32>
        %add3A_447 = arith.addf %add3A_443, %add3A_446 : vector<16xf32>
        %mul3A_448 = arith.mulf %add3A_370, %add3A_370 : vector<16xf32>
        %mul3A_449 = arith.mulf %add3A_380, %add3A_380 : vector<16xf32>
        %add3A_450 = arith.addf %mul3A_448, %mul3A_449 : vector<16xf32>
        %mul3A_451 = arith.mulf %add3A_390, %add3A_390 : vector<16xf32>
        %add3A_452 = arith.addf %add3A_450, %mul3A_451 : vector<16xf32>
        %mul3A_453 = arith.mulf %add3A_400, %add3A_400 : vector<16xf32>
        %add3A_454 = arith.addf %add3A_452, %mul3A_453 : vector<16xf32>
        %mul3A_455 = arith.mulf %add3A_410, %add3A_410 : vector<16xf32>
        %add3A_456 = arith.addf %add3A_454, %mul3A_455 : vector<16xf32>
        %mul3A_457 = arith.mulf %add3A_420, %add3A_420 : vector<16xf32>
        %add3A_458 = arith.addf %add3A_456, %mul3A_457 : vector<16xf32>
        %mul3A_459 = arith.mulf %add3A_430, %add3A_430 : vector<16xf32>
        %add3A_460 = arith.addf %add3A_458, %mul3A_459 : vector<16xf32>
        %mul3A_461 = arith.mulf %add3A_440, %add3A_440 : vector<16xf32>
        %add3A_462 = arith.addf %add3A_460, %mul3A_461 : vector<16xf32>
        %lt3A_463 = arith.constant 0 : i32
        %lt3A_464 = vector.broadcast %lt3A_463 : i32 to vector<16xi32>
        %lt3A_465 = arith.cmpi slt, %xor3A_11, %lt3A_464 : vector<16xi32>
        %add3A_466 = arith.constant 16 : i32
        %add3A_467 = vector.broadcast %add3A_466 : i32 to vector<16xi32>
        %add3A_468 = arith.addi %xor3A_11, %add3A_467 : vector<16xi32>
        %select_n3A = arith.select %lt3A_465, %add3A_468, %xor3A_11 : vector<16xi1>, vector<16xi32>
        %broadcast_in_dim3A = vector.shape_cast %select_n3A : vector<16xi32> to vector<16x1xi32>
        %gather3A = vector.shape_cast %broadcast_in_dim3A : vector<16x1xi32> to vector<16xi32>
        %gather3A_469 = tpu.dynamic_gather %add3A_447[%gather3A] in [0] : vector<16xf32>, vector<16xi32> -> vector<16xf32>
        %add3A_470 = arith.addf %add3A_447, %gather3A_469 : vector<16xf32>
        %lt3A_471 = arith.constant 0 : i32
        %lt3A_472 = vector.broadcast %lt3A_471 : i32 to vector<16xi32>
        %lt3A_473 = arith.cmpi slt, %xor3A_14, %lt3A_472 : vector<16xi32>
        %add3A_474 = arith.constant 16 : i32
        %add3A_475 = vector.broadcast %add3A_474 : i32 to vector<16xi32>
        %add3A_476 = arith.addi %xor3A_14, %add3A_475 : vector<16xi32>
        %select_n3A_477 = arith.select %lt3A_473, %add3A_476, %xor3A_14 : vector<16xi1>, vector<16xi32>
        %broadcast_in_dim3A_478 = vector.shape_cast %select_n3A_477 : vector<16xi32> to vector<16x1xi32>
        %gather3A_479 = vector.shape_cast %broadcast_in_dim3A_478 : vector<16x1xi32> to vector<16xi32>
        %gather3A_480 = tpu.dynamic_gather %add3A_470[%gather3A_479] in [0] : vector<16xf32>, vector<16xi32> -> vector<16xf32>
        %add3A_481 = arith.addf %add3A_470, %gather3A_480 : vector<16xf32>
        %lt3A_482 = arith.constant 0 : i32
        %lt3A_483 = vector.broadcast %lt3A_482 : i32 to vector<16xi32>
        %lt3A_484 = arith.cmpi slt, %xor3A_17, %lt3A_483 : vector<16xi32>
        %add3A_485 = arith.constant 16 : i32
        %add3A_486 = vector.broadcast %add3A_485 : i32 to vector<16xi32>
        %add3A_487 = arith.addi %xor3A_17, %add3A_486 : vector<16xi32>
        %select_n3A_488 = arith.select %lt3A_484, %add3A_487, %xor3A_17 : vector<16xi1>, vector<16xi32>
        %broadcast_in_dim3A_489 = vector.shape_cast %select_n3A_488 : vector<16xi32> to vector<16x1xi32>
        %gather3A_490 = vector.shape_cast %broadcast_in_dim3A_489 : vector<16x1xi32> to vector<16xi32>
        %gather3A_491 = tpu.dynamic_gather %add3A_481[%gather3A_490] in [0] : vector<16xf32>, vector<16xi32> -> vector<16xf32>
        %add3A_492 = arith.addf %add3A_481, %gather3A_491 : vector<16xf32>
        %lt3A_493 = arith.constant 0 : i32
        %lt3A_494 = vector.broadcast %lt3A_493 : i32 to vector<16xi32>
        %lt3A_495 = arith.cmpi slt, %xor3A_20, %lt3A_494 : vector<16xi32>
        %add3A_496 = arith.constant 16 : i32
        %add3A_497 = vector.broadcast %add3A_496 : i32 to vector<16xi32>
        %add3A_498 = arith.addi %xor3A_20, %add3A_497 : vector<16xi32>
        %select_n3A_499 = arith.select %lt3A_495, %add3A_498, %xor3A_20 : vector<16xi1>, vector<16xi32>
        %broadcast_in_dim3A_500 = vector.shape_cast %select_n3A_499 : vector<16xi32> to vector<16x1xi32>
        %gather3A_501 = vector.shape_cast %broadcast_in_dim3A_500 : vector<16x1xi32> to vector<16xi32>
        %gather3A_502 = tpu.dynamic_gather %add3A_492[%gather3A_501] in [0] : vector<16xf32>, vector<16xi32> -> vector<16xf32>
        %add3A_503 = arith.addf %add3A_492, %gather3A_502 : vector<16xf32>
        %mul3A_504 = arith.constant 7.812500e-03 : f32
        %mul3A_505 = vector.broadcast %mul3A_504 : f32 to vector<16xf32>
        %mul3A_506 = arith.mulf %add3A_503, %mul3A_505 : vector<16xf32>
        %lt3A_507 = arith.constant 0 : i32
        %lt3A_508 = vector.broadcast %lt3A_507 : i32 to vector<16xi32>
        %lt3A_509 = arith.cmpi slt, %xor3A_11, %lt3A_508 : vector<16xi32>
        %add3A_510 = arith.constant 16 : i32
        %add3A_511 = vector.broadcast %add3A_510 : i32 to vector<16xi32>
        %add3A_512 = arith.addi %xor3A_11, %add3A_511 : vector<16xi32>
        %select_n3A_513 = arith.select %lt3A_509, %add3A_512, %xor3A_11 : vector<16xi1>, vector<16xi32>
        %broadcast_in_dim3A_514 = vector.shape_cast %select_n3A_513 : vector<16xi32> to vector<16x1xi32>
        %gather3A_515 = vector.shape_cast %broadcast_in_dim3A_514 : vector<16x1xi32> to vector<16xi32>
        %gather3A_516 = tpu.dynamic_gather %add3A_462[%gather3A_515] in [0] : vector<16xf32>, vector<16xi32> -> vector<16xf32>
        %add3A_517 = arith.addf %add3A_462, %gather3A_516 : vector<16xf32>
        %lt3A_518 = arith.constant 0 : i32
        %lt3A_519 = vector.broadcast %lt3A_518 : i32 to vector<16xi32>
        %lt3A_520 = arith.cmpi slt, %xor3A_14, %lt3A_519 : vector<16xi32>
        %add3A_521 = arith.constant 16 : i32
        %add3A_522 = vector.broadcast %add3A_521 : i32 to vector<16xi32>
        %add3A_523 = arith.addi %xor3A_14, %add3A_522 : vector<16xi32>
        %select_n3A_524 = arith.select %lt3A_520, %add3A_523, %xor3A_14 : vector<16xi1>, vector<16xi32>
        %broadcast_in_dim3A_525 = vector.shape_cast %select_n3A_524 : vector<16xi32> to vector<16x1xi32>
        %gather3A_526 = vector.shape_cast %broadcast_in_dim3A_525 : vector<16x1xi32> to vector<16xi32>
        %gather3A_527 = tpu.dynamic_gather %add3A_517[%gather3A_526] in [0] : vector<16xf32>, vector<16xi32> -> vector<16xf32>
        %add3A_528 = arith.addf %add3A_517, %gather3A_527 : vector<16xf32>
        %lt3A_529 = arith.constant 0 : i32
        %lt3A_530 = vector.broadcast %lt3A_529 : i32 to vector<16xi32>
        %lt3A_531 = arith.cmpi slt, %xor3A_17, %lt3A_530 : vector<16xi32>
        %add3A_532 = arith.constant 16 : i32
        %add3A_533 = vector.broadcast %add3A_532 : i32 to vector<16xi32>
        %add3A_534 = arith.addi %xor3A_17, %add3A_533 : vector<16xi32>
        %select_n3A_535 = arith.select %lt3A_531, %add3A_534, %xor3A_17 : vector<16xi1>, vector<16xi32>
        %broadcast_in_dim3A_536 = vector.shape_cast %select_n3A_535 : vector<16xi32> to vector<16x1xi32>
        %gather3A_537 = vector.shape_cast %broadcast_in_dim3A_536 : vector<16x1xi32> to vector<16xi32>
        %gather3A_538 = tpu.dynamic_gather %add3A_528[%gather3A_537] in [0] : vector<16xf32>, vector<16xi32> -> vector<16xf32>
        %add3A_539 = arith.addf %add3A_528, %gather3A_538 : vector<16xf32>
        %lt3A_540 = arith.constant 0 : i32
        %lt3A_541 = vector.broadcast %lt3A_540 : i32 to vector<16xi32>
        %lt3A_542 = arith.cmpi slt, %xor3A_20, %lt3A_541 : vector<16xi32>
        %add3A_543 = arith.constant 16 : i32
        %add3A_544 = vector.broadcast %add3A_543 : i32 to vector<16xi32>
        %add3A_545 = arith.addi %xor3A_20, %add3A_544 : vector<16xi32>
        %select_n3A_546 = arith.select %lt3A_542, %add3A_545, %xor3A_20 : vector<16xi1>, vector<16xi32>
        %broadcast_in_dim3A_547 = vector.shape_cast %select_n3A_546 : vector<16xi32> to vector<16x1xi32>
        %gather3A_548 = vector.shape_cast %broadcast_in_dim3A_547 : vector<16x1xi32> to vector<16xi32>
        %gather3A_549 = tpu.dynamic_gather %add3A_539[%gather3A_548] in [0] : vector<16xf32>, vector<16xi32> -> vector<16xf32>
        %add3A_550 = arith.addf %add3A_539, %gather3A_549 : vector<16xf32>
        %mul3A_551 = arith.constant 7.812500e-03 : f32
        %mul3A_552 = vector.broadcast %mul3A_551 : f32 to vector<16xf32>
        %mul3A_553 = arith.mulf %add3A_550, %mul3A_552 : vector<16xf32>
        %mul3A_554 = arith.mulf %mul3A_506, %mul3A_506 : vector<16xf32>
        %sub3A = arith.subf %mul3A_553, %mul3A_554 : vector<16xf32>
        %add3A_555 = arith.constant 9.99999974E-6 : f32
        %add3A_556 = vector.broadcast %add3A_555 : f32 to vector<16xf32>
        %add3A_557 = arith.addf %sub3A, %add3A_556 : vector<16xf32>
        %bitcast3A = vector.bitcast %add3A_557 : vector<16xf32> to vector<16xi32>
        %shift_right_arithmetic3A = arith.constant 1 : i32
        %shift_right_arithmetic3A_558 = vector.broadcast %shift_right_arithmetic3A : i32 to vector<16xi32>
        %shift_right_arithmetic3A_559 = arith.shrsi %bitcast3A, %shift_right_arithmetic3A_558 : vector<16xi32>
        %sub3A_560 = arith.constant 1597463007 : i32
        %sub3A_561 = vector.broadcast %sub3A_560 : i32 to vector<16xi32>
        %sub3A_562 = arith.subi %sub3A_561, %shift_right_arithmetic3A_559 : vector<16xi32>
        %bitcast3A_563 = vector.bitcast %sub3A_562 : vector<16xi32> to vector<16xf32>
        %mul3A_564 = arith.constant 5.000000e-01 : f32
        %mul3A_565 = vector.broadcast %mul3A_564 : f32 to vector<16xf32>
        %mul3A_566 = arith.mulf %mul3A_565, %add3A_557 : vector<16xf32>
        %mul3A_567 = arith.mulf %mul3A_566, %bitcast3A_563 : vector<16xf32>
        %mul3A_568 = arith.mulf %mul3A_567, %bitcast3A_563 : vector<16xf32>
        %sub3A_569 = arith.constant 1.500000e+00 : f32
        %sub3A_570 = vector.broadcast %sub3A_569 : f32 to vector<16xf32>
        %sub3A_571 = arith.subf %sub3A_570, %mul3A_568 : vector<16xf32>
        %mul3A_572 = arith.mulf %bitcast3A_563, %sub3A_571 : vector<16xf32>
        %mul3A_573 = arith.constant 5.000000e-01 : f32
        %mul3A_574 = vector.broadcast %mul3A_573 : f32 to vector<16xf32>
        %mul3A_575 = arith.mulf %mul3A_574, %add3A_557 : vector<16xf32>
        %mul3A_576 = arith.mulf %mul3A_575, %mul3A_572 : vector<16xf32>
        %mul3A_577 = arith.mulf %mul3A_576, %mul3A_572 : vector<16xf32>
        %sub3A_578 = arith.constant 1.500000e+00 : f32
        %sub3A_579 = vector.broadcast %sub3A_578 : f32 to vector<16xf32>
        %sub3A_580 = arith.subf %sub3A_579, %mul3A_577 : vector<16xf32>
        %mul3A_581 = arith.mulf %mul3A_572, %sub3A_580 : vector<16xf32>
        %mul3A_582 = arith.mulf %mul3A_581, %get3A_87 : vector<16xf32>
        %mul3A_583 = arith.mulf %add3A_370, %mul3A_582 : vector<16xf32>
        %mul3A_584 = arith.mulf %mul3A_506, %mul3A_582 : vector<16xf32>
        %sub3A_585 = arith.subf %get3A_119, %mul3A_584 : vector<16xf32>
        %add3A_586 = arith.addf %mul3A_583, %sub3A_585 : vector<16xf32>
        %swap3A = arith.index_cast %mul3A_357 : i32 to index
        %swap3A_587 = arith.constant 0 : index
        %swap3A_588 = tpu.vector_load %arg15[%swap3A, %swap3A_587] {strides = array<i32>} : memref<100x128xf32, #tpu.memory_space<vmem>>, vector<16xf32>,
        tpu.vector_store %arg15[%swap3A, %swap3A_587], %add3A_586 {strides = array<i32>} : memref<100x128xf32, #tpu.memory_space<vmem>>, vector<16xf32>,
        %mul3A_589 = arith.mulf %mul3A_581, %get3A_91 : vector<16xf32>
        %mul3A_590 = arith.mulf %add3A_380, %mul3A_589 : vector<16xf32>
        %mul3A_591 = arith.mulf %mul3A_506, %mul3A_589 : vector<16xf32>
        %sub3A_592 = arith.subf %get3A_123, %mul3A_591 : vector<16xf32>
        %add3A_593 = arith.addf %mul3A_590, %sub3A_592 : vector<16xf32>
        %swap3A_594 = arith.index_cast %mul3A_357 : i32 to index
        %swap3A_595 = arith.constant 16 : index
        %swap3A_596 = tpu.vector_load %arg15[%swap3A_594, %swap3A_595] {strides = array<i32>} : memref<100x128xf32, #tpu.memory_space<vmem>>, vector<16xf32>,
        tpu.vector_store %arg15[%swap3A_594, %swap3A_595], %add3A_593 {strides = array<i32>} : memref<100x128xf32, #tpu.memory_space<vmem>>, vector<16xf32>,
        %mul3A_597 = arith.mulf %mul3A_581, %get3A_95 : vector<16xf32>
        %mul3A_598 = arith.mulf %add3A_390, %mul3A_597 : vector<16xf32>
        %mul3A_599 = arith.mulf %mul3A_506, %mul3A_597 : vector<16xf32>
        %sub3A_600 = arith.subf %get3A_127, %mul3A_599 : vector<16xf32>
        %add3A_601 = arith.addf %mul3A_598, %sub3A_600 : vector<16xf32>
        %swap3A_602 = arith.index_cast %mul3A_357 : i32 to index
        %swap3A_603 = arith.constant 32 : index
        %swap3A_604 = tpu.vector_load %arg15[%swap3A_602, %swap3A_603] {strides = array<i32>} : memref<100x128xf32, #tpu.memory_space<vmem>>, vector<16xf32>,
        tpu.vector_store %arg15[%swap3A_602, %swap3A_603], %add3A_601 {strides = array<i32>} : memref<100x128xf32, #tpu.memory_space<vmem>>, vector<16xf32>,
        %mul3A_605 = arith.mulf %mul3A_581, %get3A_99 : vector<16xf32>
        %mul3A_606 = arith.mulf %add3A_400, %mul3A_605 : vector<16xf32>
        %mul3A_607 = arith.mulf %mul3A_506, %mul3A_605 : vector<16xf32>
        %sub3A_608 = arith.subf %get3A_131, %mul3A_607 : vector<16xf32>
        %add3A_609 = arith.addf %mul3A_606, %sub3A_608 : vector<16xf32>
        %swap3A_610 = arith.index_cast %mul3A_357 : i32 to index
        %swap3A_611 = arith.constant 48 : index
        %swap3A_612 = tpu.vector_load %arg15[%swap3A_610, %swap3A_611] {strides = array<i32>} : memref<100x128xf32, #tpu.memory_space<vmem>>, vector<16xf32>,
        tpu.vector_store %arg15[%swap3A_610, %swap3A_611], %add3A_609 {strides = array<i32>} : memref<100x128xf32, #tpu.memory_space<vmem>>, vector<16xf32>,
        %mul3A_613 = arith.mulf %mul3A_581, %get3A_103 : vector<16xf32>
        %mul3A_614 = arith.mulf %add3A_410, %mul3A_613 : vector<16xf32>
        %mul3A_615 = arith.mulf %mul3A_506, %mul3A_613 : vector<16xf32>
        %sub3A_616 = arith.subf %get3A_135, %mul3A_615 : vector<16xf32>
        %add3A_617 = arith.addf %mul3A_614, %sub3A_616 : vector<16xf32>
        %swap3A_618 = arith.index_cast %mul3A_357 : i32 to index
        %swap3A_619 = arith.constant 64 : index
        %swap3A_620 = tpu.vector_load %arg15[%swap3A_618, %swap3A_619] {strides = array<i32>} : memref<100x128xf32, #tpu.memory_space<vmem>>, vector<16xf32>,
        tpu.vector_store %arg15[%swap3A_618, %swap3A_619], %add3A_617 {strides = array<i32>} : memref<100x128xf32, #tpu.memory_space<vmem>>, vector<16xf32>,
        %mul3A_621 = arith.mulf %mul3A_581, %get3A_107 : vector<16xf32>
        %mul3A_622 = arith.mulf %add3A_420, %mul3A_621 : vector<16xf32>
        %mul3A_623 = arith.mulf %mul3A_506, %mul3A_621 : vector<16xf32>
        %sub3A_624 = arith.subf %get3A_139, %mul3A_623 : vector<16xf32>
        %add3A_625 = arith.addf %mul3A_622, %sub3A_624 : vector<16xf32>
        %swap3A_626 = arith.index_cast %mul3A_357 : i32 to index
        %swap3A_627 = arith.constant 80 : index
        %swap3A_628 = tpu.vector_load %arg15[%swap3A_626, %swap3A_627] {strides = array<i32>} : memref<100x128xf32, #tpu.memory_space<vmem>>, vector<16xf32>,
        tpu.vector_store %arg15[%swap3A_626, %swap3A_627], %add3A_625 {strides = array<i32>} : memref<100x128xf32, #tpu.memory_space<vmem>>, vector<16xf32>,
        %mul3A_629 = arith.mulf %mul3A_581, %get3A_111 : vector<16xf32>
        %mul3A_630 = arith.mulf %add3A_430, %mul3A_629 : vector<16xf32>
        %mul3A_631 = arith.mulf %mul3A_506, %mul3A_629 : vector<16xf32>
        %sub3A_632 = arith.subf %get3A_143, %mul3A_631 : vector<16xf32>
        %add3A_633 = arith.addf %mul3A_630, %sub3A_632 : vector<16xf32>
        %swap3A_634 = arith.index_cast %mul3A_357 : i32 to index
        %swap3A_635 = arith.constant 96 : index
        %swap3A_636 = tpu.vector_load %arg15[%swap3A_634, %swap3A_635] {strides = array<i32>} : memref<100x128xf32, #tpu.memory_space<vmem>>, vector<16xf32>,
        tpu.vector_store %arg15[%swap3A_634, %swap3A_635], %add3A_633 {strides = array<i32>} : memref<100x128xf32, #tpu.memory_space<vmem>>, vector<16xf32>,
        %mul3A_637 = arith.mulf %mul3A_581, %get3A_115 : vector<16xf32>
        %mul3A_638 = arith.mulf %add3A_440, %mul3A_637 : vector<16xf32>
        %mul3A_639 = arith.mulf %mul3A_506, %mul3A_637 : vector<16xf32>
        %sub3A_640 = arith.subf %get3A_147, %mul3A_639 : vector<16xf32>
        %add3A_641 = arith.addf %mul3A_638, %sub3A_640 : vector<16xf32>
        %swap3A_642 = arith.index_cast %mul3A_357 : i32 to index
        %swap3A_643 = arith.constant 112 : index
        %swap3A_644 = tpu.vector_load %arg15[%swap3A_642, %swap3A_643] {strides = array<i32>} : memref<100x128xf32, #tpu.memory_space<vmem>>, vector<16xf32>,
        tpu.vector_store %arg15[%swap3A_642, %swap3A_643], %add3A_641 {strides = array<i32>} : memref<100x128xf32, #tpu.memory_space<vmem>>, vector<16xf32>,
        %add3A_645 = arith.constant 1 : i32
        %add3A_646 = arith.addi %mul3A_357, %add3A_645 : i32
        %slice3A_647 = vector.extract_strided_slice %get3A_360 {offsets = [1], sizes = [1], strides = [1]} : vector<16xi32> to vector<1xi32>
        %squeeze3A_648 = vector.extract %slice3A_647[0] : i32 from vector<1xi32>
        %get3A_649 = arith.index_cast %add3A_646 : i32 to index
        %get3A_650 = arith.constant 0 : index
        %get3A_651 = tpu.vector_load %arg15[%get3A_649, %get3A_650] {strides = array<i32>} : memref<100x128xf32, #tpu.memory_space<vmem>>, vector<16xf32>,
        %add3A_652 = arith.constant 100 : i32
        %add3A_653 = arith.addi %add3A_652, %add3A_646 : i32
        %get3A_654 = arith.index_cast %squeeze3A_648 : i32 to index
        %get3A_655 = arith.index_cast %add3A_653 : i32 to index
        %get3A_656 = arith.constant 0 : index
        %get3A_657 = tpu.vector_load %arg16[%get3A_654, %get3A_655, %get3A_656] {strides = array<i32>} : memref<2x200x128xf32, #tpu.memory_space<vmem>>, vector<16xf32>,
        %add3A_658 = arith.addf %get3A_651, %get3A_657 : vector<16xf32>
        %get3A_659 = arith.index_cast %add3A_646 : i32 to index
        %get3A_660 = arith.constant 16 : index
        %get3A_661 = tpu.vector_load %arg15[%get3A_659, %get3A_660] {strides = array<i32>} : memref<100x128xf32, #tpu.memory_space<vmem>>, vector<16xf32>,
        %add3A_662 = arith.constant 100 : i32
        %add3A_663 = arith.addi %add3A_662, %add3A_646 : i32
        %get3A_664 = arith.index_cast %squeeze3A_648 : i32 to index
        %get3A_665 = arith.index_cast %add3A_663 : i32 to index
        %get3A_666 = arith.constant 16 : index
        %get3A_667 = tpu.vector_load %arg16[%get3A_664, %get3A_665, %get3A_666] {strides = array<i32>} : memref<2x200x128xf32, #tpu.memory_space<vmem>>, vector<16xf32>,
        %add3A_668 = arith.addf %get3A_661, %get3A_667 : vector<16xf32>
        %get3A_669 = arith.index_cast %add3A_646 : i32 to index
        %get3A_670 = arith.constant 32 : index
        %get3A_671 = tpu.vector_load %arg15[%get3A_669, %get3A_670] {strides = array<i32>} : memref<100x128xf32, #tpu.memory_space<vmem>>, vector<16xf32>,
        %add3A_672 = arith.constant 100 : i32
        %add3A_673 = arith.addi %add3A_672, %add3A_646 : i32
        %get3A_674 = arith.index_cast %squeeze3A_648 : i32 to index
        %get3A_675 = arith.index_cast %add3A_673 : i32 to index
        %get3A_676 = arith.constant 32 : index
        %get3A_677 = tpu.vector_load %arg16[%get3A_674, %get3A_675, %get3A_676] {strides = array<i32>} : memref<2x200x128xf32, #tpu.memory_space<vmem>>, vector<16xf32>,
        %add3A_678 = arith.addf %get3A_671, %get3A_677 : vector<16xf32>
        %get3A_679 = arith.index_cast %add3A_646 : i32 to index
        %get3A_680 = arith.constant 48 : index
        %get3A_681 = tpu.vector_load %arg15[%get3A_679, %get3A_680] {strides = array<i32>} : memref<100x128xf32, #tpu.memory_space<vmem>>, vector<16xf32>,
        %add3A_682 = arith.constant 100 : i32
        %add3A_683 = arith.addi %add3A_682, %add3A_646 : i32
        %get3A_684 = arith.index_cast %squeeze3A_648 : i32 to index
        %get3A_685 = arith.index_cast %add3A_683 : i32 to index
        %get3A_686 = arith.constant 48 : index
        %get3A_687 = tpu.vector_load %arg16[%get3A_684, %get3A_685, %get3A_686] {strides = array<i32>} : memref<2x200x128xf32, #tpu.memory_space<vmem>>, vector<16xf32>,
        %add3A_688 = arith.addf %get3A_681, %get3A_687 : vector<16xf32>
        %get3A_689 = arith.index_cast %add3A_646 : i32 to index
        %get3A_690 = arith.constant 64 : index
        %get3A_691 = tpu.vector_load %arg15[%get3A_689, %get3A_690] {strides = array<i32>} : memref<100x128xf32, #tpu.memory_space<vmem>>, vector<16xf32>,
        %add3A_692 = arith.constant 100 : i32
        %add3A_693 = arith.addi %add3A_692, %add3A_646 : i32
        %get3A_694 = arith.index_cast %squeeze3A_648 : i32 to index
        %get3A_695 = arith.index_cast %add3A_693 : i32 to index
        %get3A_696 = arith.constant 64 : index
        %get3A_697 = tpu.vector_load %arg16[%get3A_694, %get3A_695, %get3A_696] {strides = array<i32>} : memref<2x200x128xf32, #tpu.memory_space<vmem>>, vector<16xf32>,
        %add3A_698 = arith.addf %get3A_691, %get3A_697 : vector<16xf32>
        %get3A_699 = arith.index_cast %add3A_646 : i32 to index
        %get3A_700 = arith.constant 80 : index
        %get3A_701 = tpu.vector_load %arg15[%get3A_699, %get3A_700] {strides = array<i32>} : memref<100x128xf32, #tpu.memory_space<vmem>>, vector<16xf32>,
        %add3A_702 = arith.constant 100 : i32
        %add3A_703 = arith.addi %add3A_702, %add3A_646 : i32
        %get3A_704 = arith.index_cast %squeeze3A_648 : i32 to index
        %get3A_705 = arith.index_cast %add3A_703 : i32 to index
        %get3A_706 = arith.constant 80 : index
        %get3A_707 = tpu.vector_load %arg16[%get3A_704, %get3A_705, %get3A_706] {strides = array<i32>} : memref<2x200x128xf32, #tpu.memory_space<vmem>>, vector<16xf32>,
        %add3A_708 = arith.addf %get3A_701, %get3A_707 : vector<16xf32>
        %get3A_709 = arith.index_cast %add3A_646 : i32 to index
        %get3A_710 = arith.constant 96 : index
        %get3A_711 = tpu.vector_load %arg15[%get3A_709, %get3A_710] {strides = array<i32>} : memref<100x128xf32, #tpu.memory_space<vmem>>, vector<16xf32>,
        %add3A_712 = arith.constant 100 : i32
        %add3A_713 = arith.addi %add3A_712, %add3A_646 : i32
        %get3A_714 = arith.index_cast %squeeze3A_648 : i32 to index
        %get3A_715 = arith.index_cast %add3A_713 : i32 to index
        %get3A_716 = arith.constant 96 : index
        %get3A_717 = tpu.vector_load %arg16[%get3A_714, %get3A_715, %get3A_716] {strides = array<i32>} : memref<2x200x128xf32, #tpu.memory_space<vmem>>, vector<16xf32>,
        %add3A_718 = arith.addf %get3A_711, %get3A_717 : vector<16xf32>
        %get3A_719 = arith.index_cast %add3A_646 : i32 to index
        %get3A_720 = arith.constant 112 : index
        %get3A_721 = tpu.vector_load %arg15[%get3A_719, %get3A_720] {strides = array<i32>} : memref<100x128xf32, #tpu.memory_space<vmem>>, vector<16xf32>,
        %add3A_722 = arith.constant 100 : i32
        %add3A_723 = arith.addi %add3A_722, %add3A_646 : i32
        %get3A_724 = arith.index_cast %squeeze3A_648 : i32 to index
        %get3A_725 = arith.index_cast %add3A_723 : i32 to index
        %get3A_726 = arith.constant 112 : index
        %get3A_727 = tpu.vector_load %arg16[%get3A_724, %get3A_725, %get3A_726] {strides = array<i32>} : memref<2x200x128xf32, #tpu.memory_space<vmem>>, vector<16xf32>,
        %add3A_728 = arith.addf %get3A_721, %get3A_727 : vector<16xf32>
        %add3A_729 = arith.addf %add3A_658, %add3A_668 : vector<16xf32>
        %add3A_730 = arith.addf %add3A_678, %add3A_688 : vector<16xf32>
        %add3A_731 = arith.addf %add3A_729, %add3A_730 : vector<16xf32>
        %add3A_732 = arith.addf %add3A_698, %add3A_708 : vector<16xf32>
        %add3A_733 = arith.addf %add3A_718, %add3A_728 : vector<16xf32>
        %add3A_734 = arith.addf %add3A_732, %add3A_733 : vector<16xf32>
        %add3A_735 = arith.addf %add3A_731, %add3A_734 : vector<16xf32>
        %mul3A_736 = arith.mulf %add3A_658, %add3A_658 : vector<16xf32>
        %mul3A_737 = arith.mulf %add3A_668, %add3A_668 : vector<16xf32>
        %add3A_738 = arith.addf %mul3A_736, %mul3A_737 : vector<16xf32>
        %mul3A_739 = arith.mulf %add3A_678, %add3A_678 : vector<16xf32>
        %add3A_740 = arith.addf %add3A_738, %mul3A_739 : vector<16xf32>
        %mul3A_741 = arith.mulf %add3A_688, %add3A_688 : vector<16xf32>
        %add3A_742 = arith.addf %add3A_740, %mul3A_741 : vector<16xf32>
        %mul3A_743 = arith.mulf %add3A_698, %add3A_698 : vector<16xf32>
        %add3A_744 = arith.addf %add3A_742, %mul3A_743 : vector<16xf32>
        %mul3A_745 = arith.mulf %add3A_708, %add3A_708 : vector<16xf32>
        %add3A_746 = arith.addf %add3A_744, %mul3A_745 : vector<16xf32>
        %mul3A_747 = arith.mulf %add3A_718, %add3A_718 : vector<16xf32>
        %add3A_748 = arith.addf %add3A_746, %mul3A_747 : vector<16xf32>
        %mul3A_749 = arith.mulf %add3A_728, %add3A_728 : vector<16xf32>
        %add3A_750 = arith.addf %add3A_748, %mul3A_749 : vector<16xf32>
        %lt3A_751 = arith.constant 0 : i32
        %lt3A_752 = vector.broadcast %lt3A_751 : i32 to vector<16xi32>
        %lt3A_753 = arith.cmpi slt, %xor3A_11, %lt3A_752 : vector<16xi32>
        %add3A_754 = arith.constant 16 : i32
        %add3A_755 = vector.broadcast %add3A_754 : i32 to vector<16xi32>
        %add3A_756 = arith.addi %xor3A_11, %add3A_755 : vector<16xi32>
        %select_n3A_757 = arith.select %lt3A_753, %add3A_756, %xor3A_11 : vector<16xi1>, vector<16xi32>
        %broadcast_in_dim3A_758 = vector.shape_cast %select_n3A_757 : vector<16xi32> to vector<16x1xi32>
        %gather3A_759 = vector.shape_cast %broadcast_in_dim3A_758 : vector<16x1xi32> to vector<16xi32>
        %gather3A_760 = tpu.dynamic_gather %add3A_735[%gather3A_759] in [0] : vector<16xf32>, vector<16xi32> -> vector<16xf32>
        %add3A_761 = arith.addf %add3A_735, %gather3A_760 : vector<16xf32>
        %lt3A_762 = arith.constant 0 : i32
        %lt3A_763 = vector.broadcast %lt3A_762 : i32 to vector<16xi32>
        %lt3A_764 = arith.cmpi slt, %xor3A_14, %lt3A_763 : vector<16xi32>
        %add3A_765 = arith.constant 16 : i32
        %add3A_766 = vector.broadcast %add3A_765 : i32 to vector<16xi32>
        %add3A_767 = arith.addi %xor3A_14, %add3A_766 : vector<16xi32>
        %select_n3A_768 = arith.select %lt3A_764, %add3A_767, %xor3A_14 : vector<16xi1>, vector<16xi32>
        %broadcast_in_dim3A_769 = vector.shape_cast %select_n3A_768 : vector<16xi32> to vector<16x1xi32>
        %gather3A_770 = vector.shape_cast %broadcast_in_dim3A_769 : vector<16x1xi32> to vector<16xi32>
        %gather3A_771 = tpu.dynamic_gather %add3A_761[%gather3A_770] in [0] : vector<16xf32>, vector<16xi32> -> vector<16xf32>
        %add3A_772 = arith.addf %add3A_761, %gather3A_771 : vector<16xf32>
        %lt3A_773 = arith.constant 0 : i32
        %lt3A_774 = vector.broadcast %lt3A_773 : i32 to vector<16xi32>
        %lt3A_775 = arith.cmpi slt, %xor3A_17, %lt3A_774 : vector<16xi32>
        %add3A_776 = arith.constant 16 : i32
        %add3A_777 = vector.broadcast %add3A_776 : i32 to vector<16xi32>
        %add3A_778 = arith.addi %xor3A_17, %add3A_777 : vector<16xi32>
        %select_n3A_779 = arith.select %lt3A_775, %add3A_778, %xor3A_17 : vector<16xi1>, vector<16xi32>
        %broadcast_in_dim3A_780 = vector.shape_cast %select_n3A_779 : vector<16xi32> to vector<16x1xi32>
        %gather3A_781 = vector.shape_cast %broadcast_in_dim3A_780 : vector<16x1xi32> to vector<16xi32>
        %gather3A_782 = tpu.dynamic_gather %add3A_772[%gather3A_781] in [0] : vector<16xf32>, vector<16xi32> -> vector<16xf32>
        %add3A_783 = arith.addf %add3A_772, %gather3A_782 : vector<16xf32>
        %lt3A_784 = arith.constant 0 : i32
        %lt3A_785 = vector.broadcast %lt3A_784 : i32 to vector<16xi32>
        %lt3A_786 = arith.cmpi slt, %xor3A_20, %lt3A_785 : vector<16xi32>
        %add3A_787 = arith.constant 16 : i32
        %add3A_788 = vector.broadcast %add3A_787 : i32 to vector<16xi32>
        %add3A_789 = arith.addi %xor3A_20, %add3A_788 : vector<16xi32>
        %select_n3A_790 = arith.select %lt3A_786, %add3A_789, %xor3A_20 : vector<16xi1>, vector<16xi32>
        %broadcast_in_dim3A_791 = vector.shape_cast %select_n3A_790 : vector<16xi32> to vector<16x1xi32>
        %gather3A_792 = vector.shape_cast %broadcast_in_dim3A_791 : vector<16x1xi32> to vector<16xi32>
        %gather3A_793 = tpu.dynamic_gather %add3A_783[%gather3A_792] in [0] : vector<16xf32>, vector<16xi32> -> vector<16xf32>
        %add3A_794 = arith.addf %add3A_783, %gather3A_793 : vector<16xf32>
        %mul3A_795 = arith.constant 7.812500e-03 : f32
        %mul3A_796 = vector.broadcast %mul3A_795 : f32 to vector<16xf32>
        %mul3A_797 = arith.mulf %add3A_794, %mul3A_796 : vector<16xf32>
        %lt3A_798 = arith.constant 0 : i32
        %lt3A_799 = vector.broadcast %lt3A_798 : i32 to vector<16xi32>
        %lt3A_800 = arith.cmpi slt, %xor3A_11, %lt3A_799 : vector<16xi32>
        %add3A_801 = arith.constant 16 : i32
        %add3A_802 = vector.broadcast %add3A_801 : i32 to vector<16xi32>
        %add3A_803 = arith.addi %xor3A_11, %add3A_802 : vector<16xi32>
        %select_n3A_804 = arith.select %lt3A_800, %add3A_803, %xor3A_11 : vector<16xi1>, vector<16xi32>
        %broadcast_in_dim3A_805 = vector.shape_cast %select_n3A_804 : vector<16xi32> to vector<16x1xi32>
        %gather3A_806 = vector.shape_cast %broadcast_in_dim3A_805 : vector<16x1xi32> to vector<16xi32>
        %gather3A_807 = tpu.dynamic_gather %add3A_750[%gather3A_806] in [0] : vector<16xf32>, vector<16xi32> -> vector<16xf32>
        %add3A_808 = arith.addf %add3A_750, %gather3A_807 : vector<16xf32>
        %lt3A_809 = arith.constant 0 : i32
        %lt3A_810 = vector.broadcast %lt3A_809 : i32 to vector<16xi32>
        %lt3A_811 = arith.cmpi slt, %xor3A_14, %lt3A_810 : vector<16xi32>
        %add3A_812 = arith.constant 16 : i32
        %add3A_813 = vector.broadcast %add3A_812 : i32 to vector<16xi32>
        %add3A_814 = arith.addi %xor3A_14, %add3A_813 : vector<16xi32>
        %select_n3A_815 = arith.select %lt3A_811, %add3A_814, %xor3A_14 : vector<16xi1>, vector<16xi32>
        %broadcast_in_dim3A_816 = vector.shape_cast %select_n3A_815 : vector<16xi32> to vector<16x1xi32>
        %gather3A_817 = vector.shape_cast %broadcast_in_dim3A_816 : vector<16x1xi32> to vector<16xi32>
        %gather3A_818 = tpu.dynamic_gather %add3A_808[%gather3A_817] in [0] : vector<16xf32>, vector<16xi32> -> vector<16xf32>
        %add3A_819 = arith.addf %add3A_808, %gather3A_818 : vector<16xf32>
        %lt3A_820 = arith.constant 0 : i32
        %lt3A_821 = vector.broadcast %lt3A_820 : i32 to vector<16xi32>
        %lt3A_822 = arith.cmpi slt, %xor3A_17, %lt3A_821 : vector<16xi32>
        %add3A_823 = arith.constant 16 : i32
        %add3A_824 = vector.broadcast %add3A_823 : i32 to vector<16xi32>
        %add3A_825 = arith.addi %xor3A_17, %add3A_824 : vector<16xi32>
        %select_n3A_826 = arith.select %lt3A_822, %add3A_825, %xor3A_17 : vector<16xi1>, vector<16xi32>
        %broadcast_in_dim3A_827 = vector.shape_cast %select_n3A_826 : vector<16xi32> to vector<16x1xi32>
        %gather3A_828 = vector.shape_cast %broadcast_in_dim3A_827 : vector<16x1xi32> to vector<16xi32>
        %gather3A_829 = tpu.dynamic_gather %add3A_819[%gather3A_828] in [0] : vector<16xf32>, vector<16xi32> -> vector<16xf32>
        %add3A_830 = arith.addf %add3A_819, %gather3A_829 : vector<16xf32>
        %lt3A_831 = arith.constant 0 : i32
        %lt3A_832 = vector.broadcast %lt3A_831 : i32 to vector<16xi32>
        %lt3A_833 = arith.cmpi slt, %xor3A_20, %lt3A_832 : vector<16xi32>
        %add3A_834 = arith.constant 16 : i32
        %add3A_835 = vector.broadcast %add3A_834 : i32 to vector<16xi32>
        %add3A_836 = arith.addi %xor3A_20, %add3A_835 : vector<16xi32>
        %select_n3A_837 = arith.select %lt3A_833, %add3A_836, %xor3A_20 : vector<16xi1>, vector<16xi32>
        %broadcast_in_dim3A_838 = vector.shape_cast %select_n3A_837 : vector<16xi32> to vector<16x1xi32>
        %gather3A_839 = vector.shape_cast %broadcast_in_dim3A_838 : vector<16x1xi32> to vector<16xi32>
        %gather3A_840 = tpu.dynamic_gather %add3A_830[%gather3A_839] in [0] : vector<16xf32>, vector<16xi32> -> vector<16xf32>
        %add3A_841 = arith.addf %add3A_830, %gather3A_840 : vector<16xf32>
        %mul3A_842 = arith.constant 7.812500e-03 : f32
        %mul3A_843 = vector.broadcast %mul3A_842 : f32 to vector<16xf32>
        %mul3A_844 = arith.mulf %add3A_841, %mul3A_843 : vector<16xf32>
        %mul3A_845 = arith.mulf %mul3A_797, %mul3A_797 : vector<16xf32>
        %sub3A_846 = arith.subf %mul3A_844, %mul3A_845 : vector<16xf32>
        %add3A_847 = arith.constant 9.99999974E-6 : f32
        %add3A_848 = vector.broadcast %add3A_847 : f32 to vector<16xf32>
        %add3A_849 = arith.addf %sub3A_846, %add3A_848 : vector<16xf32>
        %bitcast3A_850 = vector.bitcast %add3A_849 : vector<16xf32> to vector<16xi32>
        %shift_right_arithmetic3A_851 = arith.constant 1 : i32
        %shift_right_arithmetic3A_852 = vector.broadcast %shift_right_arithmetic3A_851 : i32 to vector<16xi32>
        %shift_right_arithmetic3A_853 = arith.shrsi %bitcast3A_850, %shift_right_arithmetic3A_852 : vector<16xi32>
        %sub3A_854 = arith.constant 1597463007 : i32
        %sub3A_855 = vector.broadcast %sub3A_854 : i32 to vector<16xi32>
        %sub3A_856 = arith.subi %sub3A_855, %shift_right_arithmetic3A_853 : vector<16xi32>
        %bitcast3A_857 = vector.bitcast %sub3A_856 : vector<16xi32> to vector<16xf32>
        %mul3A_858 = arith.constant 5.000000e-01 : f32
        %mul3A_859 = vector.broadcast %mul3A_858 : f32 to vector<16xf32>
        %mul3A_860 = arith.mulf %mul3A_859, %add3A_849 : vector<16xf32>
        %mul3A_861 = arith.mulf %mul3A_860, %bitcast3A_857 : vector<16xf32>
        %mul3A_862 = arith.mulf %mul3A_861, %bitcast3A_857 : vector<16xf32>
        %sub3A_863 = arith.constant 1.500000e+00 : f32
        %sub3A_864 = vector.broadcast %sub3A_863 : f32 to vector<16xf32>
        %sub3A_865 = arith.subf %sub3A_864, %mul3A_862 : vector<16xf32>
        %mul3A_866 = arith.mulf %bitcast3A_857, %sub3A_865 : vector<16xf32>
        %mul3A_867 = arith.constant 5.000000e-01 : f32
        %mul3A_868 = vector.broadcast %mul3A_867 : f32 to vector<16xf32>
        %mul3A_869 = arith.mulf %mul3A_868, %add3A_849 : vector<16xf32>
        %mul3A_870 = arith.mulf %mul3A_869, %mul3A_866 : vector<16xf32>
        %mul3A_871 = arith.mulf %mul3A_870, %mul3A_866 : vector<16xf32>
        %sub3A_872 = arith.constant 1.500000e+00 : f32
        %sub3A_873 = vector.broadcast %sub3A_872 : f32 to vector<16xf32>
        %sub3A_874 = arith.subf %sub3A_873, %mul3A_871 : vector<16xf32>
        %mul3A_875 = arith.mulf %mul3A_866, %sub3A_874 : vector<16xf32>
        %mul3A_876 = arith.mulf %mul3A_875, %get3A_87 : vector<16xf32>
        %mul3A_877 = arith.mulf %add3A_658, %mul3A_876 : vector<16xf32>
        %mul3A_878 = arith.mulf %mul3A_797, %mul3A_876 : vector<16xf32>
        %sub3A_879 = arith.subf %get3A_119, %mul3A_878 : vector<16xf32>
        %add3A_880 = arith.addf %mul3A_877, %sub3A_879 : vector<16xf32>
        %swap3A_881 = arith.index_cast %add3A_646 : i32 to index
        %swap3A_882 = arith.constant 0 : index
        %swap3A_883 = tpu.vector_load %arg15[%swap3A_881, %swap3A_882] {strides = array<i32>} : memref<100x128xf32, #tpu.memory_space<vmem>>, vector<16xf32>,
        tpu.vector_store %arg15[%swap3A_881, %swap3A_882], %add3A_880 {strides = array<i32>} : memref<100x128xf32, #tpu.memory_space<vmem>>, vector<16xf32>,
        %mul3A_884 = arith.mulf %mul3A_875, %get3A_91 : vector<16xf32>
        %mul3A_885 = arith.mulf %add3A_668, %mul3A_884 : vector<16xf32>
        %mul3A_886 = arith.mulf %mul3A_797, %mul3A_884 : vector<16xf32>
        %sub3A_887 = arith.subf %get3A_123, %mul3A_886 : vector<16xf32>
        %add3A_888 = arith.addf %mul3A_885, %sub3A_887 : vector<16xf32>
        %swap3A_889 = arith.index_cast %add3A_646 : i32 to index
        %swap3A_890 = arith.constant 16 : index
        %swap3A_891 = tpu.vector_load %arg15[%swap3A_889, %swap3A_890] {strides = array<i32>} : memref<100x128xf32, #tpu.memory_space<vmem>>, vector<16xf32>,
        tpu.vector_store %arg15[%swap3A_889, %swap3A_890], %add3A_888 {strides = array<i32>} : memref<100x128xf32, #tpu.memory_space<vmem>>, vector<16xf32>,
        %mul3A_892 = arith.mulf %mul3A_875, %get3A_95 : vector<16xf32>
        %mul3A_893 = arith.mulf %add3A_678, %mul3A_892 : vector<16xf32>
        %mul3A_894 = arith.mulf %mul3A_797, %mul3A_892 : vector<16xf32>
        %sub3A_895 = arith.subf %get3A_127, %mul3A_894 : vector<16xf32>
        %add3A_896 = arith.addf %mul3A_893, %sub3A_895 : vector<16xf32>
        %swap3A_897 = arith.index_cast %add3A_646 : i32 to index
        %swap3A_898 = arith.constant 32 : index
        %swap3A_899 = tpu.vector_load %arg15[%swap3A_897, %swap3A_898] {strides = array<i32>} : memref<100x128xf32, #tpu.memory_space<vmem>>, vector<16xf32>,
        tpu.vector_store %arg15[%swap3A_897, %swap3A_898], %add3A_896 {strides = array<i32>} : memref<100x128xf32, #tpu.memory_space<vmem>>, vector<16xf32>,
        %mul3A_900 = arith.mulf %mul3A_875, %get3A_99 : vector<16xf32>
        %mul3A_901 = arith.mulf %add3A_688, %mul3A_900 : vector<16xf32>
        %mul3A_902 = arith.mulf %mul3A_797, %mul3A_900 : vector<16xf32>
        %sub3A_903 = arith.subf %get3A_131, %mul3A_902 : vector<16xf32>
        %add3A_904 = arith.addf %mul3A_901, %sub3A_903 : vector<16xf32>
        %swap3A_905 = arith.index_cast %add3A_646 : i32 to index
        %swap3A_906 = arith.constant 48 : index
        %swap3A_907 = tpu.vector_load %arg15[%swap3A_905, %swap3A_906] {strides = array<i32>} : memref<100x128xf32, #tpu.memory_space<vmem>>, vector<16xf32>,
        tpu.vector_store %arg15[%swap3A_905, %swap3A_906], %add3A_904 {strides = array<i32>} : memref<100x128xf32, #tpu.memory_space<vmem>>, vector<16xf32>,
        %mul3A_908 = arith.mulf %mul3A_875, %get3A_103 : vector<16xf32>
        %mul3A_909 = arith.mulf %add3A_698, %mul3A_908 : vector<16xf32>
        %mul3A_910 = arith.mulf %mul3A_797, %mul3A_908 : vector<16xf32>
        %sub3A_911 = arith.subf %get3A_135, %mul3A_910 : vector<16xf32>
        %add3A_912 = arith.addf %mul3A_909, %sub3A_911 : vector<16xf32>
        %swap3A_913 = arith.index_cast %add3A_646 : i32 to index
        %swap3A_914 = arith.constant 64 : index
        %swap3A_915 = tpu.vector_load %arg15[%swap3A_913, %swap3A_914] {strides = array<i32>} : memref<100x128xf32, #tpu.memory_space<vmem>>, vector<16xf32>,
        tpu.vector_store %arg15[%swap3A_913, %swap3A_914], %add3A_912 {strides = array<i32>} : memref<100x128xf32, #tpu.memory_space<vmem>>, vector<16xf32>,
        %mul3A_916 = arith.mulf %mul3A_875, %get3A_107 : vector<16xf32>
        %mul3A_917 = arith.mulf %add3A_708, %mul3A_916 : vector<16xf32>
        %mul3A_918 = arith.mulf %mul3A_797, %mul3A_916 : vector<16xf32>
        %sub3A_919 = arith.subf %get3A_139, %mul3A_918 : vector<16xf32>
        %add3A_920 = arith.addf %mul3A_917, %sub3A_919 : vector<16xf32>
        %swap3A_921 = arith.index_cast %add3A_646 : i32 to index
        %swap3A_922 = arith.constant 80 : index
        %swap3A_923 = tpu.vector_load %arg15[%swap3A_921, %swap3A_922] {strides = array<i32>} : memref<100x128xf32, #tpu.memory_space<vmem>>, vector<16xf32>,
        tpu.vector_store %arg15[%swap3A_921, %swap3A_922], %add3A_920 {strides = array<i32>} : memref<100x128xf32, #tpu.memory_space<vmem>>, vector<16xf32>,
        %mul3A_924 = arith.mulf %mul3A_875, %get3A_111 : vector<16xf32>
        %mul3A_925 = arith.mulf %add3A_718, %mul3A_924 : vector<16xf32>
        %mul3A_926 = arith.mulf %mul3A_797, %mul3A_924 : vector<16xf32>
        %sub3A_927 = arith.subf %get3A_143, %mul3A_926 : vector<16xf32>
        %add3A_928 = arith.addf %mul3A_925, %sub3A_927 : vector<16xf32>
        %swap3A_929 = arith.index_cast %add3A_646 : i32 to index
        %swap3A_930 = arith.constant 96 : index
        %swap3A_931 = tpu.vector_load %arg15[%swap3A_929, %swap3A_930] {strides = array<i32>} : memref<100x128xf32, #tpu.memory_space<vmem>>, vector<16xf32>,
        tpu.vector_store %arg15[%swap3A_929, %swap3A_930], %add3A_928 {strides = array<i32>} : memref<100x128xf32, #tpu.memory_space<vmem>>, vector<16xf32>,
        %mul3A_932 = arith.mulf %mul3A_875, %get3A_115 : vector<16xf32>
        %mul3A_933 = arith.mulf %add3A_728, %mul3A_932 : vector<16xf32>
        %mul3A_934 = arith.mulf %mul3A_797, %mul3A_932 : vector<16xf32>
        %sub3A_935 = arith.subf %get3A_147, %mul3A_934 : vector<16xf32>
        %add3A_936 = arith.addf %mul3A_933, %sub3A_935 : vector<16xf32>
        %swap3A_937 = arith.index_cast %add3A_646 : i32 to index
        %swap3A_938 = arith.constant 112 : index
        %swap3A_939 = tpu.vector_load %arg15[%swap3A_937, %swap3A_938] {strides = array<i32>} : memref<100x128xf32, #tpu.memory_space<vmem>>, vector<16xf32>,
        tpu.vector_store %arg15[%swap3A_937, %swap3A_938], %add3A_936 {strides = array<i32>} : memref<100x128xf32, #tpu.memory_space<vmem>>, vector<16xf32>,
        %scan3A_940 = arith.constant 0 : i32
        scf.yield %scan3A_940 : i32
      }
      %scan3A_331 = arith.constant 50 : i32
      %ge3A_332 = arith.constant 2 : i32
      %ge3A_333 = arith.cmpi sge, %add3A_315, %ge3A_332 : i32
      %convert_element_type3A_334 = arith.extui %ge3A_333 : i1 to i32
      %cond3A_335 = arith.constant 0 : i32
      %cond3A_336 = arith.cmpi ne, %convert_element_type3A_334, %cond3A_335 : i32
      scf.if %cond3A_336 {
        %dma_wait3A_354 = arith.constant 0 : i32
        %dma_wait3A_355 = arith.constant 0 : i32
        %dma_wait3A_356 = arith.constant 0 : i32
        %dma_wait3A_357 = tpu.memref_slice %arg9[%dma_wait3A_354, %dma_wait3A_355, %dma_wait3A_356] : memref<2048x100x128xf32, #tpu.memory_space<hbm>> -> memref<1x100x128xf32, #tpu.memory_space<hbm>>
        %dma_wait3A_358 = tpu.memref_squeeze %dma_wait3A_357 : memref<1x100x128xf32, #tpu.memory_space<hbm>> -> memref<100x128xf32, #tpu.memory_space<hbm>>
        %dma_wait3A_359 = arith.constant 0 : i32
        %dma_wait3A_360 = arith.constant 0 : i32
        %dma_wait3A_361 = tpu.memref_slice %arg9[%dma_wait3A_354, %dma_wait3A_359, %dma_wait3A_360] : memref<2048x100x128xf32, #tpu.memory_space<hbm>> -> memref<1x100x128xf32, #tpu.memory_space<hbm>>
        %dma_wait3A_362 = tpu.memref_squeeze %dma_wait3A_361 : memref<1x100x128xf32, #tpu.memory_space<hbm>> -> memref<100x128xf32, #tpu.memory_space<hbm>>
        tpu.wait_dma2 semaphore(%arg24 : memref<!tpu.dma_semaphore, #tpu.memory_space<semaphore_mem>>) src(%arg13 : memref<100x128xf32, #tpu.memory_space<vmem>>) dst(%dma_wait3A_362 : memref<100x128xf32, #tpu.memory_space<hbm>>)
      } else {
      }
      %add3A_337 = arith.constant 2 : i32
      %add3A_338 = arith.addi %add3A_315, %add3A_337 : i32
      %lt3A_339 = arith.constant 64 : i32
      %lt3A_340 = arith.cmpi slt, %add3A_338, %lt3A_339 : i32
      %convert_element_type3A_341 = arith.extui %lt3A_340 : i1 to i32
      %cond3A_342 = arith.constant 0 : i32
      %cond3A_343 = arith.cmpi ne, %convert_element_type3A_341, %cond3A_342 : i32
      scf.if %cond3A_343 {
        %add3A_354 = arith.constant 2 : i32
        %add3A_355 = arith.addi %add3A_315, %add3A_354 : i32
        %dma_start3A_356 = arith.constant 0 : i32
        %dma_start3A_357 = tpu.memref_slice %arg10[%add3A_355, %dma_start3A_356] : memref<64x100xi32, #tpu.memory_space<vmem>> -> memref<1x100xi32, #tpu.memory_space<vmem>>
        %dma_start3A_358 = tpu.memref_squeeze %dma_start3A_357 : memref<1x100xi32, #tpu.memory_space<vmem>> -> memref<100xi32, #tpu.memory_space<vmem>>
        %dma_start3A_359 = arith.constant 0 : i32
        %dma_start3A_360 = arith.constant 0 : i32
        %dma_start3A_361 = tpu.memref_slice %arg4[%dma_start3A_359, %dma_start3A_360] : memref<100000x128xf32, #tpu.memory_space<hbm>> -> memref<100000x128xf32, #tpu.memory_space<hbm>>
        tpu.enqueue_indirect_dma source(%dma_start3A_361 : memref<100000x128xf32, #tpu.memory_space<hbm>>) target(%arg13 : memref<100x128xf32, #tpu.memory_space<vmem>>) offsets(%dma_start3A_358 : memref<100xi32, #tpu.memory_space<vmem>>) semaphore(%arg20 : memref<!tpu.dma_semaphore, #tpu.memory_space<semaphore_mem>>)
      } else {
      }
      %add3A_344 = arith.addi %mul3A_2, %add3A_315 : i32
      %dma_start3A_345 = arith.constant 0 : i32
      %dma_start3A_346 = arith.constant 0 : i32
      %dma_start3A_347 = tpu.memref_slice %arg9[%add3A_344, %dma_start3A_345, %dma_start3A_346] : memref<2048x100x128xf32, #tpu.memory_space<hbm>> -> memref<1x100x128xf32, #tpu.memory_space<hbm>>
      %dma_start3A_348 = tpu.memref_squeeze %dma_start3A_347 : memref<1x100x128xf32, #tpu.memory_space<hbm>> -> memref<100x128xf32, #tpu.memory_space<hbm>>
      %dma_start3A_349 = arith.constant 0 : i32
      %dma_start3A_350 = arith.constant 0 : i32
      %dma_start3A_351 = tpu.memref_slice %arg9[%add3A_344, %dma_start3A_349, %dma_start3A_350] : memref<2048x100x128xf32, #tpu.memory_space<hbm>> -> memref<1x100x128xf32, #tpu.memory_space<hbm>>
      %dma_start3A_352 = tpu.memref_squeeze %dma_start3A_351 : memref<1x100x128xf32, #tpu.memory_space<hbm>> -> memref<100x128xf32, #tpu.memory_space<hbm>>
      tpu.enqueue_dma source(%arg15 : memref<100x128xf32, #tpu.memory_space<vmem>>) target(%dma_start3A_352 : memref<100x128xf32, #tpu.memory_space<hbm>>) target_semaphore(%arg26 : memref<!tpu.dma_semaphore, #tpu.memory_space<semaphore_mem>>)
      %scan3A_353 = arith.constant 0 : i32
      scf.yield %scan3A_353 : i32
    }
    %scan3A_173 = arith.constant 16 : i32
    %dma_wait3A = arith.constant 0 : i32
    %dma_wait3A_174 = arith.constant 0 : i32
    %dma_wait3A_175 = arith.constant 0 : i32
    %dma_wait3A_176 = tpu.memref_slice %arg9[%dma_wait3A, %dma_wait3A_174, %dma_wait3A_175] : memref<2048x100x128xf32, #tpu.memory_space<hbm>> -> memref<1x100x128xf32, #tpu.memory_space<hbm>>
    %dma_wait3A_177 = tpu.memref_squeeze %dma_wait3A_176 : memref<1x100x128xf32, #tpu.memory_space<hbm>> -> memref<100x128xf32, #tpu.memory_space<hbm>>
    %dma_wait3A_178 = arith.constant 0 : i32
    %dma_wait3A_179 = arith.constant 0 : i32
    %dma_wait3A_180 = tpu.memref_slice %arg9[%dma_wait3A, %dma_wait3A_178, %dma_wait3A_179] : memref<2048x100x128xf32, #tpu.memory_space<hbm>> -> memref<1x100x128xf32, #tpu.memory_space<hbm>>
    %dma_wait3A_181 = tpu.memref_squeeze %dma_wait3A_180 : memref<1x100x128xf32, #tpu.memory_space<hbm>> -> memref<100x128xf32, #tpu.memory_space<hbm>>
    tpu.wait_dma2 semaphore(%arg25 : memref<!tpu.dma_semaphore, #tpu.memory_space<semaphore_mem>>) src(%arg14 : memref<100x128xf32, #tpu.memory_space<vmem>>) dst(%dma_wait3A_181 : memref<100x128xf32, #tpu.memory_space<hbm>>)
    %dma_wait3A_182 = arith.constant 0 : i32
    %dma_wait3A_183 = arith.constant 0 : i32
    %dma_wait3A_184 = arith.constant 0 : i32
    %dma_wait3A_185 = tpu.memref_slice %arg9[%dma_wait3A_182, %dma_wait3A_183, %dma_wait3A_184] : memref<2048x100x128xf32, #tpu.memory_space<hbm>> -> memref<1x100x128xf32, #tpu.memory_space<hbm>>
    %dma_wait3A_186 = tpu.memref_squeeze %dma_wait3A_185 : memref<1x100x128xf32, #tpu.memory_space<hbm>> -> memref<100x128xf32, #tpu.memory_space<hbm>>
    %dma_wait3A_187 = arith.constant 0 : i32
    %dma_wait3A_188 = arith.constant 0 : i32
    %dma_wait3A_189 = tpu.memref_slice %arg9[%dma_wait3A_182, %dma_wait3A_187, %dma_wait3A_188] : memref<2048x100x128xf32, #tpu.memory_space<hbm>> -> memref<1x100x128xf32, #tpu.memory_space<hbm>>
    %dma_wait3A_190 = tpu.memref_squeeze %dma_wait3A_189 : memref<1x100x128xf32, #tpu.memory_space<hbm>> -> memref<100x128xf32, #tpu.memory_space<hbm>>
    tpu.wait_dma2 semaphore(%arg26 : memref<!tpu.dma_semaphore, #tpu.memory_space<semaphore_mem>>) src(%arg15 : memref<100x128xf32, #tpu.memory_space<vmem>>) dst(%dma_wait3A_190 : memref<100x128xf32, #tpu.memory_space<hbm>>)
    return
  }
}

</mosaic_0001>

<sc_bundles>
// kernel: _bert_embed_sc.3.cloned.1.call-start
scs
__scs_entry_jumppad:
0x0: {  	(pc) =	sbr.rel $0x88, $3  }
0x1: {  	(tag) =	ssettag $0x0;
	lr =	simm.s32 $0x1  }
0x2: {  	[smem:$0x3F9A] =	sst lr;
	_ =	strace $0xD0000000  }
0x3: {  	_ = 	snop  }
0x4: {  	_ = 	snop  }
0x5: {  	_ = 	snop  }
0x6: {  	_ = 	snop  }
0x7: {  	_ = 	snop  }
__scs_overlays_trampoline_lowered:
0x8: {  	[smem:$0x3FA9] =	sst s0  }
0x9: {  	[smem:$0x3FAA] =	sst s1  }
0xa: {  	[smem:$0x3FAB] =	sst s2  }
0xb: {  	[smem:$0x3FAC] =	sst s3  }
0xc: {  	[smem:$0x3FAD] =	sst s4  }
0xd: {  	[smem:$0x3FAE] =	sst s5  }
0xe: {  	[smem:$0x3FAF] =	sst s6  }
0xf: {  	[smem:$0x3FB0] =	sst s7  }
0x10: {  	[smem:$0x3FB1] =	sst s8  }
0x11: {  	[smem:$0x3FB2] =	sst s9;
	s0 =	simm.s32 @!p0 $0x0  }
0x12: {  	s1 =	sld [smem:$0x3F98];
	s0 =	simm.s32 @p0 $0x1  }
0x13: {  	[smem:$0x3FB3] =	sst s0;
	s0 =	simm.s32 @!p1 $0x0  }
0x14: {  	s2 =	sld [smem:$0x3F97];
	s0 =	simm.s32 @p1 $0x1  }
0x15: {  	[smem:$0x3FB4] =	sst s0;
	s0 =	simm.s32 @!p2 $0x0  }
0x16: {  	s3 =	sld [smem:$0x3FDB];
	s0 =	simm.s32 @p2 $0x1  }
0x17: {  	s4 =	simm.s32 $0x1BF5;
	[smem:$0x3FB6] =	sst s0  }
0x18: {  	s0 =	sld [smem:$0x3F99];
	_ =	swait.ge [sflag:s4], $0x0  }
0x19: {  	s7 =	sld [smem:$0x3F9A]  }
0x1a: {  	s8 =	sadd.s32 $0xFFFFE003, lr  }
0x1b: {  	s9 =	sadd.s32 $0xFFFFFEF7, lr;
	s5 =	simm.s32 $0xFFFFFFFF;
	p2 =	slt.u32 s8, $0xFFFFF086  }
0x1c: {  	p1 =	slt.u32 s9, $0xF7A;
	s5 =	simm.s32 @!p2 $0x0  }
0x1d: {  	s5 =	simm.s32 @p1 $0x1;
	p0 =	seq.s32 s7, s2  }
0x1e: {  	s7 =	smul.u32 @!p0 $0xF7A, s2;
	p2 =	seq.s32 @!p0 s5, $0x0  }
0x1f: {  	s9 =	smul.u32 $0xF7A, s1;
	s8 =	simm.s32 @!p0 $0x1BF5;
	p2 =	por !p2, p0  }
0x20: {  	[sflag:s8] =	ssyncset.s32 @!p0 $0xFFFFF086;
	s6 =	sadd.s32 @!p0 s3, s7;
	s7 =	simm.s32 @!p0 $0x108  }
0x21: {  	s3 =	sadd.s32 s3, s9;
	s6 =	sadd.s32 @!p0 $0x88, s6;
	s7 =	simm.s32 @p2 $0x1082  }
0x22: {  	[simem:s7], [sflag:s8] =	dma.local @!p0 [hbm:s6], $0xF7A  }
0x23: {  	s9 =	sor.u32 $0xD0000000, s2;
	s6 =	simm.s32 $0x108;
	_ =	swait.ge @!p0 [sflag:s8], $0x0  }
0x24: {  	s3 =	sadd.s32 $0x88, s3;
	s6 =	simm.s32 @!p1 $0x1082;
	[sflag:s4] =	ssyncset.s32 $0xFFFFF086  }
0x25: {  	[simem:s6], [sflag:s4] =	dma.local [hbm:s3], $0xF7A  }
0x26: {  	[smem:$0x3F9A] =	sst s1;
	(tag) =	ssettag s2;
	_ =	strace s9  }
0x27: {  	s1 =	sld [smem:$0x3FAA]  }
0x28: {  	s2 =	sld [smem:$0x3FAB]  }
0x29: {  	s4 =	sld [smem:$0x3FAD]  }
0x2a: {  	p0 =	seq.s32 s5, $0x0;
	s5 =	sld [smem:$0x3FAE]  }
0x2b: {  	s6 =	sld [smem:$0x3FAF]  }
0x2c: {  	s7 =	sld [smem:$0x3FB0]  }
0x2d: {  	s3 =	simm.s32 $0x108;
	s8 =	sld [smem:$0x3FB1]  }
0x2e: {  	s3 =	simm.s32 @!p0 $0x1082;
	s9 =	sld [smem:$0x3FB2]  }
0x2f: {  	lr =	sadd.s32 s0, s3;
	s0 =	sld [smem:$0x3FA9]  }
0x30: {  	s3 =	sld [smem:$0x3FAC]  }
0x31: {  	[smem:$0x3FB5] =	sst s10  }
0x32: {  	s10 =	sld [smem:$0x3FB3];
	_ =	sdelay $0x3  }
0x33: {  	p0 =	seq.s32 s10, $0x1;
	s10 =	sld [smem:$0x3FB5];
	_ =	sdelay $0x3  }
0x34: {  	[smem:$0x3FB5] =	sst s10  }
0x35: {  	s10 =	sld [smem:$0x3FB4];
	_ =	sdelay $0x3  }
0x36: {  	p1 =	seq.s32 s10, $0x1;
	s10 =	sld [smem:$0x3FB5];
	_ =	sdelay $0x3  }
0x37: {  	[smem:$0x3FB5] =	sst s10  }
0x38: {  	s10 =	sld [smem:$0x3FB6]  }
0x39: {  	_ = 	snop;
	(pc) =	sbr.ind lr, $3  }
0x3a: {  	_ = 	snop  }
0x3b: {  	_ = 	snop  }
0x3c: {  	p2 =	seq.s32 s10, $0x1;
	s10 =	sld [smem:$0x3FB5]  }
0x3d: {  	_ =	shalt  }
0x3e: {  	_ =	shalt  }
0x3f: {  	_ =	shalt  }
0x40: {  	_ =	shalt  }
0x41: {  	_ =	shalt  }
0x42: {  	_ =	shalt  }
0x43: {  	_ =	shalt  }
0x44: {  	_ =	shalt  }
0x45: {  	_ =	shalt  }
0x46: {  	_ =	shalt  }
0x47: {  	_ =	shalt  }
0x48: {  	_ =	shalt  }
0x49: {  	_ =	shalt  }
0x4a: {  	_ =	shalt  }
0x4b: {  	_ =	shalt  }
0x4c: {  	_ =	shalt  }
0x4d: {  	_ =	shalt  }
0x4e: {  	_ =	shalt  }
0x4f: {  	_ =	shalt  }
0x50: {  	_ =	shalt  }
0x51: {  	_ =	shalt  }
0x52: {  	_ =	shalt  }
0x53: {  	_ =	shalt  }
0x54: {  	_ =	shalt  }
0x55: {  	_ =	shalt  }
0x56: {  	_ =	shalt  }
0x57: {  	_ =	shalt  }
0x58: {  	_ =	shalt  }
0x59: {  	_ =	shalt  }
0x5a: {  	_ =	shalt  }
0x5b: {  	_ =	shalt  }
0x5c: {  	_ =	shalt  }
0x5d: {  	_ =	shalt  }
0x5e: {  	_ =	shalt  }
0x5f: {  	_ =	shalt  }
0x60: {  	_ =	shalt  }
0x61: {  	_ =	shalt  }
0x62: {  	_ =	shalt  }
0x63: {  	_ =	shalt  }
0x64: {  	_ =	shalt  }
0x65: {  	_ =	shalt  }
0x66: {  	_ =	shalt  }
0x67: {  	_ =	shalt  }
0x68: {  	_ =	shalt  }
0x69: {  	_ =	shalt  }
0x6a: {  	_ =	shalt  }
0x6b: {  	_ =	shalt  }
0x6c: {  	_ =	shalt  }
0x6d: {  	_ =	shalt  }
0x6e: {  	_ =	shalt  }
0x6f: {  	_ =	shalt  }
0x70: {  	_ =	shalt  }
0x71: {  	_ =	shalt  }
0x72: {  	_ =	shalt  }
0x73: {  	_ =	shalt  }
0x74: {  	_ =	shalt  }
0x75: {  	_ =	shalt  }
0x76: {  	_ =	shalt  }
0x77: {  	_ =	shalt  }
0x78: {  	_ =	shalt  }
0x79: {  	_ =	shalt  }
0x7a: {  	_ =	shalt  }
0x7b: {  	_ =	shalt  }
0x7c: {  	_ =	shalt  }
0x7d: {  	_ =	shalt  }
0x7e: {  	_ =	shalt  }
0x7f: {  	_ =	shalt  }
0x80: {  	_ =	shalt  }
0x81: {  	_ =	shalt  }
0x82: {  	_ =	shalt  }
0x83: {  	_ =	shalt  }
0x84: {  	_ =	shalt  }
0x85: {  	_ =	shalt  }
0x86: {  	_ =	shalt  }
0x87: {  	_ =	shalt  }
.Lfunc_end0:
.L_simem_size_0:
called_computation_lowered:
.L_overlay_start_0:
0x88: {  	s2 =	sld [smem:$0x3FD9]  }
0x89: {  	s3 =	sld [smem:$0x3FFE];
	_ =	sdelay $0x1  }
0x8a: {  	s1 =	srdreg.scid  }
0x8b: {  	s0 =	sand.u32 $0x1, s1  }
0x8c: {  	s17 =	sshll.u32 s0, $0xA;
	s2 =	sadd.s32 s3, s2  }
0x8d: {  	s2 =	sadd.s32 s2, s17  }
0x8e: {  	[smem:$0x3FC1] =	sst s2  }
0x8f: {  	_ = 	snop  }
0x90: {  	s2 =	sld [smem:$0x3FC8]  }
0x91: {  	s18 =	sld [smem:$0x3FC7]  }
0x92: {  	s4 =	sld [smem:$0x3FC6]  }
0x93: {  	s5 =	sld [smem:$0x3FC5]  }
0x94: {  	s6 =	sld [smem:$0x3FC4]  }
0x95: {  	s7 =	sld [smem:$0x3FC3]  }
0x96: {  	s8 =	sld [smem:$0x3FD0];
	(tm) =	ssettm $0x1  }
0x97: {  	s9 =	sld [smem:$0x3FFB];
	_ =	sdelay $0x3  }
0x98: {  	_ =	strace s9  }
0x99: {  	s9 =	sld [smem:$0x3FFC];
	_ =	sdelay $0x3  }
0x9a: {  	_ =	strace s9  }
0x9b: {  	s9 =	sld [smem:$0x3FFD];
	_ =	sdelay $0x3  }
0x9c: {  	_ =	strace s9  }
0x9d: {  	_ =	strace $0x8FFFFFFF  }
0x9e: {  	s19 =	sld [smem:$0x3FDB];
	_ =	sdelay $0x1  }
0x9f: {  	s10 =	simm.s32 $_scs_section_size  }
0xa0: {  	s11 =	simm.s32 $_size__tile_overlayer_lowered;
	s12 =	simm.s32 $_tile_overlayer_lowered  }
0xa1: {  	s22 =	simm.s32 $0x1BFF;
	s21 =	sshll.u32 s12, $0x1;
	s9 =	sadd.s32 s10, s19  }
0xa2: {  	s13 =	simm.s32 $0x0;
	s20 =	sshll.u32 s11, $0x1;
	s11 =	sadd.s32 s21, s9  }
0xa3: {  	[timem:s13], [sflag:s22] =	dma.local [hbm:s11], s20  }
0xa4: {  	_ =	swait.ge [sflag:s22], s20  }
0xa5: {  	s10 =	ssub.s32 $0x0, s20;
	[sflag:s22] =	ssyncset.done $0x0  }
0xa6: {  	[sflag:s22] =	ssyncadd.s32 s10;
	_ =	sdelay $0x1  }
0xa7: {  	s23 =	simm.s32 $0x1B8B  }
0xa8: {  	_ =	swait.ge [sflag:s23], $0x1  }
0xa9: {  	[sflag:s23] =	ssyncset.done $0x0  }
0xaa: {  	s25 =	simm.s32 $0x1B8E;
	s24 =	sld [smem:$0x3FFE];
	[sflag:s23] =	ssyncadd.s32 $0xFFFFFFFF  }
0xab: {  	s26 =	simm.s32 $execute0_lowered;
	[smem:$0x3FD2] =	sst s25  }
0xac: {  	s11 =	sshll.u32 s26, $0x1;
	_ =	strace $0x80000046;
	[dreg:$0x1] =	wrdreg $0xFFFFFFFF  }
0xad: {  	s28 =	simm.s32 $_size_execute0_lowered;
	s9 =	sadd.s32 s9, s11;
	[dreg:$0x0] =	wrdreg $0x0  }
0xae: {  	s11 =	sshll.u32 s28, $0x1;
	[dreg:$0x2] =	wrdreg s9  }
0xaf: {  	[dreg:$0x3] =	wrdreg s11  }
0xb0: {  	[dreg:$0x4] =	wrdreg $0xC0  }
0xb1: {  	_ =	task [dreg:s13], $0x5FFFF  }
0xb2: {  	[dreg:$0x1] =	wrdreg $0xFFFFFFFF  }
0xb3: {  	[dreg:$0x0] =	wrdreg $0x60  }
0xb4: {  	[dreg:$0x2] =	wrdreg s8  }
0xb5: {  	[dreg:$0x3] =	wrdreg s2  }
0xb6: {  	[dreg:$0x4] =	wrdreg s18  }
0xb7: {  	[dreg:$0x5] =	wrdreg s4  }
0xb8: {  	[dreg:$0x6] =	wrdreg s5  }
0xb9: {  	[dreg:$0x7] =	wrdreg s6  }
0xba: {  	[dreg:$0x8] =	wrdreg s7  }
0xbb: {  	[dreg:$0x9] =	wrdreg s24  }
0xbc: {  	[dreg:$0xa] =	wrdreg $0x9  }
0xbd: {  	_ =	task.clear_ibuf [dreg:s13], $0xBFFFF;
	_ =	strace $0x90000046  }
0xbe: {  	s29 =	simm.s32 $0x9;
	_ =	strace $0x80000048  }
0xbf: {  	_ =	swait.ge [sflag:s29], $0x1  }
0xc0: {  	[sflag:s29] =	ssyncadd.s32 $0xFFFFFFFF  }
0xc1: {  	_ =	strace $0x90000048  }
0xc2: {  	_ =	sfence  }
0xc3: {  	s30 =	sld [smem:$0x0];
	_ =	sdelay $0x2  }
0xc4: {  	s31 =	sshll.u32 s1, $0xD;
	s1 =	sshrl.u32 s1, $0x2  }
0xc5: {  	s3 =	sand.u32 $0x4000, s31;
	s1 =	sadd.s32 s1, s30  }
0xc6: {  	s0 =	sor.u32 s3, s0;
	s1 =	sshll.u32 s1, $0x11  }
0xc7: {  	s0 =	sor.u32 s1, s0  }
0xc8: {  	s0 =	sadd.s32 $0x8F2B, s0  }
0xc9: {  	[sflag:s0] =	ssyncadd.remote.s32 $0x1  }
0xca: {  	_ =	sfence.sel $0xFFFF  }
0xcb: {  	[dreg:$0x0] =	wrdreg $0xFFFFFFFF;
	(pc) =	sbr.abs _section_cstart, $3  }
0xcc: {  	[dreg:$0x1] =	wrdreg $0xFFFFFFFF  }
0xcd: {  	_ =	task.clear_ibuf [dreg:s13], $0x2FFFF;
	_ =	strace $0x9FFFFFFF  }
0xce: {  	(tm) =	ssettm $0x7FFFFFFF  }
0xcf: {  	_ =	shalt  }
tec
execute0_lowered:
.L_overlay_start_1:
0x0: {  	(tag) =	ssettag $0x1  }
0x1: {  	s0 =	rddreg [dreg:$0x0]  }
0x2: {  	s2 =	rddreg [dreg:$0x1]  }
0x3: {  	s1 =	rddreg [dreg:$0x2];
	v0 =	vimm.s32 $0xFEDCBA98  }
0x4: {  	s3 =	rddreg [dreg:$0x7];
	s7 =	simm.s32 $0x0;
	s4 =	srdreg.scid;
	v1 =	vimm.s32 $0x76543210;
	v2 =	vimm.s32 $0xBA98FEDC;
	v3 =	vimm.s32 $0x32107654  }
0x5: {  	s5 =	stileid.u32;
	v4 =	vimm.s32 $0xDCFE98BA;
	v5 =	vimm.s32 $0x54761032;
	s13 =	simm.s32 $0x9;
	s19 =	simm.s32 $0x64  }
0x6: {  	v6 =	vimm.s32 $0xEFCDAB89;
	v7 =	vimm.s32 $0x67452301;
	s20 =	simm.s32 $0x3980;
	s22 =	simm.s32 $0x6D80;
	s28 =	simm.s32 $0x3  }
0x7: {  	s29 =	simm.s32 $0x5;
	s30 =	simm.s32 $0x4;
	s31 =	simm.s32 $0x6;
	v0 =	vunpack.c.l.s4.s8 v0;
	v1 =	vunpack.c.l.s4.s8 v1;
	v2 =	vunpack.c.l.s4.s8 v2  }
0x8: {  	[smem:$0x7FF] =	sst s7;
	s4 =	sand.u32 $0x1, s4;
	s5 =	sshll.u32 s5, $0x1;
	v3 =	vunpack.c.l.s4.s8 v3;
	v4 =	vunpack.c.l.s4.s8 v4;
	v5 =	vunpack.c.l.s4.s8 v5  }
0x9: {  	s8 =	sadd.s32 $0x400, s3;
	v6 =	vunpack.c.l.s4.s8 v6;
	v7 =	vunpack.c.l.s4.s8 v7;
	s5 =	sor.u32 s4, s5;
	s23 =	ssub.s32 $0x2, s4;
	v0 =	vunpack.c.0.s8.s32 v0  }
0xa: {  	_ =	strace $0x80000047;
	s24 =	smul.u32 $0x320, s5;
	s6 =	sshrl.u32 s23, $0x1;
	v2 =	vunpack.c.0.s8.s32 v2;
	v3 =	vunpack.c.0.s8.s32 v3;
	v4 =	vunpack.c.0.s8.s32 v4  }
0xb: {  	s9 =	sshll.u32 s5, $0x6;
	s5 =	sshll.u32 s5, $0xA;
	v5 =	vunpack.c.0.s8.s32 v5;
	v6 =	vunpack.c.0.s8.s32 v6;
	v7 =	vunpack.c.0.s8.s32 v7;
	s3 =	ssub.s32 s23, s6  }
0xc: {  	v1 =	vunpack.c.0.s8.s32 v1;
	s0 =	sadd.s32 s0, s5;
	s23 =	simm.s32 $0x1;
	s6 =	simm.s32 $0x8;
	v2 =	vcombine.low v3, v2  }
0xd: {  	[dreg:$0x9] =	wrdreg s0;
	s25 =	sadd.s32 s2, s24;
	s26 =	smax.u32 s3, $0x1;
	v3 =	vcombine.low v5, v4;
	v4 =	vcombine.low v7, v6;
	v0 =	vand.u32 $0xF, v0  }
0xe: {  	s24 =	simm.s32 $0xA180;
	s3 =	simm.s32 $0x0;
	[dreg:$0xa] =	wrdreg s25;
	v0 =	vcombine.low v0, v1  }
0xf: {  	[dreg:$0xb] =	wrdreg s26;
	s25 =	simm.s32 $0x2;
	s26 =	simm.s32 $0xD580;
	v1 =	vand.u32 $0xF, v2;
	v2 =	vand.u32 $0xF, v3;
	v3 =	vand.u32 $0xF, v4  }
.LBB2_1:
0x10: {  	s0 =	rddreg [dreg:$0x9]  }
0x11: {  	[tilespmem:s7], [sflag:$0x9] =	stream.linear.gather [hbm4b:s0+s7], $0x2000, $0x38;
	[tilespmem:$0x1D380] =	vst v63  }
0x12: {  	_ =	swait.ge [sflag:s13], $0x2000  }
0x13: {  	[sflag:s13] =	ssyncset.done $0x0  }
0x14: {  	s2 =	simm.s32 $0x2000;
	s10 =	rddreg [dreg:$0xa];
	[sflag:s13] =	ssyncadd.s32 $0xFFFFE000  }
0x15: {  	[tilespmem:s2], [sflag:$0x9] =	stream.linear.gather [hbm4b:s10+s7], $0x1900, $0x38;
	[tilespmem:$0x1D380] =	vst v63  }
0x16: {  	_ =	swait.ge [sflag:s13], $0x1900  }
0x17: {  	[sflag:s13] =	ssyncset.done $0x0  }
0x18: {  	[sflag:s13] =	ssyncadd.s32 $0xFFFFE700  }
0x19: {  	s4 =	simm.s32 $0x10980;
	s11 =	rddreg [dreg:$0x3]  }
0x1a: {  	[tilespmem:s4], [sflag:$0x9] =	stream.linear.gather [hbm4b:s11+s7], $0x6400, $0x38;
	[tilespmem:$0x1D380] =	vst v63  }
0x1b: {  	_ =	swait.ge [sflag:s13], $0x6400  }
0x1c: {  	[sflag:s13] =	ssyncset.done $0x0  }
0x1d: {  	s12 =	simm.s32 $0x16D80;
	[sflag:s13] =	ssyncadd.s32 $0xFFFF9C00  }
0x1e: {  	[tilespmem:s12], [sflag:$0x9] =	stream.linear.gather [hbm4b:s11+s7], $0x6400, $0x38;
	[tilespmem:$0x1D380] =	vst v63  }
0x1f: {  	_ =	swait.ge [sflag:s13], $0x6400  }
0x20: {  	[sflag:s13] =	ssyncset.done $0x0  }
0x21: {  	[sflag:s13] =	ssyncadd.s32 $0xFFFF9C00  }
0x22: {  	s15 =	simm.s32 $0x1D180;
	s14 =	rddreg [dreg:$0x4]  }
0x23: {  	[tilespmem:s15], [sflag:$0x9] =	stream.linear.gather [hbm4b:s14+s7], $0x100, $0x38;
	[tilespmem:$0x1D380] =	vst v63  }
0x24: {  	_ =	swait.ge [sflag:s13], $0x100  }
0x25: {  	[sflag:s13] =	ssyncset.done $0x0  }
0x26: {  	[sflag:s13] =	ssyncadd.s32 $0xFFFFFF00  }
0x27: {  	s17 =	simm.s32 $0x1D280;
	s16 =	rddreg [dreg:$0x5]  }
0x28: {  	[tilespmem:s17], [sflag:$0x9] =	stream.linear.gather [hbm4b:s16+s7], $0x80, $0x38;
	[tilespmem:$0x1D380] =	vst v63  }
0x29: {  	_ =	swait.ge [sflag:s13], $0x80  }
0x2a: {  	[sflag:s13] =	ssyncset.done $0x0  }
0x2b: {  	[sflag:s13] =	ssyncadd.s32 $0xFFFFFF80  }
0x2c: {  	s21 =	simm.s32 $0x1D300;
	s18 =	rddreg [dreg:$0x6]  }
0x2d: {  	[tilespmem:s21], [sflag:$0x9] =	stream.linear.gather [hbm4b:s18+s7], $0x80, $0x38;
	[tilespmem:$0x1D380] =	vst v63  }
0x2e: {  	_ =	swait.ge [sflag:s13], $0x80  }
0x2f: {  	[sflag:s13] =	ssyncset.done $0x0  }
0x30: {  	[sflag:s13] =	ssyncadd.s32 $0xFFFFFF80  }
0x31: {  	v23 =	vld [tilespmem:$0x1D180]  }
0x32: {  	v24 =	vld [tilespmem:$0x1D190]  }
0x33: {  	v25 =	vld [tilespmem:$0x1D1A0]  }
0x34: {  	v20 =	vld [tilespmem:$0x1D1B0]  }
0x35: {  	v22 =	vld [tilespmem:$0x1D1C0]  }
0x36: {  	v28 =	vld [tilespmem:$0x1D1D0]  }
0x37: {  	v26 =	vld [tilespmem:$0x1D1E0]  }
0x38: {  	v29 =	vld [tilespmem:$0x1D1F0]  }
0x39: {  	v30 =	vld [tilespmem:$0x1D200]  }
0x3a: {  	v31 =	vld [tilespmem:$0x1D210]  }
0x3b: {  	v32 =	vld [tilespmem:$0x1D220]  }
0x3c: {  	v27 =	vld [tilespmem:$0x1D230]  }
0x3d: {  	v21 =	vld [tilespmem:$0x1D240]  }
0x3e: {  	v33 =	vld [tilespmem:$0x1D250]  }
0x3f: {  	v34 =	vld [tilespmem:$0x1D260]  }
0x40: {  	v35 =	vld [tilespmem:$0x1D270]  }
0x41: {  	v4 =	vld [tilespmem:$0x1D280]  }
0x42: {  	v5 =	vld [tilespmem:$0x1D290]  }
0x43: {  	v6 =	vld [tilespmem:$0x1D2A0]  }
0x44: {  	v7 =	vld [tilespmem:$0x1D2B0]  }
0x45: {  	v8 =	vld [tilespmem:$0x1D2C0]  }
0x46: {  	v9 =	vld [tilespmem:$0x1D2D0]  }
0x47: {  	v10 =	vld [tilespmem:$0x1D2E0]  }
0x48: {  	v11 =	vld [tilespmem:$0x1D2F0]  }
0x49: {  	v12 =	vld [tilespmem:$0x1D300]  }
0x4a: {  	v13 =	vld [tilespmem:$0x1D310]  }
0x4b: {  	v14 =	vld [tilespmem:$0x1D320]  }
0x4c: {  	v15 =	vld [tilespmem:$0x1D330]  }
0x4d: {  	v16 =	vld [tilespmem:$0x1D340]  }
0x4e: {  	v17 =	vld [tilespmem:$0x1D350]  }
0x4f: {  	v18 =	vld [tilespmem:$0x1D360]  }
0x50: {  	v19 =	vld [tilespmem:$0x1D370]  }
0x51: {  	v36 =	vld [tilespmem:s4+$0xD0]  }
0x52: {  	v37 =	vld [tilespmem:s4+$0x50]  }
0x53: {  	v38 =	vld [tilespmem:s4+$0x6440]  }
0x54: {  	v39 =	vld [tilespmem:s4+$0x40]  }
0x55: {  	v40 =	vld [tilespmem:s4+$0x6450]  }
0x56: {  	v41 =	vld [tilespmem:s4+$0x6430]  }
0x57: {  	v42 =	vld [tilespmem:s4+$0x60]  }
0x58: {  	v48 =	vld [tilespmem:s4+$0x30]  }
0x59: {  	v43 =	vld [tilespmem:s4+$0x6460]  }
0x5a: {  	v44 =	vld [tilespmem:s4+$0x70]  }
0x5b: {  	v45 =	vld [tilespmem:s4+$0x64E0]  }
0x5c: {  	v46 =	vld [tilespmem:s4+$0xF0]  }
0x5d: {  	v47 =	vld [tilespmem:s4+$0x0]  }
0x5e: {  	v49 =	vld [tilespmem:s4+$0x6470]  }
0x5f: {  	v50 =	vld [tilespmem:s4+$0x80];
	v36 =	vadd.f32 v36, v28  }
0x60: {  	v51 =	vld [tilespmem:s4+$0x6480];
	v45 =	vadd.f32 v45, v34  }
0x61: {  	v56 =	vld [tilespmem:s4+$0x6490];
	v55 =	vadd.f32 v46, v29;
	[tilespmem:s4+$0xD0] =	vst v36  }
0x62: {  	v52 =	vld [tilespmem:s4+$0x90];
	v47 =	vadd.f32 v47, v23;
	[tilespmem:s4+$0x64E0] =	vst v45  }
0x63: {  	v57 =	vld [tilespmem:s4+$0x64A0];
	v49 =	vadd.f32 v49, v35;
	[tilespmem:s4+$0xF0] =	vst v55  }
0x64: {  	v58 =	vld [tilespmem:s4+$0xA0];
	v62 =	vadd.f32 v50, v23;
	[tilespmem:s4+$0x0] =	vst v47  }
0x65: {  	v63 =	vld [tilespmem:s4+$0x64F0];
	v59 =	vadd.f32 v51, v30;
	[tilespmem:s4+$0x6470] =	vst v49  }
0x66: {  	v53 =	vld [tilespmem:s4+$0x20];
	v46 =	vadd.f32 v56, v31;
	[tilespmem:s4+$0x80] =	vst v62  }
0x67: {  	v54 =	vld [tilespmem:s4+$0x6410];
	v60 =	vadd.f32 v52, v24;
	[tilespmem:s4+$0x6480] =	vst v59  }
0x68: {  	v61 =	vld [tilespmem:s4+$0x10];
	v42 =	vadd.f32 v42, v26;
	v45 =	vadd.f32 v57, v32;
	[tilespmem:s4+$0x6490] =	vst v46  }
0x69: {  	v51 =	vld [tilespmem:s4+$0x6420];
	v49 =	vadd.f32 v44, v29;
	v55 =	vadd.f32 v43, v34;
	[tilespmem:s4+$0x90] =	vst v60  }
0x6a: {  	v56 =	vld [tilespmem:s4+$0x6400];
	v36 =	vadd.f32 v58, v25;
	v62 =	vadd.f32 v63, v35;
	[tilespmem:s4+$0x60] =	vst v42  }
0x6b: {  	v57 =	vld [tilespmem:s4+$0x64D0];
	v63 =	vadd.f32 v40, v33;
	v44 =	vadd.f32 v37, v28;
	[tilespmem:s4+$0x64A0] =	vst v45  }
0x6c: {  	v47 =	vld [tilespmem:s4+$0x64C0];
	v46 =	vadd.f32 v39, v22;
	v43 =	vadd.f32 v41, v27;
	[tilespmem:s4+$0xA0] =	vst v36  }
0x6d: {  	v41 =	vadd.f32 v48, v20;
	v48 =	vld [tilespmem:s4+$0xE0];
	v37 =	vadd.f32 v54, v31;
	[tilespmem:s4+$0x64F0] =	vst v62  }
0x6e: {  	v39 =	vadd.f32 v61, v24;
	v45 =	vadd.f32 v38, v21;
	[tilespmem:s4+$0x70] =	vst v49;
	v49 =	vld [tilespmem:s4+$0xC0]  }
0x6f: {  	v36 =	vadd.f32 v53, v25;
	[tilespmem:s4+$0x6460] =	vst v55;
	v38 =	vadd.f32 v51, v32;
	v51 =	vld [tilespmem:s4+$0x64B0]  }
0x70: {  	s5 =	simm.s32 $0x10A80;
	s2 =	simm.s32 $0x0;
	v50 =	vld [tilespmem:s4+$0xB0];
	[tilespmem:s4+$0x6450] =	vst v63;
	v40 =	vadd.f32 v56, v30;
	v42 =	vadd.f32 v57, v33  }
.LBB2_2:
0x71: {  	v52 =	vld [tilespmem:s5+$0xD0];
	s2 =	sadd.s32 $0x2, s2;
	[tilespmem:s4+$0x50] =	vst v44;
	v44 =	vadd.f32 v47, v21  }
0x72: {  	v47 =	vld [tilespmem:s5+$0x50];
	p0 =	slt.u32 s2, $0xC6;
	[tilespmem:s4+$0x6440] =	vst v45;
	v45 =	vadd.f32 v48, v26  }
0x73: {  	v48 =	vld [tilespmem:s5+$0x6440];
	[tilespmem:s4+$0x40] =	vst v46;
	v46 =	vadd.f32 v49, v22  }
0x74: {  	v49 =	vld [tilespmem:s5+$0x40];
	v51 =	vadd.f32 v51, v27;
	[tilespmem:s4+$0xE0] =	vst v45  }
0x75: {  	v45 =	vld [tilespmem:s5+$0x6450];
	[tilespmem:s4+$0x6430] =	vst v43;
	v43 =	vadd.f32 v50, v20  }
0x76: {  	v50 =	vld [tilespmem:s5+$0x6430];
	v52 =	vadd.f32 v52, v28;
	[tilespmem:s4+$0xC0] =	vst v46  }
0x77: {  	v46 =	vld [tilespmem:s5+$0x60];
	[tilespmem:s4+$0x30] =	vst v41  }
0x78: {  	v41 =	vld [tilespmem:s5+$0x30];
	[tilespmem:s4+$0x64B0] =	vst v51  }
0x79: {  	v51 =	vld [tilespmem:s5+$0x6460];
	[tilespmem:s4+$0x6420] =	vst v38  }
0x7a: {  	v38 =	vld [tilespmem:s5+$0x70];
	[tilespmem:s4+$0xB0] =	vst v43  }
0x7b: {  	v43 =	vld [tilespmem:s5+$0x64E0];
	[tilespmem:s4+$0x20] =	vst v36  }
0x7c: {  	v36 =	vld [tilespmem:s5+$0xF0];
	[tilespmem:s4+$0x6410] =	vst v37  }
0x7d: {  	v37 =	vld [tilespmem:s5+$0x0];
	[tilespmem:s4+$0x10] =	vst v39  }
0x7e: {  	v39 =	vld [tilespmem:s5+$0x6470];
	[tilespmem:s4+$0x64C0] =	vst v44  }
0x7f: {  	v44 =	vld [tilespmem:s5+$0x80];
	[tilespmem:s4+$0x6400] =	vst v40  }
0x80: {  	v40 =	vld [tilespmem:s5+$0x6480];
	v43 =	vadd.f32 v43, v34;
	[tilespmem:s4+$0x64D0] =	vst v42;
	s4 =	smov.u32 s5  }
0x81: {  	v42 =	vld [tilespmem:s5+$0x90];
	[tilespmem:s5+$0xD0] =	vst v52;
	v36 =	vadd.f32 v36, v29  }
0x82: {  	v52 =	vadd.f32 v38, v29;
	v37 =	vadd.f32 v37, v23;
	v38 =	vld [tilespmem:s5+$0x6490];
	[tilespmem:s5+$0x64E0] =	vst v43  }
0x83: {  	v51 =	vadd.f32 v51, v34;
	v39 =	vadd.f32 v39, v35;
	v43 =	vld [tilespmem:s5+$0xA0];
	[tilespmem:s5+$0xF0] =	vst v36  }
0x84: {  	v53 =	vadd.f32 v46, v26;
	[tilespmem:s5+$0x0] =	vst v37;
	v36 =	vadd.f32 v44, v23;
	v37 =	vld [tilespmem:s5+$0x64A0]  }
0x85: {  	v54 =	vadd.f32 v45, v33;
	[tilespmem:s5+$0x6470] =	vst v39;
	v39 =	vadd.f32 v40, v30;
	v40 =	vld [tilespmem:s5+$0x64F0]  }
0x86: {  	v44 =	vadd.f32 v47, v28;
	v55 =	vld [tilespmem:s5+$0x6420];
	[tilespmem:s5+$0x80] =	vst v36;
	v36 =	vadd.f32 v42, v24  }
0x87: {  	v45 =	vadd.f32 v48, v21;
	v42 =	vld [tilespmem:s5+$0x20];
	[tilespmem:s5+$0x6480] =	vst v39;
	v38 =	vadd.f32 v38, v31  }
0x88: {  	v46 =	vadd.f32 v49, v22;
	v39 =	vld [tilespmem:s5+$0x6410];
	[tilespmem:s5+$0x90] =	vst v36;
	v36 =	vadd.f32 v43, v25  }
0x89: {  	v43 =	vadd.f32 v50, v27;
	v49 =	vld [tilespmem:s5+$0x10];
	[tilespmem:s5+$0x6490] =	vst v38;
	v37 =	vadd.f32 v37, v32  }
0x8a: {  	v41 =	vadd.f32 v41, v20;
	v50 =	vld [tilespmem:s5+$0x6400];
	[tilespmem:s5+$0xA0] =	vst v36;
	v40 =	vadd.f32 v40, v35  }
0x8b: {  	v38 =	vadd.f32 v55, v32;
	[tilespmem:s5+$0x64A0] =	vst v37;
	v55 =	vld [tilespmem:s5+$0x64D0]  }
.Ltmp0:
0x8c: {  	v36 =	vadd.f32 v42, v25;
	v47 =	vld [tilespmem:s5+$0x64C0];
	[tilespmem:s5+$0x64F0] =	vst v40;
	(pc) =	sbr.rel @p0 .LBB2_2-.Ltmp0, $4  }
0x8d: {  	v37 =	vadd.f32 v39, v31;
	[tilespmem:s5+$0x70] =	vst v52;
	v48 =	vld [tilespmem:s5+$0xE0]  }
0x8e: {  	v39 =	vadd.f32 v49, v24;
	[tilespmem:s5+$0x6460] =	vst v51;
	v49 =	vld [tilespmem:s5+$0xC0]  }
0x8f: {  	v40 =	vadd.f32 v50, v30;
	[tilespmem:s5+$0x60] =	vst v53;
	v51 =	vld [tilespmem:s5+$0x64B0]  }
0x90: {  	s5 =	sadd.s32 $0x100, s5;
	[tilespmem:s4+$0x6450] =	vst v54;
	v50 =	vld [tilespmem:s4+$0xB0];
	v42 =	vadd.f32 v55, v33  }
0x91: {  	[tilespmem:s4+$0x50] =	vst v44  }
0x92: {  	[tilespmem:s4+$0x6440] =	vst v45  }
0x93: {  	[tilespmem:s4+$0x40] =	vst v46  }
0x94: {  	[tilespmem:s4+$0x6430] =	vst v43  }
0x95: {  	[tilespmem:s4+$0x30] =	vst v41  }
0x96: {  	[tilespmem:s4+$0x6420] =	vst v38  }
0x97: {  	[tilespmem:s4+$0x20] =	vst v36  }
0x98: {  	[tilespmem:s4+$0x6410] =	vst v37  }
0x99: {  	[tilespmem:s4+$0x10] =	vst v39  }
0x9a: {  	[tilespmem:s4+$0x6400] =	vst v40;
	v23 =	vadd.f32 v48, v26  }
0x9b: {  	[tilespmem:s4+$0x64D0] =	vst v42;
	v22 =	vadd.f32 v49, v22  }
0x9c: {  	[tilespmem:s4+$0xE0] =	vst v23;
	v20 =	vadd.f32 v50, v20  }
0x9d: {  	v63 =	vadd.f32 v51, v27;
	[tilespmem:s4+$0xC0] =	vst v22  }
0x9e: {  	[tilespmem:s4+$0xB0] =	vst v20;
	v20 =	vadd.f32 v47, v21  }
0x9f: {  	[tilespmem:s4+$0x64B0] =	vst v63  }
0xa0: {  	s0 =	simm.s32 $0x80;
	s5 =	simm.s32 $0x2000;
	[tilespmem:s4+$0x64C0] =	vst v20;
	s4 =	simm.s32 $0x0  }
0xa1: {  	[tilespmem:s20], [sflag:$0x1] =	stream.indirect.gather [hbm4b:s1+s19], $0x80, s4, s19, $0xb8;
	[tilespmem:$0x1D380] =	vst v63  }
0xa2: {  	s10 =	simm.s32 $0x2064;
	s15 =	simm.s32 $0x20C8;
	s16 =	simm.s32 $0x212C  }
0xa3: {  	[tilespmem:s22], [sflag:$0x2] =	stream.indirect.gather [hbm4b:s1+s19], $0x80, s0, s19, $0xb8;
	[tilespmem:$0x1D380] =	vst v63  }
.LBB2_4:
0xa4: {  	_ =	swait.ge [sflag:s23], $0x3200  }
0xa5: {  	[sflag:s23] =	ssyncset.done $0x0  }
0xa6: {  	s2 =	smov.u32 s5;
	s17 =	simm.s32 $0x0;
	[sflag:s23] =	ssyncadd.s32 $0xFFFFCE00  }
.LBB2_5:
0xa7: {  	v20 =	vld [tilespmem:s2+$0x0];
	_ =	sdelay $0x4  }
0xa8: {  	v20 =	vmul.u32 $0x19000, v20;
	_ =	sdelay $0x1  }
0xa9: {  	s14 =	sshra.s32 s17, $0x2;
	v20 =	vshra.s32 v20, $0x2  }
0xaa: {  	v20 =	vadd.s32 s14, v20  }
0xab: {  	v20 =	vadd.s32 $0x10980, v20  }
0xac: {  	(v2sf) =	vpush v20, $0x1  }
0xad: {  	(v2sf) =	vpush v20, $0x0;
	_ =	sdelay $0x8  }
0xae: {  	v22 =	vld [tilespmem:s14+$0x3990]  }
0xaf: {  	v24 =	vld [tilespmem:s14+$0x39A0]  }
0xb0: {  	v26 =	vld [tilespmem:s14+$0x39B0]  }
0xb1: {  	v28 =	vld [tilespmem:s14+$0x39C0]  }
0xb2: {  	v30 =	vld [tilespmem:s14+$0x39D0]  }
0xb3: {  	v32 =	vld [tilespmem:s14+$0x39E0];
	s11 =	spop (v2sf)  }
0xb4: {  	v20 =	vld [tilespmem:s14+$0x3980];
	s12 =	spop (v2sf)  }
0xb5: {  	v21 =	vld [tilespmem:s12+$0x0]  }
0xb6: {  	v23 =	vld [tilespmem:s12+$0x10]  }
0xb7: {  	v55 =	vld [tilespmem:s14+$0x39F0]  }
0xb8: {  	v25 =	vld [tilespmem:s12+$0x20]  }
0xb9: {  	v27 =	vld [tilespmem:s12+$0x30]  }
0xba: {  	v29 =	vld [tilespmem:s12+$0x40]  }
0xbb: {  	v31 =	vld [tilespmem:s12+$0x50];
	v20 =	vadd.f32 v21, v20;
	v53 =	vadd.f32 v23, v22  }
0xbc: {  	v54 =	vld [tilespmem:s12+$0x60]  }
0xbd: {  	v56 =	vld [tilespmem:s12+$0x70];
	v24 =	vadd.f32 v25, v24;
	v33 =	vmul.f32 v20, v20;
	v34 =	vmul.f32 v53, v53;
	_ =	sdelay $0x1  }
0xbe: {  	v26 =	vadd.f32 v27, v26;
	v58 =	vmul.f32 v24, v24;
	v57 =	vadd.f32 v34, v33  }
0xbf: {  	v28 =	vadd.f32 v29, v28  }
0xc0: {  	v29 =	vadd.f32 v31, v30;
	v59 =	vmul.f32 v26, v26;
	v27 =	vadd.f32 v58, v57  }
0xc1: {  	v22 =	vadd.f32 v54, v32;
	v23 =	vadd.f32 v56, v55  }
0xc2: {  	v60 =	vadd.f32 v53, v20;
	v61 =	vmul.f32 v28, v28;
	v27 =	vadd.f32 v59, v27  }
0xc3: {  	v62 =	vadd.f32 v26, v24;
	v63 =	vadd.f32 v29, v28  }
0xc4: {  	v36 =	vadd.f32 v23, v22;
	v37 =	vmul.f32 v29, v29;
	v27 =	vadd.f32 v61, v27  }
0xc5: {  	v25 =	vadd.f32 v62, v60  }
0xc6: {  	v39 =	vmul.f32 v22, v22;
	v38 =	vadd.f32 v36, v63;
	v27 =	vadd.f32 v37, v27;
	_ =	sdelay $0x1  }
0xc7: {  	v40 =	vmul.f32 v23, v23;
	v25 =	vadd.f32 v38, v25;
	v27 =	vadd.f32 v39, v27;
	_ =	sdelay $0x1  }
0xc8: {  	v41 =	vperm.xlane v25, v0;
	v27 =	vadd.f32 v40, v27;
	_ =	sdelay $0x1  }
0xc9: {  	v25 =	vadd.f32 v25, v41;
	v42 =	vperm.xlane v27, v0;
	_ =	sdelay $0x1  }
0xca: {  	v43 =	vperm.xlane v25, v1;
	v27 =	vadd.f32 v42, v27;
	_ =	sdelay $0x1  }
0xcb: {  	v25 =	vadd.f32 v25, v43;
	v30 =	vperm.xlane v27, v1;
	_ =	sdelay $0x1  }
0xcc: {  	v31 =	vperm.xlane v25, v2;
	v27 =	vadd.f32 v30, v27;
	_ =	sdelay $0x1  }
0xcd: {  	v25 =	vadd.f32 v25, v31;
	v30 =	vperm.xlane v27, v2;
	_ =	sdelay $0x1  }
0xce: {  	v31 =	vperm.xlane v25, v3;
	v27 =	vadd.f32 v30, v27;
	_ =	sdelay $0x1  }
0xcf: {  	v25 =	vadd.f32 v25, v31;
	v30 =	vperm.xlane v27, v3;
	_ =	sdelay $0x1  }
0xd0: {  	v25 =	vmul.f32 $7.812500000e-03, v25;
	v27 =	vadd.f32 v30, v27;
	_ =	sdelay $0x1  }
0xd1: {  	v44 =	vmul.f32 v25, v25;
	v27 =	vmul.f32 $7.812500000e-03, v27;
	_ =	sdelay $0x1  }
0xd2: {  	v27 =	vsub.f32 v27, v44;
	_ =	sdelay $0x1  }
0xd3: {  	v27 =	vadd.f32 $9.999999740e-06, v27;
	_ =	sdelay $0x1  }
0xd4: {  	v45 =	vshra.s32 v27, $0x1;
	v27 =	vmul.f32 $5.000000000e-01, v27  }
0xd5: {  	v30 =	vsub.s32 $0x5F3759DF, v45  }
0xd6: {  	v46 =	vmul.f32 v30, v27;
	_ =	sdelay $0x1  }
0xd7: {  	v31 =	vmul.f32 v30, v46;
	_ =	sdelay $0x1  }
0xd8: {  	v31 =	vsub.f32 $1.500000000e+00, v31;
	_ =	sdelay $0x1  }
0xd9: {  	v30 =	vmul.f32 v30, v31;
	_ =	sdelay $0x1  }
0xda: {  	v27 =	vmul.f32 v30, v27;
	_ =	sdelay $0x1  }
0xdb: {  	v27 =	vmul.f32 v27, v30;
	_ =	sdelay $0x1  }
0xdc: {  	v27 =	vsub.f32 $1.500000000e+00, v27;
	_ =	sdelay $0x1  }
0xdd: {  	v27 =	vmul.f32 v27, v30;
	_ =	sdelay $0x1  }
0xde: {  	v30 =	vmul.f32 v27, v4;
	v47 =	vmul.f32 v27, v5  }
0xdf: {  	v51 =	vmul.f32 v27, v6;
	v57 =	vmul.f32 v27, v8  }
0xe0: {  	v58 =	vmul.f32 v27, v9;
	v60 =	vmul.f32 v27, v10  }
0xe1: {  	v48 =	vmul.f32 v30, v25;
	v49 =	vmul.f32 v47, v25  }
0xe2: {  	v20 =	vmul.f32 v30, v20;
	v21 =	vmul.f32 v47, v53  }
0xe3: {  	v53 =	vmul.f32 v27, v7;
	v54 =	vmul.f32 v51, v25  }
0xe4: {  	v24 =	vmul.f32 v51, v24;
	v59 =	vmul.f32 v57, v25  }
0xe5: {  	v61 =	vmul.f32 v58, v25;
	v27 =	vmul.f32 v27, v11;
	v50 =	vsub.f32 v12, v48  }
0xe6: {  	v63 =	vmul.f32 v60, v25;
	v52 =	vsub.f32 v13, v49;
	v55 =	vmul.f32 v53, v25  }
0xe7: {  	v33 =	vmul.f32 v58, v29;
	v56 =	vsub.f32 v14, v54;
	v20 =	vadd.f32 v50, v20  }
0xe8: {  	v26 =	vmul.f32 v53, v26;
	v21 =	vadd.f32 v52, v21;
	v30 =	vsub.f32 v15, v55  }
0xe9: {  	v35 =	vsub.f32 v17, v61;
	v25 =	vmul.f32 v27, v25;
	v24 =	vadd.f32 v56, v24;
	[tilespmem:s14+$0x3980] =	vst v20  }
0xea: {  	v38 =	vld [tilespmem:s14+$0x3A10];
	v62 =	vsub.f32 v16, v59;
	v26 =	vadd.f32 v30, v26;
	v20 =	vmul.f32 v57, v28;
	[tilespmem:s14+$0x3990] =	vst v21  }
0xeb: {  	v40 =	vld [tilespmem:s14+$0x3A20];
	v23 =	vmul.f32 v27, v23;
	v25 =	vsub.f32 v19, v25;
	[tilespmem:s14+$0x39A0] =	vst v24;
	v21 =	vadd.f32 v35, v33  }
0xec: {  	v42 =	vld [tilespmem:s14+$0x3A30];
	v22 =	vmul.f32 v60, v22;
	v36 =	vsub.f32 v18, v63;
	v20 =	vadd.f32 v62, v20;
	[tilespmem:s14+$0x39B0] =	vst v26  }
0xed: {  	v44 =	vld [tilespmem:s14+$0x3A40];
	v37 =	vadd.f32 v25, v23;
	[tilespmem:s14+$0x39D0] =	vst v21  }
0xee: {  	v46 =	vld [tilespmem:s14+$0x3A50];
	[tilespmem:s14+$0x39C0] =	vst v20;
	v20 =	vadd.f32 v36, v22  }
0xef: {  	v51 =	vld [tilespmem:s14+$0x3A70];
	[tilespmem:s14+$0x39F0] =	vst v37  }
0xf0: {  	[tilespmem:s14+$0x39E0] =	vst v20;
	v20 =	vld [tilespmem:s14+$0x3A00]  }
0xf1: {  	v21 =	vld [tilespmem:s11+$0x80]  }
0xf2: {  	v39 =	vld [tilespmem:s11+$0x90]  }
0xf3: {  	v48 =	vld [tilespmem:s14+$0x3A60]  }
0xf4: {  	v41 =	vld [tilespmem:s11+$0xA0]  }
0xf5: {  	v43 =	vld [tilespmem:s11+$0xB0]  }
0xf6: {  	v45 =	vld [tilespmem:s11+$0xC0]  }
0xf7: {  	v47 =	vld [tilespmem:s11+$0xD0];
	v20 =	vadd.f32 v21, v20;
	v49 =	vadd.f32 v39, v38  }
0xf8: {  	v50 =	vld [tilespmem:s11+$0xE0]  }
0xf9: {  	v52 =	vld [tilespmem:s11+$0xF0];
	v24 =	vadd.f32 v41, v40;
	v53 =	vmul.f32 v20, v20;
	v54 =	vmul.f32 v49, v49;
	_ =	sdelay $0x1  }
0xfa: {  	v26 =	vadd.f32 v43, v42;
	v56 =	vmul.f32 v24, v24;
	v55 =	vadd.f32 v54, v53  }
0xfb: {  	v28 =	vadd.f32 v45, v44  }
0xfc: {  	v29 =	vadd.f32 v47, v46;
	v57 =	vmul.f32 v26, v26;
	v27 =	vadd.f32 v56, v55  }
0xfd: {  	v22 =	vadd.f32 v50, v48;
	v23 =	vadd.f32 v52, v51  }
0xfe: {  	v58 =	vadd.f32 v49, v20;
	v59 =	vmul.f32 v28, v28;
	v27 =	vadd.f32 v57, v27  }
0xff: {  	v60 =	vadd.f32 v26, v24;
	v61 =	vadd.f32 v29, v28  }
0x100: {  	v62 =	vadd.f32 v23, v22;
	v63 =	vmul.f32 v29, v29;
	v27 =	vadd.f32 v59, v27  }
0x101: {  	v25 =	vadd.f32 v60, v58  }
0x102: {  	v35 =	vmul.f32 v22, v22;
	v34 =	vadd.f32 v62, v61;
	v27 =	vadd.f32 v63, v27;
	_ =	sdelay $0x1  }
0x103: {  	v36 =	vmul.f32 v23, v23;
	v25 =	vadd.f32 v34, v25;
	v27 =	vadd.f32 v35, v27;
	_ =	sdelay $0x1  }
0x104: {  	v37 =	vperm.xlane v25, v0;
	v27 =	vadd.f32 v36, v27;
	_ =	sdelay $0x1  }
0x105: {  	v25 =	vadd.f32 v25, v37;
	v38 =	vperm.xlane v27, v0;
	_ =	sdelay $0x1  }
0x106: {  	v39 =	vperm.xlane v25, v1;
	v27 =	vadd.f32 v38, v27;
	_ =	sdelay $0x1  }
0x107: {  	v25 =	vadd.f32 v25, v39;
	v30 =	vperm.xlane v27, v1;
	_ =	sdelay $0x1  }
0x108: {  	v31 =	vperm.xlane v25, v2;
	v27 =	vadd.f32 v30, v27;
	_ =	sdelay $0x1  }
0x109: {  	v25 =	vadd.f32 v25, v31;
	v30 =	vperm.xlane v27, v2;
	_ =	sdelay $0x1  }
0x10a: {  	v31 =	vperm.xlane v25, v3;
	v27 =	vadd.f32 v30, v27;
	_ =	sdelay $0x1  }
0x10b: {  	v25 =	vadd.f32 v25, v31;
	v30 =	vperm.xlane v27, v3;
	_ =	sdelay $0x1  }
0x10c: {  	v25 =	vmul.f32 $7.812500000e-03, v25;
	v27 =	vadd.f32 v30, v27;
	_ =	sdelay $0x1  }
0x10d: {  	v40 =	vmul.f32 v25, v25;
	v27 =	vmul.f32 $7.812500000e-03, v27;
	_ =	sdelay $0x1  }
0x10e: {  	v27 =	vsub.f32 v27, v40;
	_ =	sdelay $0x1  }
0x10f: {  	v27 =	vadd.f32 $9.999999740e-06, v27;
	_ =	sdelay $0x1  }
0x110: {  	v41 =	vshra.s32 v27, $0x1;
	v27 =	vmul.f32 $5.000000000e-01, v27  }
0x111: {  	v30 =	vsub.s32 $0x5F3759DF, v41  }
0x112: {  	v42 =	vmul.f32 v30, v27;
	_ =	sdelay $0x1  }
0x113: {  	v31 =	vmul.f32 v30, v42;
	_ =	sdelay $0x1  }
0x114: {  	v31 =	vsub.f32 $1.500000000e+00, v31;
	_ =	sdelay $0x1  }
0x115: {  	v30 =	vmul.f32 v30, v31;
	_ =	sdelay $0x1  }
0x116: {  	v27 =	vmul.f32 v30, v27;
	_ =	sdelay $0x1  }
0x117: {  	v27 =	vmul.f32 v27, v30;
	_ =	sdelay $0x1  }
0x118: {  	v27 =	vsub.f32 $1.500000000e+00, v27;
	_ =	sdelay $0x1  }
0x119: {  	v27 =	vmul.f32 v27, v30;
	_ =	sdelay $0x1  }
0x11a: {  	v30 =	vmul.f32 v27, v4;
	v43 =	vmul.f32 v27, v5  }
0x11b: {  	v47 =	vmul.f32 v27, v6;
	v53 =	vmul.f32 v27, v8  }
0x11c: {  	v54 =	vmul.f32 v27, v9;
	v56 =	vmul.f32 v27, v10  }
0x11d: {  	v44 =	vmul.f32 v30, v25;
	v45 =	vmul.f32 v43, v25  }
0x11e: {  	v20 =	vmul.f32 v30, v20;
	v21 =	vmul.f32 v43, v49  }
0x11f: {  	v49 =	vmul.f32 v27, v7;
	v50 =	vmul.f32 v47, v25  }
0x120: {  	v24 =	vmul.f32 v47, v24;
	v55 =	vmul.f32 v53, v25  }
0x121: {  	v57 =	vmul.f32 v54, v25;
	v27 =	vmul.f32 v27, v11;
	v46 =	vsub.f32 v12, v44  }
0x122: {  	v59 =	vmul.f32 v56, v25;
	v48 =	vsub.f32 v13, v45;
	v51 =	vmul.f32 v49, v25  }
0x123: {  	v60 =	vmul.f32 v54, v29;
	v52 =	vsub.f32 v14, v50;
	v20 =	vadd.f32 v46, v20  }
0x124: {  	v26 =	vmul.f32 v49, v26;
	v21 =	vadd.f32 v48, v21;
	v30 =	vsub.f32 v15, v51  }
0x125: {  	v61 =	vsub.f32 v17, v57;
	v25 =	vmul.f32 v27, v25;
	v24 =	vadd.f32 v52, v24;
	[tilespmem:s14+$0x3A00] =	vst v20  }
0x126: {  	v58 =	vsub.f32 v16, v55;
	v26 =	vadd.f32 v30, v26;
	v20 =	vmul.f32 v53, v28;
	[tilespmem:s14+$0x3A10] =	vst v21  }
0x127: {  	p0 =	sne.s32 s17, $0xC400;
	v23 =	vmul.f32 v27, v23;
	v25 =	vsub.f32 v19, v25;
	[tilespmem:s14+$0x3A20] =	vst v24;
	v21 =	vadd.f32 v61, v60  }
.Ltmp1:
0x128: {  	v22 =	vmul.f32 v56, v22;
	v62 =	vsub.f32 v18, v59;
	v20 =	vadd.f32 v58, v20;
	[tilespmem:s14+$0x3A30] =	vst v26;
	(pc) =	sbr.rel @p0 .LBB2_5-.Ltmp1, $4  }
0x129: {  	v63 =	vadd.f32 v25, v23;
	[tilespmem:s14+$0x3A50] =	vst v21  }
0x12a: {  	[tilespmem:s14+$0x3A40] =	vst v20;
	v20 =	vadd.f32 v62, v22  }
0x12b: {  	[tilespmem:s14+$0x3A70] =	vst v63  }
0x12c: {  	s2 =	sadd.s32 $0x2, s2;
	s17 =	sadd.s32 $0x400, s17;
	[tilespmem:s14+$0x3A60] =	vst v20  }
0x12d: {  	p0 =	seq.s32 s4, $0x0  }
0x12e: {  	s18 =	sshll.u32 s4, $0x2;
	s2 =	simm.s32 @!p0 $0x7  }
0x12f: {  	s17 =	sor.u32 $0x2, s18;
	_ =	swait.ge @!p0 [sflag:s2], $0x3200  }
0x130: {  	s12 =	sadd.s32 s9, s18;
	s11 =	sshll.u32 s17, $0x7;
	[sflag:s2] =	ssyncset.done @!p0 $0x0  }
0x131: {  	s21 =	smul.u32 $0x680, s12;
	s14 =	sand.u32 $0x3FFFFF80, s11;
	[sflag:s2] =	ssyncadd.s32 @!p0 $0xFFFFCE00  }
0x132: {  	[tilespmem:s24], [sflag:$0x3] =	stream.indirect.gather [hbm4b:s1+s19], $0x80, s14, s19, $0xb8;
	[tilespmem:$0x1D380] =	vst v63  }
0x133: {  	s11 =	sadd.s32 s8, s21;
	s2 =	simm.s32 $0x0  }
0x134: {  	[hbm4b:s11+s2] =	stream.linear.scatter [tilespmem:s20], [sflag:$0x5], $0x3200, $0x38;
	[tilespmem:$0x1D380] =	vst v63  }
0x135: {  	_ =	swait.ge [sflag:s25], $0x3200  }
0x136: {  	[sflag:s25] =	ssyncset.done $0x0  }
0x137: {  	s21 =	sor.u32 $0x1, s18;
	s14 =	smov.u32 s10;
	[sflag:s25] =	ssyncadd.s32 $0xFFFFCE00  }
.LBB2_7:
0x138: {  	v20 =	vld [tilespmem:s14+$0x0];
	_ =	sdelay $0x4  }
0x139: {  	v20 =	vmul.u32 $0x19000, v20;
	_ =	sdelay $0x1  }
0x13a: {  	s11 =	sshra.s32 s2, $0x2;
	v20 =	vshra.s32 v20, $0x2  }
0x13b: {  	v20 =	vadd.s32 s11, v20  }
0x13c: {  	v20 =	vadd.s32 $0x10980, v20  }
0x13d: {  	(v2sf) =	vpush v20, $0x1  }
0x13e: {  	(v2sf) =	vpush v20, $0x0;
	_ =	sdelay $0x8  }
0x13f: {  	v22 =	vld [tilespmem:s11+$0x6D90]  }
0x140: {  	v24 =	vld [tilespmem:s11+$0x6DA0]  }
0x141: {  	v26 =	vld [tilespmem:s11+$0x6DB0]  }
0x142: {  	v28 =	vld [tilespmem:s11+$0x6DC0]  }
0x143: {  	v30 =	vld [tilespmem:s11+$0x6DD0]  }
0x144: {  	v32 =	vld [tilespmem:s11+$0x6DE0];
	s12 =	spop (v2sf)  }
0x145: {  	v20 =	vld [tilespmem:s11+$0x6D80];
	s0 =	spop (v2sf)  }
0x146: {  	v21 =	vld [tilespmem:s0+$0x3200]  }
0x147: {  	v23 =	vld [tilespmem:s0+$0x3210]  }
0x148: {  	v55 =	vld [tilespmem:s11+$0x6DF0]  }
0x149: {  	v25 =	vld [tilespmem:s0+$0x3220]  }
0x14a: {  	v27 =	vld [tilespmem:s0+$0x3230]  }
0x14b: {  	v29 =	vld [tilespmem:s0+$0x3240]  }
0x14c: {  	v31 =	vld [tilespmem:s0+$0x3250];
	v20 =	vadd.f32 v21, v20;
	v53 =	vadd.f32 v23, v22  }
0x14d: {  	v54 =	vld [tilespmem:s0+$0x3260]  }
0x14e: {  	v56 =	vld [tilespmem:s0+$0x3270];
	v24 =	vadd.f32 v25, v24;
	v33 =	vmul.f32 v20, v20;
	v34 =	vmul.f32 v53, v53;
	_ =	sdelay $0x1  }
0x14f: {  	v26 =	vadd.f32 v27, v26;
	v58 =	vmul.f32 v24, v24;
	v57 =	vadd.f32 v34, v33  }
0x150: {  	v28 =	vadd.f32 v29, v28  }
0x151: {  	v29 =	vadd.f32 v31, v30;
	v59 =	vmul.f32 v26, v26;
	v27 =	vadd.f32 v58, v57  }
0x152: {  	v22 =	vadd.f32 v54, v32;
	v23 =	vadd.f32 v56, v55  }
0x153: {  	v60 =	vadd.f32 v53, v20;
	v61 =	vmul.f32 v28, v28;
	v27 =	vadd.f32 v59, v27  }
0x154: {  	v62 =	vadd.f32 v26, v24;
	v63 =	vadd.f32 v29, v28  }
0x155: {  	v36 =	vadd.f32 v23, v22;
	v37 =	vmul.f32 v29, v29;
	v27 =	vadd.f32 v61, v27  }
0x156: {  	v25 =	vadd.f32 v62, v60  }
0x157: {  	v39 =	vmul.f32 v22, v22;
	v38 =	vadd.f32 v36, v63;
	v27 =	vadd.f32 v37, v27;
	_ =	sdelay $0x1  }
0x158: {  	v40 =	vmul.f32 v23, v23;
	v25 =	vadd.f32 v38, v25;
	v27 =	vadd.f32 v39, v27;
	_ =	sdelay $0x1  }
0x159: {  	v41 =	vperm.xlane v25, v0;
	v27 =	vadd.f32 v40, v27;
	_ =	sdelay $0x1  }
0x15a: {  	v25 =	vadd.f32 v25, v41;
	v42 =	vperm.xlane v27, v0;
	_ =	sdelay $0x1  }
0x15b: {  	v43 =	vperm.xlane v25, v1;
	v27 =	vadd.f32 v42, v27;
	_ =	sdelay $0x1  }
0x15c: {  	v25 =	vadd.f32 v25, v43;
	v30 =	vperm.xlane v27, v1;
	_ =	sdelay $0x1  }
0x15d: {  	v31 =	vperm.xlane v25, v2;
	v27 =	vadd.f32 v30, v27;
	_ =	sdelay $0x1  }
0x15e: {  	v25 =	vadd.f32 v25, v31;
	v30 =	vperm.xlane v27, v2;
	_ =	sdelay $0x1  }
0x15f: {  	v31 =	vperm.xlane v25, v3;
	v27 =	vadd.f32 v30, v27;
	_ =	sdelay $0x1  }
0x160: {  	v25 =	vadd.f32 v25, v31;
	v30 =	vperm.xlane v27, v3;
	_ =	sdelay $0x1  }
0x161: {  	v25 =	vmul.f32 $7.812500000e-03, v25;
	v27 =	vadd.f32 v30, v27;
	_ =	sdelay $0x1  }
0x162: {  	v44 =	vmul.f32 v25, v25;
	v27 =	vmul.f32 $7.812500000e-03, v27;
	_ =	sdelay $0x1  }
0x163: {  	v27 =	vsub.f32 v27, v44;
	_ =	sdelay $0x1  }
0x164: {  	v27 =	vadd.f32 $9.999999740e-06, v27;
	_ =	sdelay $0x1  }
0x165: {  	v45 =	vshra.s32 v27, $0x1;
	v27 =	vmul.f32 $5.000000000e-01, v27  }
0x166: {  	v30 =	vsub.s32 $0x5F3759DF, v45  }
0x167: {  	v46 =	vmul.f32 v30, v27;
	_ =	sdelay $0x1  }
0x168: {  	v31 =	vmul.f32 v30, v46;
	_ =	sdelay $0x1  }
0x169: {  	v31 =	vsub.f32 $1.500000000e+00, v31;
	_ =	sdelay $0x1  }
0x16a: {  	v30 =	vmul.f32 v30, v31;
	_ =	sdelay $0x1  }
0x16b: {  	v27 =	vmul.f32 v30, v27;
	_ =	sdelay $0x1  }
0x16c: {  	v27 =	vmul.f32 v27, v30;
	_ =	sdelay $0x1  }
0x16d: {  	v27 =	vsub.f32 $1.500000000e+00, v27;
	_ =	sdelay $0x1  }
0x16e: {  	v27 =	vmul.f32 v27, v30;
	_ =	sdelay $0x1  }
0x16f: {  	v30 =	vmul.f32 v27, v4;
	v47 =	vmul.f32 v27, v5  }
0x170: {  	v51 =	vmul.f32 v27, v6;
	v57 =	vmul.f32 v27, v8  }
0x171: {  	v58 =	vmul.f32 v27, v9;
	v60 =	vmul.f32 v27, v10  }
0x172: {  	v48 =	vmul.f32 v30, v25;
	v49 =	vmul.f32 v47, v25  }
0x173: {  	v20 =	vmul.f32 v30, v20;
	v21 =	vmul.f32 v47, v53  }
0x174: {  	v53 =	vmul.f32 v27, v7;
	v54 =	vmul.f32 v51, v25  }
0x175: {  	v24 =	vmul.f32 v51, v24;
	v59 =	vmul.f32 v57, v25  }
0x176: {  	v61 =	vmul.f32 v58, v25;
	v27 =	vmul.f32 v27, v11;
	v50 =	vsub.f32 v12, v48  }
0x177: {  	v63 =	vmul.f32 v60, v25;
	v52 =	vsub.f32 v13, v49;
	v55 =	vmul.f32 v53, v25  }
0x178: {  	v33 =	vmul.f32 v58, v29;
	v56 =	vsub.f32 v14, v54;
	v20 =	vadd.f32 v50, v20  }
0x179: {  	v26 =	vmul.f32 v53, v26;
	v21 =	vadd.f32 v52, v21;
	v30 =	vsub.f32 v15, v55  }
0x17a: {  	v35 =	vsub.f32 v17, v61;
	v25 =	vmul.f32 v27, v25;
	v24 =	vadd.f32 v56, v24;
	[tilespmem:s11+$0x6D80] =	vst v20  }
0x17b: {  	v38 =	vld [tilespmem:s11+$0x6E10];
	v62 =	vsub.f32 v16, v59;
	v26 =	vadd.f32 v30, v26;
	v20 =	vmul.f32 v57, v28;
	[tilespmem:s11+$0x6D90] =	vst v21  }
0x17c: {  	v40 =	vld [tilespmem:s11+$0x6E20];
	v23 =	vmul.f32 v27, v23;
	v25 =	vsub.f32 v19, v25;
	[tilespmem:s11+$0x6DA0] =	vst v24;
	v21 =	vadd.f32 v35, v33  }
0x17d: {  	v42 =	vld [tilespmem:s11+$0x6E30];
	v22 =	vmul.f32 v60, v22;
	v36 =	vsub.f32 v18, v63;
	v20 =	vadd.f32 v62, v20;
	[tilespmem:s11+$0x6DB0] =	vst v26  }
0x17e: {  	v44 =	vld [tilespmem:s11+$0x6E40];
	v37 =	vadd.f32 v25, v23;
	[tilespmem:s11+$0x6DD0] =	vst v21  }
0x17f: {  	v46 =	vld [tilespmem:s11+$0x6E50];
	[tilespmem:s11+$0x6DC0] =	vst v20;
	v20 =	vadd.f32 v36, v22  }
0x180: {  	v51 =	vld [tilespmem:s11+$0x6E70];
	[tilespmem:s11+$0x6DF0] =	vst v37  }
0x181: {  	[tilespmem:s11+$0x6DE0] =	vst v20;
	v20 =	vld [tilespmem:s11+$0x6E00]  }
0x182: {  	v21 =	vld [tilespmem:s12+$0x3280]  }
0x183: {  	v39 =	vld [tilespmem:s12+$0x3290]  }
0x184: {  	v48 =	vld [tilespmem:s11+$0x6E60]  }
0x185: {  	v41 =	vld [tilespmem:s12+$0x32A0]  }
0x186: {  	v43 =	vld [tilespmem:s12+$0x32B0]  }
0x187: {  	v45 =	vld [tilespmem:s12+$0x32C0]  }
0x188: {  	v47 =	vld [tilespmem:s12+$0x32D0];
	v20 =	vadd.f32 v21, v20;
	v49 =	vadd.f32 v39, v38  }
0x189: {  	v50 =	vld [tilespmem:s12+$0x32E0]  }
0x18a: {  	v52 =	vld [tilespmem:s12+$0x32F0];
	v24 =	vadd.f32 v41, v40;
	v53 =	vmul.f32 v20, v20;
	v54 =	vmul.f32 v49, v49;
	_ =	sdelay $0x1  }
0x18b: {  	v26 =	vadd.f32 v43, v42;
	v56 =	vmul.f32 v24, v24;
	v55 =	vadd.f32 v54, v53  }
0x18c: {  	v28 =	vadd.f32 v45, v44  }
0x18d: {  	v29 =	vadd.f32 v47, v46;
	v57 =	vmul.f32 v26, v26;
	v27 =	vadd.f32 v56, v55  }
0x18e: {  	v22 =	vadd.f32 v50, v48;
	v23 =	vadd.f32 v52, v51  }
0x18f: {  	v58 =	vadd.f32 v49, v20;
	v59 =	vmul.f32 v28, v28;
	v27 =	vadd.f32 v57, v27  }
0x190: {  	v60 =	vadd.f32 v26, v24;
	v61 =	vadd.f32 v29, v28  }
0x191: {  	v62 =	vadd.f32 v23, v22;
	v63 =	vmul.f32 v29, v29;
	v27 =	vadd.f32 v59, v27  }
0x192: {  	v25 =	vadd.f32 v60, v58  }
0x193: {  	v35 =	vmul.f32 v22, v22;
	v34 =	vadd.f32 v62, v61;
	v27 =	vadd.f32 v63, v27;
	_ =	sdelay $0x1  }
0x194: {  	v36 =	vmul.f32 v23, v23;
	v25 =	vadd.f32 v34, v25;
	v27 =	vadd.f32 v35, v27;
	_ =	sdelay $0x1  }
0x195: {  	v37 =	vperm.xlane v25, v0;
	v27 =	vadd.f32 v36, v27;
	_ =	sdelay $0x1  }
0x196: {  	v25 =	vadd.f32 v25, v37;
	v38 =	vperm.xlane v27, v0;
	_ =	sdelay $0x1  }
0x197: {  	v39 =	vperm.xlane v25, v1;
	v27 =	vadd.f32 v38, v27;
	_ =	sdelay $0x1  }
0x198: {  	v25 =	vadd.f32 v25, v39;
	v30 =	vperm.xlane v27, v1;
	_ =	sdelay $0x1  }
0x199: {  	v31 =	vperm.xlane v25, v2;
	v27 =	vadd.f32 v30, v27;
	_ =	sdelay $0x1  }
0x19a: {  	v25 =	vadd.f32 v25, v31;
	v30 =	vperm.xlane v27, v2;
	_ =	sdelay $0x1  }
0x19b: {  	v31 =	vperm.xlane v25, v3;
	v27 =	vadd.f32 v30, v27;
	_ =	sdelay $0x1  }
0x19c: {  	v25 =	vadd.f32 v25, v31;
	v30 =	vperm.xlane v27, v3;
	_ =	sdelay $0x1  }
0x19d: {  	v25 =	vmul.f32 $7.812500000e-03, v25;
	v27 =	vadd.f32 v30, v27;
	_ =	sdelay $0x1  }
0x19e: {  	v40 =	vmul.f32 v25, v25;
	v27 =	vmul.f32 $7.812500000e-03, v27;
	_ =	sdelay $0x1  }
0x19f: {  	v27 =	vsub.f32 v27, v40;
	_ =	sdelay $0x1  }
0x1a0: {  	v27 =	vadd.f32 $9.999999740e-06, v27;
	_ =	sdelay $0x1  }
0x1a1: {  	v41 =	vshra.s32 v27, $0x1;
	v27 =	vmul.f32 $5.000000000e-01, v27  }
0x1a2: {  	v30 =	vsub.s32 $0x5F3759DF, v41  }
0x1a3: {  	v42 =	vmul.f32 v30, v27;
	_ =	sdelay $0x1  }
0x1a4: {  	v31 =	vmul.f32 v30, v42;
	_ =	sdelay $0x1  }
0x1a5: {  	v31 =	vsub.f32 $1.500000000e+00, v31;
	_ =	sdelay $0x1  }
0x1a6: {  	v30 =	vmul.f32 v30, v31;
	_ =	sdelay $0x1  }
0x1a7: {  	v27 =	vmul.f32 v30, v27;
	_ =	sdelay $0x1  }
0x1a8: {  	v27 =	vmul.f32 v27, v30;
	_ =	sdelay $0x1  }
0x1a9: {  	v27 =	vsub.f32 $1.500000000e+00, v27;
	_ =	sdelay $0x1  }
0x1aa: {  	v27 =	vmul.f32 v27, v30;
	_ =	sdelay $0x1  }
0x1ab: {  	v30 =	vmul.f32 v27, v4;
	v43 =	vmul.f32 v27, v5  }
0x1ac: {  	v47 =	vmul.f32 v27, v6;
	v53 =	vmul.f32 v27, v8  }
0x1ad: {  	v54 =	vmul.f32 v27, v9;
	v56 =	vmul.f32 v27, v10  }
0x1ae: {  	v44 =	vmul.f32 v30, v25;
	v45 =	vmul.f32 v43, v25  }
0x1af: {  	v20 =	vmul.f32 v30, v20;
	v21 =	vmul.f32 v43, v49  }
0x1b0: {  	v49 =	vmul.f32 v27, v7;
	v50 =	vmul.f32 v47, v25  }
0x1b1: {  	v24 =	vmul.f32 v47, v24;
	v55 =	vmul.f32 v53, v25  }
0x1b2: {  	v57 =	vmul.f32 v54, v25;
	v27 =	vmul.f32 v27, v11;
	v46 =	vsub.f32 v12, v44  }
0x1b3: {  	v59 =	vmul.f32 v56, v25;
	v48 =	vsub.f32 v13, v45;
	v51 =	vmul.f32 v49, v25  }
0x1b4: {  	v60 =	vmul.f32 v54, v29;
	v52 =	vsub.f32 v14, v50;
	v20 =	vadd.f32 v46, v20  }
0x1b5: {  	v26 =	vmul.f32 v49, v26;
	v21 =	vadd.f32 v48, v21;
	v30 =	vsub.f32 v15, v51  }
0x1b6: {  	v61 =	vsub.f32 v17, v57;
	v25 =	vmul.f32 v27, v25;
	v24 =	vadd.f32 v52, v24;
	[tilespmem:s11+$0x6E00] =	vst v20  }
0x1b7: {  	v58 =	vsub.f32 v16, v55;
	v26 =	vadd.f32 v30, v26;
	v20 =	vmul.f32 v53, v28;
	[tilespmem:s11+$0x6E10] =	vst v21  }
0x1b8: {  	p1 =	sne.s32 s2, $0xC400;
	v23 =	vmul.f32 v27, v23;
	v25 =	vsub.f32 v19, v25;
	[tilespmem:s11+$0x6E20] =	vst v24;
	v21 =	vadd.f32 v61, v60  }
.Ltmp2:
0x1b9: {  	v22 =	vmul.f32 v56, v22;
	v62 =	vsub.f32 v18, v59;
	v20 =	vadd.f32 v58, v20;
	[tilespmem:s11+$0x6E30] =	vst v26;
	(pc) =	sbr.rel @p1 .LBB2_7-.Ltmp2, $4  }
0x1ba: {  	v63 =	vadd.f32 v25, v23;
	[tilespmem:s11+$0x6E50] =	vst v21  }
0x1bb: {  	[tilespmem:s11+$0x6E40] =	vst v20;
	v20 =	vadd.f32 v62, v22  }
0x1bc: {  	[tilespmem:s11+$0x6E70] =	vst v63  }
0x1bd: {  	s14 =	sadd.s32 $0x2, s14;
	s2 =	sadd.s32 $0x400, s2;
	[tilespmem:s11+$0x6E60] =	vst v20  }
0x1be: {  	s0 =	simm.s32 @!p0 $0x8  }
0x1bf: {  	s18 =	sor.u32 $0x3, s18;
	_ =	swait.ge @!p0 [sflag:s0], $0x3200  }
0x1c0: {  	s11 =	sadd.s32 s9, s21;
	s2 =	sshll.u32 s18, $0x7;
	[sflag:s0] =	ssyncset.done @!p0 $0x0  }
0x1c1: {  	s14 =	smul.u32 $0x680, s11;
	s12 =	sand.u32 $0x3FFFFF80, s2;
	[sflag:s0] =	ssyncadd.s32 @!p0 $0xFFFFCE00  }
0x1c2: {  	[tilespmem:s26], [sflag:$0x4] =	stream.indirect.gather [hbm4b:s1+s19], $0x80, s12, s19, $0xb8;
	[tilespmem:$0x1D380] =	vst v63  }
0x1c3: {  	s2 =	simm.s32 $0x0;
	s21 =	sadd.s32 s8, s14  }
0x1c4: {  	[hbm4b:s21+s2] =	stream.linear.scatter [tilespmem:s22], [sflag:$0x6], $0x3200, $0x38;
	[tilespmem:$0x1D380] =	vst v63  }
0x1c5: {  	_ =	swait.ge [sflag:s28], $0x3200  }
0x1c6: {  	[sflag:s28] =	ssyncset.done $0x0  }
0x1c7: {  	s14 =	smov.u32 s15;
	[sflag:s28] =	ssyncadd.s32 $0xFFFFCE00  }
.LBB2_9:
0x1c8: {  	v20 =	vld [tilespmem:s14+$0x0];
	_ =	sdelay $0x4  }
0x1c9: {  	v20 =	vmul.u32 $0x19000, v20;
	_ =	sdelay $0x1  }
0x1ca: {  	s11 =	sshra.s32 s2, $0x2;
	v20 =	vshra.s32 v20, $0x2  }
0x1cb: {  	v20 =	vadd.s32 s11, v20  }
0x1cc: {  	v20 =	vadd.s32 $0x10980, v20  }
0x1cd: {  	(v2sf) =	vpush v20, $0x1  }
0x1ce: {  	(v2sf) =	vpush v20, $0x0;
	_ =	sdelay $0x8  }
0x1cf: {  	v22 =	vld [tilespmem:s11+$0xA190]  }
0x1d0: {  	v24 =	vld [tilespmem:s11+$0xA1A0]  }
0x1d1: {  	v26 =	vld [tilespmem:s11+$0xA1B0]  }
0x1d2: {  	v28 =	vld [tilespmem:s11+$0xA1C0]  }
0x1d3: {  	v30 =	vld [tilespmem:s11+$0xA1D0]  }
0x1d4: {  	v32 =	vld [tilespmem:s11+$0xA1E0];
	s12 =	spop (v2sf)  }
0x1d5: {  	v20 =	vld [tilespmem:s11+$0xA180];
	s0 =	spop (v2sf)  }
0x1d6: {  	v21 =	vld [tilespmem:s0+$0x0]  }
0x1d7: {  	v23 =	vld [tilespmem:s0+$0x10]  }
0x1d8: {  	v55 =	vld [tilespmem:s11+$0xA1F0]  }
0x1d9: {  	v25 =	vld [tilespmem:s0+$0x20]  }
0x1da: {  	v27 =	vld [tilespmem:s0+$0x30]  }
0x1db: {  	v29 =	vld [tilespmem:s0+$0x40]  }
0x1dc: {  	v31 =	vld [tilespmem:s0+$0x50];
	v20 =	vadd.f32 v21, v20;
	v53 =	vadd.f32 v23, v22  }
0x1dd: {  	v54 =	vld [tilespmem:s0+$0x60]  }
0x1de: {  	v56 =	vld [tilespmem:s0+$0x70];
	v24 =	vadd.f32 v25, v24;
	v33 =	vmul.f32 v20, v20;
	v34 =	vmul.f32 v53, v53;
	_ =	sdelay $0x1  }
0x1df: {  	v26 =	vadd.f32 v27, v26;
	v58 =	vmul.f32 v24, v24;
	v57 =	vadd.f32 v34, v33  }
0x1e0: {  	v28 =	vadd.f32 v29, v28  }
0x1e1: {  	v29 =	vadd.f32 v31, v30;
	v59 =	vmul.f32 v26, v26;
	v27 =	vadd.f32 v58, v57  }
0x1e2: {  	v22 =	vadd.f32 v54, v32;
	v23 =	vadd.f32 v56, v55  }
0x1e3: {  	v60 =	vadd.f32 v53, v20;
	v61 =	vmul.f32 v28, v28;
	v27 =	vadd.f32 v59, v27  }
0x1e4: {  	v62 =	vadd.f32 v26, v24;
	v63 =	vadd.f32 v29, v28  }
0x1e5: {  	v36 =	vadd.f32 v23, v22;
	v37 =	vmul.f32 v29, v29;
	v27 =	vadd.f32 v61, v27  }
0x1e6: {  	v25 =	vadd.f32 v62, v60  }
0x1e7: {  	v39 =	vmul.f32 v22, v22;
	v38 =	vadd.f32 v36, v63;
	v27 =	vadd.f32 v37, v27;
	_ =	sdelay $0x1  }
0x1e8: {  	v40 =	vmul.f32 v23, v23;
	v25 =	vadd.f32 v38, v25;
	v27 =	vadd.f32 v39, v27;
	_ =	sdelay $0x1  }
0x1e9: {  	v41 =	vperm.xlane v25, v0;
	v27 =	vadd.f32 v40, v27;
	_ =	sdelay $0x1  }
0x1ea: {  	v25 =	vadd.f32 v25, v41;
	v42 =	vperm.xlane v27, v0;
	_ =	sdelay $0x1  }
0x1eb: {  	v43 =	vperm.xlane v25, v1;
	v27 =	vadd.f32 v42, v27;
	_ =	sdelay $0x1  }
0x1ec: {  	v25 =	vadd.f32 v25, v43;
	v30 =	vperm.xlane v27, v1;
	_ =	sdelay $0x1  }
0x1ed: {  	v31 =	vperm.xlane v25, v2;
	v27 =	vadd.f32 v30, v27;
	_ =	sdelay $0x1  }
0x1ee: {  	v25 =	vadd.f32 v25, v31;
	v30 =	vperm.xlane v27, v2;
	_ =	sdelay $0x1  }
0x1ef: {  	v31 =	vperm.xlane v25, v3;
	v27 =	vadd.f32 v30, v27;
	_ =	sdelay $0x1  }
0x1f0: {  	v25 =	vadd.f32 v25, v31;
	v30 =	vperm.xlane v27, v3;
	_ =	sdelay $0x1  }
0x1f1: {  	v25 =	vmul.f32 $7.812500000e-03, v25;
	v27 =	vadd.f32 v30, v27;
	_ =	sdelay $0x1  }
0x1f2: {  	v44 =	vmul.f32 v25, v25;
	v27 =	vmul.f32 $7.812500000e-03, v27;
	_ =	sdelay $0x1  }
0x1f3: {  	v27 =	vsub.f32 v27, v44;
	_ =	sdelay $0x1  }
0x1f4: {  	v27 =	vadd.f32 $9.999999740e-06, v27;
	_ =	sdelay $0x1  }
0x1f5: {  	v45 =	vshra.s32 v27, $0x1;
	v27 =	vmul.f32 $5.000000000e-01, v27  }
0x1f6: {  	v30 =	vsub.s32 $0x5F3759DF, v45  }
0x1f7: {  	v46 =	vmul.f32 v30, v27;
	_ =	sdelay $0x1  }
0x1f8: {  	v31 =	vmul.f32 v30, v46;
	_ =	sdelay $0x1  }
0x1f9: {  	v31 =	vsub.f32 $1.500000000e+00, v31;
	_ =	sdelay $0x1  }
0x1fa: {  	v30 =	vmul.f32 v30, v31;
	_ =	sdelay $0x1  }
0x1fb: {  	v27 =	vmul.f32 v30, v27;
	_ =	sdelay $0x1  }
0x1fc: {  	v27 =	vmul.f32 v27, v30;
	_ =	sdelay $0x1  }
0x1fd: {  	v27 =	vsub.f32 $1.500000000e+00, v27;
	_ =	sdelay $0x1  }
0x1fe: {  	v27 =	vmul.f32 v27, v30;
	_ =	sdelay $0x1  }
0x1ff: {  	v30 =	vmul.f32 v27, v4;
	v47 =	vmul.f32 v27, v5  }
0x200: {  	v51 =	vmul.f32 v27, v6;
	v57 =	vmul.f32 v27, v8  }
0x201: {  	v58 =	vmul.f32 v27, v9;
	v60 =	vmul.f32 v27, v10  }
0x202: {  	v48 =	vmul.f32 v30, v25;
	v49 =	vmul.f32 v47, v25  }
0x203: {  	v20 =	vmul.f32 v30, v20;
	v21 =	vmul.f32 v47, v53  }
0x204: {  	v53 =	vmul.f32 v27, v7;
	v54 =	vmul.f32 v51, v25  }
0x205: {  	v24 =	vmul.f32 v51, v24;
	v59 =	vmul.f32 v57, v25  }
0x206: {  	v61 =	vmul.f32 v58, v25;
	v27 =	vmul.f32 v27, v11;
	v50 =	vsub.f32 v12, v48  }
0x207: {  	v63 =	vmul.f32 v60, v25;
	v52 =	vsub.f32 v13, v49;
	v55 =	vmul.f32 v53, v25  }
0x208: {  	v33 =	vmul.f32 v58, v29;
	v56 =	vsub.f32 v14, v54;
	v20 =	vadd.f32 v50, v20  }
0x209: {  	v26 =	vmul.f32 v53, v26;
	v21 =	vadd.f32 v52, v21;
	v30 =	vsub.f32 v15, v55  }
0x20a: {  	v35 =	vsub.f32 v17, v61;
	v25 =	vmul.f32 v27, v25;
	v24 =	vadd.f32 v56, v24;
	[tilespmem:s11+$0xA180] =	vst v20  }
0x20b: {  	v38 =	vld [tilespmem:s11+$0xA210];
	v62 =	vsub.f32 v16, v59;
	v26 =	vadd.f32 v30, v26;
	v20 =	vmul.f32 v57, v28;
	[tilespmem:s11+$0xA190] =	vst v21  }
0x20c: {  	v40 =	vld [tilespmem:s11+$0xA220];
	v23 =	vmul.f32 v27, v23;
	v25 =	vsub.f32 v19, v25;
	[tilespmem:s11+$0xA1A0] =	vst v24;
	v21 =	vadd.f32 v35, v33  }
0x20d: {  	v42 =	vld [tilespmem:s11+$0xA230];
	v22 =	vmul.f32 v60, v22;
	v36 =	vsub.f32 v18, v63;
	v20 =	vadd.f32 v62, v20;
	[tilespmem:s11+$0xA1B0] =	vst v26  }
0x20e: {  	v44 =	vld [tilespmem:s11+$0xA240];
	v37 =	vadd.f32 v25, v23;
	[tilespmem:s11+$0xA1D0] =	vst v21  }
0x20f: {  	v46 =	vld [tilespmem:s11+$0xA250];
	[tilespmem:s11+$0xA1C0] =	vst v20;
	v20 =	vadd.f32 v36, v22  }
0x210: {  	v51 =	vld [tilespmem:s11+$0xA270];
	[tilespmem:s11+$0xA1F0] =	vst v37  }
0x211: {  	[tilespmem:s11+$0xA1E0] =	vst v20;
	v20 =	vld [tilespmem:s11+$0xA200]  }
0x212: {  	v21 =	vld [tilespmem:s12+$0x80]  }
0x213: {  	v39 =	vld [tilespmem:s12+$0x90]  }
0x214: {  	v48 =	vld [tilespmem:s11+$0xA260]  }
0x215: {  	v41 =	vld [tilespmem:s12+$0xA0]  }
0x216: {  	v43 =	vld [tilespmem:s12+$0xB0]  }
0x217: {  	v45 =	vld [tilespmem:s12+$0xC0]  }
0x218: {  	v47 =	vld [tilespmem:s12+$0xD0];
	v20 =	vadd.f32 v21, v20;
	v49 =	vadd.f32 v39, v38  }
0x219: {  	v50 =	vld [tilespmem:s12+$0xE0]  }
0x21a: {  	v52 =	vld [tilespmem:s12+$0xF0];
	v24 =	vadd.f32 v41, v40;
	v53 =	vmul.f32 v20, v20;
	v54 =	vmul.f32 v49, v49;
	_ =	sdelay $0x1  }
0x21b: {  	v26 =	vadd.f32 v43, v42;
	v56 =	vmul.f32 v24, v24;
	v55 =	vadd.f32 v54, v53  }
0x21c: {  	v28 =	vadd.f32 v45, v44  }
0x21d: {  	v29 =	vadd.f32 v47, v46;
	v57 =	vmul.f32 v26, v26;
	v27 =	vadd.f32 v56, v55  }
0x21e: {  	v22 =	vadd.f32 v50, v48;
	v23 =	vadd.f32 v52, v51  }
0x21f: {  	v58 =	vadd.f32 v49, v20;
	v59 =	vmul.f32 v28, v28;
	v27 =	vadd.f32 v57, v27  }
0x220: {  	v60 =	vadd.f32 v26, v24;
	v61 =	vadd.f32 v29, v28  }
0x221: {  	v62 =	vadd.f32 v23, v22;
	v63 =	vmul.f32 v29, v29;
	v27 =	vadd.f32 v59, v27  }
0x222: {  	v25 =	vadd.f32 v60, v58  }
0x223: {  	v35 =	vmul.f32 v22, v22;
	v34 =	vadd.f32 v62, v61;
	v27 =	vadd.f32 v63, v27;
	_ =	sdelay $0x1  }
0x224: {  	v36 =	vmul.f32 v23, v23;
	v25 =	vadd.f32 v34, v25;
	v27 =	vadd.f32 v35, v27;
	_ =	sdelay $0x1  }
0x225: {  	v37 =	vperm.xlane v25, v0;
	v27 =	vadd.f32 v36, v27;
	_ =	sdelay $0x1  }
0x226: {  	v25 =	vadd.f32 v25, v37;
	v38 =	vperm.xlane v27, v0;
	_ =	sdelay $0x1  }
0x227: {  	v39 =	vperm.xlane v25, v1;
	v27 =	vadd.f32 v38, v27;
	_ =	sdelay $0x1  }
0x228: {  	v25 =	vadd.f32 v25, v39;
	v30 =	vperm.xlane v27, v1;
	_ =	sdelay $0x1  }
0x229: {  	v31 =	vperm.xlane v25, v2;
	v27 =	vadd.f32 v30, v27;
	_ =	sdelay $0x1  }
0x22a: {  	v25 =	vadd.f32 v25, v31;
	v30 =	vperm.xlane v27, v2;
	_ =	sdelay $0x1  }
0x22b: {  	v31 =	vperm.xlane v25, v3;
	v27 =	vadd.f32 v30, v27;
	_ =	sdelay $0x1  }
0x22c: {  	v25 =	vadd.f32 v25, v31;
	v30 =	vperm.xlane v27, v3;
	_ =	sdelay $0x1  }
0x22d: {  	v25 =	vmul.f32 $7.812500000e-03, v25;
	v27 =	vadd.f32 v30, v27;
	_ =	sdelay $0x1  }
0x22e: {  	v40 =	vmul.f32 v25, v25;
	v27 =	vmul.f32 $7.812500000e-03, v27;
	_ =	sdelay $0x1  }
0x22f: {  	v27 =	vsub.f32 v27, v40;
	_ =	sdelay $0x1  }
0x230: {  	v27 =	vadd.f32 $9.999999740e-06, v27;
	_ =	sdelay $0x1  }
0x231: {  	v41 =	vshra.s32 v27, $0x1;
	v27 =	vmul.f32 $5.000000000e-01, v27  }
0x232: {  	v30 =	vsub.s32 $0x5F3759DF, v41  }
0x233: {  	v42 =	vmul.f32 v30, v27;
	_ =	sdelay $0x1  }
0x234: {  	v31 =	vmul.f32 v30, v42;
	_ =	sdelay $0x1  }
0x235: {  	v31 =	vsub.f32 $1.500000000e+00, v31;
	_ =	sdelay $0x1  }
0x236: {  	v30 =	vmul.f32 v30, v31;
	_ =	sdelay $0x1  }
0x237: {  	v27 =	vmul.f32 v30, v27;
	_ =	sdelay $0x1  }
0x238: {  	v27 =	vmul.f32 v27, v30;
	_ =	sdelay $0x1  }
0x239: {  	v27 =	vsub.f32 $1.500000000e+00, v27;
	_ =	sdelay $0x1  }
0x23a: {  	v27 =	vmul.f32 v27, v30;
	_ =	sdelay $0x1  }
0x23b: {  	v30 =	vmul.f32 v27, v4;
	v43 =	vmul.f32 v27, v5  }
0x23c: {  	v47 =	vmul.f32 v27, v6;
	v53 =	vmul.f32 v27, v8  }
0x23d: {  	v54 =	vmul.f32 v27, v9;
	v56 =	vmul.f32 v27, v10  }
0x23e: {  	v44 =	vmul.f32 v30, v25;
	v45 =	vmul.f32 v43, v25  }
0x23f: {  	v20 =	vmul.f32 v30, v20;
	v21 =	vmul.f32 v43, v49  }
0x240: {  	v49 =	vmul.f32 v27, v7;
	v50 =	vmul.f32 v47, v25  }
0x241: {  	v24 =	vmul.f32 v47, v24;
	v55 =	vmul.f32 v53, v25  }
0x242: {  	v57 =	vmul.f32 v54, v25;
	v27 =	vmul.f32 v27, v11;
	v46 =	vsub.f32 v12, v44  }
0x243: {  	v59 =	vmul.f32 v56, v25;
	v48 =	vsub.f32 v13, v45;
	v51 =	vmul.f32 v49, v25  }
0x244: {  	v60 =	vmul.f32 v54, v29;
	v52 =	vsub.f32 v14, v50;
	v20 =	vadd.f32 v46, v20  }
0x245: {  	v26 =	vmul.f32 v49, v26;
	v21 =	vadd.f32 v48, v21;
	v30 =	vsub.f32 v15, v51  }
0x246: {  	v61 =	vsub.f32 v17, v57;
	v25 =	vmul.f32 v27, v25;
	v24 =	vadd.f32 v52, v24;
	[tilespmem:s11+$0xA200] =	vst v20  }
0x247: {  	v58 =	vsub.f32 v16, v55;
	v26 =	vadd.f32 v30, v26;
	v20 =	vmul.f32 v53, v28;
	[tilespmem:s11+$0xA210] =	vst v21  }
0x248: {  	p0 =	sne.s32 s2, $0xC400;
	v23 =	vmul.f32 v27, v23;
	v25 =	vsub.f32 v19, v25;
	[tilespmem:s11+$0xA220] =	vst v24;
	v21 =	vadd.f32 v61, v60  }
.Ltmp3:
0x249: {  	v22 =	vmul.f32 v56, v22;
	v62 =	vsub.f32 v18, v59;
	v20 =	vadd.f32 v58, v20;
	[tilespmem:s11+$0xA230] =	vst v26;
	(pc) =	sbr.rel @p0 .LBB2_9-.Ltmp3, $4  }
0x24a: {  	v63 =	vadd.f32 v25, v23;
	[tilespmem:s11+$0xA250] =	vst v21  }
0x24b: {  	[tilespmem:s11+$0xA240] =	vst v20;
	v20 =	vadd.f32 v62, v22  }
0x24c: {  	[tilespmem:s11+$0xA270] =	vst v63  }
0x24d: {  	s14 =	sadd.s32 $0x2, s14;
	s2 =	sadd.s32 $0x400, s2;
	[tilespmem:s11+$0xA260] =	vst v20  }
0x24e: {  	p0 =	seq.s32 s4, $0xF;
	_ =	swait.ge [sflag:s29], $0x3200  }
0x24f: {  	s2 =	sadd.s32 s9, s17;
	s0 =	sshll.u32 @!p0 s4, $0x9;
	[sflag:s29] =	ssyncset.done $0x0  }
0x250: {  	s11 =	simm.s32 @!p0 $0x64;
	s12 =	simm.s32 @!p0 $0x3980;
	s21 =	sand.u32 @!p0 $0x3FFFFE00, s0  }
0x251: {  	s2 =	smul.u32 $0x680, s2;
	[sflag:s29] =	ssyncadd.s32 $0xFFFFCE00;
	s0 =	sadd.s32 @!p0 $0x200, s21  }
0x252: {  	[tilespmem:s12], [sflag:$0x1] =	stream.indirect.gather @!p0 [hbm4b:s1+s11], $0x80, s0, s11, $0xb8;
	[tilespmem:$0x1D380] =	vst v63  }
0x253: {  	s17 =	sadd.s32 s8, s2;
	s2 =	simm.s32 $0x0  }
0x254: {  	[hbm4b:s17+s2] =	stream.linear.scatter [tilespmem:s24], [sflag:$0x7], $0x3200, $0x38;
	[tilespmem:$0x1D380] =	vst v63  }
0x255: {  	_ =	swait.ge [sflag:s30], $0x3200  }
0x256: {  	[sflag:s30] =	ssyncset.done $0x0  }
0x257: {  	s14 =	smov.u32 s16;
	[sflag:s30] =	ssyncadd.s32 $0xFFFFCE00  }
.LBB2_11:
0x258: {  	v20 =	vld [tilespmem:s14+$0x0];
	_ =	sdelay $0x4  }
0x259: {  	v20 =	vmul.u32 $0x19000, v20;
	_ =	sdelay $0x1  }
0x25a: {  	s11 =	sshra.s32 s2, $0x2;
	v20 =	vshra.s32 v20, $0x2  }
0x25b: {  	v20 =	vadd.s32 s11, v20  }
0x25c: {  	v20 =	vadd.s32 $0x10980, v20  }
0x25d: {  	(v2sf) =	vpush v20, $0x1  }
0x25e: {  	(v2sf) =	vpush v20, $0x0;
	_ =	sdelay $0x8  }
0x25f: {  	v22 =	vld [tilespmem:s11+$0xD590]  }
0x260: {  	v24 =	vld [tilespmem:s11+$0xD5A0]  }
0x261: {  	v26 =	vld [tilespmem:s11+$0xD5B0]  }
0x262: {  	v28 =	vld [tilespmem:s11+$0xD5C0]  }
0x263: {  	v30 =	vld [tilespmem:s11+$0xD5D0]  }
0x264: {  	v32 =	vld [tilespmem:s11+$0xD5E0];
	s12 =	spop (v2sf)  }
0x265: {  	v20 =	vld [tilespmem:s11+$0xD580];
	s0 =	spop (v2sf)  }
0x266: {  	v21 =	vld [tilespmem:s0+$0x3200]  }
0x267: {  	v23 =	vld [tilespmem:s0+$0x3210]  }
0x268: {  	v55 =	vld [tilespmem:s11+$0xD5F0]  }
0x269: {  	v25 =	vld [tilespmem:s0+$0x3220]  }
0x26a: {  	v27 =	vld [tilespmem:s0+$0x3230]  }
0x26b: {  	v29 =	vld [tilespmem:s0+$0x3240]  }
0x26c: {  	v31 =	vld [tilespmem:s0+$0x3250];
	v20 =	vadd.f32 v21, v20;
	v53 =	vadd.f32 v23, v22  }
0x26d: {  	v54 =	vld [tilespmem:s0+$0x3260]  }
0x26e: {  	v56 =	vld [tilespmem:s0+$0x3270];
	v24 =	vadd.f32 v25, v24;
	v33 =	vmul.f32 v20, v20;
	v34 =	vmul.f32 v53, v53;
	_ =	sdelay $0x1  }
0x26f: {  	v26 =	vadd.f32 v27, v26;
	v58 =	vmul.f32 v24, v24;
	v57 =	vadd.f32 v34, v33  }
0x270: {  	v28 =	vadd.f32 v29, v28  }
0x271: {  	v29 =	vadd.f32 v31, v30;
	v59 =	vmul.f32 v26, v26;
	v27 =	vadd.f32 v58, v57  }
0x272: {  	v22 =	vadd.f32 v54, v32;
	v23 =	vadd.f32 v56, v55  }
0x273: {  	v60 =	vadd.f32 v53, v20;
	v61 =	vmul.f32 v28, v28;
	v27 =	vadd.f32 v59, v27  }
0x274: {  	v62 =	vadd.f32 v26, v24;
	v63 =	vadd.f32 v29, v28  }
0x275: {  	v36 =	vadd.f32 v23, v22;
	v37 =	vmul.f32 v29, v29;
	v27 =	vadd.f32 v61, v27  }
0x276: {  	v25 =	vadd.f32 v62, v60  }
0x277: {  	v39 =	vmul.f32 v22, v22;
	v38 =	vadd.f32 v36, v63;
	v27 =	vadd.f32 v37, v27;
	_ =	sdelay $0x1  }
0x278: {  	v40 =	vmul.f32 v23, v23;
	v25 =	vadd.f32 v38, v25;
	v27 =	vadd.f32 v39, v27;
	_ =	sdelay $0x1  }
0x279: {  	v41 =	vperm.xlane v25, v0;
	v27 =	vadd.f32 v40, v27;
	_ =	sdelay $0x1  }
0x27a: {  	v25 =	vadd.f32 v25, v41;
	v42 =	vperm.xlane v27, v0;
	_ =	sdelay $0x1  }
0x27b: {  	v43 =	vperm.xlane v25, v1;
	v27 =	vadd.f32 v42, v27;
	_ =	sdelay $0x1  }
0x27c: {  	v25 =	vadd.f32 v25, v43;
	v30 =	vperm.xlane v27, v1;
	_ =	sdelay $0x1  }
0x27d: {  	v31 =	vperm.xlane v25, v2;
	v27 =	vadd.f32 v30, v27;
	_ =	sdelay $0x1  }
0x27e: {  	v25 =	vadd.f32 v25, v31;
	v30 =	vperm.xlane v27, v2;
	_ =	sdelay $0x1  }
0x27f: {  	v31 =	vperm.xlane v25, v3;
	v27 =	vadd.f32 v30, v27;
	_ =	sdelay $0x1  }
0x280: {  	v25 =	vadd.f32 v25, v31;
	v30 =	vperm.xlane v27, v3;
	_ =	sdelay $0x1  }
0x281: {  	v25 =	vmul.f32 $7.812500000e-03, v25;
	v27 =	vadd.f32 v30, v27;
	_ =	sdelay $0x1  }
0x282: {  	v44 =	vmul.f32 v25, v25;
	v27 =	vmul.f32 $7.812500000e-03, v27;
	_ =	sdelay $0x1  }
0x283: {  	v27 =	vsub.f32 v27, v44;
	_ =	sdelay $0x1  }
0x284: {  	v27 =	vadd.f32 $9.999999740e-06, v27;
	_ =	sdelay $0x1  }
0x285: {  	v45 =	vshra.s32 v27, $0x1;
	v27 =	vmul.f32 $5.000000000e-01, v27  }
0x286: {  	v30 =	vsub.s32 $0x5F3759DF, v45  }
0x287: {  	v46 =	vmul.f32 v30, v27;
	_ =	sdelay $0x1  }
0x288: {  	v31 =	vmul.f32 v30, v46;
	_ =	sdelay $0x1  }
0x289: {  	v31 =	vsub.f32 $1.500000000e+00, v31;
	_ =	sdelay $0x1  }
0x28a: {  	v30 =	vmul.f32 v30, v31;
	_ =	sdelay $0x1  }
0x28b: {  	v27 =	vmul.f32 v30, v27;
	_ =	sdelay $0x1  }
0x28c: {  	v27 =	vmul.f32 v27, v30;
	_ =	sdelay $0x1  }
0x28d: {  	v27 =	vsub.f32 $1.500000000e+00, v27;
	_ =	sdelay $0x1  }
0x28e: {  	v27 =	vmul.f32 v27, v30;
	_ =	sdelay $0x1  }
0x28f: {  	v30 =	vmul.f32 v27, v4;
	v47 =	vmul.f32 v27, v5  }
0x290: {  	v51 =	vmul.f32 v27, v6;
	v57 =	vmul.f32 v27, v8  }
0x291: {  	v58 =	vmul.f32 v27, v9;
	v60 =	vmul.f32 v27, v10  }
0x292: {  	v48 =	vmul.f32 v30, v25;
	v49 =	vmul.f32 v47, v25  }
0x293: {  	v20 =	vmul.f32 v30, v20;
	v21 =	vmul.f32 v47, v53  }
0x294: {  	v53 =	vmul.f32 v27, v7;
	v54 =	vmul.f32 v51, v25  }
0x295: {  	v24 =	vmul.f32 v51, v24;
	v59 =	vmul.f32 v57, v25  }
0x296: {  	v61 =	vmul.f32 v58, v25;
	v27 =	vmul.f32 v27, v11;
	v50 =	vsub.f32 v12, v48  }
0x297: {  	v63 =	vmul.f32 v60, v25;
	v52 =	vsub.f32 v13, v49;
	v55 =	vmul.f32 v53, v25  }
0x298: {  	v33 =	vmul.f32 v58, v29;
	v56 =	vsub.f32 v14, v54;
	v20 =	vadd.f32 v50, v20  }
0x299: {  	v26 =	vmul.f32 v53, v26;
	v21 =	vadd.f32 v52, v21;
	v30 =	vsub.f32 v15, v55  }
0x29a: {  	v35 =	vsub.f32 v17, v61;
	v25 =	vmul.f32 v27, v25;
	v24 =	vadd.f32 v56, v24;
	[tilespmem:s11+$0xD580] =	vst v20  }
0x29b: {  	v38 =	vld [tilespmem:s11+$0xD610];
	v62 =	vsub.f32 v16, v59;
	v26 =	vadd.f32 v30, v26;
	v20 =	vmul.f32 v57, v28;
	[tilespmem:s11+$0xD590] =	vst v21  }
0x29c: {  	v40 =	vld [tilespmem:s11+$0xD620];
	v23 =	vmul.f32 v27, v23;
	v25 =	vsub.f32 v19, v25;
	[tilespmem:s11+$0xD5A0] =	vst v24;
	v21 =	vadd.f32 v35, v33  }
0x29d: {  	v42 =	vld [tilespmem:s11+$0xD630];
	v22 =	vmul.f32 v60, v22;
	v36 =	vsub.f32 v18, v63;
	v20 =	vadd.f32 v62, v20;
	[tilespmem:s11+$0xD5B0] =	vst v26  }
0x29e: {  	v44 =	vld [tilespmem:s11+$0xD640];
	v37 =	vadd.f32 v25, v23;
	[tilespmem:s11+$0xD5D0] =	vst v21  }
0x29f: {  	v46 =	vld [tilespmem:s11+$0xD650];
	[tilespmem:s11+$0xD5C0] =	vst v20;
	v20 =	vadd.f32 v36, v22  }
0x2a0: {  	v51 =	vld [tilespmem:s11+$0xD670];
	[tilespmem:s11+$0xD5F0] =	vst v37  }
0x2a1: {  	[tilespmem:s11+$0xD5E0] =	vst v20;
	v20 =	vld [tilespmem:s11+$0xD600]  }
0x2a2: {  	v21 =	vld [tilespmem:s12+$0x3280]  }
0x2a3: {  	v39 =	vld [tilespmem:s12+$0x3290]  }
0x2a4: {  	v48 =	vld [tilespmem:s11+$0xD660]  }
0x2a5: {  	v41 =	vld [tilespmem:s12+$0x32A0]  }
0x2a6: {  	v43 =	vld [tilespmem:s12+$0x32B0]  }
0x2a7: {  	v45 =	vld [tilespmem:s12+$0x32C0]  }
0x2a8: {  	v47 =	vld [tilespmem:s12+$0x32D0];
	v20 =	vadd.f32 v21, v20;
	v49 =	vadd.f32 v39, v38  }
0x2a9: {  	v50 =	vld [tilespmem:s12+$0x32E0]  }
0x2aa: {  	v52 =	vld [tilespmem:s12+$0x32F0];
	v24 =	vadd.f32 v41, v40;
	v53 =	vmul.f32 v20, v20;
	v54 =	vmul.f32 v49, v49;
	_ =	sdelay $0x1  }
0x2ab: {  	v26 =	vadd.f32 v43, v42;
	v56 =	vmul.f32 v24, v24;
	v55 =	vadd.f32 v54, v53  }
0x2ac: {  	v28 =	vadd.f32 v45, v44  }
0x2ad: {  	v29 =	vadd.f32 v47, v46;
	v57 =	vmul.f32 v26, v26;
	v27 =	vadd.f32 v56, v55  }
0x2ae: {  	v22 =	vadd.f32 v50, v48;
	v23 =	vadd.f32 v52, v51  }
0x2af: {  	v58 =	vadd.f32 v49, v20;
	v59 =	vmul.f32 v28, v28;
	v27 =	vadd.f32 v57, v27  }
0x2b0: {  	v60 =	vadd.f32 v26, v24;
	v61 =	vadd.f32 v29, v28  }
0x2b1: {  	v62 =	vadd.f32 v23, v22;
	v63 =	vmul.f32 v29, v29;
	v27 =	vadd.f32 v59, v27  }
0x2b2: {  	v25 =	vadd.f32 v60, v58  }
0x2b3: {  	v35 =	vmul.f32 v22, v22;
	v34 =	vadd.f32 v62, v61;
	v27 =	vadd.f32 v63, v27;
	_ =	sdelay $0x1  }
0x2b4: {  	v36 =	vmul.f32 v23, v23;
	v25 =	vadd.f32 v34, v25;
	v27 =	vadd.f32 v35, v27;
	_ =	sdelay $0x1  }
0x2b5: {  	v37 =	vperm.xlane v25, v0;
	v27 =	vadd.f32 v36, v27;
	_ =	sdelay $0x1  }
0x2b6: {  	v25 =	vadd.f32 v25, v37;
	v38 =	vperm.xlane v27, v0;
	_ =	sdelay $0x1  }
0x2b7: {  	v39 =	vperm.xlane v25, v1;
	v27 =	vadd.f32 v38, v27;
	_ =	sdelay $0x1  }
0x2b8: {  	v25 =	vadd.f32 v25, v39;
	v30 =	vperm.xlane v27, v1;
	_ =	sdelay $0x1  }
0x2b9: {  	v31 =	vperm.xlane v25, v2;
	v27 =	vadd.f32 v30, v27;
	_ =	sdelay $0x1  }
0x2ba: {  	v25 =	vadd.f32 v25, v31;
	v30 =	vperm.xlane v27, v2;
	_ =	sdelay $0x1  }
0x2bb: {  	v31 =	vperm.xlane v25, v3;
	v27 =	vadd.f32 v30, v27;
	_ =	sdelay $0x1  }
0x2bc: {  	v25 =	vadd.f32 v25, v31;
	v30 =	vperm.xlane v27, v3;
	_ =	sdelay $0x1  }
0x2bd: {  	v25 =	vmul.f32 $7.812500000e-03, v25;
	v27 =	vadd.f32 v30, v27;
	_ =	sdelay $0x1  }
0x2be: {  	v40 =	vmul.f32 v25, v25;
	v27 =	vmul.f32 $7.812500000e-03, v27;
	_ =	sdelay $0x1  }
0x2bf: {  	v27 =	vsub.f32 v27, v40;
	_ =	sdelay $0x1  }
0x2c0: {  	v27 =	vadd.f32 $9.999999740e-06, v27;
	_ =	sdelay $0x1  }
0x2c1: {  	v41 =	vshra.s32 v27, $0x1;
	v27 =	vmul.f32 $5.000000000e-01, v27  }
0x2c2: {  	v30 =	vsub.s32 $0x5F3759DF, v41  }
0x2c3: {  	v42 =	vmul.f32 v30, v27;
	_ =	sdelay $0x1  }
0x2c4: {  	v31 =	vmul.f32 v30, v42;
	_ =	sdelay $0x1  }
0x2c5: {  	v31 =	vsub.f32 $1.500000000e+00, v31;
	_ =	sdelay $0x1  }
0x2c6: {  	v30 =	vmul.f32 v30, v31;
	_ =	sdelay $0x1  }
0x2c7: {  	v27 =	vmul.f32 v30, v27;
	_ =	sdelay $0x1  }
0x2c8: {  	v27 =	vmul.f32 v27, v30;
	_ =	sdelay $0x1  }
0x2c9: {  	v27 =	vsub.f32 $1.500000000e+00, v27;
	_ =	sdelay $0x1  }
0x2ca: {  	v27 =	vmul.f32 v27, v30;
	_ =	sdelay $0x1  }
0x2cb: {  	v30 =	vmul.f32 v27, v4;
	v43 =	vmul.f32 v27, v5  }
0x2cc: {  	v47 =	vmul.f32 v27, v6;
	v53 =	vmul.f32 v27, v8  }
0x2cd: {  	v54 =	vmul.f32 v27, v9;
	v56 =	vmul.f32 v27, v10  }
0x2ce: {  	v44 =	vmul.f32 v30, v25;
	v45 =	vmul.f32 v43, v25  }
0x2cf: {  	v20 =	vmul.f32 v30, v20;
	v21 =	vmul.f32 v43, v49  }
0x2d0: {  	v49 =	vmul.f32 v27, v7;
	v50 =	vmul.f32 v47, v25  }
0x2d1: {  	v24 =	vmul.f32 v47, v24;
	v55 =	vmul.f32 v53, v25  }
0x2d2: {  	v57 =	vmul.f32 v54, v25;
	v27 =	vmul.f32 v27, v11;
	v46 =	vsub.f32 v12, v44  }
0x2d3: {  	v59 =	vmul.f32 v56, v25;
	v48 =	vsub.f32 v13, v45;
	v51 =	vmul.f32 v49, v25  }
0x2d4: {  	v60 =	vmul.f32 v54, v29;
	v52 =	vsub.f32 v14, v50;
	v20 =	vadd.f32 v46, v20  }
0x2d5: {  	v26 =	vmul.f32 v49, v26;
	v21 =	vadd.f32 v48, v21;
	v30 =	vsub.f32 v15, v51  }
0x2d6: {  	v61 =	vsub.f32 v17, v57;
	v25 =	vmul.f32 v27, v25;
	v24 =	vadd.f32 v52, v24;
	[tilespmem:s11+$0xD600] =	vst v20  }
0x2d7: {  	v58 =	vsub.f32 v16, v55;
	v26 =	vadd.f32 v30, v26;
	v20 =	vmul.f32 v53, v28;
	[tilespmem:s11+$0xD610] =	vst v21  }
0x2d8: {  	p1 =	sne.s32 s2, $0xC400;
	v23 =	vmul.f32 v27, v23;
	v25 =	vsub.f32 v19, v25;
	[tilespmem:s11+$0xD620] =	vst v24;
	v21 =	vadd.f32 v61, v60  }
.Ltmp4:
0x2d9: {  	v22 =	vmul.f32 v56, v22;
	v62 =	vsub.f32 v18, v59;
	v20 =	vadd.f32 v58, v20;
	[tilespmem:s11+$0xD630] =	vst v26;
	(pc) =	sbr.rel @p1 .LBB2_11-.Ltmp4, $4  }
0x2da: {  	v63 =	vadd.f32 v25, v23;
	[tilespmem:s11+$0xD650] =	vst v21  }
0x2db: {  	[tilespmem:s11+$0xD640] =	vst v20;
	v20 =	vadd.f32 v62, v22  }
0x2dc: {  	[tilespmem:s11+$0xD670] =	vst v63  }
0x2dd: {  	s14 =	sadd.s32 $0x2, s14;
	s2 =	sadd.s32 $0x400, s2;
	[tilespmem:s11+$0xD660] =	vst v20  }
0x2de: {  	_ =	swait.ge [sflag:s31], $0x3200  }
0x2df: {  	s0 =	sadd.s32 @!p0 $0x280, s21;
	s11 =	simm.s32 @!p0 $0x64;
	[sflag:s31] =	ssyncset.done $0x0  }
0x2e0: {  	s12 =	simm.s32 @!p0 $0x6D80;
	s4 =	sadd.s32 $0x1, s4;
	[sflag:s31] =	ssyncadd.s32 $0xFFFFCE00  }
0x2e1: {  	[tilespmem:s12], [sflag:$0x2] =	stream.indirect.gather @!p0 [hbm4b:s1+s11], $0x80, s0, s11, $0xb8;
	[tilespmem:$0x1D380] =	vst v63  }
0x2e2: {  	p0 =	sne.s32 s4, $0x10  }
.Ltmp5:
0x2e3: {  	s2 =	sadd.s32 s9, s18;
	(pc) =	sbr.rel @p0 .LBB2_4-.Ltmp5, $4  }
0x2e4: {  	s2 =	smul.u32 $0x680, s2  }
0x2e5: {  	s5 =	sadd.s32 $0x190, s5;
	s10 =	sadd.s32 $0x190, s10  }
0x2e6: {  	s15 =	sadd.s32 $0x190, s15;
	s16 =	sadd.s32 $0x190, s16;
	s21 =	sadd.s32 s8, s2  }
0x2e7: {  	[hbm4b:s21+s7] =	stream.linear.scatter [tilespmem:s26], [sflag:$0x8], $0x3200, $0x38;
	[tilespmem:$0x1D380] =	vst v63  }
0x2e8: {  	s0 =	simm.s32 $0x7  }
0x2e9: {  	_ =	swait.ge [sflag:s0], $0x3200  }
0x2ea: {  	[sflag:s0] =	ssyncset.done $0x0  }
0x2eb: {  	[sflag:s0] =	ssyncadd.s32 $0xFFFFCE00  }
0x2ec: {  	_ =	swait.ge [sflag:s6], $0x3200  }
0x2ed: {  	s3 =	sadd.s32 $0x1, s3;
	s21 =	rddreg [dreg:$0xb]  }
0x2ee: {  	p0 =	sne.s32 s3, s21  }
.Ltmp6:
0x2ef: {  	_ = 	snop;
	(pc) =	sbr.rel @p0 .LBB2_1-.Ltmp6, $3  }
0x2f0: {  	_ =	sdelay $0x1  }
0x2f1: {  	[sflag:s6] =	ssyncset.done $0x0  }
0x2f2: {  	[sflag:s6] =	ssyncadd.s32 $0xFFFFCE00  }
0x2f3: {  	_ =	sfence.sel $0x180000  }
0x2f4: {  	[bflag:$0x0] =	sbarrier.arrive $0xFFFF  }
0x2f5: {  	_ =	strace $0x90000047  }
0x2f6: {  	s0 =	stileid.u32;
	[bflag:$0x2] =	sbarrier.arrive $0xFFFF  }
0x2f7: {  	p0 =	sne.s32 s0, $0x0;
	s0 =	rddreg [dreg:$0x8]  }
0x2f8: {  	s0 =	sadd.s32 @!p0 $0x100000, s0  }
0x2f9: {  	[sflag:s0] =	ssyncadd.tile.s32 @!p0 $0x1;
	_ =	shalt  }
.Lfunc_end2:
_tile_overlayer_lowered:
.L_overlay_start_2:
0x2fa: {  	(tag) =	ssettag $0x2  }
0x2fb: {  	s0 =	rddreg [dreg:$0x0];
	s2 =	stileid.u32  }
0x2fc: {  	s1 =	rddreg [dreg:$0x1];
	p0 =	sne.s32 s2, $0x0  }
0x2fd: {  	s3 =	rddreg [dreg:$0x2];
	[bflag:$0x3] =	sbarrier.arrive $0xFFFF;
	s2 =	simm.s32 @!p0 $0x1C09  }
0x2fe: {  	[timem:s3], [sflag:s2] =	dma.local @!p0 [hbm:s0], s1  }
0x2ff: {  	s0 =	simm.s32 @!p0 $0x9  }
0x300: {  	_ =	swait.ge @!p0 [sflag:s0], s1  }
0x301: {  	s1 =	ssub.s32 @!p0 $0x0, s1;
	[sflag:s0] =	ssyncset.done @!p0 $0x0  }
0x302: {  	[sflag:s0] =	ssyncadd.s32 @!p0 s1  }
0x303: {  	[bflag:$0x3] =	sbarrier.arrive $0xFFFF  }
0x304: {  	_ =	shalt  }

</sc_bundles>
